<compile_context>
chip_gen: v7x
topology: tpu7x:2x2x1
jax: 0.10.2.dev20260603
libtpu: 0.0.44.dev20260713+nightly
codegen_flags: <defaults>
</compile_context>

<pallas_src>
import functools
import jax
import jax.numpy as jnp
from jax import lax
from jax.experimental import pallas as pl
from jax.experimental.pallas import tpu as pltpu, tpu_sc as plsc

B = 256
M = 16384
NW = 4
NR = 8

B_SC = 128
NWORK = 32
BPW = B_SC // NWORK
CH = 4096
CPB = M // CH
NCH = BPW * CPB
UNROLL = 8
L = 16


NBUF = 2


def _sc_body(ww_hbm, fg_hbm, rw_hbm, prev_hbm, out_hbm,
             ww_v, rw_v, prev_v, out_v, fg_v,
             in_sem0, in_sem1, out_sem0, out_sem1):
    in_sems = (in_sem0, in_sem1)
    out_sems = (out_sem0, out_sem1)
    wid = lax.axis_index("s") * 2 + lax.axis_index("c")
    b0 = wid * BPW

    pltpu.sync_copy(fg_hbm.at[pl.ds(b0 * NR, BPW * NR)], fg_v.at[pl.ds(0, BPW * NR)])

    def start_in(c, s):
        b = b0 + c // CPB
        m0 = (c % CPB) * CH
        pltpu.async_copy(ww_hbm.at[b, :, pl.ds(m0, CH)], ww_v.at[s], in_sems[s])
        pltpu.async_copy(rw_hbm.at[b, :, pl.ds(m0, CH)], rw_v.at[s], in_sems[s])
        pltpu.async_copy(prev_hbm.at[b, pl.ds(m0, CH)], prev_v.at[s], in_sems[s])

    def wait_in(s):
        pltpu.make_async_copy(ww_hbm.at[0, :, pl.ds(0, CH)], ww_v.at[s], in_sems[s]).wait()
        pltpu.make_async_copy(rw_hbm.at[0, :, pl.ds(0, CH)], rw_v.at[s], in_sems[s]).wait()
        pltpu.make_async_copy(prev_hbm.at[0, pl.ds(0, CH)], prev_v.at[s], in_sems[s]).wait()

    def start_out(c, s):
        b = b0 + c // CPB
        m0 = (c % CPB) * CH
        pltpu.async_copy(out_v.at[s], out_hbm.at[b, pl.ds(m0, CH)], out_sems[s])

    def wait_out(s):
        pltpu.make_async_copy(out_v.at[s], out_hbm.at[0, pl.ds(0, CH)], out_sems[s]).wait()

    for s in range(NBUF):
        start_in(s, s)

    def group_body(g, carry):
        for s in range(NBUF):
            c = NBUF * g + s
            wait_in(s)
            bi = c // CPB
            fvec = fg_v[pl.ds(bi * NR, L)]
            fgs = [fvec[r] for r in range(NR)]

            @pl.when(g >= 1)
            def _():
                wait_out(s)

            def vec_body(i, carry2):
                for u in range(UNROLL):
                    sl = pl.ds((i * UNROLL + u) * L, L)
                    p = (1.0 - ww_v[s, 0, sl]) * (1.0 - ww_v[s, 1, sl]) \
                        * (1.0 - ww_v[s, 2, sl]) * (1.0 - ww_v[s, 3, sl])
                    acc = (1.0 - prev_v[s, sl]) * p
                    free = fgs[0] * rw_v[s, 0, sl]
                    for r in range(1, NR):
                        free = free + fgs[r] * rw_v[s, r, sl]
                    res = 1.0 - acc - free
                    out_v[s, sl] = jnp.minimum(jnp.maximum(res, 0.0), 1.0)
                return carry2

            lax.fori_loop(0, CH // (L * UNROLL), vec_body, 0, unroll=False)

            start_out(c, s)

            @pl.when(g < NCH // NBUF - 1)
            def _():
                start_in(c + NBUF, s)
        return carry

    lax.fori_loop(0, NCH // NBUF, group_body, 0, unroll=False)
    for s in range(NBUF):
        wait_out(s)


def _sc_part(write_weights, free_gate_flat, read_weights, prev_usage):
    mesh = plsc.VectorSubcoreMesh(core_axis_name="c", subcore_axis_name="s")
    f32 = jnp.float32
    k = functools.partial(
        pl.kernel,
        mesh=mesh,
        out_type=jax.ShapeDtypeStruct((B_SC, M), f32),
        scratch_types=[
            pltpu.VMEM((NBUF, NW, CH), f32),
            pltpu.VMEM((NBUF, NR, CH), f32),
            pltpu.VMEM((NBUF, CH), f32),
            pltpu.VMEM((NBUF, CH), f32),
            pltpu.VMEM((BPW * NR + L,), f32),
            pltpu.SemaphoreType.DMA,
            pltpu.SemaphoreType.DMA,
            pltpu.SemaphoreType.DMA,
            pltpu.SemaphoreType.DMA,
        ],
    )(_sc_body)
    return k(write_weights, free_gate_flat, read_weights, prev_usage)


B_TILE = 8
B_TC = B - B_SC
OFF = B_SC // B_TILE


def _tc_body(ww_ref, fg_ref, rw_ref, prev_ref, out_ref):
    prev = prev_ref[...]
    alloc = 1.0 - (
        (1.0 - ww_ref[:, 0, :])
        * (1.0 - ww_ref[:, 1, :])
        * (1.0 - ww_ref[:, 2, :])
        * (1.0 - ww_ref[:, 3, :])
    )
    u = prev + (1.0 - prev) * alloc
    fg = fg_ref[...]
    free = fg[:, 0:1] * rw_ref[:, 0, :]
    for r in range(1, NR):
        free = free + fg[:, r : r + 1] * rw_ref[:, r, :]
    out_ref[...] = jnp.clip(u - free, 0.0, 1.0)


def _tc_part(write_weights, free_gate, read_weights, prev_usage):
    grid = (B_TC // B_TILE,)
    return pl.pallas_call(
        _tc_body,
        grid=grid,
        in_specs=[
            pl.BlockSpec((B_TILE, NW, M), lambda i: (i + OFF, 0, 0)),
            pl.BlockSpec((B_TILE, NR), lambda i: (i + OFF, 0)),
            pl.BlockSpec((B_TILE, NR, M), lambda i: (i + OFF, 0, 0)),
            pl.BlockSpec((B_TILE, M), lambda i: (i + OFF, 0)),
        ],
        out_specs=pl.BlockSpec((B_TILE, M), lambda i: (i + OFF, 0)),
        out_shape=jax.ShapeDtypeStruct((B, M), jnp.float32),
    )(write_weights, free_gate, read_weights, prev_usage)


def kernel(write_weights, free_gate, read_weights, prev_usage):
    out_sc = _sc_part(write_weights, free_gate.reshape(B * NR), read_weights, prev_usage)
    out_tc_full = _tc_part(write_weights, free_gate, read_weights, prev_usage)
    return lax.dynamic_update_slice(out_tc_full, out_sc, (0, 0))

# --- scband reference (transcript-rebuilt; emitter-appended) ---
"""Pipeline reference for scband-freeness-61538291417200 (READ-ONLY COPY).

The authoritative reference and input builder live on the scoring server;
editing this copy changes nothing except your own understanding.
"""

import jax, jax.numpy as jnp
import numpy as np

B = 256
M = 16384
NW = 4
NR = 8

def setup_inputs(seed: int = 0) -> dict:
    key = jax.random.key(seed)
    k1, k2, k3, k4 = jax.random.split(key, 4)
    return {
        "write_weights": jax.random.uniform(k1, (B, NW, M), dtype=jnp.float32),
        "free_gate": jax.random.uniform(k2, (B, NR), dtype=jnp.float32),
        "read_weights": jax.random.uniform(k3, (B, NR, M), dtype=jnp.float32),
        "prev_usage": jax.random.uniform(k4, (B, M), dtype=jnp.float32),
    }

def reference(write_weights, free_gate, read_weights, prev_usage):
    # usage after write: usage + (1 - usage) * (1 - prod(1 - w, over writes))
    write_weights_cumprod = jnp.prod(1.0 - write_weights, axis=-2)
    write_allocation = 1.0 - write_weights_cumprod
    usage_after_write = prev_usage + (1.0 - prev_usage) * write_allocation
    # usage after read: usage - sum(free_gate * read_weights, over reads), floored at 0
    free_gate_expanded = free_gate[..., None]
    free_read_weights = free_gate_expanded * read_weights
    total_free_read_weights = jnp.sum(free_read_weights, axis=-2)
    usage_after_read = usage_after_write - total_free_read_weights
    usage_after_read = jnp.maximum(usage_after_read, 0.0)
    clipped_usage = jnp.clip(usage_after_read, 0.0, 1.0)
    return clipped_usage

if __name__ == "__main__":
    import jax
    _d = setup_inputs()
    print(jax.jit(kernel)(*tuple(_d.values())))

</pallas_src>

<mosaic_0001>
#map = affine_map<(d0, d1) -> (0, 0, 0)>
#map1 = affine_map<(d0, d1) -> (0)>
#map2 = affine_map<(d0, d1) -> (0, 0)>
module attributes {stable_mosaic.version = 14 : i64} {
  func.func @_sc_body(%arg0: i32, %arg1: i32, %arg2: memref<256x4x16384xf32, #tpu.memory_space<hbm>>, %arg3: memref<2048xf32, #tpu.memory_space<hbm>>, %arg4: memref<256x8x16384xf32, #tpu.memory_space<hbm>>, %arg5: memref<256x16384xf32, #tpu.memory_space<hbm>>, %arg6: memref<128x16384xf32, #tpu.memory_space<hbm>>, %arg7: memref<2x4x4096xf32, #tpu.memory_space<vmem>>, %arg8: memref<2x8x4096xf32, #tpu.memory_space<vmem>>, %arg9: memref<2x4096xf32, #tpu.memory_space<vmem>>, %arg10: memref<2x4096xf32, #tpu.memory_space<vmem>>, %arg11: memref<48xf32, #tpu.memory_space<vmem>>, %arg12: memref<!tpu.dma_semaphore, #tpu.memory_space<semaphore_mem>>, %arg13: memref<!tpu.dma_semaphore, #tpu.memory_space<semaphore_mem>>, %arg14: memref<!tpu.dma_semaphore, #tpu.memory_space<semaphore_mem>>, %arg15: memref<!tpu.dma_semaphore, #tpu.memory_space<semaphore_mem>>) attributes {dimension_semantics = [#tpu.dimension_semantics<core_parallel>, #tpu.dimension_semantics<subcore_parallel>], iteration_bounds = array<i64: 2, 16>, scalar_prefetch = 0 : i64, scratch_operands = 9 : i64, tpu.core_type = #tpu.core_type<sc_vector_subcore>, window_params = [{transform_indices = #map}, {transform_indices = #map1}, {transform_indices = #map}, {transform_indices = #map2}, {transform_indices = #map2}]} {
    %mul3A = arith.constant 2 : i32
    %mul3A_0 = arith.muli %arg1, %mul3A : i32
    %add3A = arith.addi %mul3A_0, %arg0 : i32
    %mul3A_1 = arith.constant 4 : i32
    %mul3A_2 = arith.muli %add3A, %mul3A_1 : i32
    %mul3A_3 = arith.constant 8 : i32
    %mul3A_4 = arith.muli %mul3A_2, %mul3A_3 : i32
    "tpu.region"() ({
      %run_scoped3A = tpu.sem_alloc : memref<!tpu.dma_semaphore, #tpu.memory_space<semaphore_mem>>
      %dma_start3A_134 = arith.constant 0 : i32
      %dma_start3A_135 = tpu.memref_slice %arg11[%dma_start3A_134] : memref<48xf32, #tpu.memory_space<vmem>> -> memref<32xf32, #tpu.memory_space<vmem>>
      %dma_start3A_136 = tpu.memref_slice %arg3[%mul3A_4] : memref<2048xf32, #tpu.memory_space<hbm>> -> memref<32xf32, #tpu.memory_space<hbm>>
      %dma_start3A_137 = arith.constant 0 : i32
      %dma_start3A_138 = tpu.memref_slice %arg11[%dma_start3A_137] : memref<48xf32, #tpu.memory_space<vmem>> -> memref<32xf32, #tpu.memory_space<vmem>>
      %dma_start3A_139 = tpu.memref_slice %arg3[%mul3A_4] : memref<2048xf32, #tpu.memory_space<hbm>> -> memref<32xf32, #tpu.memory_space<hbm>>
      tpu.enqueue_dma source(%dma_start3A_139 : memref<32xf32, #tpu.memory_space<hbm>>) target(%dma_start3A_138 : memref<32xf32, #tpu.memory_space<vmem>>) target_semaphore(%run_scoped3A : memref<!tpu.dma_semaphore, #tpu.memory_space<semaphore_mem>>)
      %dma_wait3A_140 = arith.constant 0 : i32
      %dma_wait3A_141 = tpu.memref_slice %arg11[%dma_wait3A_140] : memref<48xf32, #tpu.memory_space<vmem>> -> memref<32xf32, #tpu.memory_space<vmem>>
      %dma_wait3A_142 = tpu.memref_slice %arg3[%mul3A_4] : memref<2048xf32, #tpu.memory_space<hbm>> -> memref<32xf32, #tpu.memory_space<hbm>>
      %dma_wait3A_143 = arith.constant 0 : i32
      %dma_wait3A_144 = tpu.memref_slice %arg11[%dma_wait3A_143] : memref<48xf32, #tpu.memory_space<vmem>> -> memref<32xf32, #tpu.memory_space<vmem>>
      %dma_wait3A_145 = tpu.memref_slice %arg3[%mul3A_4] : memref<2048xf32, #tpu.memory_space<hbm>> -> memref<32xf32, #tpu.memory_space<hbm>>
      tpu.wait_dma2 semaphore(%run_scoped3A : memref<!tpu.dma_semaphore, #tpu.memory_space<semaphore_mem>>) src(%dma_wait3A_145 : memref<32xf32, #tpu.memory_space<hbm>>) dst(%dma_wait3A_144 : memref<32xf32, #tpu.memory_space<vmem>>)
      tpu.yield
    }) : () -> ()
    %add3A_5 = arith.constant 0 : i32
    %add3A_6 = arith.addi %mul3A_2, %add3A_5 : i32
    %dma_start3A = arith.constant 0 : i32
    %dma_start3A_7 = arith.constant 0 : i32
    %dma_start3A_8 = arith.constant 0 : i32
    %dma_start3A_9 = tpu.memref_slice %arg7[%dma_start3A, %dma_start3A_7, %dma_start3A_8] : memref<2x4x4096xf32, #tpu.memory_space<vmem>> -> memref<1x4x4096xf32, #tpu.memory_space<vmem>>
    %dma_start3A_10 = tpu.memref_squeeze %dma_start3A_9 : memref<1x4x4096xf32, #tpu.memory_space<vmem>> -> memref<4x4096xf32, #tpu.memory_space<vmem>>
    %dma_start3A_11 = arith.constant 0 : i32
    %dma_start3A_12 = arith.constant 0 : i32
    %dma_start3A_13 = tpu.memref_slice %arg2[%add3A_6, %dma_start3A_11, %dma_start3A_12] : memref<256x4x16384xf32, #tpu.memory_space<hbm>> -> memref<1x4x4096xf32, #tpu.memory_space<hbm>>
    %dma_start3A_14 = tpu.memref_squeeze %dma_start3A_13 : memref<1x4x4096xf32, #tpu.memory_space<hbm>> -> memref<4x4096xf32, #tpu.memory_space<hbm>>
    %dma_start3A_15 = arith.constant 0 : i32
    %dma_start3A_16 = arith.constant 0 : i32
    %dma_start3A_17 = tpu.memref_slice %arg7[%dma_start3A, %dma_start3A_15, %dma_start3A_16] : memref<2x4x4096xf32, #tpu.memory_space<vmem>> -> memref<1x4x4096xf32, #tpu.memory_space<vmem>>
    %dma_start3A_18 = tpu.memref_squeeze %dma_start3A_17 : memref<1x4x4096xf32, #tpu.memory_space<vmem>> -> memref<4x4096xf32, #tpu.memory_space<vmem>>
    %dma_start3A_19 = arith.constant 0 : i32
    %dma_start3A_20 = arith.constant 0 : i32
    %dma_start3A_21 = tpu.memref_slice %arg2[%add3A_6, %dma_start3A_19, %dma_start3A_20] : memref<256x4x16384xf32, #tpu.memory_space<hbm>> -> memref<1x4x4096xf32, #tpu.memory_space<hbm>>
    %dma_start3A_22 = tpu.memref_squeeze %dma_start3A_21 : memref<1x4x4096xf32, #tpu.memory_space<hbm>> -> memref<4x4096xf32, #tpu.memory_space<hbm>>
    tpu.enqueue_dma source(%dma_start3A_22 : memref<4x4096xf32, #tpu.memory_space<hbm>>) target(%dma_start3A_18 : memref<4x4096xf32, #tpu.memory_space<vmem>>) target_semaphore(%arg12 : memref<!tpu.dma_semaphore, #tpu.memory_space<semaphore_mem>>)
    %dma_start3A_23 = arith.constant 0 : i32
    %dma_start3A_24 = arith.constant 0 : i32
    %dma_start3A_25 = arith.constant 0 : i32
    %dma_start3A_26 = tpu.memref_slice %arg8[%dma_start3A_23, %dma_start3A_24, %dma_start3A_25] : memref<2x8x4096xf32, #tpu.memory_space<vmem>> -> memref<1x8x4096xf32, #tpu.memory_space<vmem>>
    %dma_start3A_27 = tpu.memref_squeeze %dma_start3A_26 : memref<1x8x4096xf32, #tpu.memory_space<vmem>> -> memref<8x4096xf32, #tpu.memory_space<vmem>>
    %dma_start3A_28 = arith.constant 0 : i32
    %dma_start3A_29 = arith.constant 0 : i32
    %dma_start3A_30 = tpu.memref_slice %arg4[%add3A_6, %dma_start3A_28, %dma_start3A_29] : memref<256x8x16384xf32, #tpu.memory_space<hbm>> -> memref<1x8x4096xf32, #tpu.memory_space<hbm>>
    %dma_start3A_31 = tpu.memref_squeeze %dma_start3A_30 : memref<1x8x4096xf32, #tpu.memory_space<hbm>> -> memref<8x4096xf32, #tpu.memory_space<hbm>>
    %dma_start3A_32 = arith.constant 0 : i32
    %dma_start3A_33 = arith.constant 0 : i32
    %dma_start3A_34 = tpu.memref_slice %arg8[%dma_start3A_23, %dma_start3A_32, %dma_start3A_33] : memref<2x8x4096xf32, #tpu.memory_space<vmem>> -> memref<1x8x4096xf32, #tpu.memory_space<vmem>>
    %dma_start3A_35 = tpu.memref_squeeze %dma_start3A_34 : memref<1x8x4096xf32, #tpu.memory_space<vmem>> -> memref<8x4096xf32, #tpu.memory_space<vmem>>
    %dma_start3A_36 = arith.constant 0 : i32
    %dma_start3A_37 = arith.constant 0 : i32
    %dma_start3A_38 = tpu.memref_slice %arg4[%add3A_6, %dma_start3A_36, %dma_start3A_37] : memref<256x8x16384xf32, #tpu.memory_space<hbm>> -> memref<1x8x4096xf32, #tpu.memory_space<hbm>>
    %dma_start3A_39 = tpu.memref_squeeze %dma_start3A_38 : memref<1x8x4096xf32, #tpu.memory_space<hbm>> -> memref<8x4096xf32, #tpu.memory_space<hbm>>
    tpu.enqueue_dma source(%dma_start3A_39 : memref<8x4096xf32, #tpu.memory_space<hbm>>) target(%dma_start3A_35 : memref<8x4096xf32, #tpu.memory_space<vmem>>) target_semaphore(%arg12 : memref<!tpu.dma_semaphore, #tpu.memory_space<semaphore_mem>>)
    %dma_start3A_40 = arith.constant 0 : i32
    %dma_start3A_41 = arith.constant 0 : i32
    %dma_start3A_42 = tpu.memref_slice %arg9[%dma_start3A_40, %dma_start3A_41] : memref<2x4096xf32, #tpu.memory_space<vmem>> -> memref<1x4096xf32, #tpu.memory_space<vmem>>
    %dma_start3A_43 = tpu.memref_squeeze %dma_start3A_42 : memref<1x4096xf32, #tpu.memory_space<vmem>> -> memref<4096xf32, #tpu.memory_space<vmem>>
    %dma_start3A_44 = arith.constant 0 : i32
    %dma_start3A_45 = tpu.memref_slice %arg5[%add3A_6, %dma_start3A_44] : memref<256x16384xf32, #tpu.memory_space<hbm>> -> memref<1x4096xf32, #tpu.memory_space<hbm>>
    %dma_start3A_46 = tpu.memref_squeeze %dma_start3A_45 : memref<1x4096xf32, #tpu.memory_space<hbm>> -> memref<4096xf32, #tpu.memory_space<hbm>>
    %dma_start3A_47 = arith.constant 0 : i32
    %dma_start3A_48 = tpu.memref_slice %arg9[%dma_start3A_40, %dma_start3A_47] : memref<2x4096xf32, #tpu.memory_space<vmem>> -> memref<1x4096xf32, #tpu.memory_space<vmem>>
    %dma_start3A_49 = tpu.memref_squeeze %dma_start3A_48 : memref<1x4096xf32, #tpu.memory_space<vmem>> -> memref<4096xf32, #tpu.memory_space<vmem>>
    %dma_start3A_50 = arith.constant 0 : i32
    %dma_start3A_51 = tpu.memref_slice %arg5[%add3A_6, %dma_start3A_50] : memref<256x16384xf32, #tpu.memory_space<hbm>> -> memref<1x4096xf32, #tpu.memory_space<hbm>>
    %dma_start3A_52 = tpu.memref_squeeze %dma_start3A_51 : memref<1x4096xf32, #tpu.memory_space<hbm>> -> memref<4096xf32, #tpu.memory_space<hbm>>
    tpu.enqueue_dma source(%dma_start3A_52 : memref<4096xf32, #tpu.memory_space<hbm>>) target(%dma_start3A_49 : memref<4096xf32, #tpu.memory_space<vmem>>) target_semaphore(%arg12 : memref<!tpu.dma_semaphore, #tpu.memory_space<semaphore_mem>>)
    %add3A_53 = arith.constant 0 : i32
    %add3A_54 = arith.addi %mul3A_2, %add3A_53 : i32
    %dma_start3A_55 = arith.constant 1 : i32
    %dma_start3A_56 = arith.constant 0 : i32
    %dma_start3A_57 = arith.constant 0 : i32
    %dma_start3A_58 = tpu.memref_slice %arg7[%dma_start3A_55, %dma_start3A_56, %dma_start3A_57] : memref<2x4x4096xf32, #tpu.memory_space<vmem>> -> memref<1x4x4096xf32, #tpu.memory_space<vmem>>
    %dma_start3A_59 = tpu.memref_squeeze %dma_start3A_58 : memref<1x4x4096xf32, #tpu.memory_space<vmem>> -> memref<4x4096xf32, #tpu.memory_space<vmem>>
    %dma_start3A_60 = arith.constant 0 : i32
    %dma_start3A_61 = arith.constant 4096 : i32
    %dma_start3A_62 = tpu.memref_slice %arg2[%add3A_54, %dma_start3A_60, %dma_start3A_61] : memref<256x4x16384xf32, #tpu.memory_space<hbm>> -> memref<1x4x4096xf32, #tpu.memory_space<hbm>>
    %dma_start3A_63 = tpu.memref_squeeze %dma_start3A_62 : memref<1x4x4096xf32, #tpu.memory_space<hbm>> -> memref<4x4096xf32, #tpu.memory_space<hbm>>
    %dma_start3A_64 = arith.constant 0 : i32
    %dma_start3A_65 = arith.constant 0 : i32
    %dma_start3A_66 = tpu.memref_slice %arg7[%dma_start3A_55, %dma_start3A_64, %dma_start3A_65] : memref<2x4x4096xf32, #tpu.memory_space<vmem>> -> memref<1x4x4096xf32, #tpu.memory_space<vmem>>
    %dma_start3A_67 = tpu.memref_squeeze %dma_start3A_66 : memref<1x4x4096xf32, #tpu.memory_space<vmem>> -> memref<4x4096xf32, #tpu.memory_space<vmem>>
    %dma_start3A_68 = arith.constant 0 : i32
    %dma_start3A_69 = arith.constant 4096 : i32
    %dma_start3A_70 = tpu.memref_slice %arg2[%add3A_54, %dma_start3A_68, %dma_start3A_69] : memref<256x4x16384xf32, #tpu.memory_space<hbm>> -> memref<1x4x4096xf32, #tpu.memory_space<hbm>>
    %dma_start3A_71 = tpu.memref_squeeze %dma_start3A_70 : memref<1x4x4096xf32, #tpu.memory_space<hbm>> -> memref<4x4096xf32, #tpu.memory_space<hbm>>
    tpu.enqueue_dma source(%dma_start3A_71 : memref<4x4096xf32, #tpu.memory_space<hbm>>) target(%dma_start3A_67 : memref<4x4096xf32, #tpu.memory_space<vmem>>) target_semaphore(%arg13 : memref<!tpu.dma_semaphore, #tpu.memory_space<semaphore_mem>>)
    %dma_start3A_72 = arith.constant 1 : i32
    %dma_start3A_73 = arith.constant 0 : i32
    %dma_start3A_74 = arith.constant 0 : i32
    %dma_start3A_75 = tpu.memref_slice %arg8[%dma_start3A_72, %dma_start3A_73, %dma_start3A_74] : memref<2x8x4096xf32, #tpu.memory_space<vmem>> -> memref<1x8x4096xf32, #tpu.memory_space<vmem>>
    %dma_start3A_76 = tpu.memref_squeeze %dma_start3A_75 : memref<1x8x4096xf32, #tpu.memory_space<vmem>> -> memref<8x4096xf32, #tpu.memory_space<vmem>>
    %dma_start3A_77 = arith.constant 0 : i32
    %dma_start3A_78 = arith.constant 4096 : i32
    %dma_start3A_79 = tpu.memref_slice %arg4[%add3A_54, %dma_start3A_77, %dma_start3A_78] : memref<256x8x16384xf32, #tpu.memory_space<hbm>> -> memref<1x8x4096xf32, #tpu.memory_space<hbm>>
    %dma_start3A_80 = tpu.memref_squeeze %dma_start3A_79 : memref<1x8x4096xf32, #tpu.memory_space<hbm>> -> memref<8x4096xf32, #tpu.memory_space<hbm>>
    %dma_start3A_81 = arith.constant 0 : i32
    %dma_start3A_82 = arith.constant 0 : i32
    %dma_start3A_83 = tpu.memref_slice %arg8[%dma_start3A_72, %dma_start3A_81, %dma_start3A_82] : memref<2x8x4096xf32, #tpu.memory_space<vmem>> -> memref<1x8x4096xf32, #tpu.memory_space<vmem>>
    %dma_start3A_84 = tpu.memref_squeeze %dma_start3A_83 : memref<1x8x4096xf32, #tpu.memory_space<vmem>> -> memref<8x4096xf32, #tpu.memory_space<vmem>>
    %dma_start3A_85 = arith.constant 0 : i32
    %dma_start3A_86 = arith.constant 4096 : i32
    %dma_start3A_87 = tpu.memref_slice %arg4[%add3A_54, %dma_start3A_85, %dma_start3A_86] : memref<256x8x16384xf32, #tpu.memory_space<hbm>> -> memref<1x8x4096xf32, #tpu.memory_space<hbm>>
    %dma_start3A_88 = tpu.memref_squeeze %dma_start3A_87 : memref<1x8x4096xf32, #tpu.memory_space<hbm>> -> memref<8x4096xf32, #tpu.memory_space<hbm>>
    tpu.enqueue_dma source(%dma_start3A_88 : memref<8x4096xf32, #tpu.memory_space<hbm>>) target(%dma_start3A_84 : memref<8x4096xf32, #tpu.memory_space<vmem>>) target_semaphore(%arg13 : memref<!tpu.dma_semaphore, #tpu.memory_space<semaphore_mem>>)
    %dma_start3A_89 = arith.constant 1 : i32
    %dma_start3A_90 = arith.constant 0 : i32
    %dma_start3A_91 = tpu.memref_slice %arg9[%dma_start3A_89, %dma_start3A_90] : memref<2x4096xf32, #tpu.memory_space<vmem>> -> memref<1x4096xf32, #tpu.memory_space<vmem>>
    %dma_start3A_92 = tpu.memref_squeeze %dma_start3A_91 : memref<1x4096xf32, #tpu.memory_space<vmem>> -> memref<4096xf32, #tpu.memory_space<vmem>>
    %dma_start3A_93 = arith.constant 4096 : i32
    %dma_start3A_94 = tpu.memref_slice %arg5[%add3A_54, %dma_start3A_93] : memref<256x16384xf32, #tpu.memory_space<hbm>> -> memref<1x4096xf32, #tpu.memory_space<hbm>>
    %dma_start3A_95 = tpu.memref_squeeze %dma_start3A_94 : memref<1x4096xf32, #tpu.memory_space<hbm>> -> memref<4096xf32, #tpu.memory_space<hbm>>
    %dma_start3A_96 = arith.constant 0 : i32
    %dma_start3A_97 = tpu.memref_slice %arg9[%dma_start3A_89, %dma_start3A_96] : memref<2x4096xf32, #tpu.memory_space<vmem>> -> memref<1x4096xf32, #tpu.memory_space<vmem>>
    %dma_start3A_98 = tpu.memref_squeeze %dma_start3A_97 : memref<1x4096xf32, #tpu.memory_space<vmem>> -> memref<4096xf32, #tpu.memory_space<vmem>>
    %dma_start3A_99 = arith.constant 4096 : i32
    %dma_start3A_100 = tpu.memref_slice %arg5[%add3A_54, %dma_start3A_99] : memref<256x16384xf32, #tpu.memory_space<hbm>> -> memref<1x4096xf32, #tpu.memory_space<hbm>>
    %dma_start3A_101 = tpu.memref_squeeze %dma_start3A_100 : memref<1x4096xf32, #tpu.memory_space<hbm>> -> memref<4096xf32, #tpu.memory_space<hbm>>
    tpu.enqueue_dma source(%dma_start3A_101 : memref<4096xf32, #tpu.memory_space<hbm>>) target(%dma_start3A_98 : memref<4096xf32, #tpu.memory_space<vmem>>) target_semaphore(%arg13 : memref<!tpu.dma_semaphore, #tpu.memory_space<semaphore_mem>>)
    %scan3A = arith.constant 0 : i32
    %scan3A_102 = arith.constant 0 : i32
    %scan3A_103 = arith.constant 8 : i32
    %scan3A_104 = arith.addi %scan3A_102, %scan3A_103 : i32
    %scan3A_105 = arith.constant 1 : i32
    scf.for %scan3A_134 = %scan3A_102 to %scan3A_104 step %scan3A_105  : i32 {
      %mul3A_135 = arith.constant 2 : i32
      %mul3A_136 = arith.muli %mul3A_135, %scan3A_134 : i32
      %add3A_137 = arith.constant 0 : i32
      %add3A_138 = arith.addi %mul3A_136, %add3A_137 : i32
      %dma_wait3A_139 = arith.constant 0 : i32
      %dma_wait3A_140 = arith.constant 0 : i32
      %dma_wait3A_141 = arith.constant 0 : i32
      %dma_wait3A_142 = arith.constant 0 : i32
      %dma_wait3A_143 = tpu.memref_slice %arg7[%dma_wait3A_140, %dma_wait3A_141, %dma_wait3A_142] : memref<2x4x4096xf32, #tpu.memory_space<vmem>> -> memref<1x4x4096xf32, #tpu.memory_space<vmem>>
      %dma_wait3A_144 = tpu.memref_squeeze %dma_wait3A_143 : memref<1x4x4096xf32, #tpu.memory_space<vmem>> -> memref<4x4096xf32, #tpu.memory_space<vmem>>
      %dma_wait3A_145 = arith.constant 0 : i32
      %dma_wait3A_146 = arith.constant 0 : i32
      %dma_wait3A_147 = tpu.memref_slice %arg2[%dma_wait3A_139, %dma_wait3A_145, %dma_wait3A_146] : memref<256x4x16384xf32, #tpu.memory_space<hbm>> -> memref<1x4x4096xf32, #tpu.memory_space<hbm>>
      %dma_wait3A_148 = tpu.memref_squeeze %dma_wait3A_147 : memref<1x4x4096xf32, #tpu.memory_space<hbm>> -> memref<4x4096xf32, #tpu.memory_space<hbm>>
      %dma_wait3A_149 = arith.constant 0 : i32
      %dma_wait3A_150 = arith.constant 0 : i32
      %dma_wait3A_151 = tpu.memref_slice %arg7[%dma_wait3A_140, %dma_wait3A_149, %dma_wait3A_150] : memref<2x4x4096xf32, #tpu.memory_space<vmem>> -> memref<1x4x4096xf32, #tpu.memory_space<vmem>>
      %dma_wait3A_152 = tpu.memref_squeeze %dma_wait3A_151 : memref<1x4x4096xf32, #tpu.memory_space<vmem>> -> memref<4x4096xf32, #tpu.memory_space<vmem>>
      %dma_wait3A_153 = arith.constant 0 : i32
      %dma_wait3A_154 = arith.constant 0 : i32
      %dma_wait3A_155 = tpu.memref_slice %arg2[%dma_wait3A_139, %dma_wait3A_153, %dma_wait3A_154] : memref<256x4x16384xf32, #tpu.memory_space<hbm>> -> memref<1x4x4096xf32, #tpu.memory_space<hbm>>
      %dma_wait3A_156 = tpu.memref_squeeze %dma_wait3A_155 : memref<1x4x4096xf32, #tpu.memory_space<hbm>> -> memref<4x4096xf32, #tpu.memory_space<hbm>>
      tpu.wait_dma2 semaphore(%arg12 : memref<!tpu.dma_semaphore, #tpu.memory_space<semaphore_mem>>) src(%dma_wait3A_156 : memref<4x4096xf32, #tpu.memory_space<hbm>>) dst(%dma_wait3A_152 : memref<4x4096xf32, #tpu.memory_space<vmem>>)
      %dma_wait3A_157 = arith.constant 0 : i32
      %dma_wait3A_158 = arith.constant 0 : i32
      %dma_wait3A_159 = arith.constant 0 : i32
      %dma_wait3A_160 = arith.constant 0 : i32
      %dma_wait3A_161 = tpu.memref_slice %arg8[%dma_wait3A_158, %dma_wait3A_159, %dma_wait3A_160] : memref<2x8x4096xf32, #tpu.memory_space<vmem>> -> memref<1x8x4096xf32, #tpu.memory_space<vmem>>
      %dma_wait3A_162 = tpu.memref_squeeze %dma_wait3A_161 : memref<1x8x4096xf32, #tpu.memory_space<vmem>> -> memref<8x4096xf32, #tpu.memory_space<vmem>>
      %dma_wait3A_163 = arith.constant 0 : i32
      %dma_wait3A_164 = arith.constant 0 : i32
      %dma_wait3A_165 = tpu.memref_slice %arg4[%dma_wait3A_157, %dma_wait3A_163, %dma_wait3A_164] : memref<256x8x16384xf32, #tpu.memory_space<hbm>> -> memref<1x8x4096xf32, #tpu.memory_space<hbm>>
      %dma_wait3A_166 = tpu.memref_squeeze %dma_wait3A_165 : memref<1x8x4096xf32, #tpu.memory_space<hbm>> -> memref<8x4096xf32, #tpu.memory_space<hbm>>
      %dma_wait3A_167 = arith.constant 0 : i32
      %dma_wait3A_168 = arith.constant 0 : i32
      %dma_wait3A_169 = tpu.memref_slice %arg8[%dma_wait3A_158, %dma_wait3A_167, %dma_wait3A_168] : memref<2x8x4096xf32, #tpu.memory_space<vmem>> -> memref<1x8x4096xf32, #tpu.memory_space<vmem>>
      %dma_wait3A_170 = tpu.memref_squeeze %dma_wait3A_169 : memref<1x8x4096xf32, #tpu.memory_space<vmem>> -> memref<8x4096xf32, #tpu.memory_space<vmem>>
      %dma_wait3A_171 = arith.constant 0 : i32
      %dma_wait3A_172 = arith.constant 0 : i32
      %dma_wait3A_173 = tpu.memref_slice %arg4[%dma_wait3A_157, %dma_wait3A_171, %dma_wait3A_172] : memref<256x8x16384xf32, #tpu.memory_space<hbm>> -> memref<1x8x4096xf32, #tpu.memory_space<hbm>>
      %dma_wait3A_174 = tpu.memref_squeeze %dma_wait3A_173 : memref<1x8x4096xf32, #tpu.memory_space<hbm>> -> memref<8x4096xf32, #tpu.memory_space<hbm>>
      tpu.wait_dma2 semaphore(%arg12 : memref<!tpu.dma_semaphore, #tpu.memory_space<semaphore_mem>>) src(%dma_wait3A_174 : memref<8x4096xf32, #tpu.memory_space<hbm>>) dst(%dma_wait3A_170 : memref<8x4096xf32, #tpu.memory_space<vmem>>)
      %dma_wait3A_175 = arith.constant 0 : i32
      %dma_wait3A_176 = arith.constant 0 : i32
      %dma_wait3A_177 = arith.constant 0 : i32
      %dma_wait3A_178 = tpu.memref_slice %arg9[%dma_wait3A_176, %dma_wait3A_177] : memref<2x4096xf32, #tpu.memory_space<vmem>> -> memref<1x4096xf32, #tpu.memory_space<vmem>>
      %dma_wait3A_179 = tpu.memref_squeeze %dma_wait3A_178 : memref<1x4096xf32, #tpu.memory_space<vmem>> -> memref<4096xf32, #tpu.memory_space<vmem>>
      %dma_wait3A_180 = arith.constant 0 : i32
      %dma_wait3A_181 = tpu.memref_slice %arg5[%dma_wait3A_175, %dma_wait3A_180] : memref<256x16384xf32, #tpu.memory_space<hbm>> -> memref<1x4096xf32, #tpu.memory_space<hbm>>
      %dma_wait3A_182 = tpu.memref_squeeze %dma_wait3A_181 : memref<1x4096xf32, #tpu.memory_space<hbm>> -> memref<4096xf32, #tpu.memory_space<hbm>>
      %dma_wait3A_183 = arith.constant 0 : i32
      %dma_wait3A_184 = tpu.memref_slice %arg9[%dma_wait3A_176, %dma_wait3A_183] : memref<2x4096xf32, #tpu.memory_space<vmem>> -> memref<1x4096xf32, #tpu.memory_space<vmem>>
      %dma_wait3A_185 = tpu.memref_squeeze %dma_wait3A_184 : memref<1x4096xf32, #tpu.memory_space<vmem>> -> memref<4096xf32, #tpu.memory_space<vmem>>
      %dma_wait3A_186 = arith.constant 0 : i32
      %dma_wait3A_187 = tpu.memref_slice %arg5[%dma_wait3A_175, %dma_wait3A_186] : memref<256x16384xf32, #tpu.memory_space<hbm>> -> memref<1x4096xf32, #tpu.memory_space<hbm>>
      %dma_wait3A_188 = tpu.memref_squeeze %dma_wait3A_187 : memref<1x4096xf32, #tpu.memory_space<hbm>> -> memref<4096xf32, #tpu.memory_space<hbm>>
      tpu.wait_dma2 semaphore(%arg12 : memref<!tpu.dma_semaphore, #tpu.memory_space<semaphore_mem>>) src(%dma_wait3A_188 : memref<4096xf32, #tpu.memory_space<hbm>>) dst(%dma_wait3A_185 : memref<4096xf32, #tpu.memory_space<vmem>>)
      %jit3A = arith.constant 4 : i32
      %div3A = arith.divsi %add3A_138, %jit3A : i32
      %sign3A = arith.constant 0 : i32
      %sign3A_189 = arith.cmpi sgt, %add3A_138, %sign3A : i32
      %sign3A_190 = arith.extui %sign3A_189 : i1 to i32
      %sign3A_191 = arith.constant 0 : i32
      %sign3A_192 = arith.cmpi slt, %add3A_138, %sign3A_191 : i32
      %sign3A_193 = arith.extui %sign3A_192 : i1 to i32
      %sign3A_194 = arith.subi %sign3A_190, %sign3A_193 : i32
      %sign3A_195 = arith.constant 0 : i32
      %sign3A_196 = arith.cmpi sgt, %jit3A, %sign3A_195 : i32
      %sign3A_197 = arith.extui %sign3A_196 : i1 to i32
      %sign3A_198 = arith.constant 0 : i32
      %sign3A_199 = arith.cmpi slt, %jit3A, %sign3A_198 : i32
      %sign3A_200 = arith.extui %sign3A_199 : i1 to i32
      %sign3A_201 = arith.subi %sign3A_197, %sign3A_200 : i32
      %ne3A = arith.cmpi ne, %sign3A_194, %sign3A_201 : i32
      %rem3A = arith.remsi %add3A_138, %jit3A : i32
      %ne3A_202 = arith.constant 0 : i32
      %ne3A_203 = arith.cmpi ne, %rem3A, %ne3A_202 : i32
      %and3A = arith.andi %ne3A, %ne3A_203 : i1
      %sub3A = arith.constant 1 : i32
      %sub3A_204 = arith.subi %div3A, %sub3A : i32
      %select_n3A = arith.select %and3A, %sub3A_204, %div3A : i32
      %mul3A_205 = arith.constant 8 : i32
      %mul3A_206 = arith.muli %select_n3A, %mul3A_205 : i32
      %get3A = arith.index_cast %mul3A_206 : i32 to index
      %get3A_207 = tpu.vector_load %arg11[%get3A] {strides = array<i32>} : memref<48xf32, #tpu.memory_space<vmem>>, vector<16xf32>,
      %get3A_208 = vector.shape_cast %get3A_207 : vector<16xf32> to vector<16xf32>
      %slice3A = vector.extract_strided_slice %get3A_208 {offsets = [0], sizes = [1], strides = [1]} : vector<16xf32> to vector<1xf32>
      %squeeze3A = vector.extract %slice3A[0] : f32 from vector<1xf32>
      %slice3A_209 = vector.extract_strided_slice %get3A_208 {offsets = [1], sizes = [1], strides = [1]} : vector<16xf32> to vector<1xf32>
      %squeeze3A_210 = vector.extract %slice3A_209[0] : f32 from vector<1xf32>
      %slice3A_211 = vector.extract_strided_slice %get3A_208 {offsets = [2], sizes = [1], strides = [1]} : vector<16xf32> to vector<1xf32>
      %squeeze3A_212 = vector.extract %slice3A_211[0] : f32 from vector<1xf32>
      %slice3A_213 = vector.extract_strided_slice %get3A_208 {offsets = [3], sizes = [1], strides = [1]} : vector<16xf32> to vector<1xf32>
      %squeeze3A_214 = vector.extract %slice3A_213[0] : f32 from vector<1xf32>
      %slice3A_215 = vector.extract_strided_slice %get3A_208 {offsets = [4], sizes = [1], strides = [1]} : vector<16xf32> to vector<1xf32>
      %squeeze3A_216 = vector.extract %slice3A_215[0] : f32 from vector<1xf32>
      %slice3A_217 = vector.extract_strided_slice %get3A_208 {offsets = [5], sizes = [1], strides = [1]} : vector<16xf32> to vector<1xf32>
      %squeeze3A_218 = vector.extract %slice3A_217[0] : f32 from vector<1xf32>
      %slice3A_219 = vector.extract_strided_slice %get3A_208 {offsets = [6], sizes = [1], strides = [1]} : vector<16xf32> to vector<1xf32>
      %squeeze3A_220 = vector.extract %slice3A_219[0] : f32 from vector<1xf32>
      %slice3A_221 = vector.extract_strided_slice %get3A_208 {offsets = [7], sizes = [1], strides = [1]} : vector<16xf32> to vector<1xf32>
      %squeeze3A_222 = vector.extract %slice3A_221[0] : f32 from vector<1xf32>
      %ge3A = arith.constant 1 : i32
      %ge3A_223 = arith.cmpi sge, %scan3A_134, %ge3A : i32
      %convert_element_type3A = arith.extui %ge3A_223 : i1 to i32
      %cond3A = arith.constant 0 : i32
      %cond3A_224 = arith.cmpi ne, %convert_element_type3A, %cond3A : i32
      scf.if %cond3A_224 {
        %dma_wait3A_457 = arith.constant 0 : i32
        %dma_wait3A_458 = arith.constant 0 : i32
        %dma_wait3A_459 = arith.constant 0 : i32
        %dma_wait3A_460 = tpu.memref_slice %arg10[%dma_wait3A_457, %dma_wait3A_459] : memref<2x4096xf32, #tpu.memory_space<vmem>> -> memref<1x4096xf32, #tpu.memory_space<vmem>>
        %dma_wait3A_461 = tpu.memref_squeeze %dma_wait3A_460 : memref<1x4096xf32, #tpu.memory_space<vmem>> -> memref<4096xf32, #tpu.memory_space<vmem>>
        %dma_wait3A_462 = arith.constant 0 : i32
        %dma_wait3A_463 = tpu.memref_slice %arg6[%dma_wait3A_458, %dma_wait3A_462] : memref<128x16384xf32, #tpu.memory_space<hbm>> -> memref<1x4096xf32, #tpu.memory_space<hbm>>
        %dma_wait3A_464 = tpu.memref_squeeze %dma_wait3A_463 : memref<1x4096xf32, #tpu.memory_space<hbm>> -> memref<4096xf32, #tpu.memory_space<hbm>>
        %dma_wait3A_465 = arith.constant 0 : i32
        %dma_wait3A_466 = tpu.memref_slice %arg6[%dma_wait3A_458, %dma_wait3A_465] : memref<128x16384xf32, #tpu.memory_space<hbm>> -> memref<1x4096xf32, #tpu.memory_space<hbm>>
        %dma_wait3A_467 = tpu.memref_squeeze %dma_wait3A_466 : memref<1x4096xf32, #tpu.memory_space<hbm>> -> memref<4096xf32, #tpu.memory_space<hbm>>
        %dma_wait3A_468 = arith.constant 0 : i32
        %dma_wait3A_469 = tpu.memref_slice %arg10[%dma_wait3A_457, %dma_wait3A_468] : memref<2x4096xf32, #tpu.memory_space<vmem>> -> memref<1x4096xf32, #tpu.memory_space<vmem>>
        %dma_wait3A_470 = tpu.memref_squeeze %dma_wait3A_469 : memref<1x4096xf32, #tpu.memory_space<vmem>> -> memref<4096xf32, #tpu.memory_space<vmem>>
        tpu.wait_dma2 semaphore(%arg14 : memref<!tpu.dma_semaphore, #tpu.memory_space<semaphore_mem>>) src(%dma_wait3A_470 : memref<4096xf32, #tpu.memory_space<vmem>>) dst(%dma_wait3A_467 : memref<4096xf32, #tpu.memory_space<hbm>>)
      } else {
      }
      %scan3A_225 = arith.constant 0 : i32
      %scan3A_226 = arith.constant 0 : i32
      %scan3A_227 = arith.constant 32 : i32
      %scan3A_228 = arith.addi %scan3A_226, %scan3A_227 : i32
      %scan3A_229 = arith.constant 1 : i32
      scf.for %scan3A_457 = %scan3A_226 to %scan3A_228 step %scan3A_229  : i32 {
        %mul3A_458 = arith.constant 8 : i32
        %mul3A_459 = arith.muli %scan3A_457, %mul3A_458 : i32
        %add3A_460 = arith.constant 0 : i32
        %add3A_461 = arith.addi %mul3A_459, %add3A_460 : i32
        %mul3A_462 = arith.constant 16 : i32
        %mul3A_463 = arith.muli %add3A_461, %mul3A_462 : i32
        %get3A_464 = arith.constant 0 : i32
        %get3A_465 = arith.constant 0 : i32
        %get3A_466 = arith.index_cast %get3A_464 : i32 to index
        %get3A_467 = arith.index_cast %get3A_465 : i32 to index
        %get3A_468 = arith.index_cast %mul3A_463 : i32 to index
        %get3A_469 = tpu.vector_load %arg7[%get3A_466, %get3A_467, %get3A_468] {strides = array<i32>} : memref<2x4x4096xf32, #tpu.memory_space<vmem>>, vector<1x1x16xf32>,
        %get3A_470 = vector.shape_cast %get3A_469 : vector<1x1x16xf32> to vector<16xf32>
        %sub3A_471 = arith.constant 1.000000e+00 : f32
        %sub3A_472 = vector.broadcast %sub3A_471 : f32 to vector<16xf32>
        %sub3A_473 = arith.subf %sub3A_472, %get3A_470 : vector<16xf32>
        %get3A_474 = arith.constant 0 : i32
        %get3A_475 = arith.constant 1 : i32
        %get3A_476 = arith.index_cast %get3A_474 : i32 to index
        %get3A_477 = arith.index_cast %get3A_475 : i32 to index
        %get3A_478 = arith.index_cast %mul3A_463 : i32 to index
        %get3A_479 = tpu.vector_load %arg7[%get3A_476, %get3A_477, %get3A_478] {strides = array<i32>} : memref<2x4x4096xf32, #tpu.memory_space<vmem>>, vector<1x1x16xf32>,
        %get3A_480 = vector.shape_cast %get3A_479 : vector<1x1x16xf32> to vector<16xf32>
        %sub3A_481 = arith.constant 1.000000e+00 : f32
        %sub3A_482 = vector.broadcast %sub3A_481 : f32 to vector<16xf32>
        %sub3A_483 = arith.subf %sub3A_482, %get3A_480 : vector<16xf32>
        %mul3A_484 = arith.mulf %sub3A_473, %sub3A_483 : vector<16xf32>
        %get3A_485 = arith.constant 0 : i32
        %get3A_486 = arith.constant 2 : i32
        %get3A_487 = arith.index_cast %get3A_485 : i32 to index
        %get3A_488 = arith.index_cast %get3A_486 : i32 to index
        %get3A_489 = arith.index_cast %mul3A_463 : i32 to index
        %get3A_490 = tpu.vector_load %arg7[%get3A_487, %get3A_488, %get3A_489] {strides = array<i32>} : memref<2x4x4096xf32, #tpu.memory_space<vmem>>, vector<1x1x16xf32>,
        %get3A_491 = vector.shape_cast %get3A_490 : vector<1x1x16xf32> to vector<16xf32>
        %sub3A_492 = arith.constant 1.000000e+00 : f32
        %sub3A_493 = vector.broadcast %sub3A_492 : f32 to vector<16xf32>
        %sub3A_494 = arith.subf %sub3A_493, %get3A_491 : vector<16xf32>
        %mul3A_495 = arith.mulf %mul3A_484, %sub3A_494 : vector<16xf32>
        %get3A_496 = arith.constant 0 : i32
        %get3A_497 = arith.constant 3 : i32
        %get3A_498 = arith.index_cast %get3A_496 : i32 to index
        %get3A_499 = arith.index_cast %get3A_497 : i32 to index
        %get3A_500 = arith.index_cast %mul3A_463 : i32 to index
        %get3A_501 = tpu.vector_load %arg7[%get3A_498, %get3A_499, %get3A_500] {strides = array<i32>} : memref<2x4x4096xf32, #tpu.memory_space<vmem>>, vector<1x1x16xf32>,
        %get3A_502 = vector.shape_cast %get3A_501 : vector<1x1x16xf32> to vector<16xf32>
        %sub3A_503 = arith.constant 1.000000e+00 : f32
        %sub3A_504 = vector.broadcast %sub3A_503 : f32 to vector<16xf32>
        %sub3A_505 = arith.subf %sub3A_504, %get3A_502 : vector<16xf32>
        %mul3A_506 = arith.mulf %mul3A_495, %sub3A_505 : vector<16xf32>
        %get3A_507 = arith.constant 0 : i32
        %get3A_508 = arith.index_cast %get3A_507 : i32 to index
        %get3A_509 = arith.index_cast %mul3A_463 : i32 to index
        %get3A_510 = tpu.vector_load %arg9[%get3A_508, %get3A_509] {strides = array<i32>} : memref<2x4096xf32, #tpu.memory_space<vmem>>, vector<1x16xf32>,
        %get3A_511 = vector.shape_cast %get3A_510 : vector<1x16xf32> to vector<16xf32>
        %sub3A_512 = arith.constant 1.000000e+00 : f32
        %sub3A_513 = vector.broadcast %sub3A_512 : f32 to vector<16xf32>
        %sub3A_514 = arith.subf %sub3A_513, %get3A_511 : vector<16xf32>
        %mul3A_515 = arith.mulf %sub3A_514, %mul3A_506 : vector<16xf32>
        %get3A_516 = arith.constant 0 : i32
        %get3A_517 = arith.constant 0 : i32
        %get3A_518 = arith.index_cast %get3A_516 : i32 to index
        %get3A_519 = arith.index_cast %get3A_517 : i32 to index
        %get3A_520 = arith.index_cast %mul3A_463 : i32 to index
        %get3A_521 = tpu.vector_load %arg8[%get3A_518, %get3A_519, %get3A_520] {strides = array<i32>} : memref<2x8x4096xf32, #tpu.memory_space<vmem>>, vector<1x1x16xf32>,
        %get3A_522 = vector.shape_cast %get3A_521 : vector<1x1x16xf32> to vector<16xf32>
        %mul3A_523 = vector.broadcast %squeeze3A : f32 to vector<16xf32>
        %mul3A_524 = arith.mulf %mul3A_523, %get3A_522 : vector<16xf32>
        %get3A_525 = arith.constant 0 : i32
        %get3A_526 = arith.constant 1 : i32
        %get3A_527 = arith.index_cast %get3A_525 : i32 to index
        %get3A_528 = arith.index_cast %get3A_526 : i32 to index
        %get3A_529 = arith.index_cast %mul3A_463 : i32 to index
        %get3A_530 = tpu.vector_load %arg8[%get3A_527, %get3A_528, %get3A_529] {strides = array<i32>} : memref<2x8x4096xf32, #tpu.memory_space<vmem>>, vector<1x1x16xf32>,
        %get3A_531 = vector.shape_cast %get3A_530 : vector<1x1x16xf32> to vector<16xf32>
        %mul3A_532 = vector.broadcast %squeeze3A_210 : f32 to vector<16xf32>
        %mul3A_533 = arith.mulf %mul3A_532, %get3A_531 : vector<16xf32>
        %add3A_534 = arith.addf %mul3A_524, %mul3A_533 : vector<16xf32>
        %get3A_535 = arith.constant 0 : i32
        %get3A_536 = arith.constant 2 : i32
        %get3A_537 = arith.index_cast %get3A_535 : i32 to index
        %get3A_538 = arith.index_cast %get3A_536 : i32 to index
        %get3A_539 = arith.index_cast %mul3A_463 : i32 to index
        %get3A_540 = tpu.vector_load %arg8[%get3A_537, %get3A_538, %get3A_539] {strides = array<i32>} : memref<2x8x4096xf32, #tpu.memory_space<vmem>>, vector<1x1x16xf32>,
        %get3A_541 = vector.shape_cast %get3A_540 : vector<1x1x16xf32> to vector<16xf32>
        %mul3A_542 = vector.broadcast %squeeze3A_212 : f32 to vector<16xf32>
        %mul3A_543 = arith.mulf %mul3A_542, %get3A_541 : vector<16xf32>
        %add3A_544 = arith.addf %add3A_534, %mul3A_543 : vector<16xf32>
        %get3A_545 = arith.constant 0 : i32
        %get3A_546 = arith.constant 3 : i32
        %get3A_547 = arith.index_cast %get3A_545 : i32 to index
        %get3A_548 = arith.index_cast %get3A_546 : i32 to index
        %get3A_549 = arith.index_cast %mul3A_463 : i32 to index
        %get3A_550 = tpu.vector_load %arg8[%get3A_547, %get3A_548, %get3A_549] {strides = array<i32>} : memref<2x8x4096xf32, #tpu.memory_space<vmem>>, vector<1x1x16xf32>,
        %get3A_551 = vector.shape_cast %get3A_550 : vector<1x1x16xf32> to vector<16xf32>
        %mul3A_552 = vector.broadcast %squeeze3A_214 : f32 to vector<16xf32>
        %mul3A_553 = arith.mulf %mul3A_552, %get3A_551 : vector<16xf32>
        %add3A_554 = arith.addf %add3A_544, %mul3A_553 : vector<16xf32>
        %get3A_555 = arith.constant 0 : i32
        %get3A_556 = arith.constant 4 : i32
        %get3A_557 = arith.index_cast %get3A_555 : i32 to index
        %get3A_558 = arith.index_cast %get3A_556 : i32 to index
        %get3A_559 = arith.index_cast %mul3A_463 : i32 to index
        %get3A_560 = tpu.vector_load %arg8[%get3A_557, %get3A_558, %get3A_559] {strides = array<i32>} : memref<2x8x4096xf32, #tpu.memory_space<vmem>>, vector<1x1x16xf32>,
        %get3A_561 = vector.shape_cast %get3A_560 : vector<1x1x16xf32> to vector<16xf32>
        %mul3A_562 = vector.broadcast %squeeze3A_216 : f32 to vector<16xf32>
        %mul3A_563 = arith.mulf %mul3A_562, %get3A_561 : vector<16xf32>
        %add3A_564 = arith.addf %add3A_554, %mul3A_563 : vector<16xf32>
        %get3A_565 = arith.constant 0 : i32
        %get3A_566 = arith.constant 5 : i32
        %get3A_567 = arith.index_cast %get3A_565 : i32 to index
        %get3A_568 = arith.index_cast %get3A_566 : i32 to index
        %get3A_569 = arith.index_cast %mul3A_463 : i32 to index
        %get3A_570 = tpu.vector_load %arg8[%get3A_567, %get3A_568, %get3A_569] {strides = array<i32>} : memref<2x8x4096xf32, #tpu.memory_space<vmem>>, vector<1x1x16xf32>,
        %get3A_571 = vector.shape_cast %get3A_570 : vector<1x1x16xf32> to vector<16xf32>
        %mul3A_572 = vector.broadcast %squeeze3A_218 : f32 to vector<16xf32>
        %mul3A_573 = arith.mulf %mul3A_572, %get3A_571 : vector<16xf32>
        %add3A_574 = arith.addf %add3A_564, %mul3A_573 : vector<16xf32>
        %get3A_575 = arith.constant 0 : i32
        %get3A_576 = arith.constant 6 : i32
        %get3A_577 = arith.index_cast %get3A_575 : i32 to index
        %get3A_578 = arith.index_cast %get3A_576 : i32 to index
        %get3A_579 = arith.index_cast %mul3A_463 : i32 to index
        %get3A_580 = tpu.vector_load %arg8[%get3A_577, %get3A_578, %get3A_579] {strides = array<i32>} : memref<2x8x4096xf32, #tpu.memory_space<vmem>>, vector<1x1x16xf32>,
        %get3A_581 = vector.shape_cast %get3A_580 : vector<1x1x16xf32> to vector<16xf32>
        %mul3A_582 = vector.broadcast %squeeze3A_220 : f32 to vector<16xf32>
        %mul3A_583 = arith.mulf %mul3A_582, %get3A_581 : vector<16xf32>
        %add3A_584 = arith.addf %add3A_574, %mul3A_583 : vector<16xf32>
        %get3A_585 = arith.constant 0 : i32
        %get3A_586 = arith.constant 7 : i32
        %get3A_587 = arith.index_cast %get3A_585 : i32 to index
        %get3A_588 = arith.index_cast %get3A_586 : i32 to index
        %get3A_589 = arith.index_cast %mul3A_463 : i32 to index
        %get3A_590 = tpu.vector_load %arg8[%get3A_587, %get3A_588, %get3A_589] {strides = array<i32>} : memref<2x8x4096xf32, #tpu.memory_space<vmem>>, vector<1x1x16xf32>,
        %get3A_591 = vector.shape_cast %get3A_590 : vector<1x1x16xf32> to vector<16xf32>
        %mul3A_592 = vector.broadcast %squeeze3A_222 : f32 to vector<16xf32>
        %mul3A_593 = arith.mulf %mul3A_592, %get3A_591 : vector<16xf32>
        %add3A_594 = arith.addf %add3A_584, %mul3A_593 : vector<16xf32>
        %sub3A_595 = arith.constant 1.000000e+00 : f32
        %sub3A_596 = vector.broadcast %sub3A_595 : f32 to vector<16xf32>
        %sub3A_597 = arith.subf %sub3A_596, %mul3A_515 : vector<16xf32>
        %sub3A_598 = arith.subf %sub3A_597, %add3A_594 : vector<16xf32>
        %max3A = arith.constant 0.000000e+00 : f32
        %max3A_599 = vector.broadcast %max3A : f32 to vector<16xf32>
        %max3A_600 = arith.maximumf %sub3A_598, %max3A_599 : vector<16xf32>
        %min3A = arith.constant 1.000000e+00 : f32
        %min3A_601 = vector.broadcast %min3A : f32 to vector<16xf32>
        %min3A_602 = arith.minimumf %max3A_600, %min3A_601 : vector<16xf32>
        %swap3A = arith.constant 0 : i32
        %swap3A_603 = arith.index_cast %swap3A : i32 to index
        %swap3A_604 = arith.index_cast %mul3A_463 : i32 to index
        %swap3A_605 = tpu.vector_load %arg10[%swap3A_603, %swap3A_604] {strides = array<i32>} : memref<2x4096xf32, #tpu.memory_space<vmem>>, vector<1x16xf32>,
        %swap3A_606 = vector.shape_cast %swap3A_605 : vector<1x16xf32> to vector<16xf32>
        %swap3A_607 = vector.shape_cast %min3A_602 : vector<16xf32> to vector<1x16xf32>
        tpu.vector_store %arg10[%swap3A_603, %swap3A_604], %swap3A_607 {strides = array<i32>} : memref<2x4096xf32, #tpu.memory_space<vmem>>, vector<1x16xf32>,
        %mul3A_608 = arith.constant 8 : i32
        %mul3A_609 = arith.muli %scan3A_457, %mul3A_608 : i32
        %add3A_610 = arith.constant 1 : i32
        %add3A_611 = arith.addi %mul3A_609, %add3A_610 : i32
        %mul3A_612 = arith.constant 16 : i32
        %mul3A_613 = arith.muli %add3A_611, %mul3A_612 : i32
        %get3A_614 = arith.constant 0 : i32
        %get3A_615 = arith.constant 0 : i32
        %get3A_616 = arith.index_cast %get3A_614 : i32 to index
        %get3A_617 = arith.index_cast %get3A_615 : i32 to index
        %get3A_618 = arith.index_cast %mul3A_613 : i32 to index
        %get3A_619 = tpu.vector_load %arg7[%get3A_616, %get3A_617, %get3A_618] {strides = array<i32>} : memref<2x4x4096xf32, #tpu.memory_space<vmem>>, vector<1x1x16xf32>,
        %get3A_620 = vector.shape_cast %get3A_619 : vector<1x1x16xf32> to vector<16xf32>
        %sub3A_621 = arith.constant 1.000000e+00 : f32
        %sub3A_622 = vector.broadcast %sub3A_621 : f32 to vector<16xf32>
        %sub3A_623 = arith.subf %sub3A_622, %get3A_620 : vector<16xf32>
        %get3A_624 = arith.constant 0 : i32
        %get3A_625 = arith.constant 1 : i32
        %get3A_626 = arith.index_cast %get3A_624 : i32 to index
        %get3A_627 = arith.index_cast %get3A_625 : i32 to index
        %get3A_628 = arith.index_cast %mul3A_613 : i32 to index
        %get3A_629 = tpu.vector_load %arg7[%get3A_626, %get3A_627, %get3A_628] {strides = array<i32>} : memref<2x4x4096xf32, #tpu.memory_space<vmem>>, vector<1x1x16xf32>,
        %get3A_630 = vector.shape_cast %get3A_629 : vector<1x1x16xf32> to vector<16xf32>
        %sub3A_631 = arith.constant 1.000000e+00 : f32
        %sub3A_632 = vector.broadcast %sub3A_631 : f32 to vector<16xf32>
        %sub3A_633 = arith.subf %sub3A_632, %get3A_630 : vector<16xf32>
        %mul3A_634 = arith.mulf %sub3A_623, %sub3A_633 : vector<16xf32>
        %get3A_635 = arith.constant 0 : i32
        %get3A_636 = arith.constant 2 : i32
        %get3A_637 = arith.index_cast %get3A_635 : i32 to index
        %get3A_638 = arith.index_cast %get3A_636 : i32 to index
        %get3A_639 = arith.index_cast %mul3A_613 : i32 to index
        %get3A_640 = tpu.vector_load %arg7[%get3A_637, %get3A_638, %get3A_639] {strides = array<i32>} : memref<2x4x4096xf32, #tpu.memory_space<vmem>>, vector<1x1x16xf32>,
        %get3A_641 = vector.shape_cast %get3A_640 : vector<1x1x16xf32> to vector<16xf32>
        %sub3A_642 = arith.constant 1.000000e+00 : f32
        %sub3A_643 = vector.broadcast %sub3A_642 : f32 to vector<16xf32>
        %sub3A_644 = arith.subf %sub3A_643, %get3A_641 : vector<16xf32>
        %mul3A_645 = arith.mulf %mul3A_634, %sub3A_644 : vector<16xf32>
        %get3A_646 = arith.constant 0 : i32
        %get3A_647 = arith.constant 3 : i32
        %get3A_648 = arith.index_cast %get3A_646 : i32 to index
        %get3A_649 = arith.index_cast %get3A_647 : i32 to index
        %get3A_650 = arith.index_cast %mul3A_613 : i32 to index
        %get3A_651 = tpu.vector_load %arg7[%get3A_648, %get3A_649, %get3A_650] {strides = array<i32>} : memref<2x4x4096xf32, #tpu.memory_space<vmem>>, vector<1x1x16xf32>,
        %get3A_652 = vector.shape_cast %get3A_651 : vector<1x1x16xf32> to vector<16xf32>
        %sub3A_653 = arith.constant 1.000000e+00 : f32
        %sub3A_654 = vector.broadcast %sub3A_653 : f32 to vector<16xf32>
        %sub3A_655 = arith.subf %sub3A_654, %get3A_652 : vector<16xf32>
        %mul3A_656 = arith.mulf %mul3A_645, %sub3A_655 : vector<16xf32>
        %get3A_657 = arith.constant 0 : i32
        %get3A_658 = arith.index_cast %get3A_657 : i32 to index
        %get3A_659 = arith.index_cast %mul3A_613 : i32 to index
        %get3A_660 = tpu.vector_load %arg9[%get3A_658, %get3A_659] {strides = array<i32>} : memref<2x4096xf32, #tpu.memory_space<vmem>>, vector<1x16xf32>,
        %get3A_661 = vector.shape_cast %get3A_660 : vector<1x16xf32> to vector<16xf32>
        %sub3A_662 = arith.constant 1.000000e+00 : f32
        %sub3A_663 = vector.broadcast %sub3A_662 : f32 to vector<16xf32>
        %sub3A_664 = arith.subf %sub3A_663, %get3A_661 : vector<16xf32>
        %mul3A_665 = arith.mulf %sub3A_664, %mul3A_656 : vector<16xf32>
        %get3A_666 = arith.constant 0 : i32
        %get3A_667 = arith.constant 0 : i32
        %get3A_668 = arith.index_cast %get3A_666 : i32 to index
        %get3A_669 = arith.index_cast %get3A_667 : i32 to index
        %get3A_670 = arith.index_cast %mul3A_613 : i32 to index
        %get3A_671 = tpu.vector_load %arg8[%get3A_668, %get3A_669, %get3A_670] {strides = array<i32>} : memref<2x8x4096xf32, #tpu.memory_space<vmem>>, vector<1x1x16xf32>,
        %get3A_672 = vector.shape_cast %get3A_671 : vector<1x1x16xf32> to vector<16xf32>
        %mul3A_673 = vector.broadcast %squeeze3A : f32 to vector<16xf32>
        %mul3A_674 = arith.mulf %mul3A_673, %get3A_672 : vector<16xf32>
        %get3A_675 = arith.constant 0 : i32
        %get3A_676 = arith.constant 1 : i32
        %get3A_677 = arith.index_cast %get3A_675 : i32 to index
        %get3A_678 = arith.index_cast %get3A_676 : i32 to index
        %get3A_679 = arith.index_cast %mul3A_613 : i32 to index
        %get3A_680 = tpu.vector_load %arg8[%get3A_677, %get3A_678, %get3A_679] {strides = array<i32>} : memref<2x8x4096xf32, #tpu.memory_space<vmem>>, vector<1x1x16xf32>,
        %get3A_681 = vector.shape_cast %get3A_680 : vector<1x1x16xf32> to vector<16xf32>
        %mul3A_682 = vector.broadcast %squeeze3A_210 : f32 to vector<16xf32>
        %mul3A_683 = arith.mulf %mul3A_682, %get3A_681 : vector<16xf32>
        %add3A_684 = arith.addf %mul3A_674, %mul3A_683 : vector<16xf32>
        %get3A_685 = arith.constant 0 : i32
        %get3A_686 = arith.constant 2 : i32
        %get3A_687 = arith.index_cast %get3A_685 : i32 to index
        %get3A_688 = arith.index_cast %get3A_686 : i32 to index
        %get3A_689 = arith.index_cast %mul3A_613 : i32 to index
        %get3A_690 = tpu.vector_load %arg8[%get3A_687, %get3A_688, %get3A_689] {strides = array<i32>} : memref<2x8x4096xf32, #tpu.memory_space<vmem>>, vector<1x1x16xf32>,
        %get3A_691 = vector.shape_cast %get3A_690 : vector<1x1x16xf32> to vector<16xf32>
        %mul3A_692 = vector.broadcast %squeeze3A_212 : f32 to vector<16xf32>
        %mul3A_693 = arith.mulf %mul3A_692, %get3A_691 : vector<16xf32>
        %add3A_694 = arith.addf %add3A_684, %mul3A_693 : vector<16xf32>
        %get3A_695 = arith.constant 0 : i32
        %get3A_696 = arith.constant 3 : i32
        %get3A_697 = arith.index_cast %get3A_695 : i32 to index
        %get3A_698 = arith.index_cast %get3A_696 : i32 to index
        %get3A_699 = arith.index_cast %mul3A_613 : i32 to index
        %get3A_700 = tpu.vector_load %arg8[%get3A_697, %get3A_698, %get3A_699] {strides = array<i32>} : memref<2x8x4096xf32, #tpu.memory_space<vmem>>, vector<1x1x16xf32>,
        %get3A_701 = vector.shape_cast %get3A_700 : vector<1x1x16xf32> to vector<16xf32>
        %mul3A_702 = vector.broadcast %squeeze3A_214 : f32 to vector<16xf32>
        %mul3A_703 = arith.mulf %mul3A_702, %get3A_701 : vector<16xf32>
        %add3A_704 = arith.addf %add3A_694, %mul3A_703 : vector<16xf32>
        %get3A_705 = arith.constant 0 : i32
        %get3A_706 = arith.constant 4 : i32
        %get3A_707 = arith.index_cast %get3A_705 : i32 to index
        %get3A_708 = arith.index_cast %get3A_706 : i32 to index
        %get3A_709 = arith.index_cast %mul3A_613 : i32 to index
        %get3A_710 = tpu.vector_load %arg8[%get3A_707, %get3A_708, %get3A_709] {strides = array<i32>} : memref<2x8x4096xf32, #tpu.memory_space<vmem>>, vector<1x1x16xf32>,
        %get3A_711 = vector.shape_cast %get3A_710 : vector<1x1x16xf32> to vector<16xf32>
        %mul3A_712 = vector.broadcast %squeeze3A_216 : f32 to vector<16xf32>
        %mul3A_713 = arith.mulf %mul3A_712, %get3A_711 : vector<16xf32>
        %add3A_714 = arith.addf %add3A_704, %mul3A_713 : vector<16xf32>
        %get3A_715 = arith.constant 0 : i32
        %get3A_716 = arith.constant 5 : i32
        %get3A_717 = arith.index_cast %get3A_715 : i32 to index
        %get3A_718 = arith.index_cast %get3A_716 : i32 to index
        %get3A_719 = arith.index_cast %mul3A_613 : i32 to index
        %get3A_720 = tpu.vector_load %arg8[%get3A_717, %get3A_718, %get3A_719] {strides = array<i32>} : memref<2x8x4096xf32, #tpu.memory_space<vmem>>, vector<1x1x16xf32>,
        %get3A_721 = vector.shape_cast %get3A_720 : vector<1x1x16xf32> to vector<16xf32>
        %mul3A_722 = vector.broadcast %squeeze3A_218 : f32 to vector<16xf32>
        %mul3A_723 = arith.mulf %mul3A_722, %get3A_721 : vector<16xf32>
        %add3A_724 = arith.addf %add3A_714, %mul3A_723 : vector<16xf32>
        %get3A_725 = arith.constant 0 : i32
        %get3A_726 = arith.constant 6 : i32
        %get3A_727 = arith.index_cast %get3A_725 : i32 to index
        %get3A_728 = arith.index_cast %get3A_726 : i32 to index
        %get3A_729 = arith.index_cast %mul3A_613 : i32 to index
        %get3A_730 = tpu.vector_load %arg8[%get3A_727, %get3A_728, %get3A_729] {strides = array<i32>} : memref<2x8x4096xf32, #tpu.memory_space<vmem>>, vector<1x1x16xf32>,
        %get3A_731 = vector.shape_cast %get3A_730 : vector<1x1x16xf32> to vector<16xf32>
        %mul3A_732 = vector.broadcast %squeeze3A_220 : f32 to vector<16xf32>
        %mul3A_733 = arith.mulf %mul3A_732, %get3A_731 : vector<16xf32>
        %add3A_734 = arith.addf %add3A_724, %mul3A_733 : vector<16xf32>
        %get3A_735 = arith.constant 0 : i32
        %get3A_736 = arith.constant 7 : i32
        %get3A_737 = arith.index_cast %get3A_735 : i32 to index
        %get3A_738 = arith.index_cast %get3A_736 : i32 to index
        %get3A_739 = arith.index_cast %mul3A_613 : i32 to index
        %get3A_740 = tpu.vector_load %arg8[%get3A_737, %get3A_738, %get3A_739] {strides = array<i32>} : memref<2x8x4096xf32, #tpu.memory_space<vmem>>, vector<1x1x16xf32>,
        %get3A_741 = vector.shape_cast %get3A_740 : vector<1x1x16xf32> to vector<16xf32>
        %mul3A_742 = vector.broadcast %squeeze3A_222 : f32 to vector<16xf32>
        %mul3A_743 = arith.mulf %mul3A_742, %get3A_741 : vector<16xf32>
        %add3A_744 = arith.addf %add3A_734, %mul3A_743 : vector<16xf32>
        %sub3A_745 = arith.constant 1.000000e+00 : f32
        %sub3A_746 = vector.broadcast %sub3A_745 : f32 to vector<16xf32>
        %sub3A_747 = arith.subf %sub3A_746, %mul3A_665 : vector<16xf32>
        %sub3A_748 = arith.subf %sub3A_747, %add3A_744 : vector<16xf32>
        %max3A_749 = arith.constant 0.000000e+00 : f32
        %max3A_750 = vector.broadcast %max3A_749 : f32 to vector<16xf32>
        %max3A_751 = arith.maximumf %sub3A_748, %max3A_750 : vector<16xf32>
        %min3A_752 = arith.constant 1.000000e+00 : f32
        %min3A_753 = vector.broadcast %min3A_752 : f32 to vector<16xf32>
        %min3A_754 = arith.minimumf %max3A_751, %min3A_753 : vector<16xf32>
        %swap3A_755 = arith.constant 0 : i32
        %swap3A_756 = arith.index_cast %swap3A_755 : i32 to index
        %swap3A_757 = arith.index_cast %mul3A_613 : i32 to index
        %swap3A_758 = tpu.vector_load %arg10[%swap3A_756, %swap3A_757] {strides = array<i32>} : memref<2x4096xf32, #tpu.memory_space<vmem>>, vector<1x16xf32>,
        %swap3A_759 = vector.shape_cast %swap3A_758 : vector<1x16xf32> to vector<16xf32>
        %swap3A_760 = vector.shape_cast %min3A_754 : vector<16xf32> to vector<1x16xf32>
        tpu.vector_store %arg10[%swap3A_756, %swap3A_757], %swap3A_760 {strides = array<i32>} : memref<2x4096xf32, #tpu.memory_space<vmem>>, vector<1x16xf32>,
        %mul3A_761 = arith.constant 8 : i32
        %mul3A_762 = arith.muli %scan3A_457, %mul3A_761 : i32
        %add3A_763 = arith.constant 2 : i32
        %add3A_764 = arith.addi %mul3A_762, %add3A_763 : i32
        %mul3A_765 = arith.constant 16 : i32
        %mul3A_766 = arith.muli %add3A_764, %mul3A_765 : i32
        %get3A_767 = arith.constant 0 : i32
        %get3A_768 = arith.constant 0 : i32
        %get3A_769 = arith.index_cast %get3A_767 : i32 to index
        %get3A_770 = arith.index_cast %get3A_768 : i32 to index
        %get3A_771 = arith.index_cast %mul3A_766 : i32 to index
        %get3A_772 = tpu.vector_load %arg7[%get3A_769, %get3A_770, %get3A_771] {strides = array<i32>} : memref<2x4x4096xf32, #tpu.memory_space<vmem>>, vector<1x1x16xf32>,
        %get3A_773 = vector.shape_cast %get3A_772 : vector<1x1x16xf32> to vector<16xf32>
        %sub3A_774 = arith.constant 1.000000e+00 : f32
        %sub3A_775 = vector.broadcast %sub3A_774 : f32 to vector<16xf32>
        %sub3A_776 = arith.subf %sub3A_775, %get3A_773 : vector<16xf32>
        %get3A_777 = arith.constant 0 : i32
        %get3A_778 = arith.constant 1 : i32
        %get3A_779 = arith.index_cast %get3A_777 : i32 to index
        %get3A_780 = arith.index_cast %get3A_778 : i32 to index
        %get3A_781 = arith.index_cast %mul3A_766 : i32 to index
        %get3A_782 = tpu.vector_load %arg7[%get3A_779, %get3A_780, %get3A_781] {strides = array<i32>} : memref<2x4x4096xf32, #tpu.memory_space<vmem>>, vector<1x1x16xf32>,
        %get3A_783 = vector.shape_cast %get3A_782 : vector<1x1x16xf32> to vector<16xf32>
        %sub3A_784 = arith.constant 1.000000e+00 : f32
        %sub3A_785 = vector.broadcast %sub3A_784 : f32 to vector<16xf32>
        %sub3A_786 = arith.subf %sub3A_785, %get3A_783 : vector<16xf32>
        %mul3A_787 = arith.mulf %sub3A_776, %sub3A_786 : vector<16xf32>
        %get3A_788 = arith.constant 0 : i32
        %get3A_789 = arith.constant 2 : i32
        %get3A_790 = arith.index_cast %get3A_788 : i32 to index
        %get3A_791 = arith.index_cast %get3A_789 : i32 to index
        %get3A_792 = arith.index_cast %mul3A_766 : i32 to index
        %get3A_793 = tpu.vector_load %arg7[%get3A_790, %get3A_791, %get3A_792] {strides = array<i32>} : memref<2x4x4096xf32, #tpu.memory_space<vmem>>, vector<1x1x16xf32>,
        %get3A_794 = vector.shape_cast %get3A_793 : vector<1x1x16xf32> to vector<16xf32>
        %sub3A_795 = arith.constant 1.000000e+00 : f32
        %sub3A_796 = vector.broadcast %sub3A_795 : f32 to vector<16xf32>
        %sub3A_797 = arith.subf %sub3A_796, %get3A_794 : vector<16xf32>
        %mul3A_798 = arith.mulf %mul3A_787, %sub3A_797 : vector<16xf32>
        %get3A_799 = arith.constant 0 : i32
        %get3A_800 = arith.constant 3 : i32
        %get3A_801 = arith.index_cast %get3A_799 : i32 to index
        %get3A_802 = arith.index_cast %get3A_800 : i32 to index
        %get3A_803 = arith.index_cast %mul3A_766 : i32 to index
        %get3A_804 = tpu.vector_load %arg7[%get3A_801, %get3A_802, %get3A_803] {strides = array<i32>} : memref<2x4x4096xf32, #tpu.memory_space<vmem>>, vector<1x1x16xf32>,
        %get3A_805 = vector.shape_cast %get3A_804 : vector<1x1x16xf32> to vector<16xf32>
        %sub3A_806 = arith.constant 1.000000e+00 : f32
        %sub3A_807 = vector.broadcast %sub3A_806 : f32 to vector<16xf32>
        %sub3A_808 = arith.subf %sub3A_807, %get3A_805 : vector<16xf32>
        %mul3A_809 = arith.mulf %mul3A_798, %sub3A_808 : vector<16xf32>
        %get3A_810 = arith.constant 0 : i32
        %get3A_811 = arith.index_cast %get3A_810 : i32 to index
        %get3A_812 = arith.index_cast %mul3A_766 : i32 to index
        %get3A_813 = tpu.vector_load %arg9[%get3A_811, %get3A_812] {strides = array<i32>} : memref<2x4096xf32, #tpu.memory_space<vmem>>, vector<1x16xf32>,
        %get3A_814 = vector.shape_cast %get3A_813 : vector<1x16xf32> to vector<16xf32>
        %sub3A_815 = arith.constant 1.000000e+00 : f32
        %sub3A_816 = vector.broadcast %sub3A_815 : f32 to vector<16xf32>
        %sub3A_817 = arith.subf %sub3A_816, %get3A_814 : vector<16xf32>
        %mul3A_818 = arith.mulf %sub3A_817, %mul3A_809 : vector<16xf32>
        %get3A_819 = arith.constant 0 : i32
        %get3A_820 = arith.constant 0 : i32
        %get3A_821 = arith.index_cast %get3A_819 : i32 to index
        %get3A_822 = arith.index_cast %get3A_820 : i32 to index
        %get3A_823 = arith.index_cast %mul3A_766 : i32 to index
        %get3A_824 = tpu.vector_load %arg8[%get3A_821, %get3A_822, %get3A_823] {strides = array<i32>} : memref<2x8x4096xf32, #tpu.memory_space<vmem>>, vector<1x1x16xf32>,
        %get3A_825 = vector.shape_cast %get3A_824 : vector<1x1x16xf32> to vector<16xf32>
        %mul3A_826 = vector.broadcast %squeeze3A : f32 to vector<16xf32>
        %mul3A_827 = arith.mulf %mul3A_826, %get3A_825 : vector<16xf32>
        %get3A_828 = arith.constant 0 : i32
        %get3A_829 = arith.constant 1 : i32
        %get3A_830 = arith.index_cast %get3A_828 : i32 to index
        %get3A_831 = arith.index_cast %get3A_829 : i32 to index
        %get3A_832 = arith.index_cast %mul3A_766 : i32 to index
        %get3A_833 = tpu.vector_load %arg8[%get3A_830, %get3A_831, %get3A_832] {strides = array<i32>} : memref<2x8x4096xf32, #tpu.memory_space<vmem>>, vector<1x1x16xf32>,
        %get3A_834 = vector.shape_cast %get3A_833 : vector<1x1x16xf32> to vector<16xf32>
        %mul3A_835 = vector.broadcast %squeeze3A_210 : f32 to vector<16xf32>
        %mul3A_836 = arith.mulf %mul3A_835, %get3A_834 : vector<16xf32>
        %add3A_837 = arith.addf %mul3A_827, %mul3A_836 : vector<16xf32>
        %get3A_838 = arith.constant 0 : i32
        %get3A_839 = arith.constant 2 : i32
        %get3A_840 = arith.index_cast %get3A_838 : i32 to index
        %get3A_841 = arith.index_cast %get3A_839 : i32 to index
        %get3A_842 = arith.index_cast %mul3A_766 : i32 to index
        %get3A_843 = tpu.vector_load %arg8[%get3A_840, %get3A_841, %get3A_842] {strides = array<i32>} : memref<2x8x4096xf32, #tpu.memory_space<vmem>>, vector<1x1x16xf32>,
        %get3A_844 = vector.shape_cast %get3A_843 : vector<1x1x16xf32> to vector<16xf32>
        %mul3A_845 = vector.broadcast %squeeze3A_212 : f32 to vector<16xf32>
        %mul3A_846 = arith.mulf %mul3A_845, %get3A_844 : vector<16xf32>
        %add3A_847 = arith.addf %add3A_837, %mul3A_846 : vector<16xf32>
        %get3A_848 = arith.constant 0 : i32
        %get3A_849 = arith.constant 3 : i32
        %get3A_850 = arith.index_cast %get3A_848 : i32 to index
        %get3A_851 = arith.index_cast %get3A_849 : i32 to index
        %get3A_852 = arith.index_cast %mul3A_766 : i32 to index
        %get3A_853 = tpu.vector_load %arg8[%get3A_850, %get3A_851, %get3A_852] {strides = array<i32>} : memref<2x8x4096xf32, #tpu.memory_space<vmem>>, vector<1x1x16xf32>,
        %get3A_854 = vector.shape_cast %get3A_853 : vector<1x1x16xf32> to vector<16xf32>
        %mul3A_855 = vector.broadcast %squeeze3A_214 : f32 to vector<16xf32>
        %mul3A_856 = arith.mulf %mul3A_855, %get3A_854 : vector<16xf32>
        %add3A_857 = arith.addf %add3A_847, %mul3A_856 : vector<16xf32>
        %get3A_858 = arith.constant 0 : i32
        %get3A_859 = arith.constant 4 : i32
        %get3A_860 = arith.index_cast %get3A_858 : i32 to index
        %get3A_861 = arith.index_cast %get3A_859 : i32 to index
        %get3A_862 = arith.index_cast %mul3A_766 : i32 to index
        %get3A_863 = tpu.vector_load %arg8[%get3A_860, %get3A_861, %get3A_862] {strides = array<i32>} : memref<2x8x4096xf32, #tpu.memory_space<vmem>>, vector<1x1x16xf32>,
        %get3A_864 = vector.shape_cast %get3A_863 : vector<1x1x16xf32> to vector<16xf32>
        %mul3A_865 = vector.broadcast %squeeze3A_216 : f32 to vector<16xf32>
        %mul3A_866 = arith.mulf %mul3A_865, %get3A_864 : vector<16xf32>
        %add3A_867 = arith.addf %add3A_857, %mul3A_866 : vector<16xf32>
        %get3A_868 = arith.constant 0 : i32
        %get3A_869 = arith.constant 5 : i32
        %get3A_870 = arith.index_cast %get3A_868 : i32 to index
        %get3A_871 = arith.index_cast %get3A_869 : i32 to index
        %get3A_872 = arith.index_cast %mul3A_766 : i32 to index
        %get3A_873 = tpu.vector_load %arg8[%get3A_870, %get3A_871, %get3A_872] {strides = array<i32>} : memref<2x8x4096xf32, #tpu.memory_space<vmem>>, vector<1x1x16xf32>,
        %get3A_874 = vector.shape_cast %get3A_873 : vector<1x1x16xf32> to vector<16xf32>
        %mul3A_875 = vector.broadcast %squeeze3A_218 : f32 to vector<16xf32>
        %mul3A_876 = arith.mulf %mul3A_875, %get3A_874 : vector<16xf32>
        %add3A_877 = arith.addf %add3A_867, %mul3A_876 : vector<16xf32>
        %get3A_878 = arith.constant 0 : i32
        %get3A_879 = arith.constant 6 : i32
        %get3A_880 = arith.index_cast %get3A_878 : i32 to index
        %get3A_881 = arith.index_cast %get3A_879 : i32 to index
        %get3A_882 = arith.index_cast %mul3A_766 : i32 to index
        %get3A_883 = tpu.vector_load %arg8[%get3A_880, %get3A_881, %get3A_882] {strides = array<i32>} : memref<2x8x4096xf32, #tpu.memory_space<vmem>>, vector<1x1x16xf32>,
        %get3A_884 = vector.shape_cast %get3A_883 : vector<1x1x16xf32> to vector<16xf32>
        %mul3A_885 = vector.broadcast %squeeze3A_220 : f32 to vector<16xf32>
        %mul3A_886 = arith.mulf %mul3A_885, %get3A_884 : vector<16xf32>
        %add3A_887 = arith.addf %add3A_877, %mul3A_886 : vector<16xf32>
        %get3A_888 = arith.constant 0 : i32
        %get3A_889 = arith.constant 7 : i32
        %get3A_890 = arith.index_cast %get3A_888 : i32 to index
        %get3A_891 = arith.index_cast %get3A_889 : i32 to index
        %get3A_892 = arith.index_cast %mul3A_766 : i32 to index
        %get3A_893 = tpu.vector_load %arg8[%get3A_890, %get3A_891, %get3A_892] {strides = array<i32>} : memref<2x8x4096xf32, #tpu.memory_space<vmem>>, vector<1x1x16xf32>,
        %get3A_894 = vector.shape_cast %get3A_893 : vector<1x1x16xf32> to vector<16xf32>
        %mul3A_895 = vector.broadcast %squeeze3A_222 : f32 to vector<16xf32>
        %mul3A_896 = arith.mulf %mul3A_895, %get3A_894 : vector<16xf32>
        %add3A_897 = arith.addf %add3A_887, %mul3A_896 : vector<16xf32>
        %sub3A_898 = arith.constant 1.000000e+00 : f32
        %sub3A_899 = vector.broadcast %sub3A_898 : f32 to vector<16xf32>
        %sub3A_900 = arith.subf %sub3A_899, %mul3A_818 : vector<16xf32>
        %sub3A_901 = arith.subf %sub3A_900, %add3A_897 : vector<16xf32>
        %max3A_902 = arith.constant 0.000000e+00 : f32
        %max3A_903 = vector.broadcast %max3A_902 : f32 to vector<16xf32>
        %max3A_904 = arith.maximumf %sub3A_901, %max3A_903 : vector<16xf32>
        %min3A_905 = arith.constant 1.000000e+00 : f32
        %min3A_906 = vector.broadcast %min3A_905 : f32 to vector<16xf32>
        %min3A_907 = arith.minimumf %max3A_904, %min3A_906 : vector<16xf32>
        %swap3A_908 = arith.constant 0 : i32
        %swap3A_909 = arith.index_cast %swap3A_908 : i32 to index
        %swap3A_910 = arith.index_cast %mul3A_766 : i32 to index
        %swap3A_911 = tpu.vector_load %arg10[%swap3A_909, %swap3A_910] {strides = array<i32>} : memref<2x4096xf32, #tpu.memory_space<vmem>>, vector<1x16xf32>,
        %swap3A_912 = vector.shape_cast %swap3A_911 : vector<1x16xf32> to vector<16xf32>
        %swap3A_913 = vector.shape_cast %min3A_907 : vector<16xf32> to vector<1x16xf32>
        tpu.vector_store %arg10[%swap3A_909, %swap3A_910], %swap3A_913 {strides = array<i32>} : memref<2x4096xf32, #tpu.memory_space<vmem>>, vector<1x16xf32>,
        %mul3A_914 = arith.constant 8 : i32
        %mul3A_915 = arith.muli %scan3A_457, %mul3A_914 : i32
        %add3A_916 = arith.constant 3 : i32
        %add3A_917 = arith.addi %mul3A_915, %add3A_916 : i32
        %mul3A_918 = arith.constant 16 : i32
        %mul3A_919 = arith.muli %add3A_917, %mul3A_918 : i32
        %get3A_920 = arith.constant 0 : i32
        %get3A_921 = arith.constant 0 : i32
        %get3A_922 = arith.index_cast %get3A_920 : i32 to index
        %get3A_923 = arith.index_cast %get3A_921 : i32 to index
        %get3A_924 = arith.index_cast %mul3A_919 : i32 to index
        %get3A_925 = tpu.vector_load %arg7[%get3A_922, %get3A_923, %get3A_924] {strides = array<i32>} : memref<2x4x4096xf32, #tpu.memory_space<vmem>>, vector<1x1x16xf32>,
        %get3A_926 = vector.shape_cast %get3A_925 : vector<1x1x16xf32> to vector<16xf32>
        %sub3A_927 = arith.constant 1.000000e+00 : f32
        %sub3A_928 = vector.broadcast %sub3A_927 : f32 to vector<16xf32>
        %sub3A_929 = arith.subf %sub3A_928, %get3A_926 : vector<16xf32>
        %get3A_930 = arith.constant 0 : i32
        %get3A_931 = arith.constant 1 : i32
        %get3A_932 = arith.index_cast %get3A_930 : i32 to index
        %get3A_933 = arith.index_cast %get3A_931 : i32 to index
        %get3A_934 = arith.index_cast %mul3A_919 : i32 to index
        %get3A_935 = tpu.vector_load %arg7[%get3A_932, %get3A_933, %get3A_934] {strides = array<i32>} : memref<2x4x4096xf32, #tpu.memory_space<vmem>>, vector<1x1x16xf32>,
        %get3A_936 = vector.shape_cast %get3A_935 : vector<1x1x16xf32> to vector<16xf32>
        %sub3A_937 = arith.constant 1.000000e+00 : f32
        %sub3A_938 = vector.broadcast %sub3A_937 : f32 to vector<16xf32>
        %sub3A_939 = arith.subf %sub3A_938, %get3A_936 : vector<16xf32>
        %mul3A_940 = arith.mulf %sub3A_929, %sub3A_939 : vector<16xf32>
        %get3A_941 = arith.constant 0 : i32
        %get3A_942 = arith.constant 2 : i32
        %get3A_943 = arith.index_cast %get3A_941 : i32 to index
        %get3A_944 = arith.index_cast %get3A_942 : i32 to index
        %get3A_945 = arith.index_cast %mul3A_919 : i32 to index
        %get3A_946 = tpu.vector_load %arg7[%get3A_943, %get3A_944, %get3A_945] {strides = array<i32>} : memref<2x4x4096xf32, #tpu.memory_space<vmem>>, vector<1x1x16xf32>,
        %get3A_947 = vector.shape_cast %get3A_946 : vector<1x1x16xf32> to vector<16xf32>
        %sub3A_948 = arith.constant 1.000000e+00 : f32
        %sub3A_949 = vector.broadcast %sub3A_948 : f32 to vector<16xf32>
        %sub3A_950 = arith.subf %sub3A_949, %get3A_947 : vector<16xf32>
        %mul3A_951 = arith.mulf %mul3A_940, %sub3A_950 : vector<16xf32>
        %get3A_952 = arith.constant 0 : i32
        %get3A_953 = arith.constant 3 : i32
        %get3A_954 = arith.index_cast %get3A_952 : i32 to index
        %get3A_955 = arith.index_cast %get3A_953 : i32 to index
        %get3A_956 = arith.index_cast %mul3A_919 : i32 to index
        %get3A_957 = tpu.vector_load %arg7[%get3A_954, %get3A_955, %get3A_956] {strides = array<i32>} : memref<2x4x4096xf32, #tpu.memory_space<vmem>>, vector<1x1x16xf32>,
        %get3A_958 = vector.shape_cast %get3A_957 : vector<1x1x16xf32> to vector<16xf32>
        %sub3A_959 = arith.constant 1.000000e+00 : f32
        %sub3A_960 = vector.broadcast %sub3A_959 : f32 to vector<16xf32>
        %sub3A_961 = arith.subf %sub3A_960, %get3A_958 : vector<16xf32>
        %mul3A_962 = arith.mulf %mul3A_951, %sub3A_961 : vector<16xf32>
        %get3A_963 = arith.constant 0 : i32
        %get3A_964 = arith.index_cast %get3A_963 : i32 to index
        %get3A_965 = arith.index_cast %mul3A_919 : i32 to index
        %get3A_966 = tpu.vector_load %arg9[%get3A_964, %get3A_965] {strides = array<i32>} : memref<2x4096xf32, #tpu.memory_space<vmem>>, vector<1x16xf32>,
        %get3A_967 = vector.shape_cast %get3A_966 : vector<1x16xf32> to vector<16xf32>
        %sub3A_968 = arith.constant 1.000000e+00 : f32
        %sub3A_969 = vector.broadcast %sub3A_968 : f32 to vector<16xf32>
        %sub3A_970 = arith.subf %sub3A_969, %get3A_967 : vector<16xf32>
        %mul3A_971 = arith.mulf %sub3A_970, %mul3A_962 : vector<16xf32>
        %get3A_972 = arith.constant 0 : i32
        %get3A_973 = arith.constant 0 : i32
        %get3A_974 = arith.index_cast %get3A_972 : i32 to index
        %get3A_975 = arith.index_cast %get3A_973 : i32 to index
        %get3A_976 = arith.index_cast %mul3A_919 : i32 to index
        %get3A_977 = tpu.vector_load %arg8[%get3A_974, %get3A_975, %get3A_976] {strides = array<i32>} : memref<2x8x4096xf32, #tpu.memory_space<vmem>>, vector<1x1x16xf32>,
        %get3A_978 = vector.shape_cast %get3A_977 : vector<1x1x16xf32> to vector<16xf32>
        %mul3A_979 = vector.broadcast %squeeze3A : f32 to vector<16xf32>
        %mul3A_980 = arith.mulf %mul3A_979, %get3A_978 : vector<16xf32>
        %get3A_981 = arith.constant 0 : i32
        %get3A_982 = arith.constant 1 : i32
        %get3A_983 = arith.index_cast %get3A_981 : i32 to index
        %get3A_984 = arith.index_cast %get3A_982 : i32 to index
        %get3A_985 = arith.index_cast %mul3A_919 : i32 to index
        %get3A_986 = tpu.vector_load %arg8[%get3A_983, %get3A_984, %get3A_985] {strides = array<i32>} : memref<2x8x4096xf32, #tpu.memory_space<vmem>>, vector<1x1x16xf32>,
        %get3A_987 = vector.shape_cast %get3A_986 : vector<1x1x16xf32> to vector<16xf32>
        %mul3A_988 = vector.broadcast %squeeze3A_210 : f32 to vector<16xf32>
        %mul3A_989 = arith.mulf %mul3A_988, %get3A_987 : vector<16xf32>
        %add3A_990 = arith.addf %mul3A_980, %mul3A_989 : vector<16xf32>
        %get3A_991 = arith.constant 0 : i32
        %get3A_992 = arith.constant 2 : i32
        %get3A_993 = arith.index_cast %get3A_991 : i32 to index
        %get3A_994 = arith.index_cast %get3A_992 : i32 to index
        %get3A_995 = arith.index_cast %mul3A_919 : i32 to index
        %get3A_996 = tpu.vector_load %arg8[%get3A_993, %get3A_994, %get3A_995] {strides = array<i32>} : memref<2x8x4096xf32, #tpu.memory_space<vmem>>, vector<1x1x16xf32>,
        %get3A_997 = vector.shape_cast %get3A_996 : vector<1x1x16xf32> to vector<16xf32>
        %mul3A_998 = vector.broadcast %squeeze3A_212 : f32 to vector<16xf32>
        %mul3A_999 = arith.mulf %mul3A_998, %get3A_997 : vector<16xf32>
        %add3A_1000 = arith.addf %add3A_990, %mul3A_999 : vector<16xf32>
        %get3A_1001 = arith.constant 0 : i32
        %get3A_1002 = arith.constant 3 : i32
        %get3A_1003 = arith.index_cast %get3A_1001 : i32 to index
        %get3A_1004 = arith.index_cast %get3A_1002 : i32 to index
        %get3A_1005 = arith.index_cast %mul3A_919 : i32 to index
        %get3A_1006 = tpu.vector_load %arg8[%get3A_1003, %get3A_1004, %get3A_1005] {strides = array<i32>} : memref<2x8x4096xf32, #tpu.memory_space<vmem>>, vector<1x1x16xf32>,
        %get3A_1007 = vector.shape_cast %get3A_1006 : vector<1x1x16xf32> to vector<16xf32>
        %mul3A_1008 = vector.broadcast %squeeze3A_214 : f32 to vector<16xf32>
        %mul3A_1009 = arith.mulf %mul3A_1008, %get3A_1007 : vector<16xf32>
        %add3A_1010 = arith.addf %add3A_1000, %mul3A_1009 : vector<16xf32>
        %get3A_1011 = arith.constant 0 : i32
        %get3A_1012 = arith.constant 4 : i32
        %get3A_1013 = arith.index_cast %get3A_1011 : i32 to index
        %get3A_1014 = arith.index_cast %get3A_1012 : i32 to index
        %get3A_1015 = arith.index_cast %mul3A_919 : i32 to index
        %get3A_1016 = tpu.vector_load %arg8[%get3A_1013, %get3A_1014, %get3A_1015] {strides = array<i32>} : memref<2x8x4096xf32, #tpu.memory_space<vmem>>, vector<1x1x16xf32>,
        %get3A_1017 = vector.shape_cast %get3A_1016 : vector<1x1x16xf32> to vector<16xf32>
        %mul3A_1018 = vector.broadcast %squeeze3A_216 : f32 to vector<16xf32>
        %mul3A_1019 = arith.mulf %mul3A_1018, %get3A_1017 : vector<16xf32>
        %add3A_1020 = arith.addf %add3A_1010, %mul3A_1019 : vector<16xf32>
        %get3A_1021 = arith.constant 0 : i32
        %get3A_1022 = arith.constant 5 : i32
        %get3A_1023 = arith.index_cast %get3A_1021 : i32 to index
        %get3A_1024 = arith.index_cast %get3A_1022 : i32 to index
        %get3A_1025 = arith.index_cast %mul3A_919 : i32 to index
        %get3A_1026 = tpu.vector_load %arg8[%get3A_1023, %get3A_1024, %get3A_1025] {strides = array<i32>} : memref<2x8x4096xf32, #tpu.memory_space<vmem>>, vector<1x1x16xf32>,
        %get3A_1027 = vector.shape_cast %get3A_1026 : vector<1x1x16xf32> to vector<16xf32>
        %mul3A_1028 = vector.broadcast %squeeze3A_218 : f32 to vector<16xf32>
        %mul3A_1029 = arith.mulf %mul3A_1028, %get3A_1027 : vector<16xf32>
        %add3A_1030 = arith.addf %add3A_1020, %mul3A_1029 : vector<16xf32>
        %get3A_1031 = arith.constant 0 : i32
        %get3A_1032 = arith.constant 6 : i32
        %get3A_1033 = arith.index_cast %get3A_1031 : i32 to index
        %get3A_1034 = arith.index_cast %get3A_1032 : i32 to index
        %get3A_1035 = arith.index_cast %mul3A_919 : i32 to index
        %get3A_1036 = tpu.vector_load %arg8[%get3A_1033, %get3A_1034, %get3A_1035] {strides = array<i32>} : memref<2x8x4096xf32, #tpu.memory_space<vmem>>, vector<1x1x16xf32>,
        %get3A_1037 = vector.shape_cast %get3A_1036 : vector<1x1x16xf32> to vector<16xf32>
        %mul3A_1038 = vector.broadcast %squeeze3A_220 : f32 to vector<16xf32>
        %mul3A_1039 = arith.mulf %mul3A_1038, %get3A_1037 : vector<16xf32>
        %add3A_1040 = arith.addf %add3A_1030, %mul3A_1039 : vector<16xf32>
        %get3A_1041 = arith.constant 0 : i32
        %get3A_1042 = arith.constant 7 : i32
        %get3A_1043 = arith.index_cast %get3A_1041 : i32 to index
        %get3A_1044 = arith.index_cast %get3A_1042 : i32 to index
        %get3A_1045 = arith.index_cast %mul3A_919 : i32 to index
        %get3A_1046 = tpu.vector_load %arg8[%get3A_1043, %get3A_1044, %get3A_1045] {strides = array<i32>} : memref<2x8x4096xf32, #tpu.memory_space<vmem>>, vector<1x1x16xf32>,
        %get3A_1047 = vector.shape_cast %get3A_1046 : vector<1x1x16xf32> to vector<16xf32>
        %mul3A_1048 = vector.broadcast %squeeze3A_222 : f32 to vector<16xf32>
        %mul3A_1049 = arith.mulf %mul3A_1048, %get3A_1047 : vector<16xf32>
        %add3A_1050 = arith.addf %add3A_1040, %mul3A_1049 : vector<16xf32>
        %sub3A_1051 = arith.constant 1.000000e+00 : f32
        %sub3A_1052 = vector.broadcast %sub3A_1051 : f32 to vector<16xf32>
        %sub3A_1053 = arith.subf %sub3A_1052, %mul3A_971 : vector<16xf32>
        %sub3A_1054 = arith.subf %sub3A_1053, %add3A_1050 : vector<16xf32>
        %max3A_1055 = arith.constant 0.000000e+00 : f32
        %max3A_1056 = vector.broadcast %max3A_1055 : f32 to vector<16xf32>
        %max3A_1057 = arith.maximumf %sub3A_1054, %max3A_1056 : vector<16xf32>
        %min3A_1058 = arith.constant 1.000000e+00 : f32
        %min3A_1059 = vector.broadcast %min3A_1058 : f32 to vector<16xf32>
        %min3A_1060 = arith.minimumf %max3A_1057, %min3A_1059 : vector<16xf32>
        %swap3A_1061 = arith.constant 0 : i32
        %swap3A_1062 = arith.index_cast %swap3A_1061 : i32 to index
        %swap3A_1063 = arith.index_cast %mul3A_919 : i32 to index
        %swap3A_1064 = tpu.vector_load %arg10[%swap3A_1062, %swap3A_1063] {strides = array<i32>} : memref<2x4096xf32, #tpu.memory_space<vmem>>, vector<1x16xf32>,
        %swap3A_1065 = vector.shape_cast %swap3A_1064 : vector<1x16xf32> to vector<16xf32>
        %swap3A_1066 = vector.shape_cast %min3A_1060 : vector<16xf32> to vector<1x16xf32>
        tpu.vector_store %arg10[%swap3A_1062, %swap3A_1063], %swap3A_1066 {strides = array<i32>} : memref<2x4096xf32, #tpu.memory_space<vmem>>, vector<1x16xf32>,
        %mul3A_1067 = arith.constant 8 : i32
        %mul3A_1068 = arith.muli %scan3A_457, %mul3A_1067 : i32
        %add3A_1069 = arith.constant 4 : i32
        %add3A_1070 = arith.addi %mul3A_1068, %add3A_1069 : i32
        %mul3A_1071 = arith.constant 16 : i32
        %mul3A_1072 = arith.muli %add3A_1070, %mul3A_1071 : i32
        %get3A_1073 = arith.constant 0 : i32
        %get3A_1074 = arith.constant 0 : i32
        %get3A_1075 = arith.index_cast %get3A_1073 : i32 to index
        %get3A_1076 = arith.index_cast %get3A_1074 : i32 to index
        %get3A_1077 = arith.index_cast %mul3A_1072 : i32 to index
        %get3A_1078 = tpu.vector_load %arg7[%get3A_1075, %get3A_1076, %get3A_1077] {strides = array<i32>} : memref<2x4x4096xf32, #tpu.memory_space<vmem>>, vector<1x1x16xf32>,
        %get3A_1079 = vector.shape_cast %get3A_1078 : vector<1x1x16xf32> to vector<16xf32>
        %sub3A_1080 = arith.constant 1.000000e+00 : f32
        %sub3A_1081 = vector.broadcast %sub3A_1080 : f32 to vector<16xf32>
        %sub3A_1082 = arith.subf %sub3A_1081, %get3A_1079 : vector<16xf32>
        %get3A_1083 = arith.constant 0 : i32
        %get3A_1084 = arith.constant 1 : i32
        %get3A_1085 = arith.index_cast %get3A_1083 : i32 to index
        %get3A_1086 = arith.index_cast %get3A_1084 : i32 to index
        %get3A_1087 = arith.index_cast %mul3A_1072 : i32 to index
        %get3A_1088 = tpu.vector_load %arg7[%get3A_1085, %get3A_1086, %get3A_1087] {strides = array<i32>} : memref<2x4x4096xf32, #tpu.memory_space<vmem>>, vector<1x1x16xf32>,
        %get3A_1089 = vector.shape_cast %get3A_1088 : vector<1x1x16xf32> to vector<16xf32>
        %sub3A_1090 = arith.constant 1.000000e+00 : f32
        %sub3A_1091 = vector.broadcast %sub3A_1090 : f32 to vector<16xf32>
        %sub3A_1092 = arith.subf %sub3A_1091, %get3A_1089 : vector<16xf32>
        %mul3A_1093 = arith.mulf %sub3A_1082, %sub3A_1092 : vector<16xf32>
        %get3A_1094 = arith.constant 0 : i32
        %get3A_1095 = arith.constant 2 : i32
        %get3A_1096 = arith.index_cast %get3A_1094 : i32 to index
        %get3A_1097 = arith.index_cast %get3A_1095 : i32 to index
        %get3A_1098 = arith.index_cast %mul3A_1072 : i32 to index
        %get3A_1099 = tpu.vector_load %arg7[%get3A_1096, %get3A_1097, %get3A_1098] {strides = array<i32>} : memref<2x4x4096xf32, #tpu.memory_space<vmem>>, vector<1x1x16xf32>,
        %get3A_1100 = vector.shape_cast %get3A_1099 : vector<1x1x16xf32> to vector<16xf32>
        %sub3A_1101 = arith.constant 1.000000e+00 : f32
        %sub3A_1102 = vector.broadcast %sub3A_1101 : f32 to vector<16xf32>
        %sub3A_1103 = arith.subf %sub3A_1102, %get3A_1100 : vector<16xf32>
        %mul3A_1104 = arith.mulf %mul3A_1093, %sub3A_1103 : vector<16xf32>
        %get3A_1105 = arith.constant 0 : i32
        %get3A_1106 = arith.constant 3 : i32
        %get3A_1107 = arith.index_cast %get3A_1105 : i32 to index
        %get3A_1108 = arith.index_cast %get3A_1106 : i32 to index
        %get3A_1109 = arith.index_cast %mul3A_1072 : i32 to index
        %get3A_1110 = tpu.vector_load %arg7[%get3A_1107, %get3A_1108, %get3A_1109] {strides = array<i32>} : memref<2x4x4096xf32, #tpu.memory_space<vmem>>, vector<1x1x16xf32>,
        %get3A_1111 = vector.shape_cast %get3A_1110 : vector<1x1x16xf32> to vector<16xf32>
        %sub3A_1112 = arith.constant 1.000000e+00 : f32
        %sub3A_1113 = vector.broadcast %sub3A_1112 : f32 to vector<16xf32>
        %sub3A_1114 = arith.subf %sub3A_1113, %get3A_1111 : vector<16xf32>
        %mul3A_1115 = arith.mulf %mul3A_1104, %sub3A_1114 : vector<16xf32>
        %get3A_1116 = arith.constant 0 : i32
        %get3A_1117 = arith.index_cast %get3A_1116 : i32 to index
        %get3A_1118 = arith.index_cast %mul3A_1072 : i32 to index
        %get3A_1119 = tpu.vector_load %arg9[%get3A_1117, %get3A_1118] {strides = array<i32>} : memref<2x4096xf32, #tpu.memory_space<vmem>>, vector<1x16xf32>,
        %get3A_1120 = vector.shape_cast %get3A_1119 : vector<1x16xf32> to vector<16xf32>
        %sub3A_1121 = arith.constant 1.000000e+00 : f32
        %sub3A_1122 = vector.broadcast %sub3A_1121 : f32 to vector<16xf32>
        %sub3A_1123 = arith.subf %sub3A_1122, %get3A_1120 : vector<16xf32>
        %mul3A_1124 = arith.mulf %sub3A_1123, %mul3A_1115 : vector<16xf32>
        %get3A_1125 = arith.constant 0 : i32
        %get3A_1126 = arith.constant 0 : i32
        %get3A_1127 = arith.index_cast %get3A_1125 : i32 to index
        %get3A_1128 = arith.index_cast %get3A_1126 : i32 to index
        %get3A_1129 = arith.index_cast %mul3A_1072 : i32 to index
        %get3A_1130 = tpu.vector_load %arg8[%get3A_1127, %get3A_1128, %get3A_1129] {strides = array<i32>} : memref<2x8x4096xf32, #tpu.memory_space<vmem>>, vector<1x1x16xf32>,
        %get3A_1131 = vector.shape_cast %get3A_1130 : vector<1x1x16xf32> to vector<16xf32>
        %mul3A_1132 = vector.broadcast %squeeze3A : f32 to vector<16xf32>
        %mul3A_1133 = arith.mulf %mul3A_1132, %get3A_1131 : vector<16xf32>
        %get3A_1134 = arith.constant 0 : i32
        %get3A_1135 = arith.constant 1 : i32
        %get3A_1136 = arith.index_cast %get3A_1134 : i32 to index
        %get3A_1137 = arith.index_cast %get3A_1135 : i32 to index
        %get3A_1138 = arith.index_cast %mul3A_1072 : i32 to index
        %get3A_1139 = tpu.vector_load %arg8[%get3A_1136, %get3A_1137, %get3A_1138] {strides = array<i32>} : memref<2x8x4096xf32, #tpu.memory_space<vmem>>, vector<1x1x16xf32>,
        %get3A_1140 = vector.shape_cast %get3A_1139 : vector<1x1x16xf32> to vector<16xf32>
        %mul3A_1141 = vector.broadcast %squeeze3A_210 : f32 to vector<16xf32>
        %mul3A_1142 = arith.mulf %mul3A_1141, %get3A_1140 : vector<16xf32>
        %add3A_1143 = arith.addf %mul3A_1133, %mul3A_1142 : vector<16xf32>
        %get3A_1144 = arith.constant 0 : i32
        %get3A_1145 = arith.constant 2 : i32
        %get3A_1146 = arith.index_cast %get3A_1144 : i32 to index
        %get3A_1147 = arith.index_cast %get3A_1145 : i32 to index
        %get3A_1148 = arith.index_cast %mul3A_1072 : i32 to index
        %get3A_1149 = tpu.vector_load %arg8[%get3A_1146, %get3A_1147, %get3A_1148] {strides = array<i32>} : memref<2x8x4096xf32, #tpu.memory_space<vmem>>, vector<1x1x16xf32>,
        %get3A_1150 = vector.shape_cast %get3A_1149 : vector<1x1x16xf32> to vector<16xf32>
        %mul3A_1151 = vector.broadcast %squeeze3A_212 : f32 to vector<16xf32>
        %mul3A_1152 = arith.mulf %mul3A_1151, %get3A_1150 : vector<16xf32>
        %add3A_1153 = arith.addf %add3A_1143, %mul3A_1152 : vector<16xf32>
        %get3A_1154 = arith.constant 0 : i32
        %get3A_1155 = arith.constant 3 : i32
        %get3A_1156 = arith.index_cast %get3A_1154 : i32 to index
        %get3A_1157 = arith.index_cast %get3A_1155 : i32 to index
        %get3A_1158 = arith.index_cast %mul3A_1072 : i32 to index
        %get3A_1159 = tpu.vector_load %arg8[%get3A_1156, %get3A_1157, %get3A_1158] {strides = array<i32>} : memref<2x8x4096xf32, #tpu.memory_space<vmem>>, vector<1x1x16xf32>,
        %get3A_1160 = vector.shape_cast %get3A_1159 : vector<1x1x16xf32> to vector<16xf32>
        %mul3A_1161 = vector.broadcast %squeeze3A_214 : f32 to vector<16xf32>
        %mul3A_1162 = arith.mulf %mul3A_1161, %get3A_1160 : vector<16xf32>
        %add3A_1163 = arith.addf %add3A_1153, %mul3A_1162 : vector<16xf32>
        %get3A_1164 = arith.constant 0 : i32
        %get3A_1165 = arith.constant 4 : i32
        %get3A_1166 = arith.index_cast %get3A_1164 : i32 to index
        %get3A_1167 = arith.index_cast %get3A_1165 : i32 to index
        %get3A_1168 = arith.index_cast %mul3A_1072 : i32 to index
        %get3A_1169 = tpu.vector_load %arg8[%get3A_1166, %get3A_1167, %get3A_1168] {strides = array<i32>} : memref<2x8x4096xf32, #tpu.memory_space<vmem>>, vector<1x1x16xf32>,
        %get3A_1170 = vector.shape_cast %get3A_1169 : vector<1x1x16xf32> to vector<16xf32>
        %mul3A_1171 = vector.broadcast %squeeze3A_216 : f32 to vector<16xf32>
        %mul3A_1172 = arith.mulf %mul3A_1171, %get3A_1170 : vector<16xf32>
        %add3A_1173 = arith.addf %add3A_1163, %mul3A_1172 : vector<16xf32>
        %get3A_1174 = arith.constant 0 : i32
        %get3A_1175 = arith.constant 5 : i32
        %get3A_1176 = arith.index_cast %get3A_1174 : i32 to index
        %get3A_1177 = arith.index_cast %get3A_1175 : i32 to index
        %get3A_1178 = arith.index_cast %mul3A_1072 : i32 to index
        %get3A_1179 = tpu.vector_load %arg8[%get3A_1176, %get3A_1177, %get3A_1178] {strides = array<i32>} : memref<2x8x4096xf32, #tpu.memory_space<vmem>>, vector<1x1x16xf32>,
        %get3A_1180 = vector.shape_cast %get3A_1179 : vector<1x1x16xf32> to vector<16xf32>
        %mul3A_1181 = vector.broadcast %squeeze3A_218 : f32 to vector<16xf32>
        %mul3A_1182 = arith.mulf %mul3A_1181, %get3A_1180 : vector<16xf32>
        %add3A_1183 = arith.addf %add3A_1173, %mul3A_1182 : vector<16xf32>
        %get3A_1184 = arith.constant 0 : i32
        %get3A_1185 = arith.constant 6 : i32
        %get3A_1186 = arith.index_cast %get3A_1184 : i32 to index
        %get3A_1187 = arith.index_cast %get3A_1185 : i32 to index
        %get3A_1188 = arith.index_cast %mul3A_1072 : i32 to index
        %get3A_1189 = tpu.vector_load %arg8[%get3A_1186, %get3A_1187, %get3A_1188] {strides = array<i32>} : memref<2x8x4096xf32, #tpu.memory_space<vmem>>, vector<1x1x16xf32>,
        %get3A_1190 = vector.shape_cast %get3A_1189 : vector<1x1x16xf32> to vector<16xf32>
        %mul3A_1191 = vector.broadcast %squeeze3A_220 : f32 to vector<16xf32>
        %mul3A_1192 = arith.mulf %mul3A_1191, %get3A_1190 : vector<16xf32>
        %add3A_1193 = arith.addf %add3A_1183, %mul3A_1192 : vector<16xf32>
        %get3A_1194 = arith.constant 0 : i32
        %get3A_1195 = arith.constant 7 : i32
        %get3A_1196 = arith.index_cast %get3A_1194 : i32 to index
        %get3A_1197 = arith.index_cast %get3A_1195 : i32 to index
        %get3A_1198 = arith.index_cast %mul3A_1072 : i32 to index
        %get3A_1199 = tpu.vector_load %arg8[%get3A_1196, %get3A_1197, %get3A_1198] {strides = array<i32>} : memref<2x8x4096xf32, #tpu.memory_space<vmem>>, vector<1x1x16xf32>,
        %get3A_1200 = vector.shape_cast %get3A_1199 : vector<1x1x16xf32> to vector<16xf32>
        %mul3A_1201 = vector.broadcast %squeeze3A_222 : f32 to vector<16xf32>
        %mul3A_1202 = arith.mulf %mul3A_1201, %get3A_1200 : vector<16xf32>
        %add3A_1203 = arith.addf %add3A_1193, %mul3A_1202 : vector<16xf32>
        %sub3A_1204 = arith.constant 1.000000e+00 : f32
        %sub3A_1205 = vector.broadcast %sub3A_1204 : f32 to vector<16xf32>
        %sub3A_1206 = arith.subf %sub3A_1205, %mul3A_1124 : vector<16xf32>
        %sub3A_1207 = arith.subf %sub3A_1206, %add3A_1203 : vector<16xf32>
        %max3A_1208 = arith.constant 0.000000e+00 : f32
        %max3A_1209 = vector.broadcast %max3A_1208 : f32 to vector<16xf32>
        %max3A_1210 = arith.maximumf %sub3A_1207, %max3A_1209 : vector<16xf32>
        %min3A_1211 = arith.constant 1.000000e+00 : f32
        %min3A_1212 = vector.broadcast %min3A_1211 : f32 to vector<16xf32>
        %min3A_1213 = arith.minimumf %max3A_1210, %min3A_1212 : vector<16xf32>
        %swap3A_1214 = arith.constant 0 : i32
        %swap3A_1215 = arith.index_cast %swap3A_1214 : i32 to index
        %swap3A_1216 = arith.index_cast %mul3A_1072 : i32 to index
        %swap3A_1217 = tpu.vector_load %arg10[%swap3A_1215, %swap3A_1216] {strides = array<i32>} : memref<2x4096xf32, #tpu.memory_space<vmem>>, vector<1x16xf32>,
        %swap3A_1218 = vector.shape_cast %swap3A_1217 : vector<1x16xf32> to vector<16xf32>
        %swap3A_1219 = vector.shape_cast %min3A_1213 : vector<16xf32> to vector<1x16xf32>
        tpu.vector_store %arg10[%swap3A_1215, %swap3A_1216], %swap3A_1219 {strides = array<i32>} : memref<2x4096xf32, #tpu.memory_space<vmem>>, vector<1x16xf32>,
        %mul3A_1220 = arith.constant 8 : i32
        %mul3A_1221 = arith.muli %scan3A_457, %mul3A_1220 : i32
        %add3A_1222 = arith.constant 5 : i32
        %add3A_1223 = arith.addi %mul3A_1221, %add3A_1222 : i32
        %mul3A_1224 = arith.constant 16 : i32
        %mul3A_1225 = arith.muli %add3A_1223, %mul3A_1224 : i32
        %get3A_1226 = arith.constant 0 : i32
        %get3A_1227 = arith.constant 0 : i32
        %get3A_1228 = arith.index_cast %get3A_1226 : i32 to index
        %get3A_1229 = arith.index_cast %get3A_1227 : i32 to index
        %get3A_1230 = arith.index_cast %mul3A_1225 : i32 to index
        %get3A_1231 = tpu.vector_load %arg7[%get3A_1228, %get3A_1229, %get3A_1230] {strides = array<i32>} : memref<2x4x4096xf32, #tpu.memory_space<vmem>>, vector<1x1x16xf32>,
        %get3A_1232 = vector.shape_cast %get3A_1231 : vector<1x1x16xf32> to vector<16xf32>
        %sub3A_1233 = arith.constant 1.000000e+00 : f32
        %sub3A_1234 = vector.broadcast %sub3A_1233 : f32 to vector<16xf32>
        %sub3A_1235 = arith.subf %sub3A_1234, %get3A_1232 : vector<16xf32>
        %get3A_1236 = arith.constant 0 : i32
        %get3A_1237 = arith.constant 1 : i32
        %get3A_1238 = arith.index_cast %get3A_1236 : i32 to index
        %get3A_1239 = arith.index_cast %get3A_1237 : i32 to index
        %get3A_1240 = arith.index_cast %mul3A_1225 : i32 to index
        %get3A_1241 = tpu.vector_load %arg7[%get3A_1238, %get3A_1239, %get3A_1240] {strides = array<i32>} : memref<2x4x4096xf32, #tpu.memory_space<vmem>>, vector<1x1x16xf32>,
        %get3A_1242 = vector.shape_cast %get3A_1241 : vector<1x1x16xf32> to vector<16xf32>
        %sub3A_1243 = arith.constant 1.000000e+00 : f32
        %sub3A_1244 = vector.broadcast %sub3A_1243 : f32 to vector<16xf32>
        %sub3A_1245 = arith.subf %sub3A_1244, %get3A_1242 : vector<16xf32>
        %mul3A_1246 = arith.mulf %sub3A_1235, %sub3A_1245 : vector<16xf32>
        %get3A_1247 = arith.constant 0 : i32
        %get3A_1248 = arith.constant 2 : i32
        %get3A_1249 = arith.index_cast %get3A_1247 : i32 to index
        %get3A_1250 = arith.index_cast %get3A_1248 : i32 to index
        %get3A_1251 = arith.index_cast %mul3A_1225 : i32 to index
        %get3A_1252 = tpu.vector_load %arg7[%get3A_1249, %get3A_1250, %get3A_1251] {strides = array<i32>} : memref<2x4x4096xf32, #tpu.memory_space<vmem>>, vector<1x1x16xf32>,
        %get3A_1253 = vector.shape_cast %get3A_1252 : vector<1x1x16xf32> to vector<16xf32>
        %sub3A_1254 = arith.constant 1.000000e+00 : f32
        %sub3A_1255 = vector.broadcast %sub3A_1254 : f32 to vector<16xf32>
        %sub3A_1256 = arith.subf %sub3A_1255, %get3A_1253 : vector<16xf32>
        %mul3A_1257 = arith.mulf %mul3A_1246, %sub3A_1256 : vector<16xf32>
        %get3A_1258 = arith.constant 0 : i32
        %get3A_1259 = arith.constant 3 : i32
        %get3A_1260 = arith.index_cast %get3A_1258 : i32 to index
        %get3A_1261 = arith.index_cast %get3A_1259 : i32 to index
        %get3A_1262 = arith.index_cast %mul3A_1225 : i32 to index
        %get3A_1263 = tpu.vector_load %arg7[%get3A_1260, %get3A_1261, %get3A_1262] {strides = array<i32>} : memref<2x4x4096xf32, #tpu.memory_space<vmem>>, vector<1x1x16xf32>,
        %get3A_1264 = vector.shape_cast %get3A_1263 : vector<1x1x16xf32> to vector<16xf32>
        %sub3A_1265 = arith.constant 1.000000e+00 : f32
        %sub3A_1266 = vector.broadcast %sub3A_1265 : f32 to vector<16xf32>
        %sub3A_1267 = arith.subf %sub3A_1266, %get3A_1264 : vector<16xf32>
        %mul3A_1268 = arith.mulf %mul3A_1257, %sub3A_1267 : vector<16xf32>
        %get3A_1269 = arith.constant 0 : i32
        %get3A_1270 = arith.index_cast %get3A_1269 : i32 to index
        %get3A_1271 = arith.index_cast %mul3A_1225 : i32 to index
        %get3A_1272 = tpu.vector_load %arg9[%get3A_1270, %get3A_1271] {strides = array<i32>} : memref<2x4096xf32, #tpu.memory_space<vmem>>, vector<1x16xf32>,
        %get3A_1273 = vector.shape_cast %get3A_1272 : vector<1x16xf32> to vector<16xf32>
        %sub3A_1274 = arith.constant 1.000000e+00 : f32
        %sub3A_1275 = vector.broadcast %sub3A_1274 : f32 to vector<16xf32>
        %sub3A_1276 = arith.subf %sub3A_1275, %get3A_1273 : vector<16xf32>
        %mul3A_1277 = arith.mulf %sub3A_1276, %mul3A_1268 : vector<16xf32>
        %get3A_1278 = arith.constant 0 : i32
        %get3A_1279 = arith.constant 0 : i32
        %get3A_1280 = arith.index_cast %get3A_1278 : i32 to index
        %get3A_1281 = arith.index_cast %get3A_1279 : i32 to index
        %get3A_1282 = arith.index_cast %mul3A_1225 : i32 to index
        %get3A_1283 = tpu.vector_load %arg8[%get3A_1280, %get3A_1281, %get3A_1282] {strides = array<i32>} : memref<2x8x4096xf32, #tpu.memory_space<vmem>>, vector<1x1x16xf32>,
        %get3A_1284 = vector.shape_cast %get3A_1283 : vector<1x1x16xf32> to vector<16xf32>
        %mul3A_1285 = vector.broadcast %squeeze3A : f32 to vector<16xf32>
        %mul3A_1286 = arith.mulf %mul3A_1285, %get3A_1284 : vector<16xf32>
        %get3A_1287 = arith.constant 0 : i32
        %get3A_1288 = arith.constant 1 : i32
        %get3A_1289 = arith.index_cast %get3A_1287 : i32 to index
        %get3A_1290 = arith.index_cast %get3A_1288 : i32 to index
        %get3A_1291 = arith.index_cast %mul3A_1225 : i32 to index
        %get3A_1292 = tpu.vector_load %arg8[%get3A_1289, %get3A_1290, %get3A_1291] {strides = array<i32>} : memref<2x8x4096xf32, #tpu.memory_space<vmem>>, vector<1x1x16xf32>,
        %get3A_1293 = vector.shape_cast %get3A_1292 : vector<1x1x16xf32> to vector<16xf32>
        %mul3A_1294 = vector.broadcast %squeeze3A_210 : f32 to vector<16xf32>
        %mul3A_1295 = arith.mulf %mul3A_1294, %get3A_1293 : vector<16xf32>
        %add3A_1296 = arith.addf %mul3A_1286, %mul3A_1295 : vector<16xf32>
        %get3A_1297 = arith.constant 0 : i32
        %get3A_1298 = arith.constant 2 : i32
        %get3A_1299 = arith.index_cast %get3A_1297 : i32 to index
        %get3A_1300 = arith.index_cast %get3A_1298 : i32 to index
        %get3A_1301 = arith.index_cast %mul3A_1225 : i32 to index
        %get3A_1302 = tpu.vector_load %arg8[%get3A_1299, %get3A_1300, %get3A_1301] {strides = array<i32>} : memref<2x8x4096xf32, #tpu.memory_space<vmem>>, vector<1x1x16xf32>,
        %get3A_1303 = vector.shape_cast %get3A_1302 : vector<1x1x16xf32> to vector<16xf32>
        %mul3A_1304 = vector.broadcast %squeeze3A_212 : f32 to vector<16xf32>
        %mul3A_1305 = arith.mulf %mul3A_1304, %get3A_1303 : vector<16xf32>
        %add3A_1306 = arith.addf %add3A_1296, %mul3A_1305 : vector<16xf32>
        %get3A_1307 = arith.constant 0 : i32
        %get3A_1308 = arith.constant 3 : i32
        %get3A_1309 = arith.index_cast %get3A_1307 : i32 to index
        %get3A_1310 = arith.index_cast %get3A_1308 : i32 to index
        %get3A_1311 = arith.index_cast %mul3A_1225 : i32 to index
        %get3A_1312 = tpu.vector_load %arg8[%get3A_1309, %get3A_1310, %get3A_1311] {strides = array<i32>} : memref<2x8x4096xf32, #tpu.memory_space<vmem>>, vector<1x1x16xf32>,
        %get3A_1313 = vector.shape_cast %get3A_1312 : vector<1x1x16xf32> to vector<16xf32>
        %mul3A_1314 = vector.broadcast %squeeze3A_214 : f32 to vector<16xf32>
        %mul3A_1315 = arith.mulf %mul3A_1314, %get3A_1313 : vector<16xf32>
        %add3A_1316 = arith.addf %add3A_1306, %mul3A_1315 : vector<16xf32>
        %get3A_1317 = arith.constant 0 : i32
        %get3A_1318 = arith.constant 4 : i32
        %get3A_1319 = arith.index_cast %get3A_1317 : i32 to index
        %get3A_1320 = arith.index_cast %get3A_1318 : i32 to index
        %get3A_1321 = arith.index_cast %mul3A_1225 : i32 to index
        %get3A_1322 = tpu.vector_load %arg8[%get3A_1319, %get3A_1320, %get3A_1321] {strides = array<i32>} : memref<2x8x4096xf32, #tpu.memory_space<vmem>>, vector<1x1x16xf32>,
        %get3A_1323 = vector.shape_cast %get3A_1322 : vector<1x1x16xf32> to vector<16xf32>
        %mul3A_1324 = vector.broadcast %squeeze3A_216 : f32 to vector<16xf32>
        %mul3A_1325 = arith.mulf %mul3A_1324, %get3A_1323 : vector<16xf32>
        %add3A_1326 = arith.addf %add3A_1316, %mul3A_1325 : vector<16xf32>
        %get3A_1327 = arith.constant 0 : i32
        %get3A_1328 = arith.constant 5 : i32
        %get3A_1329 = arith.index_cast %get3A_1327 : i32 to index
        %get3A_1330 = arith.index_cast %get3A_1328 : i32 to index
        %get3A_1331 = arith.index_cast %mul3A_1225 : i32 to index
        %get3A_1332 = tpu.vector_load %arg8[%get3A_1329, %get3A_1330, %get3A_1331] {strides = array<i32>} : memref<2x8x4096xf32, #tpu.memory_space<vmem>>, vector<1x1x16xf32>,
        %get3A_1333 = vector.shape_cast %get3A_1332 : vector<1x1x16xf32> to vector<16xf32>
        %mul3A_1334 = vector.broadcast %squeeze3A_218 : f32 to vector<16xf32>
        %mul3A_1335 = arith.mulf %mul3A_1334, %get3A_1333 : vector<16xf32>
        %add3A_1336 = arith.addf %add3A_1326, %mul3A_1335 : vector<16xf32>
        %get3A_1337 = arith.constant 0 : i32
        %get3A_1338 = arith.constant 6 : i32
        %get3A_1339 = arith.index_cast %get3A_1337 : i32 to index
        %get3A_1340 = arith.index_cast %get3A_1338 : i32 to index
        %get3A_1341 = arith.index_cast %mul3A_1225 : i32 to index
        %get3A_1342 = tpu.vector_load %arg8[%get3A_1339, %get3A_1340, %get3A_1341] {strides = array<i32>} : memref<2x8x4096xf32, #tpu.memory_space<vmem>>, vector<1x1x16xf32>,
        %get3A_1343 = vector.shape_cast %get3A_1342 : vector<1x1x16xf32> to vector<16xf32>
        %mul3A_1344 = vector.broadcast %squeeze3A_220 : f32 to vector<16xf32>
        %mul3A_1345 = arith.mulf %mul3A_1344, %get3A_1343 : vector<16xf32>
        %add3A_1346 = arith.addf %add3A_1336, %mul3A_1345 : vector<16xf32>
        %get3A_1347 = arith.constant 0 : i32
        %get3A_1348 = arith.constant 7 : i32
        %get3A_1349 = arith.index_cast %get3A_1347 : i32 to index
        %get3A_1350 = arith.index_cast %get3A_1348 : i32 to index
        %get3A_1351 = arith.index_cast %mul3A_1225 : i32 to index
        %get3A_1352 = tpu.vector_load %arg8[%get3A_1349, %get3A_1350, %get3A_1351] {strides = array<i32>} : memref<2x8x4096xf32, #tpu.memory_space<vmem>>, vector<1x1x16xf32>,
        %get3A_1353 = vector.shape_cast %get3A_1352 : vector<1x1x16xf32> to vector<16xf32>
        %mul3A_1354 = vector.broadcast %squeeze3A_222 : f32 to vector<16xf32>
        %mul3A_1355 = arith.mulf %mul3A_1354, %get3A_1353 : vector<16xf32>
        %add3A_1356 = arith.addf %add3A_1346, %mul3A_1355 : vector<16xf32>
        %sub3A_1357 = arith.constant 1.000000e+00 : f32
        %sub3A_1358 = vector.broadcast %sub3A_1357 : f32 to vector<16xf32>
        %sub3A_1359 = arith.subf %sub3A_1358, %mul3A_1277 : vector<16xf32>
        %sub3A_1360 = arith.subf %sub3A_1359, %add3A_1356 : vector<16xf32>
        %max3A_1361 = arith.constant 0.000000e+00 : f32
        %max3A_1362 = vector.broadcast %max3A_1361 : f32 to vector<16xf32>
        %max3A_1363 = arith.maximumf %sub3A_1360, %max3A_1362 : vector<16xf32>
        %min3A_1364 = arith.constant 1.000000e+00 : f32
        %min3A_1365 = vector.broadcast %min3A_1364 : f32 to vector<16xf32>
        %min3A_1366 = arith.minimumf %max3A_1363, %min3A_1365 : vector<16xf32>
        %swap3A_1367 = arith.constant 0 : i32
        %swap3A_1368 = arith.index_cast %swap3A_1367 : i32 to index
        %swap3A_1369 = arith.index_cast %mul3A_1225 : i32 to index
        %swap3A_1370 = tpu.vector_load %arg10[%swap3A_1368, %swap3A_1369] {strides = array<i32>} : memref<2x4096xf32, #tpu.memory_space<vmem>>, vector<1x16xf32>,
        %swap3A_1371 = vector.shape_cast %swap3A_1370 : vector<1x16xf32> to vector<16xf32>
        %swap3A_1372 = vector.shape_cast %min3A_1366 : vector<16xf32> to vector<1x16xf32>
        tpu.vector_store %arg10[%swap3A_1368, %swap3A_1369], %swap3A_1372 {strides = array<i32>} : memref<2x4096xf32, #tpu.memory_space<vmem>>, vector<1x16xf32>,
        %mul3A_1373 = arith.constant 8 : i32
        %mul3A_1374 = arith.muli %scan3A_457, %mul3A_1373 : i32
        %add3A_1375 = arith.constant 6 : i32
        %add3A_1376 = arith.addi %mul3A_1374, %add3A_1375 : i32
        %mul3A_1377 = arith.constant 16 : i32
        %mul3A_1378 = arith.muli %add3A_1376, %mul3A_1377 : i32
        %get3A_1379 = arith.constant 0 : i32
        %get3A_1380 = arith.constant 0 : i32
        %get3A_1381 = arith.index_cast %get3A_1379 : i32 to index
        %get3A_1382 = arith.index_cast %get3A_1380 : i32 to index
        %get3A_1383 = arith.index_cast %mul3A_1378 : i32 to index
        %get3A_1384 = tpu.vector_load %arg7[%get3A_1381, %get3A_1382, %get3A_1383] {strides = array<i32>} : memref<2x4x4096xf32, #tpu.memory_space<vmem>>, vector<1x1x16xf32>,
        %get3A_1385 = vector.shape_cast %get3A_1384 : vector<1x1x16xf32> to vector<16xf32>
        %sub3A_1386 = arith.constant 1.000000e+00 : f32
        %sub3A_1387 = vector.broadcast %sub3A_1386 : f32 to vector<16xf32>
        %sub3A_1388 = arith.subf %sub3A_1387, %get3A_1385 : vector<16xf32>
        %get3A_1389 = arith.constant 0 : i32
        %get3A_1390 = arith.constant 1 : i32
        %get3A_1391 = arith.index_cast %get3A_1389 : i32 to index
        %get3A_1392 = arith.index_cast %get3A_1390 : i32 to index
        %get3A_1393 = arith.index_cast %mul3A_1378 : i32 to index
        %get3A_1394 = tpu.vector_load %arg7[%get3A_1391, %get3A_1392, %get3A_1393] {strides = array<i32>} : memref<2x4x4096xf32, #tpu.memory_space<vmem>>, vector<1x1x16xf32>,
        %get3A_1395 = vector.shape_cast %get3A_1394 : vector<1x1x16xf32> to vector<16xf32>
        %sub3A_1396 = arith.constant 1.000000e+00 : f32
        %sub3A_1397 = vector.broadcast %sub3A_1396 : f32 to vector<16xf32>
        %sub3A_1398 = arith.subf %sub3A_1397, %get3A_1395 : vector<16xf32>
        %mul3A_1399 = arith.mulf %sub3A_1388, %sub3A_1398 : vector<16xf32>
        %get3A_1400 = arith.constant 0 : i32
        %get3A_1401 = arith.constant 2 : i32
        %get3A_1402 = arith.index_cast %get3A_1400 : i32 to index
        %get3A_1403 = arith.index_cast %get3A_1401 : i32 to index
        %get3A_1404 = arith.index_cast %mul3A_1378 : i32 to index
        %get3A_1405 = tpu.vector_load %arg7[%get3A_1402, %get3A_1403, %get3A_1404] {strides = array<i32>} : memref<2x4x4096xf32, #tpu.memory_space<vmem>>, vector<1x1x16xf32>,
        %get3A_1406 = vector.shape_cast %get3A_1405 : vector<1x1x16xf32> to vector<16xf32>
        %sub3A_1407 = arith.constant 1.000000e+00 : f32
        %sub3A_1408 = vector.broadcast %sub3A_1407 : f32 to vector<16xf32>
        %sub3A_1409 = arith.subf %sub3A_1408, %get3A_1406 : vector<16xf32>
        %mul3A_1410 = arith.mulf %mul3A_1399, %sub3A_1409 : vector<16xf32>
        %get3A_1411 = arith.constant 0 : i32
        %get3A_1412 = arith.constant 3 : i32
        %get3A_1413 = arith.index_cast %get3A_1411 : i32 to index
        %get3A_1414 = arith.index_cast %get3A_1412 : i32 to index
        %get3A_1415 = arith.index_cast %mul3A_1378 : i32 to index
        %get3A_1416 = tpu.vector_load %arg7[%get3A_1413, %get3A_1414, %get3A_1415] {strides = array<i32>} : memref<2x4x4096xf32, #tpu.memory_space<vmem>>, vector<1x1x16xf32>,
        %get3A_1417 = vector.shape_cast %get3A_1416 : vector<1x1x16xf32> to vector<16xf32>
        %sub3A_1418 = arith.constant 1.000000e+00 : f32
        %sub3A_1419 = vector.broadcast %sub3A_1418 : f32 to vector<16xf32>
        %sub3A_1420 = arith.subf %sub3A_1419, %get3A_1417 : vector<16xf32>
        %mul3A_1421 = arith.mulf %mul3A_1410, %sub3A_1420 : vector<16xf32>
        %get3A_1422 = arith.constant 0 : i32
        %get3A_1423 = arith.index_cast %get3A_1422 : i32 to index
        %get3A_1424 = arith.index_cast %mul3A_1378 : i32 to index
        %get3A_1425 = tpu.vector_load %arg9[%get3A_1423, %get3A_1424] {strides = array<i32>} : memref<2x4096xf32, #tpu.memory_space<vmem>>, vector<1x16xf32>,
        %get3A_1426 = vector.shape_cast %get3A_1425 : vector<1x16xf32> to vector<16xf32>
        %sub3A_1427 = arith.constant 1.000000e+00 : f32
        %sub3A_1428 = vector.broadcast %sub3A_1427 : f32 to vector<16xf32>
        %sub3A_1429 = arith.subf %sub3A_1428, %get3A_1426 : vector<16xf32>
        %mul3A_1430 = arith.mulf %sub3A_1429, %mul3A_1421 : vector<16xf32>
        %get3A_1431 = arith.constant 0 : i32
        %get3A_1432 = arith.constant 0 : i32
        %get3A_1433 = arith.index_cast %get3A_1431 : i32 to index
        %get3A_1434 = arith.index_cast %get3A_1432 : i32 to index
        %get3A_1435 = arith.index_cast %mul3A_1378 : i32 to index
        %get3A_1436 = tpu.vector_load %arg8[%get3A_1433, %get3A_1434, %get3A_1435] {strides = array<i32>} : memref<2x8x4096xf32, #tpu.memory_space<vmem>>, vector<1x1x16xf32>,
        %get3A_1437 = vector.shape_cast %get3A_1436 : vector<1x1x16xf32> to vector<16xf32>
        %mul3A_1438 = vector.broadcast %squeeze3A : f32 to vector<16xf32>
        %mul3A_1439 = arith.mulf %mul3A_1438, %get3A_1437 : vector<16xf32>
        %get3A_1440 = arith.constant 0 : i32
        %get3A_1441 = arith.constant 1 : i32
        %get3A_1442 = arith.index_cast %get3A_1440 : i32 to index
        %get3A_1443 = arith.index_cast %get3A_1441 : i32 to index
        %get3A_1444 = arith.index_cast %mul3A_1378 : i32 to index
        %get3A_1445 = tpu.vector_load %arg8[%get3A_1442, %get3A_1443, %get3A_1444] {strides = array<i32>} : memref<2x8x4096xf32, #tpu.memory_space<vmem>>, vector<1x1x16xf32>,
        %get3A_1446 = vector.shape_cast %get3A_1445 : vector<1x1x16xf32> to vector<16xf32>
        %mul3A_1447 = vector.broadcast %squeeze3A_210 : f32 to vector<16xf32>
        %mul3A_1448 = arith.mulf %mul3A_1447, %get3A_1446 : vector<16xf32>
        %add3A_1449 = arith.addf %mul3A_1439, %mul3A_1448 : vector<16xf32>
        %get3A_1450 = arith.constant 0 : i32
        %get3A_1451 = arith.constant 2 : i32
        %get3A_1452 = arith.index_cast %get3A_1450 : i32 to index
        %get3A_1453 = arith.index_cast %get3A_1451 : i32 to index
        %get3A_1454 = arith.index_cast %mul3A_1378 : i32 to index
        %get3A_1455 = tpu.vector_load %arg8[%get3A_1452, %get3A_1453, %get3A_1454] {strides = array<i32>} : memref<2x8x4096xf32, #tpu.memory_space<vmem>>, vector<1x1x16xf32>,
        %get3A_1456 = vector.shape_cast %get3A_1455 : vector<1x1x16xf32> to vector<16xf32>
        %mul3A_1457 = vector.broadcast %squeeze3A_212 : f32 to vector<16xf32>
        %mul3A_1458 = arith.mulf %mul3A_1457, %get3A_1456 : vector<16xf32>
        %add3A_1459 = arith.addf %add3A_1449, %mul3A_1458 : vector<16xf32>
        %get3A_1460 = arith.constant 0 : i32
        %get3A_1461 = arith.constant 3 : i32
        %get3A_1462 = arith.index_cast %get3A_1460 : i32 to index
        %get3A_1463 = arith.index_cast %get3A_1461 : i32 to index
        %get3A_1464 = arith.index_cast %mul3A_1378 : i32 to index
        %get3A_1465 = tpu.vector_load %arg8[%get3A_1462, %get3A_1463, %get3A_1464] {strides = array<i32>} : memref<2x8x4096xf32, #tpu.memory_space<vmem>>, vector<1x1x16xf32>,
        %get3A_1466 = vector.shape_cast %get3A_1465 : vector<1x1x16xf32> to vector<16xf32>
        %mul3A_1467 = vector.broadcast %squeeze3A_214 : f32 to vector<16xf32>
        %mul3A_1468 = arith.mulf %mul3A_1467, %get3A_1466 : vector<16xf32>
        %add3A_1469 = arith.addf %add3A_1459, %mul3A_1468 : vector<16xf32>
        %get3A_1470 = arith.constant 0 : i32
        %get3A_1471 = arith.constant 4 : i32
        %get3A_1472 = arith.index_cast %get3A_1470 : i32 to index
        %get3A_1473 = arith.index_cast %get3A_1471 : i32 to index
        %get3A_1474 = arith.index_cast %mul3A_1378 : i32 to index
        %get3A_1475 = tpu.vector_load %arg8[%get3A_1472, %get3A_1473, %get3A_1474] {strides = array<i32>} : memref<2x8x4096xf32, #tpu.memory_space<vmem>>, vector<1x1x16xf32>,
        %get3A_1476 = vector.shape_cast %get3A_1475 : vector<1x1x16xf32> to vector<16xf32>
        %mul3A_1477 = vector.broadcast %squeeze3A_216 : f32 to vector<16xf32>
        %mul3A_1478 = arith.mulf %mul3A_1477, %get3A_1476 : vector<16xf32>
        %add3A_1479 = arith.addf %add3A_1469, %mul3A_1478 : vector<16xf32>
        %get3A_1480 = arith.constant 0 : i32
        %get3A_1481 = arith.constant 5 : i32
        %get3A_1482 = arith.index_cast %get3A_1480 : i32 to index
        %get3A_1483 = arith.index_cast %get3A_1481 : i32 to index
        %get3A_1484 = arith.index_cast %mul3A_1378 : i32 to index
        %get3A_1485 = tpu.vector_load %arg8[%get3A_1482, %get3A_1483, %get3A_1484] {strides = array<i32>} : memref<2x8x4096xf32, #tpu.memory_space<vmem>>, vector<1x1x16xf32>,
        %get3A_1486 = vector.shape_cast %get3A_1485 : vector<1x1x16xf32> to vector<16xf32>
        %mul3A_1487 = vector.broadcast %squeeze3A_218 : f32 to vector<16xf32>
        %mul3A_1488 = arith.mulf %mul3A_1487, %get3A_1486 : vector<16xf32>
        %add3A_1489 = arith.addf %add3A_1479, %mul3A_1488 : vector<16xf32>
        %get3A_1490 = arith.constant 0 : i32
        %get3A_1491 = arith.constant 6 : i32
        %get3A_1492 = arith.index_cast %get3A_1490 : i32 to index
        %get3A_1493 = arith.index_cast %get3A_1491 : i32 to index
        %get3A_1494 = arith.index_cast %mul3A_1378 : i32 to index
        %get3A_1495 = tpu.vector_load %arg8[%get3A_1492, %get3A_1493, %get3A_1494] {strides = array<i32>} : memref<2x8x4096xf32, #tpu.memory_space<vmem>>, vector<1x1x16xf32>,
        %get3A_1496 = vector.shape_cast %get3A_1495 : vector<1x1x16xf32> to vector<16xf32>
        %mul3A_1497 = vector.broadcast %squeeze3A_220 : f32 to vector<16xf32>
        %mul3A_1498 = arith.mulf %mul3A_1497, %get3A_1496 : vector<16xf32>
        %add3A_1499 = arith.addf %add3A_1489, %mul3A_1498 : vector<16xf32>
        %get3A_1500 = arith.constant 0 : i32
        %get3A_1501 = arith.constant 7 : i32
        %get3A_1502 = arith.index_cast %get3A_1500 : i32 to index
        %get3A_1503 = arith.index_cast %get3A_1501 : i32 to index
        %get3A_1504 = arith.index_cast %mul3A_1378 : i32 to index
        %get3A_1505 = tpu.vector_load %arg8[%get3A_1502, %get3A_1503, %get3A_1504] {strides = array<i32>} : memref<2x8x4096xf32, #tpu.memory_space<vmem>>, vector<1x1x16xf32>,
        %get3A_1506 = vector.shape_cast %get3A_1505 : vector<1x1x16xf32> to vector<16xf32>
        %mul3A_1507 = vector.broadcast %squeeze3A_222 : f32 to vector<16xf32>
        %mul3A_1508 = arith.mulf %mul3A_1507, %get3A_1506 : vector<16xf32>
        %add3A_1509 = arith.addf %add3A_1499, %mul3A_1508 : vector<16xf32>
        %sub3A_1510 = arith.constant 1.000000e+00 : f32
        %sub3A_1511 = vector.broadcast %sub3A_1510 : f32 to vector<16xf32>
        %sub3A_1512 = arith.subf %sub3A_1511, %mul3A_1430 : vector<16xf32>
        %sub3A_1513 = arith.subf %sub3A_1512, %add3A_1509 : vector<16xf32>
        %max3A_1514 = arith.constant 0.000000e+00 : f32
        %max3A_1515 = vector.broadcast %max3A_1514 : f32 to vector<16xf32>
        %max3A_1516 = arith.maximumf %sub3A_1513, %max3A_1515 : vector<16xf32>
        %min3A_1517 = arith.constant 1.000000e+00 : f32
        %min3A_1518 = vector.broadcast %min3A_1517 : f32 to vector<16xf32>
        %min3A_1519 = arith.minimumf %max3A_1516, %min3A_1518 : vector<16xf32>
        %swap3A_1520 = arith.constant 0 : i32
        %swap3A_1521 = arith.index_cast %swap3A_1520 : i32 to index
        %swap3A_1522 = arith.index_cast %mul3A_1378 : i32 to index
        %swap3A_1523 = tpu.vector_load %arg10[%swap3A_1521, %swap3A_1522] {strides = array<i32>} : memref<2x4096xf32, #tpu.memory_space<vmem>>, vector<1x16xf32>,
        %swap3A_1524 = vector.shape_cast %swap3A_1523 : vector<1x16xf32> to vector<16xf32>
        %swap3A_1525 = vector.shape_cast %min3A_1519 : vector<16xf32> to vector<1x16xf32>
        tpu.vector_store %arg10[%swap3A_1521, %swap3A_1522], %swap3A_1525 {strides = array<i32>} : memref<2x4096xf32, #tpu.memory_space<vmem>>, vector<1x16xf32>,
        %mul3A_1526 = arith.constant 8 : i32
        %mul3A_1527 = arith.muli %scan3A_457, %mul3A_1526 : i32
        %add3A_1528 = arith.constant 7 : i32
        %add3A_1529 = arith.addi %mul3A_1527, %add3A_1528 : i32
        %mul3A_1530 = arith.constant 16 : i32
        %mul3A_1531 = arith.muli %add3A_1529, %mul3A_1530 : i32
        %get3A_1532 = arith.constant 0 : i32
        %get3A_1533 = arith.constant 0 : i32
        %get3A_1534 = arith.index_cast %get3A_1532 : i32 to index
        %get3A_1535 = arith.index_cast %get3A_1533 : i32 to index
        %get3A_1536 = arith.index_cast %mul3A_1531 : i32 to index
        %get3A_1537 = tpu.vector_load %arg7[%get3A_1534, %get3A_1535, %get3A_1536] {strides = array<i32>} : memref<2x4x4096xf32, #tpu.memory_space<vmem>>, vector<1x1x16xf32>,
        %get3A_1538 = vector.shape_cast %get3A_1537 : vector<1x1x16xf32> to vector<16xf32>
        %sub3A_1539 = arith.constant 1.000000e+00 : f32
        %sub3A_1540 = vector.broadcast %sub3A_1539 : f32 to vector<16xf32>
        %sub3A_1541 = arith.subf %sub3A_1540, %get3A_1538 : vector<16xf32>
        %get3A_1542 = arith.constant 0 : i32
        %get3A_1543 = arith.constant 1 : i32
        %get3A_1544 = arith.index_cast %get3A_1542 : i32 to index
        %get3A_1545 = arith.index_cast %get3A_1543 : i32 to index
        %get3A_1546 = arith.index_cast %mul3A_1531 : i32 to index
        %get3A_1547 = tpu.vector_load %arg7[%get3A_1544, %get3A_1545, %get3A_1546] {strides = array<i32>} : memref<2x4x4096xf32, #tpu.memory_space<vmem>>, vector<1x1x16xf32>,
        %get3A_1548 = vector.shape_cast %get3A_1547 : vector<1x1x16xf32> to vector<16xf32>
        %sub3A_1549 = arith.constant 1.000000e+00 : f32
        %sub3A_1550 = vector.broadcast %sub3A_1549 : f32 to vector<16xf32>
        %sub3A_1551 = arith.subf %sub3A_1550, %get3A_1548 : vector<16xf32>
        %mul3A_1552 = arith.mulf %sub3A_1541, %sub3A_1551 : vector<16xf32>
        %get3A_1553 = arith.constant 0 : i32
        %get3A_1554 = arith.constant 2 : i32
        %get3A_1555 = arith.index_cast %get3A_1553 : i32 to index
        %get3A_1556 = arith.index_cast %get3A_1554 : i32 to index
        %get3A_1557 = arith.index_cast %mul3A_1531 : i32 to index
        %get3A_1558 = tpu.vector_load %arg7[%get3A_1555, %get3A_1556, %get3A_1557] {strides = array<i32>} : memref<2x4x4096xf32, #tpu.memory_space<vmem>>, vector<1x1x16xf32>,
        %get3A_1559 = vector.shape_cast %get3A_1558 : vector<1x1x16xf32> to vector<16xf32>
        %sub3A_1560 = arith.constant 1.000000e+00 : f32
        %sub3A_1561 = vector.broadcast %sub3A_1560 : f32 to vector<16xf32>
        %sub3A_1562 = arith.subf %sub3A_1561, %get3A_1559 : vector<16xf32>
        %mul3A_1563 = arith.mulf %mul3A_1552, %sub3A_1562 : vector<16xf32>
        %get3A_1564 = arith.constant 0 : i32
        %get3A_1565 = arith.constant 3 : i32
        %get3A_1566 = arith.index_cast %get3A_1564 : i32 to index
        %get3A_1567 = arith.index_cast %get3A_1565 : i32 to index
        %get3A_1568 = arith.index_cast %mul3A_1531 : i32 to index
        %get3A_1569 = tpu.vector_load %arg7[%get3A_1566, %get3A_1567, %get3A_1568] {strides = array<i32>} : memref<2x4x4096xf32, #tpu.memory_space<vmem>>, vector<1x1x16xf32>,
        %get3A_1570 = vector.shape_cast %get3A_1569 : vector<1x1x16xf32> to vector<16xf32>
        %sub3A_1571 = arith.constant 1.000000e+00 : f32
        %sub3A_1572 = vector.broadcast %sub3A_1571 : f32 to vector<16xf32>
        %sub3A_1573 = arith.subf %sub3A_1572, %get3A_1570 : vector<16xf32>
        %mul3A_1574 = arith.mulf %mul3A_1563, %sub3A_1573 : vector<16xf32>
        %get3A_1575 = arith.constant 0 : i32
        %get3A_1576 = arith.index_cast %get3A_1575 : i32 to index
        %get3A_1577 = arith.index_cast %mul3A_1531 : i32 to index
        %get3A_1578 = tpu.vector_load %arg9[%get3A_1576, %get3A_1577] {strides = array<i32>} : memref<2x4096xf32, #tpu.memory_space<vmem>>, vector<1x16xf32>,
        %get3A_1579 = vector.shape_cast %get3A_1578 : vector<1x16xf32> to vector<16xf32>
        %sub3A_1580 = arith.constant 1.000000e+00 : f32
        %sub3A_1581 = vector.broadcast %sub3A_1580 : f32 to vector<16xf32>
        %sub3A_1582 = arith.subf %sub3A_1581, %get3A_1579 : vector<16xf32>
        %mul3A_1583 = arith.mulf %sub3A_1582, %mul3A_1574 : vector<16xf32>
        %get3A_1584 = arith.constant 0 : i32
        %get3A_1585 = arith.constant 0 : i32
        %get3A_1586 = arith.index_cast %get3A_1584 : i32 to index
        %get3A_1587 = arith.index_cast %get3A_1585 : i32 to index
        %get3A_1588 = arith.index_cast %mul3A_1531 : i32 to index
        %get3A_1589 = tpu.vector_load %arg8[%get3A_1586, %get3A_1587, %get3A_1588] {strides = array<i32>} : memref<2x8x4096xf32, #tpu.memory_space<vmem>>, vector<1x1x16xf32>,
        %get3A_1590 = vector.shape_cast %get3A_1589 : vector<1x1x16xf32> to vector<16xf32>
        %mul3A_1591 = vector.broadcast %squeeze3A : f32 to vector<16xf32>
        %mul3A_1592 = arith.mulf %mul3A_1591, %get3A_1590 : vector<16xf32>
        %get3A_1593 = arith.constant 0 : i32
        %get3A_1594 = arith.constant 1 : i32
        %get3A_1595 = arith.index_cast %get3A_1593 : i32 to index
        %get3A_1596 = arith.index_cast %get3A_1594 : i32 to index
        %get3A_1597 = arith.index_cast %mul3A_1531 : i32 to index
        %get3A_1598 = tpu.vector_load %arg8[%get3A_1595, %get3A_1596, %get3A_1597] {strides = array<i32>} : memref<2x8x4096xf32, #tpu.memory_space<vmem>>, vector<1x1x16xf32>,
        %get3A_1599 = vector.shape_cast %get3A_1598 : vector<1x1x16xf32> to vector<16xf32>
        %mul3A_1600 = vector.broadcast %squeeze3A_210 : f32 to vector<16xf32>
        %mul3A_1601 = arith.mulf %mul3A_1600, %get3A_1599 : vector<16xf32>
        %add3A_1602 = arith.addf %mul3A_1592, %mul3A_1601 : vector<16xf32>
        %get3A_1603 = arith.constant 0 : i32
        %get3A_1604 = arith.constant 2 : i32
        %get3A_1605 = arith.index_cast %get3A_1603 : i32 to index
        %get3A_1606 = arith.index_cast %get3A_1604 : i32 to index
        %get3A_1607 = arith.index_cast %mul3A_1531 : i32 to index
        %get3A_1608 = tpu.vector_load %arg8[%get3A_1605, %get3A_1606, %get3A_1607] {strides = array<i32>} : memref<2x8x4096xf32, #tpu.memory_space<vmem>>, vector<1x1x16xf32>,
        %get3A_1609 = vector.shape_cast %get3A_1608 : vector<1x1x16xf32> to vector<16xf32>
        %mul3A_1610 = vector.broadcast %squeeze3A_212 : f32 to vector<16xf32>
        %mul3A_1611 = arith.mulf %mul3A_1610, %get3A_1609 : vector<16xf32>
        %add3A_1612 = arith.addf %add3A_1602, %mul3A_1611 : vector<16xf32>
        %get3A_1613 = arith.constant 0 : i32
        %get3A_1614 = arith.constant 3 : i32
        %get3A_1615 = arith.index_cast %get3A_1613 : i32 to index
        %get3A_1616 = arith.index_cast %get3A_1614 : i32 to index
        %get3A_1617 = arith.index_cast %mul3A_1531 : i32 to index
        %get3A_1618 = tpu.vector_load %arg8[%get3A_1615, %get3A_1616, %get3A_1617] {strides = array<i32>} : memref<2x8x4096xf32, #tpu.memory_space<vmem>>, vector<1x1x16xf32>,
        %get3A_1619 = vector.shape_cast %get3A_1618 : vector<1x1x16xf32> to vector<16xf32>
        %mul3A_1620 = vector.broadcast %squeeze3A_214 : f32 to vector<16xf32>
        %mul3A_1621 = arith.mulf %mul3A_1620, %get3A_1619 : vector<16xf32>
        %add3A_1622 = arith.addf %add3A_1612, %mul3A_1621 : vector<16xf32>
        %get3A_1623 = arith.constant 0 : i32
        %get3A_1624 = arith.constant 4 : i32
        %get3A_1625 = arith.index_cast %get3A_1623 : i32 to index
        %get3A_1626 = arith.index_cast %get3A_1624 : i32 to index
        %get3A_1627 = arith.index_cast %mul3A_1531 : i32 to index
        %get3A_1628 = tpu.vector_load %arg8[%get3A_1625, %get3A_1626, %get3A_1627] {strides = array<i32>} : memref<2x8x4096xf32, #tpu.memory_space<vmem>>, vector<1x1x16xf32>,
        %get3A_1629 = vector.shape_cast %get3A_1628 : vector<1x1x16xf32> to vector<16xf32>
        %mul3A_1630 = vector.broadcast %squeeze3A_216 : f32 to vector<16xf32>
        %mul3A_1631 = arith.mulf %mul3A_1630, %get3A_1629 : vector<16xf32>
        %add3A_1632 = arith.addf %add3A_1622, %mul3A_1631 : vector<16xf32>
        %get3A_1633 = arith.constant 0 : i32
        %get3A_1634 = arith.constant 5 : i32
        %get3A_1635 = arith.index_cast %get3A_1633 : i32 to index
        %get3A_1636 = arith.index_cast %get3A_1634 : i32 to index
        %get3A_1637 = arith.index_cast %mul3A_1531 : i32 to index
        %get3A_1638 = tpu.vector_load %arg8[%get3A_1635, %get3A_1636, %get3A_1637] {strides = array<i32>} : memref<2x8x4096xf32, #tpu.memory_space<vmem>>, vector<1x1x16xf32>,
        %get3A_1639 = vector.shape_cast %get3A_1638 : vector<1x1x16xf32> to vector<16xf32>
        %mul3A_1640 = vector.broadcast %squeeze3A_218 : f32 to vector<16xf32>
        %mul3A_1641 = arith.mulf %mul3A_1640, %get3A_1639 : vector<16xf32>
        %add3A_1642 = arith.addf %add3A_1632, %mul3A_1641 : vector<16xf32>
        %get3A_1643 = arith.constant 0 : i32
        %get3A_1644 = arith.constant 6 : i32
        %get3A_1645 = arith.index_cast %get3A_1643 : i32 to index
        %get3A_1646 = arith.index_cast %get3A_1644 : i32 to index
        %get3A_1647 = arith.index_cast %mul3A_1531 : i32 to index
        %get3A_1648 = tpu.vector_load %arg8[%get3A_1645, %get3A_1646, %get3A_1647] {strides = array<i32>} : memref<2x8x4096xf32, #tpu.memory_space<vmem>>, vector<1x1x16xf32>,
        %get3A_1649 = vector.shape_cast %get3A_1648 : vector<1x1x16xf32> to vector<16xf32>
        %mul3A_1650 = vector.broadcast %squeeze3A_220 : f32 to vector<16xf32>
        %mul3A_1651 = arith.mulf %mul3A_1650, %get3A_1649 : vector<16xf32>
        %add3A_1652 = arith.addf %add3A_1642, %mul3A_1651 : vector<16xf32>
        %get3A_1653 = arith.constant 0 : i32
        %get3A_1654 = arith.constant 7 : i32
        %get3A_1655 = arith.index_cast %get3A_1653 : i32 to index
        %get3A_1656 = arith.index_cast %get3A_1654 : i32 to index
        %get3A_1657 = arith.index_cast %mul3A_1531 : i32 to index
        %get3A_1658 = tpu.vector_load %arg8[%get3A_1655, %get3A_1656, %get3A_1657] {strides = array<i32>} : memref<2x8x4096xf32, #tpu.memory_space<vmem>>, vector<1x1x16xf32>,
        %get3A_1659 = vector.shape_cast %get3A_1658 : vector<1x1x16xf32> to vector<16xf32>
        %mul3A_1660 = vector.broadcast %squeeze3A_222 : f32 to vector<16xf32>
        %mul3A_1661 = arith.mulf %mul3A_1660, %get3A_1659 : vector<16xf32>
        %add3A_1662 = arith.addf %add3A_1652, %mul3A_1661 : vector<16xf32>
        %sub3A_1663 = arith.constant 1.000000e+00 : f32
        %sub3A_1664 = vector.broadcast %sub3A_1663 : f32 to vector<16xf32>
        %sub3A_1665 = arith.subf %sub3A_1664, %mul3A_1583 : vector<16xf32>
        %sub3A_1666 = arith.subf %sub3A_1665, %add3A_1662 : vector<16xf32>
        %max3A_1667 = arith.constant 0.000000e+00 : f32
        %max3A_1668 = vector.broadcast %max3A_1667 : f32 to vector<16xf32>
        %max3A_1669 = arith.maximumf %sub3A_1666, %max3A_1668 : vector<16xf32>
        %min3A_1670 = arith.constant 1.000000e+00 : f32
        %min3A_1671 = vector.broadcast %min3A_1670 : f32 to vector<16xf32>
        %min3A_1672 = arith.minimumf %max3A_1669, %min3A_1671 : vector<16xf32>
        %swap3A_1673 = arith.constant 0 : i32
        %swap3A_1674 = arith.index_cast %swap3A_1673 : i32 to index
        %swap3A_1675 = arith.index_cast %mul3A_1531 : i32 to index
        %swap3A_1676 = tpu.vector_load %arg10[%swap3A_1674, %swap3A_1675] {strides = array<i32>} : memref<2x4096xf32, #tpu.memory_space<vmem>>, vector<1x16xf32>,
        %swap3A_1677 = vector.shape_cast %swap3A_1676 : vector<1x16xf32> to vector<16xf32>
        %swap3A_1678 = vector.shape_cast %min3A_1672 : vector<16xf32> to vector<1x16xf32>
        tpu.vector_store %arg10[%swap3A_1674, %swap3A_1675], %swap3A_1678 {strides = array<i32>} : memref<2x4096xf32, #tpu.memory_space<vmem>>, vector<1x16xf32>,
      }
      %scan3A_230 = arith.constant 32 : i32
      %jit3A_231 = arith.constant 4 : i32
      %div3A_232 = arith.divsi %add3A_138, %jit3A_231 : i32
      %sign3A_233 = arith.constant 0 : i32
      %sign3A_234 = arith.cmpi sgt, %add3A_138, %sign3A_233 : i32
      %sign3A_235 = arith.extui %sign3A_234 : i1 to i32
      %sign3A_236 = arith.constant 0 : i32
      %sign3A_237 = arith.cmpi slt, %add3A_138, %sign3A_236 : i32
      %sign3A_238 = arith.extui %sign3A_237 : i1 to i32
      %sign3A_239 = arith.subi %sign3A_235, %sign3A_238 : i32
      %sign3A_240 = arith.constant 0 : i32
      %sign3A_241 = arith.cmpi sgt, %jit3A_231, %sign3A_240 : i32
      %sign3A_242 = arith.extui %sign3A_241 : i1 to i32
      %sign3A_243 = arith.constant 0 : i32
      %sign3A_244 = arith.cmpi slt, %jit3A_231, %sign3A_243 : i32
      %sign3A_245 = arith.extui %sign3A_244 : i1 to i32
      %sign3A_246 = arith.subi %sign3A_242, %sign3A_245 : i32
      %ne3A_247 = arith.cmpi ne, %sign3A_239, %sign3A_246 : i32
      %rem3A_248 = arith.remsi %add3A_138, %jit3A_231 : i32
      %ne3A_249 = arith.constant 0 : i32
      %ne3A_250 = arith.cmpi ne, %rem3A_248, %ne3A_249 : i32
      %and3A_251 = arith.andi %ne3A_247, %ne3A_250 : i1
      %sub3A_252 = arith.constant 1 : i32
      %sub3A_253 = arith.subi %div3A_232, %sub3A_252 : i32
      %select_n3A_254 = arith.select %and3A_251, %sub3A_253, %div3A_232 : i32
      %add3A_255 = arith.addi %mul3A_2, %select_n3A_254 : i32
      %jit3A_256 = arith.constant 4 : i32
      %eq3A = arith.constant 0 : i32
      %eq3A_257 = arith.cmpi eq, %jit3A_256, %eq3A : i32
      %jit3A_258 = arith.constant 1 : i32
      %select_n3A_259 = arith.select %eq3A_257, %jit3A_258, %jit3A_256 : i32
      %rem3A_260 = arith.remsi %add3A_138, %select_n3A_259 : i32
      %ne3A_261 = arith.constant 0 : i32
      %ne3A_262 = arith.cmpi ne, %rem3A_260, %ne3A_261 : i32
      %lt3A = arith.constant 0 : i32
      %lt3A_263 = arith.cmpi slt, %rem3A_260, %lt3A : i32
      %lt3A_264 = arith.constant 0 : i32
      %lt3A_265 = arith.cmpi slt, %select_n3A_259, %lt3A_264 : i32
      %ne3A_266 = arith.xori %lt3A_263, %lt3A_265 : i1
      %and3A_267 = arith.andi %ne3A_266, %ne3A_262 : i1
      %add3A_268 = arith.addi %rem3A_260, %select_n3A_259 : i32
      %select_n3A_269 = arith.select %and3A_267, %add3A_268, %rem3A_260 : i32
      %mul3A_270 = arith.constant 4096 : i32
      %mul3A_271 = arith.muli %select_n3A_269, %mul3A_270 : i32
      %dma_start3A_272 = arith.constant 0 : i32
      %dma_start3A_273 = arith.constant 0 : i32
      %dma_start3A_274 = tpu.memref_slice %arg10[%dma_start3A_272, %dma_start3A_273] : memref<2x4096xf32, #tpu.memory_space<vmem>> -> memref<1x4096xf32, #tpu.memory_space<vmem>>
      %dma_start3A_275 = tpu.memref_squeeze %dma_start3A_274 : memref<1x4096xf32, #tpu.memory_space<vmem>> -> memref<4096xf32, #tpu.memory_space<vmem>>
      %dma_start3A_276 = tpu.memref_slice %arg6[%add3A_255, %mul3A_271] : memref<128x16384xf32, #tpu.memory_space<hbm>> -> memref<1x4096xf32, #tpu.memory_space<hbm>>
      %dma_start3A_277 = tpu.memref_squeeze %dma_start3A_276 : memref<1x4096xf32, #tpu.memory_space<hbm>> -> memref<4096xf32, #tpu.memory_space<hbm>>
      %dma_start3A_278 = tpu.memref_slice %arg6[%add3A_255, %mul3A_271] : memref<128x16384xf32, #tpu.memory_space<hbm>> -> memref<1x4096xf32, #tpu.memory_space<hbm>>
      %dma_start3A_279 = tpu.memref_squeeze %dma_start3A_278 : memref<1x4096xf32, #tpu.memory_space<hbm>> -> memref<4096xf32, #tpu.memory_space<hbm>>
      %dma_start3A_280 = arith.constant 0 : i32
      %dma_start3A_281 = tpu.memref_slice %arg10[%dma_start3A_272, %dma_start3A_280] : memref<2x4096xf32, #tpu.memory_space<vmem>> -> memref<1x4096xf32, #tpu.memory_space<vmem>>
      %dma_start3A_282 = tpu.memref_squeeze %dma_start3A_281 : memref<1x4096xf32, #tpu.memory_space<vmem>> -> memref<4096xf32, #tpu.memory_space<vmem>>
      tpu.enqueue_dma source(%dma_start3A_282 : memref<4096xf32, #tpu.memory_space<vmem>>) target(%dma_start3A_279 : memref<4096xf32, #tpu.memory_space<hbm>>) target_semaphore(%arg14 : memref<!tpu.dma_semaphore, #tpu.memory_space<semaphore_mem>>)
      %lt3A_283 = arith.constant 7 : i32
      %lt3A_284 = arith.cmpi slt, %scan3A_134, %lt3A_283 : i32
      %convert_element_type3A_285 = arith.extui %lt3A_284 : i1 to i32
      %cond3A_286 = arith.constant 0 : i32
      %cond3A_287 = arith.cmpi ne, %convert_element_type3A_285, %cond3A_286 : i32
      scf.if %cond3A_287 {
        %add3A_457 = arith.constant 2 : i32
        %add3A_458 = arith.addi %add3A_138, %add3A_457 : i32
        %jit3A_459 = arith.constant 4 : i32
        %div3A_460 = arith.divsi %add3A_458, %jit3A_459 : i32
        %sign3A_461 = arith.constant 0 : i32
        %sign3A_462 = arith.cmpi sgt, %add3A_458, %sign3A_461 : i32
        %sign3A_463 = arith.extui %sign3A_462 : i1 to i32
        %sign3A_464 = arith.constant 0 : i32
        %sign3A_465 = arith.cmpi slt, %add3A_458, %sign3A_464 : i32
        %sign3A_466 = arith.extui %sign3A_465 : i1 to i32
        %sign3A_467 = arith.subi %sign3A_463, %sign3A_466 : i32
        %sign3A_468 = arith.constant 0 : i32
        %sign3A_469 = arith.cmpi sgt, %jit3A_459, %sign3A_468 : i32
        %sign3A_470 = arith.extui %sign3A_469 : i1 to i32
        %sign3A_471 = arith.constant 0 : i32
        %sign3A_472 = arith.cmpi slt, %jit3A_459, %sign3A_471 : i32
        %sign3A_473 = arith.extui %sign3A_472 : i1 to i32
        %sign3A_474 = arith.subi %sign3A_470, %sign3A_473 : i32
        %ne3A_475 = arith.cmpi ne, %sign3A_467, %sign3A_474 : i32
        %rem3A_476 = arith.remsi %add3A_458, %jit3A_459 : i32
        %ne3A_477 = arith.constant 0 : i32
        %ne3A_478 = arith.cmpi ne, %rem3A_476, %ne3A_477 : i32
        %and3A_479 = arith.andi %ne3A_475, %ne3A_478 : i1
        %sub3A_480 = arith.constant 1 : i32
        %sub3A_481 = arith.subi %div3A_460, %sub3A_480 : i32
        %select_n3A_482 = arith.select %and3A_479, %sub3A_481, %div3A_460 : i32
        %add3A_483 = arith.addi %mul3A_2, %select_n3A_482 : i32
        %jit3A_484 = arith.constant 4 : i32
        %eq3A_485 = arith.constant 0 : i32
        %eq3A_486 = arith.cmpi eq, %jit3A_484, %eq3A_485 : i32
        %jit3A_487 = arith.constant 1 : i32
        %select_n3A_488 = arith.select %eq3A_486, %jit3A_487, %jit3A_484 : i32
        %rem3A_489 = arith.remsi %add3A_458, %select_n3A_488 : i32
        %ne3A_490 = arith.constant 0 : i32
        %ne3A_491 = arith.cmpi ne, %rem3A_489, %ne3A_490 : i32
        %lt3A_492 = arith.constant 0 : i32
        %lt3A_493 = arith.cmpi slt, %rem3A_489, %lt3A_492 : i32
        %lt3A_494 = arith.constant 0 : i32
        %lt3A_495 = arith.cmpi slt, %select_n3A_488, %lt3A_494 : i32
        %ne3A_496 = arith.xori %lt3A_493, %lt3A_495 : i1
        %and3A_497 = arith.andi %ne3A_496, %ne3A_491 : i1
        %add3A_498 = arith.addi %rem3A_489, %select_n3A_488 : i32
        %select_n3A_499 = arith.select %and3A_497, %add3A_498, %rem3A_489 : i32
        %mul3A_500 = arith.constant 4096 : i32
        %mul3A_501 = arith.muli %select_n3A_499, %mul3A_500 : i32
        %dma_start3A_502 = arith.constant 0 : i32
        %dma_start3A_503 = arith.constant 0 : i32
        %dma_start3A_504 = arith.constant 0 : i32
        %dma_start3A_505 = tpu.memref_slice %arg7[%dma_start3A_502, %dma_start3A_503, %dma_start3A_504] : memref<2x4x4096xf32, #tpu.memory_space<vmem>> -> memref<1x4x4096xf32, #tpu.memory_space<vmem>>
        %dma_start3A_506 = tpu.memref_squeeze %dma_start3A_505 : memref<1x4x4096xf32, #tpu.memory_space<vmem>> -> memref<4x4096xf32, #tpu.memory_space<vmem>>
        %dma_start3A_507 = arith.constant 0 : i32
        %dma_start3A_508 = tpu.memref_slice %arg2[%add3A_483, %dma_start3A_507, %mul3A_501] : memref<256x4x16384xf32, #tpu.memory_space<hbm>> -> memref<1x4x4096xf32, #tpu.memory_space<hbm>>
        %dma_start3A_509 = tpu.memref_squeeze %dma_start3A_508 : memref<1x4x4096xf32, #tpu.memory_space<hbm>> -> memref<4x4096xf32, #tpu.memory_space<hbm>>
        %dma_start3A_510 = arith.constant 0 : i32
        %dma_start3A_511 = arith.constant 0 : i32
        %dma_start3A_512 = tpu.memref_slice %arg7[%dma_start3A_502, %dma_start3A_510, %dma_start3A_511] : memref<2x4x4096xf32, #tpu.memory_space<vmem>> -> memref<1x4x4096xf32, #tpu.memory_space<vmem>>
        %dma_start3A_513 = tpu.memref_squeeze %dma_start3A_512 : memref<1x4x4096xf32, #tpu.memory_space<vmem>> -> memref<4x4096xf32, #tpu.memory_space<vmem>>
        %dma_start3A_514 = arith.constant 0 : i32
        %dma_start3A_515 = tpu.memref_slice %arg2[%add3A_483, %dma_start3A_514, %mul3A_501] : memref<256x4x16384xf32, #tpu.memory_space<hbm>> -> memref<1x4x4096xf32, #tpu.memory_space<hbm>>
        %dma_start3A_516 = tpu.memref_squeeze %dma_start3A_515 : memref<1x4x4096xf32, #tpu.memory_space<hbm>> -> memref<4x4096xf32, #tpu.memory_space<hbm>>
        tpu.enqueue_dma source(%dma_start3A_516 : memref<4x4096xf32, #tpu.memory_space<hbm>>) target(%dma_start3A_513 : memref<4x4096xf32, #tpu.memory_space<vmem>>) target_semaphore(%arg12 : memref<!tpu.dma_semaphore, #tpu.memory_space<semaphore_mem>>)
        %dma_start3A_517 = arith.constant 0 : i32
        %dma_start3A_518 = arith.constant 0 : i32
        %dma_start3A_519 = arith.constant 0 : i32
        %dma_start3A_520 = tpu.memref_slice %arg8[%dma_start3A_517, %dma_start3A_518, %dma_start3A_519] : memref<2x8x4096xf32, #tpu.memory_space<vmem>> -> memref<1x8x4096xf32, #tpu.memory_space<vmem>>
        %dma_start3A_521 = tpu.memref_squeeze %dma_start3A_520 : memref<1x8x4096xf32, #tpu.memory_space<vmem>> -> memref<8x4096xf32, #tpu.memory_space<vmem>>
        %dma_start3A_522 = arith.constant 0 : i32
        %dma_start3A_523 = tpu.memref_slice %arg4[%add3A_483, %dma_start3A_522, %mul3A_501] : memref<256x8x16384xf32, #tpu.memory_space<hbm>> -> memref<1x8x4096xf32, #tpu.memory_space<hbm>>
        %dma_start3A_524 = tpu.memref_squeeze %dma_start3A_523 : memref<1x8x4096xf32, #tpu.memory_space<hbm>> -> memref<8x4096xf32, #tpu.memory_space<hbm>>
        %dma_start3A_525 = arith.constant 0 : i32
        %dma_start3A_526 = arith.constant 0 : i32
        %dma_start3A_527 = tpu.memref_slice %arg8[%dma_start3A_517, %dma_start3A_525, %dma_start3A_526] : memref<2x8x4096xf32, #tpu.memory_space<vmem>> -> memref<1x8x4096xf32, #tpu.memory_space<vmem>>
        %dma_start3A_528 = tpu.memref_squeeze %dma_start3A_527 : memref<1x8x4096xf32, #tpu.memory_space<vmem>> -> memref<8x4096xf32, #tpu.memory_space<vmem>>
        %dma_start3A_529 = arith.constant 0 : i32
        %dma_start3A_530 = tpu.memref_slice %arg4[%add3A_483, %dma_start3A_529, %mul3A_501] : memref<256x8x16384xf32, #tpu.memory_space<hbm>> -> memref<1x8x4096xf32, #tpu.memory_space<hbm>>
        %dma_start3A_531 = tpu.memref_squeeze %dma_start3A_530 : memref<1x8x4096xf32, #tpu.memory_space<hbm>> -> memref<8x4096xf32, #tpu.memory_space<hbm>>
        tpu.enqueue_dma source(%dma_start3A_531 : memref<8x4096xf32, #tpu.memory_space<hbm>>) target(%dma_start3A_528 : memref<8x4096xf32, #tpu.memory_space<vmem>>) target_semaphore(%arg12 : memref<!tpu.dma_semaphore, #tpu.memory_space<semaphore_mem>>)
        %dma_start3A_532 = arith.constant 0 : i32
        %dma_start3A_533 = arith.constant 0 : i32
        %dma_start3A_534 = tpu.memref_slice %arg9[%dma_start3A_532, %dma_start3A_533] : memref<2x4096xf32, #tpu.memory_space<vmem>> -> memref<1x4096xf32, #tpu.memory_space<vmem>>
        %dma_start3A_535 = tpu.memref_squeeze %dma_start3A_534 : memref<1x4096xf32, #tpu.memory_space<vmem>> -> memref<4096xf32, #tpu.memory_space<vmem>>
        %dma_start3A_536 = tpu.memref_slice %arg5[%add3A_483, %mul3A_501] : memref<256x16384xf32, #tpu.memory_space<hbm>> -> memref<1x4096xf32, #tpu.memory_space<hbm>>
        %dma_start3A_537 = tpu.memref_squeeze %dma_start3A_536 : memref<1x4096xf32, #tpu.memory_space<hbm>> -> memref<4096xf32, #tpu.memory_space<hbm>>
        %dma_start3A_538 = arith.constant 0 : i32
        %dma_start3A_539 = tpu.memref_slice %arg9[%dma_start3A_532, %dma_start3A_538] : memref<2x4096xf32, #tpu.memory_space<vmem>> -> memref<1x4096xf32, #tpu.memory_space<vmem>>
        %dma_start3A_540 = tpu.memref_squeeze %dma_start3A_539 : memref<1x4096xf32, #tpu.memory_space<vmem>> -> memref<4096xf32, #tpu.memory_space<vmem>>
        %dma_start3A_541 = tpu.memref_slice %arg5[%add3A_483, %mul3A_501] : memref<256x16384xf32, #tpu.memory_space<hbm>> -> memref<1x4096xf32, #tpu.memory_space<hbm>>
        %dma_start3A_542 = tpu.memref_squeeze %dma_start3A_541 : memref<1x4096xf32, #tpu.memory_space<hbm>> -> memref<4096xf32, #tpu.memory_space<hbm>>
        tpu.enqueue_dma source(%dma_start3A_542 : memref<4096xf32, #tpu.memory_space<hbm>>) target(%dma_start3A_540 : memref<4096xf32, #tpu.memory_space<vmem>>) target_semaphore(%arg12 : memref<!tpu.dma_semaphore, #tpu.memory_space<semaphore_mem>>)
      } else {
      }
      %mul3A_288 = arith.constant 2 : i32
      %mul3A_289 = arith.muli %mul3A_288, %scan3A_134 : i32
      %add3A_290 = arith.constant 1 : i32
      %add3A_291 = arith.addi %mul3A_289, %add3A_290 : i32
      %dma_wait3A_292 = arith.constant 0 : i32
      %dma_wait3A_293 = arith.constant 1 : i32
      %dma_wait3A_294 = arith.constant 0 : i32
      %dma_wait3A_295 = arith.constant 0 : i32
      %dma_wait3A_296 = tpu.memref_slice %arg7[%dma_wait3A_293, %dma_wait3A_294, %dma_wait3A_295] : memref<2x4x4096xf32, #tpu.memory_space<vmem>> -> memref<1x4x4096xf32, #tpu.memory_space<vmem>>
      %dma_wait3A_297 = tpu.memref_squeeze %dma_wait3A_296 : memref<1x4x4096xf32, #tpu.memory_space<vmem>> -> memref<4x4096xf32, #tpu.memory_space<vmem>>
      %dma_wait3A_298 = arith.constant 0 : i32
      %dma_wait3A_299 = arith.constant 0 : i32
      %dma_wait3A_300 = tpu.memref_slice %arg2[%dma_wait3A_292, %dma_wait3A_298, %dma_wait3A_299] : memref<256x4x16384xf32, #tpu.memory_space<hbm>> -> memref<1x4x4096xf32, #tpu.memory_space<hbm>>
      %dma_wait3A_301 = tpu.memref_squeeze %dma_wait3A_300 : memref<1x4x4096xf32, #tpu.memory_space<hbm>> -> memref<4x4096xf32, #tpu.memory_space<hbm>>
      %dma_wait3A_302 = arith.constant 0 : i32
      %dma_wait3A_303 = arith.constant 0 : i32
      %dma_wait3A_304 = tpu.memref_slice %arg7[%dma_wait3A_293, %dma_wait3A_302, %dma_wait3A_303] : memref<2x4x4096xf32, #tpu.memory_space<vmem>> -> memref<1x4x4096xf32, #tpu.memory_space<vmem>>
      %dma_wait3A_305 = tpu.memref_squeeze %dma_wait3A_304 : memref<1x4x4096xf32, #tpu.memory_space<vmem>> -> memref<4x4096xf32, #tpu.memory_space<vmem>>
      %dma_wait3A_306 = arith.constant 0 : i32
      %dma_wait3A_307 = arith.constant 0 : i32
      %dma_wait3A_308 = tpu.memref_slice %arg2[%dma_wait3A_292, %dma_wait3A_306, %dma_wait3A_307] : memref<256x4x16384xf32, #tpu.memory_space<hbm>> -> memref<1x4x4096xf32, #tpu.memory_space<hbm>>
      %dma_wait3A_309 = tpu.memref_squeeze %dma_wait3A_308 : memref<1x4x4096xf32, #tpu.memory_space<hbm>> -> memref<4x4096xf32, #tpu.memory_space<hbm>>
      tpu.wait_dma2 semaphore(%arg13 : memref<!tpu.dma_semaphore, #tpu.memory_space<semaphore_mem>>) src(%dma_wait3A_309 : memref<4x4096xf32, #tpu.memory_space<hbm>>) dst(%dma_wait3A_305 : memref<4x4096xf32, #tpu.memory_space<vmem>>)
      %dma_wait3A_310 = arith.constant 0 : i32
      %dma_wait3A_311 = arith.constant 1 : i32
      %dma_wait3A_312 = arith.constant 0 : i32
      %dma_wait3A_313 = arith.constant 0 : i32
      %dma_wait3A_314 = tpu.memref_slice %arg8[%dma_wait3A_311, %dma_wait3A_312, %dma_wait3A_313] : memref<2x8x4096xf32, #tpu.memory_space<vmem>> -> memref<1x8x4096xf32, #tpu.memory_space<vmem>>
      %dma_wait3A_315 = tpu.memref_squeeze %dma_wait3A_314 : memref<1x8x4096xf32, #tpu.memory_space<vmem>> -> memref<8x4096xf32, #tpu.memory_space<vmem>>
      %dma_wait3A_316 = arith.constant 0 : i32
      %dma_wait3A_317 = arith.constant 0 : i32
      %dma_wait3A_318 = tpu.memref_slice %arg4[%dma_wait3A_310, %dma_wait3A_316, %dma_wait3A_317] : memref<256x8x16384xf32, #tpu.memory_space<hbm>> -> memref<1x8x4096xf32, #tpu.memory_space<hbm>>
      %dma_wait3A_319 = tpu.memref_squeeze %dma_wait3A_318 : memref<1x8x4096xf32, #tpu.memory_space<hbm>> -> memref<8x4096xf32, #tpu.memory_space<hbm>>
      %dma_wait3A_320 = arith.constant 0 : i32
      %dma_wait3A_321 = arith.constant 0 : i32
      %dma_wait3A_322 = tpu.memref_slice %arg8[%dma_wait3A_311, %dma_wait3A_320, %dma_wait3A_321] : memref<2x8x4096xf32, #tpu.memory_space<vmem>> -> memref<1x8x4096xf32, #tpu.memory_space<vmem>>
      %dma_wait3A_323 = tpu.memref_squeeze %dma_wait3A_322 : memref<1x8x4096xf32, #tpu.memory_space<vmem>> -> memref<8x4096xf32, #tpu.memory_space<vmem>>
      %dma_wait3A_324 = arith.constant 0 : i32
      %dma_wait3A_325 = arith.constant 0 : i32
      %dma_wait3A_326 = tpu.memref_slice %arg4[%dma_wait3A_310, %dma_wait3A_324, %dma_wait3A_325] : memref<256x8x16384xf32, #tpu.memory_space<hbm>> -> memref<1x8x4096xf32, #tpu.memory_space<hbm>>
      %dma_wait3A_327 = tpu.memref_squeeze %dma_wait3A_326 : memref<1x8x4096xf32, #tpu.memory_space<hbm>> -> memref<8x4096xf32, #tpu.memory_space<hbm>>
      tpu.wait_dma2 semaphore(%arg13 : memref<!tpu.dma_semaphore, #tpu.memory_space<semaphore_mem>>) src(%dma_wait3A_327 : memref<8x4096xf32, #tpu.memory_space<hbm>>) dst(%dma_wait3A_323 : memref<8x4096xf32, #tpu.memory_space<vmem>>)
      %dma_wait3A_328 = arith.constant 0 : i32
      %dma_wait3A_329 = arith.constant 1 : i32
      %dma_wait3A_330 = arith.constant 0 : i32
      %dma_wait3A_331 = tpu.memref_slice %arg9[%dma_wait3A_329, %dma_wait3A_330] : memref<2x4096xf32, #tpu.memory_space<vmem>> -> memref<1x4096xf32, #tpu.memory_space<vmem>>
      %dma_wait3A_332 = tpu.memref_squeeze %dma_wait3A_331 : memref<1x4096xf32, #tpu.memory_space<vmem>> -> memref<4096xf32, #tpu.memory_space<vmem>>
      %dma_wait3A_333 = arith.constant 0 : i32
      %dma_wait3A_334 = tpu.memref_slice %arg5[%dma_wait3A_328, %dma_wait3A_333] : memref<256x16384xf32, #tpu.memory_space<hbm>> -> memref<1x4096xf32, #tpu.memory_space<hbm>>
      %dma_wait3A_335 = tpu.memref_squeeze %dma_wait3A_334 : memref<1x4096xf32, #tpu.memory_space<hbm>> -> memref<4096xf32, #tpu.memory_space<hbm>>
      %dma_wait3A_336 = arith.constant 0 : i32
      %dma_wait3A_337 = tpu.memref_slice %arg9[%dma_wait3A_329, %dma_wait3A_336] : memref<2x4096xf32, #tpu.memory_space<vmem>> -> memref<1x4096xf32, #tpu.memory_space<vmem>>
      %dma_wait3A_338 = tpu.memref_squeeze %dma_wait3A_337 : memref<1x4096xf32, #tpu.memory_space<vmem>> -> memref<4096xf32, #tpu.memory_space<vmem>>
      %dma_wait3A_339 = arith.constant 0 : i32
      %dma_wait3A_340 = tpu.memref_slice %arg5[%dma_wait3A_328, %dma_wait3A_339] : memref<256x16384xf32, #tpu.memory_space<hbm>> -> memref<1x4096xf32, #tpu.memory_space<hbm>>
      %dma_wait3A_341 = tpu.memref_squeeze %dma_wait3A_340 : memref<1x4096xf32, #tpu.memory_space<hbm>> -> memref<4096xf32, #tpu.memory_space<hbm>>
      tpu.wait_dma2 semaphore(%arg13 : memref<!tpu.dma_semaphore, #tpu.memory_space<semaphore_mem>>) src(%dma_wait3A_341 : memref<4096xf32, #tpu.memory_space<hbm>>) dst(%dma_wait3A_338 : memref<4096xf32, #tpu.memory_space<vmem>>)
      %jit3A_342 = arith.constant 4 : i32
      %div3A_343 = arith.divsi %add3A_291, %jit3A_342 : i32
      %sign3A_344 = arith.constant 0 : i32
      %sign3A_345 = arith.cmpi sgt, %add3A_291, %sign3A_344 : i32
      %sign3A_346 = arith.extui %sign3A_345 : i1 to i32
      %sign3A_347 = arith.constant 0 : i32
      %sign3A_348 = arith.cmpi slt, %add3A_291, %sign3A_347 : i32
      %sign3A_349 = arith.extui %sign3A_348 : i1 to i32
      %sign3A_350 = arith.subi %sign3A_346, %sign3A_349 : i32
      %sign3A_351 = arith.constant 0 : i32
      %sign3A_352 = arith.cmpi sgt, %jit3A_342, %sign3A_351 : i32
      %sign3A_353 = arith.extui %sign3A_352 : i1 to i32
      %sign3A_354 = arith.constant 0 : i32
      %sign3A_355 = arith.cmpi slt, %jit3A_342, %sign3A_354 : i32
      %sign3A_356 = arith.extui %sign3A_355 : i1 to i32
      %sign3A_357 = arith.subi %sign3A_353, %sign3A_356 : i32
      %ne3A_358 = arith.cmpi ne, %sign3A_350, %sign3A_357 : i32
      %rem3A_359 = arith.remsi %add3A_291, %jit3A_342 : i32
      %ne3A_360 = arith.constant 0 : i32
      %ne3A_361 = arith.cmpi ne, %rem3A_359, %ne3A_360 : i32
      %and3A_362 = arith.andi %ne3A_358, %ne3A_361 : i1
      %sub3A_363 = arith.constant 1 : i32
      %sub3A_364 = arith.subi %div3A_343, %sub3A_363 : i32
      %select_n3A_365 = arith.select %and3A_362, %sub3A_364, %div3A_343 : i32
      %mul3A_366 = arith.constant 8 : i32
      %mul3A_367 = arith.muli %select_n3A_365, %mul3A_366 : i32
      %get3A_368 = arith.index_cast %mul3A_367 : i32 to index
      %get3A_369 = tpu.vector_load %arg11[%get3A_368] {strides = array<i32>} : memref<48xf32, #tpu.memory_space<vmem>>, vector<16xf32>,
      %get3A_370 = vector.shape_cast %get3A_369 : vector<16xf32> to vector<16xf32>
      %slice3A_371 = vector.extract_strided_slice %get3A_370 {offsets = [0], sizes = [1], strides = [1]} : vector<16xf32> to vector<1xf32>
      %squeeze3A_372 = vector.extract %slice3A_371[0] : f32 from vector<1xf32>
      %slice3A_373 = vector.extract_strided_slice %get3A_370 {offsets = [1], sizes = [1], strides = [1]} : vector<16xf32> to vector<1xf32>
      %squeeze3A_374 = vector.extract %slice3A_373[0] : f32 from vector<1xf32>
      %slice3A_375 = vector.extract_strided_slice %get3A_370 {offsets = [2], sizes = [1], strides = [1]} : vector<16xf32> to vector<1xf32>
      %squeeze3A_376 = vector.extract %slice3A_375[0] : f32 from vector<1xf32>
      %slice3A_377 = vector.extract_strided_slice %get3A_370 {offsets = [3], sizes = [1], strides = [1]} : vector<16xf32> to vector<1xf32>
      %squeeze3A_378 = vector.extract %slice3A_377[0] : f32 from vector<1xf32>
      %slice3A_379 = vector.extract_strided_slice %get3A_370 {offsets = [4], sizes = [1], strides = [1]} : vector<16xf32> to vector<1xf32>
      %squeeze3A_380 = vector.extract %slice3A_379[0] : f32 from vector<1xf32>
      %slice3A_381 = vector.extract_strided_slice %get3A_370 {offsets = [5], sizes = [1], strides = [1]} : vector<16xf32> to vector<1xf32>
      %squeeze3A_382 = vector.extract %slice3A_381[0] : f32 from vector<1xf32>
      %slice3A_383 = vector.extract_strided_slice %get3A_370 {offsets = [6], sizes = [1], strides = [1]} : vector<16xf32> to vector<1xf32>
      %squeeze3A_384 = vector.extract %slice3A_383[0] : f32 from vector<1xf32>
      %slice3A_385 = vector.extract_strided_slice %get3A_370 {offsets = [7], sizes = [1], strides = [1]} : vector<16xf32> to vector<1xf32>
      %squeeze3A_386 = vector.extract %slice3A_385[0] : f32 from vector<1xf32>
      %ge3A_387 = arith.constant 1 : i32
      %ge3A_388 = arith.cmpi sge, %scan3A_134, %ge3A_387 : i32
      %convert_element_type3A_389 = arith.extui %ge3A_388 : i1 to i32
      %cond3A_390 = arith.constant 0 : i32
      %cond3A_391 = arith.cmpi ne, %convert_element_type3A_389, %cond3A_390 : i32
      scf.if %cond3A_391 {
        %dma_wait3A_457 = arith.constant 1 : i32
        %dma_wait3A_458 = arith.constant 0 : i32
        %dma_wait3A_459 = arith.constant 0 : i32
        %dma_wait3A_460 = tpu.memref_slice %arg10[%dma_wait3A_457, %dma_wait3A_459] : memref<2x4096xf32, #tpu.memory_space<vmem>> -> memref<1x4096xf32, #tpu.memory_space<vmem>>
        %dma_wait3A_461 = tpu.memref_squeeze %dma_wait3A_460 : memref<1x4096xf32, #tpu.memory_space<vmem>> -> memref<4096xf32, #tpu.memory_space<vmem>>
        %dma_wait3A_462 = arith.constant 0 : i32
        %dma_wait3A_463 = tpu.memref_slice %arg6[%dma_wait3A_458, %dma_wait3A_462] : memref<128x16384xf32, #tpu.memory_space<hbm>> -> memref<1x4096xf32, #tpu.memory_space<hbm>>
        %dma_wait3A_464 = tpu.memref_squeeze %dma_wait3A_463 : memref<1x4096xf32, #tpu.memory_space<hbm>> -> memref<4096xf32, #tpu.memory_space<hbm>>
        %dma_wait3A_465 = arith.constant 0 : i32
        %dma_wait3A_466 = tpu.memref_slice %arg6[%dma_wait3A_458, %dma_wait3A_465] : memref<128x16384xf32, #tpu.memory_space<hbm>> -> memref<1x4096xf32, #tpu.memory_space<hbm>>
        %dma_wait3A_467 = tpu.memref_squeeze %dma_wait3A_466 : memref<1x4096xf32, #tpu.memory_space<hbm>> -> memref<4096xf32, #tpu.memory_space<hbm>>
        %dma_wait3A_468 = arith.constant 0 : i32
        %dma_wait3A_469 = tpu.memref_slice %arg10[%dma_wait3A_457, %dma_wait3A_468] : memref<2x4096xf32, #tpu.memory_space<vmem>> -> memref<1x4096xf32, #tpu.memory_space<vmem>>
        %dma_wait3A_470 = tpu.memref_squeeze %dma_wait3A_469 : memref<1x4096xf32, #tpu.memory_space<vmem>> -> memref<4096xf32, #tpu.memory_space<vmem>>
        tpu.wait_dma2 semaphore(%arg15 : memref<!tpu.dma_semaphore, #tpu.memory_space<semaphore_mem>>) src(%dma_wait3A_470 : memref<4096xf32, #tpu.memory_space<vmem>>) dst(%dma_wait3A_467 : memref<4096xf32, #tpu.memory_space<hbm>>)
      } else {
      }
      %scan3A_392 = arith.constant 0 : i32
      %scan3A_393 = arith.constant 0 : i32
      %scan3A_394 = arith.constant 32 : i32
      %scan3A_395 = arith.addi %scan3A_393, %scan3A_394 : i32
      %scan3A_396 = arith.constant 1 : i32
      scf.for %scan3A_457 = %scan3A_393 to %scan3A_395 step %scan3A_396  : i32 {
        %mul3A_458 = arith.constant 8 : i32
        %mul3A_459 = arith.muli %scan3A_457, %mul3A_458 : i32
        %add3A_460 = arith.constant 0 : i32
        %add3A_461 = arith.addi %mul3A_459, %add3A_460 : i32
        %mul3A_462 = arith.constant 16 : i32
        %mul3A_463 = arith.muli %add3A_461, %mul3A_462 : i32
        %get3A_464 = arith.constant 1 : i32
        %get3A_465 = arith.constant 0 : i32
        %get3A_466 = arith.index_cast %get3A_464 : i32 to index
        %get3A_467 = arith.index_cast %get3A_465 : i32 to index
        %get3A_468 = arith.index_cast %mul3A_463 : i32 to index
        %get3A_469 = tpu.vector_load %arg7[%get3A_466, %get3A_467, %get3A_468] {strides = array<i32>} : memref<2x4x4096xf32, #tpu.memory_space<vmem>>, vector<1x1x16xf32>,
        %get3A_470 = vector.shape_cast %get3A_469 : vector<1x1x16xf32> to vector<16xf32>
        %sub3A_471 = arith.constant 1.000000e+00 : f32
        %sub3A_472 = vector.broadcast %sub3A_471 : f32 to vector<16xf32>
        %sub3A_473 = arith.subf %sub3A_472, %get3A_470 : vector<16xf32>
        %get3A_474 = arith.constant 1 : i32
        %get3A_475 = arith.constant 1 : i32
        %get3A_476 = arith.index_cast %get3A_474 : i32 to index
        %get3A_477 = arith.index_cast %get3A_475 : i32 to index
        %get3A_478 = arith.index_cast %mul3A_463 : i32 to index
        %get3A_479 = tpu.vector_load %arg7[%get3A_476, %get3A_477, %get3A_478] {strides = array<i32>} : memref<2x4x4096xf32, #tpu.memory_space<vmem>>, vector<1x1x16xf32>,
        %get3A_480 = vector.shape_cast %get3A_479 : vector<1x1x16xf32> to vector<16xf32>
        %sub3A_481 = arith.constant 1.000000e+00 : f32
        %sub3A_482 = vector.broadcast %sub3A_481 : f32 to vector<16xf32>
        %sub3A_483 = arith.subf %sub3A_482, %get3A_480 : vector<16xf32>
        %mul3A_484 = arith.mulf %sub3A_473, %sub3A_483 : vector<16xf32>
        %get3A_485 = arith.constant 1 : i32
        %get3A_486 = arith.constant 2 : i32
        %get3A_487 = arith.index_cast %get3A_485 : i32 to index
        %get3A_488 = arith.index_cast %get3A_486 : i32 to index
        %get3A_489 = arith.index_cast %mul3A_463 : i32 to index
        %get3A_490 = tpu.vector_load %arg7[%get3A_487, %get3A_488, %get3A_489] {strides = array<i32>} : memref<2x4x4096xf32, #tpu.memory_space<vmem>>, vector<1x1x16xf32>,
        %get3A_491 = vector.shape_cast %get3A_490 : vector<1x1x16xf32> to vector<16xf32>
        %sub3A_492 = arith.constant 1.000000e+00 : f32
        %sub3A_493 = vector.broadcast %sub3A_492 : f32 to vector<16xf32>
        %sub3A_494 = arith.subf %sub3A_493, %get3A_491 : vector<16xf32>
        %mul3A_495 = arith.mulf %mul3A_484, %sub3A_494 : vector<16xf32>
        %get3A_496 = arith.constant 1 : i32
        %get3A_497 = arith.constant 3 : i32
        %get3A_498 = arith.index_cast %get3A_496 : i32 to index
        %get3A_499 = arith.index_cast %get3A_497 : i32 to index
        %get3A_500 = arith.index_cast %mul3A_463 : i32 to index
        %get3A_501 = tpu.vector_load %arg7[%get3A_498, %get3A_499, %get3A_500] {strides = array<i32>} : memref<2x4x4096xf32, #tpu.memory_space<vmem>>, vector<1x1x16xf32>,
        %get3A_502 = vector.shape_cast %get3A_501 : vector<1x1x16xf32> to vector<16xf32>
        %sub3A_503 = arith.constant 1.000000e+00 : f32
        %sub3A_504 = vector.broadcast %sub3A_503 : f32 to vector<16xf32>
        %sub3A_505 = arith.subf %sub3A_504, %get3A_502 : vector<16xf32>
        %mul3A_506 = arith.mulf %mul3A_495, %sub3A_505 : vector<16xf32>
        %get3A_507 = arith.constant 1 : i32
        %get3A_508 = arith.index_cast %get3A_507 : i32 to index
        %get3A_509 = arith.index_cast %mul3A_463 : i32 to index
        %get3A_510 = tpu.vector_load %arg9[%get3A_508, %get3A_509] {strides = array<i32>} : memref<2x4096xf32, #tpu.memory_space<vmem>>, vector<1x16xf32>,
        %get3A_511 = vector.shape_cast %get3A_510 : vector<1x16xf32> to vector<16xf32>
        %sub3A_512 = arith.constant 1.000000e+00 : f32
        %sub3A_513 = vector.broadcast %sub3A_512 : f32 to vector<16xf32>
        %sub3A_514 = arith.subf %sub3A_513, %get3A_511 : vector<16xf32>
        %mul3A_515 = arith.mulf %sub3A_514, %mul3A_506 : vector<16xf32>
        %get3A_516 = arith.constant 1 : i32
        %get3A_517 = arith.constant 0 : i32
        %get3A_518 = arith.index_cast %get3A_516 : i32 to index
        %get3A_519 = arith.index_cast %get3A_517 : i32 to index
        %get3A_520 = arith.index_cast %mul3A_463 : i32 to index
        %get3A_521 = tpu.vector_load %arg8[%get3A_518, %get3A_519, %get3A_520] {strides = array<i32>} : memref<2x8x4096xf32, #tpu.memory_space<vmem>>, vector<1x1x16xf32>,
        %get3A_522 = vector.shape_cast %get3A_521 : vector<1x1x16xf32> to vector<16xf32>
        %mul3A_523 = vector.broadcast %squeeze3A_372 : f32 to vector<16xf32>
        %mul3A_524 = arith.mulf %mul3A_523, %get3A_522 : vector<16xf32>
        %get3A_525 = arith.constant 1 : i32
        %get3A_526 = arith.constant 1 : i32
        %get3A_527 = arith.index_cast %get3A_525 : i32 to index
        %get3A_528 = arith.index_cast %get3A_526 : i32 to index
        %get3A_529 = arith.index_cast %mul3A_463 : i32 to index
        %get3A_530 = tpu.vector_load %arg8[%get3A_527, %get3A_528, %get3A_529] {strides = array<i32>} : memref<2x8x4096xf32, #tpu.memory_space<vmem>>, vector<1x1x16xf32>,
        %get3A_531 = vector.shape_cast %get3A_530 : vector<1x1x16xf32> to vector<16xf32>
        %mul3A_532 = vector.broadcast %squeeze3A_374 : f32 to vector<16xf32>
        %mul3A_533 = arith.mulf %mul3A_532, %get3A_531 : vector<16xf32>
        %add3A_534 = arith.addf %mul3A_524, %mul3A_533 : vector<16xf32>
        %get3A_535 = arith.constant 1 : i32
        %get3A_536 = arith.constant 2 : i32
        %get3A_537 = arith.index_cast %get3A_535 : i32 to index
        %get3A_538 = arith.index_cast %get3A_536 : i32 to index
        %get3A_539 = arith.index_cast %mul3A_463 : i32 to index
        %get3A_540 = tpu.vector_load %arg8[%get3A_537, %get3A_538, %get3A_539] {strides = array<i32>} : memref<2x8x4096xf32, #tpu.memory_space<vmem>>, vector<1x1x16xf32>,
        %get3A_541 = vector.shape_cast %get3A_540 : vector<1x1x16xf32> to vector<16xf32>
        %mul3A_542 = vector.broadcast %squeeze3A_376 : f32 to vector<16xf32>
        %mul3A_543 = arith.mulf %mul3A_542, %get3A_541 : vector<16xf32>
        %add3A_544 = arith.addf %add3A_534, %mul3A_543 : vector<16xf32>
        %get3A_545 = arith.constant 1 : i32
        %get3A_546 = arith.constant 3 : i32
        %get3A_547 = arith.index_cast %get3A_545 : i32 to index
        %get3A_548 = arith.index_cast %get3A_546 : i32 to index
        %get3A_549 = arith.index_cast %mul3A_463 : i32 to index
        %get3A_550 = tpu.vector_load %arg8[%get3A_547, %get3A_548, %get3A_549] {strides = array<i32>} : memref<2x8x4096xf32, #tpu.memory_space<vmem>>, vector<1x1x16xf32>,
        %get3A_551 = vector.shape_cast %get3A_550 : vector<1x1x16xf32> to vector<16xf32>
        %mul3A_552 = vector.broadcast %squeeze3A_378 : f32 to vector<16xf32>
        %mul3A_553 = arith.mulf %mul3A_552, %get3A_551 : vector<16xf32>
        %add3A_554 = arith.addf %add3A_544, %mul3A_553 : vector<16xf32>
        %get3A_555 = arith.constant 1 : i32
        %get3A_556 = arith.constant 4 : i32
        %get3A_557 = arith.index_cast %get3A_555 : i32 to index
        %get3A_558 = arith.index_cast %get3A_556 : i32 to index
        %get3A_559 = arith.index_cast %mul3A_463 : i32 to index
        %get3A_560 = tpu.vector_load %arg8[%get3A_557, %get3A_558, %get3A_559] {strides = array<i32>} : memref<2x8x4096xf32, #tpu.memory_space<vmem>>, vector<1x1x16xf32>,
        %get3A_561 = vector.shape_cast %get3A_560 : vector<1x1x16xf32> to vector<16xf32>
        %mul3A_562 = vector.broadcast %squeeze3A_380 : f32 to vector<16xf32>
        %mul3A_563 = arith.mulf %mul3A_562, %get3A_561 : vector<16xf32>
        %add3A_564 = arith.addf %add3A_554, %mul3A_563 : vector<16xf32>
        %get3A_565 = arith.constant 1 : i32
        %get3A_566 = arith.constant 5 : i32
        %get3A_567 = arith.index_cast %get3A_565 : i32 to index
        %get3A_568 = arith.index_cast %get3A_566 : i32 to index
        %get3A_569 = arith.index_cast %mul3A_463 : i32 to index
        %get3A_570 = tpu.vector_load %arg8[%get3A_567, %get3A_568, %get3A_569] {strides = array<i32>} : memref<2x8x4096xf32, #tpu.memory_space<vmem>>, vector<1x1x16xf32>,
        %get3A_571 = vector.shape_cast %get3A_570 : vector<1x1x16xf32> to vector<16xf32>
        %mul3A_572 = vector.broadcast %squeeze3A_382 : f32 to vector<16xf32>
        %mul3A_573 = arith.mulf %mul3A_572, %get3A_571 : vector<16xf32>
        %add3A_574 = arith.addf %add3A_564, %mul3A_573 : vector<16xf32>
        %get3A_575 = arith.constant 1 : i32
        %get3A_576 = arith.constant 6 : i32
        %get3A_577 = arith.index_cast %get3A_575 : i32 to index
        %get3A_578 = arith.index_cast %get3A_576 : i32 to index
        %get3A_579 = arith.index_cast %mul3A_463 : i32 to index
        %get3A_580 = tpu.vector_load %arg8[%get3A_577, %get3A_578, %get3A_579] {strides = array<i32>} : memref<2x8x4096xf32, #tpu.memory_space<vmem>>, vector<1x1x16xf32>,
        %get3A_581 = vector.shape_cast %get3A_580 : vector<1x1x16xf32> to vector<16xf32>
        %mul3A_582 = vector.broadcast %squeeze3A_384 : f32 to vector<16xf32>
        %mul3A_583 = arith.mulf %mul3A_582, %get3A_581 : vector<16xf32>
        %add3A_584 = arith.addf %add3A_574, %mul3A_583 : vector<16xf32>
        %get3A_585 = arith.constant 1 : i32
        %get3A_586 = arith.constant 7 : i32
        %get3A_587 = arith.index_cast %get3A_585 : i32 to index
        %get3A_588 = arith.index_cast %get3A_586 : i32 to index
        %get3A_589 = arith.index_cast %mul3A_463 : i32 to index
        %get3A_590 = tpu.vector_load %arg8[%get3A_587, %get3A_588, %get3A_589] {strides = array<i32>} : memref<2x8x4096xf32, #tpu.memory_space<vmem>>, vector<1x1x16xf32>,
        %get3A_591 = vector.shape_cast %get3A_590 : vector<1x1x16xf32> to vector<16xf32>
        %mul3A_592 = vector.broadcast %squeeze3A_386 : f32 to vector<16xf32>
        %mul3A_593 = arith.mulf %mul3A_592, %get3A_591 : vector<16xf32>
        %add3A_594 = arith.addf %add3A_584, %mul3A_593 : vector<16xf32>
        %sub3A_595 = arith.constant 1.000000e+00 : f32
        %sub3A_596 = vector.broadcast %sub3A_595 : f32 to vector<16xf32>
        %sub3A_597 = arith.subf %sub3A_596, %mul3A_515 : vector<16xf32>
        %sub3A_598 = arith.subf %sub3A_597, %add3A_594 : vector<16xf32>
        %max3A = arith.constant 0.000000e+00 : f32
        %max3A_599 = vector.broadcast %max3A : f32 to vector<16xf32>
        %max3A_600 = arith.maximumf %sub3A_598, %max3A_599 : vector<16xf32>
        %min3A = arith.constant 1.000000e+00 : f32
        %min3A_601 = vector.broadcast %min3A : f32 to vector<16xf32>
        %min3A_602 = arith.minimumf %max3A_600, %min3A_601 : vector<16xf32>
        %swap3A = arith.constant 1 : i32
        %swap3A_603 = arith.index_cast %swap3A : i32 to index
        %swap3A_604 = arith.index_cast %mul3A_463 : i32 to index
        %swap3A_605 = tpu.vector_load %arg10[%swap3A_603, %swap3A_604] {strides = array<i32>} : memref<2x4096xf32, #tpu.memory_space<vmem>>, vector<1x16xf32>,
        %swap3A_606 = vector.shape_cast %swap3A_605 : vector<1x16xf32> to vector<16xf32>
        %swap3A_607 = vector.shape_cast %min3A_602 : vector<16xf32> to vector<1x16xf32>
        tpu.vector_store %arg10[%swap3A_603, %swap3A_604], %swap3A_607 {strides = array<i32>} : memref<2x4096xf32, #tpu.memory_space<vmem>>, vector<1x16xf32>,
        %mul3A_608 = arith.constant 8 : i32
        %mul3A_609 = arith.muli %scan3A_457, %mul3A_608 : i32
        %add3A_610 = arith.constant 1 : i32
        %add3A_611 = arith.addi %mul3A_609, %add3A_610 : i32
        %mul3A_612 = arith.constant 16 : i32
        %mul3A_613 = arith.muli %add3A_611, %mul3A_612 : i32
        %get3A_614 = arith.constant 1 : i32
        %get3A_615 = arith.constant 0 : i32
        %get3A_616 = arith.index_cast %get3A_614 : i32 to index
        %get3A_617 = arith.index_cast %get3A_615 : i32 to index
        %get3A_618 = arith.index_cast %mul3A_613 : i32 to index
        %get3A_619 = tpu.vector_load %arg7[%get3A_616, %get3A_617, %get3A_618] {strides = array<i32>} : memref<2x4x4096xf32, #tpu.memory_space<vmem>>, vector<1x1x16xf32>,
        %get3A_620 = vector.shape_cast %get3A_619 : vector<1x1x16xf32> to vector<16xf32>
        %sub3A_621 = arith.constant 1.000000e+00 : f32
        %sub3A_622 = vector.broadcast %sub3A_621 : f32 to vector<16xf32>
        %sub3A_623 = arith.subf %sub3A_622, %get3A_620 : vector<16xf32>
        %get3A_624 = arith.constant 1 : i32
        %get3A_625 = arith.constant 1 : i32
        %get3A_626 = arith.index_cast %get3A_624 : i32 to index
        %get3A_627 = arith.index_cast %get3A_625 : i32 to index
        %get3A_628 = arith.index_cast %mul3A_613 : i32 to index
        %get3A_629 = tpu.vector_load %arg7[%get3A_626, %get3A_627, %get3A_628] {strides = array<i32>} : memref<2x4x4096xf32, #tpu.memory_space<vmem>>, vector<1x1x16xf32>,
        %get3A_630 = vector.shape_cast %get3A_629 : vector<1x1x16xf32> to vector<16xf32>
        %sub3A_631 = arith.constant 1.000000e+00 : f32
        %sub3A_632 = vector.broadcast %sub3A_631 : f32 to vector<16xf32>
        %sub3A_633 = arith.subf %sub3A_632, %get3A_630 : vector<16xf32>
        %mul3A_634 = arith.mulf %sub3A_623, %sub3A_633 : vector<16xf32>
        %get3A_635 = arith.constant 1 : i32
        %get3A_636 = arith.constant 2 : i32
        %get3A_637 = arith.index_cast %get3A_635 : i32 to index
        %get3A_638 = arith.index_cast %get3A_636 : i32 to index
        %get3A_639 = arith.index_cast %mul3A_613 : i32 to index
        %get3A_640 = tpu.vector_load %arg7[%get3A_637, %get3A_638, %get3A_639] {strides = array<i32>} : memref<2x4x4096xf32, #tpu.memory_space<vmem>>, vector<1x1x16xf32>,
        %get3A_641 = vector.shape_cast %get3A_640 : vector<1x1x16xf32> to vector<16xf32>
        %sub3A_642 = arith.constant 1.000000e+00 : f32
        %sub3A_643 = vector.broadcast %sub3A_642 : f32 to vector<16xf32>
        %sub3A_644 = arith.subf %sub3A_643, %get3A_641 : vector<16xf32>
        %mul3A_645 = arith.mulf %mul3A_634, %sub3A_644 : vector<16xf32>
        %get3A_646 = arith.constant 1 : i32
        %get3A_647 = arith.constant 3 : i32
        %get3A_648 = arith.index_cast %get3A_646 : i32 to index
        %get3A_649 = arith.index_cast %get3A_647 : i32 to index
        %get3A_650 = arith.index_cast %mul3A_613 : i32 to index
        %get3A_651 = tpu.vector_load %arg7[%get3A_648, %get3A_649, %get3A_650] {strides = array<i32>} : memref<2x4x4096xf32, #tpu.memory_space<vmem>>, vector<1x1x16xf32>,
        %get3A_652 = vector.shape_cast %get3A_651 : vector<1x1x16xf32> to vector<16xf32>
        %sub3A_653 = arith.constant 1.000000e+00 : f32
        %sub3A_654 = vector.broadcast %sub3A_653 : f32 to vector<16xf32>
        %sub3A_655 = arith.subf %sub3A_654, %get3A_652 : vector<16xf32>
        %mul3A_656 = arith.mulf %mul3A_645, %sub3A_655 : vector<16xf32>
        %get3A_657 = arith.constant 1 : i32
        %get3A_658 = arith.index_cast %get3A_657 : i32 to index
        %get3A_659 = arith.index_cast %mul3A_613 : i32 to index
        %get3A_660 = tpu.vector_load %arg9[%get3A_658, %get3A_659] {strides = array<i32>} : memref<2x4096xf32, #tpu.memory_space<vmem>>, vector<1x16xf32>,
        %get3A_661 = vector.shape_cast %get3A_660 : vector<1x16xf32> to vector<16xf32>
        %sub3A_662 = arith.constant 1.000000e+00 : f32
        %sub3A_663 = vector.broadcast %sub3A_662 : f32 to vector<16xf32>
        %sub3A_664 = arith.subf %sub3A_663, %get3A_661 : vector<16xf32>
        %mul3A_665 = arith.mulf %sub3A_664, %mul3A_656 : vector<16xf32>
        %get3A_666 = arith.constant 1 : i32
        %get3A_667 = arith.constant 0 : i32
        %get3A_668 = arith.index_cast %get3A_666 : i32 to index
        %get3A_669 = arith.index_cast %get3A_667 : i32 to index
        %get3A_670 = arith.index_cast %mul3A_613 : i32 to index
        %get3A_671 = tpu.vector_load %arg8[%get3A_668, %get3A_669, %get3A_670] {strides = array<i32>} : memref<2x8x4096xf32, #tpu.memory_space<vmem>>, vector<1x1x16xf32>,
        %get3A_672 = vector.shape_cast %get3A_671 : vector<1x1x16xf32> to vector<16xf32>
        %mul3A_673 = vector.broadcast %squeeze3A_372 : f32 to vector<16xf32>
        %mul3A_674 = arith.mulf %mul3A_673, %get3A_672 : vector<16xf32>
        %get3A_675 = arith.constant 1 : i32
        %get3A_676 = arith.constant 1 : i32
        %get3A_677 = arith.index_cast %get3A_675 : i32 to index
        %get3A_678 = arith.index_cast %get3A_676 : i32 to index
        %get3A_679 = arith.index_cast %mul3A_613 : i32 to index
        %get3A_680 = tpu.vector_load %arg8[%get3A_677, %get3A_678, %get3A_679] {strides = array<i32>} : memref<2x8x4096xf32, #tpu.memory_space<vmem>>, vector<1x1x16xf32>,
        %get3A_681 = vector.shape_cast %get3A_680 : vector<1x1x16xf32> to vector<16xf32>
        %mul3A_682 = vector.broadcast %squeeze3A_374 : f32 to vector<16xf32>
        %mul3A_683 = arith.mulf %mul3A_682, %get3A_681 : vector<16xf32>
        %add3A_684 = arith.addf %mul3A_674, %mul3A_683 : vector<16xf32>
        %get3A_685 = arith.constant 1 : i32
        %get3A_686 = arith.constant 2 : i32
        %get3A_687 = arith.index_cast %get3A_685 : i32 to index
        %get3A_688 = arith.index_cast %get3A_686 : i32 to index
        %get3A_689 = arith.index_cast %mul3A_613 : i32 to index
        %get3A_690 = tpu.vector_load %arg8[%get3A_687, %get3A_688, %get3A_689] {strides = array<i32>} : memref<2x8x4096xf32, #tpu.memory_space<vmem>>, vector<1x1x16xf32>,
        %get3A_691 = vector.shape_cast %get3A_690 : vector<1x1x16xf32> to vector<16xf32>
        %mul3A_692 = vector.broadcast %squeeze3A_376 : f32 to vector<16xf32>
        %mul3A_693 = arith.mulf %mul3A_692, %get3A_691 : vector<16xf32>
        %add3A_694 = arith.addf %add3A_684, %mul3A_693 : vector<16xf32>
        %get3A_695 = arith.constant 1 : i32
        %get3A_696 = arith.constant 3 : i32
        %get3A_697 = arith.index_cast %get3A_695 : i32 to index
        %get3A_698 = arith.index_cast %get3A_696 : i32 to index
        %get3A_699 = arith.index_cast %mul3A_613 : i32 to index
        %get3A_700 = tpu.vector_load %arg8[%get3A_697, %get3A_698, %get3A_699] {strides = array<i32>} : memref<2x8x4096xf32, #tpu.memory_space<vmem>>, vector<1x1x16xf32>,
        %get3A_701 = vector.shape_cast %get3A_700 : vector<1x1x16xf32> to vector<16xf32>
        %mul3A_702 = vector.broadcast %squeeze3A_378 : f32 to vector<16xf32>
        %mul3A_703 = arith.mulf %mul3A_702, %get3A_701 : vector<16xf32>
        %add3A_704 = arith.addf %add3A_694, %mul3A_703 : vector<16xf32>
        %get3A_705 = arith.constant 1 : i32
        %get3A_706 = arith.constant 4 : i32
        %get3A_707 = arith.index_cast %get3A_705 : i32 to index
        %get3A_708 = arith.index_cast %get3A_706 : i32 to index
        %get3A_709 = arith.index_cast %mul3A_613 : i32 to index
        %get3A_710 = tpu.vector_load %arg8[%get3A_707, %get3A_708, %get3A_709] {strides = array<i32>} : memref<2x8x4096xf32, #tpu.memory_space<vmem>>, vector<1x1x16xf32>,
        %get3A_711 = vector.shape_cast %get3A_710 : vector<1x1x16xf32> to vector<16xf32>
        %mul3A_712 = vector.broadcast %squeeze3A_380 : f32 to vector<16xf32>
        %mul3A_713 = arith.mulf %mul3A_712, %get3A_711 : vector<16xf32>
        %add3A_714 = arith.addf %add3A_704, %mul3A_713 : vector<16xf32>
        %get3A_715 = arith.constant 1 : i32
        %get3A_716 = arith.constant 5 : i32
        %get3A_717 = arith.index_cast %get3A_715 : i32 to index
        %get3A_718 = arith.index_cast %get3A_716 : i32 to index
        %get3A_719 = arith.index_cast %mul3A_613 : i32 to index
        %get3A_720 = tpu.vector_load %arg8[%get3A_717, %get3A_718, %get3A_719] {strides = array<i32>} : memref<2x8x4096xf32, #tpu.memory_space<vmem>>, vector<1x1x16xf32>,
        %get3A_721 = vector.shape_cast %get3A_720 : vector<1x1x16xf32> to vector<16xf32>
        %mul3A_722 = vector.broadcast %squeeze3A_382 : f32 to vector<16xf32>
        %mul3A_723 = arith.mulf %mul3A_722, %get3A_721 : vector<16xf32>
        %add3A_724 = arith.addf %add3A_714, %mul3A_723 : vector<16xf32>
        %get3A_725 = arith.constant 1 : i32
        %get3A_726 = arith.constant 6 : i32
        %get3A_727 = arith.index_cast %get3A_725 : i32 to index
        %get3A_728 = arith.index_cast %get3A_726 : i32 to index
        %get3A_729 = arith.index_cast %mul3A_613 : i32 to index
        %get3A_730 = tpu.vector_load %arg8[%get3A_727, %get3A_728, %get3A_729] {strides = array<i32>} : memref<2x8x4096xf32, #tpu.memory_space<vmem>>, vector<1x1x16xf32>,
        %get3A_731 = vector.shape_cast %get3A_730 : vector<1x1x16xf32> to vector<16xf32>
        %mul3A_732 = vector.broadcast %squeeze3A_384 : f32 to vector<16xf32>
        %mul3A_733 = arith.mulf %mul3A_732, %get3A_731 : vector<16xf32>
        %add3A_734 = arith.addf %add3A_724, %mul3A_733 : vector<16xf32>
        %get3A_735 = arith.constant 1 : i32
        %get3A_736 = arith.constant 7 : i32
        %get3A_737 = arith.index_cast %get3A_735 : i32 to index
        %get3A_738 = arith.index_cast %get3A_736 : i32 to index
        %get3A_739 = arith.index_cast %mul3A_613 : i32 to index
        %get3A_740 = tpu.vector_load %arg8[%get3A_737, %get3A_738, %get3A_739] {strides = array<i32>} : memref<2x8x4096xf32, #tpu.memory_space<vmem>>, vector<1x1x16xf32>,
        %get3A_741 = vector.shape_cast %get3A_740 : vector<1x1x16xf32> to vector<16xf32>
        %mul3A_742 = vector.broadcast %squeeze3A_386 : f32 to vector<16xf32>
        %mul3A_743 = arith.mulf %mul3A_742, %get3A_741 : vector<16xf32>
        %add3A_744 = arith.addf %add3A_734, %mul3A_743 : vector<16xf32>
        %sub3A_745 = arith.constant 1.000000e+00 : f32
        %sub3A_746 = vector.broadcast %sub3A_745 : f32 to vector<16xf32>
        %sub3A_747 = arith.subf %sub3A_746, %mul3A_665 : vector<16xf32>
        %sub3A_748 = arith.subf %sub3A_747, %add3A_744 : vector<16xf32>
        %max3A_749 = arith.constant 0.000000e+00 : f32
        %max3A_750 = vector.broadcast %max3A_749 : f32 to vector<16xf32>
        %max3A_751 = arith.maximumf %sub3A_748, %max3A_750 : vector<16xf32>
        %min3A_752 = arith.constant 1.000000e+00 : f32
        %min3A_753 = vector.broadcast %min3A_752 : f32 to vector<16xf32>
        %min3A_754 = arith.minimumf %max3A_751, %min3A_753 : vector<16xf32>
        %swap3A_755 = arith.constant 1 : i32
        %swap3A_756 = arith.index_cast %swap3A_755 : i32 to index
        %swap3A_757 = arith.index_cast %mul3A_613 : i32 to index
        %swap3A_758 = tpu.vector_load %arg10[%swap3A_756, %swap3A_757] {strides = array<i32>} : memref<2x4096xf32, #tpu.memory_space<vmem>>, vector<1x16xf32>,
        %swap3A_759 = vector.shape_cast %swap3A_758 : vector<1x16xf32> to vector<16xf32>
        %swap3A_760 = vector.shape_cast %min3A_754 : vector<16xf32> to vector<1x16xf32>
        tpu.vector_store %arg10[%swap3A_756, %swap3A_757], %swap3A_760 {strides = array<i32>} : memref<2x4096xf32, #tpu.memory_space<vmem>>, vector<1x16xf32>,
        %mul3A_761 = arith.constant 8 : i32
        %mul3A_762 = arith.muli %scan3A_457, %mul3A_761 : i32
        %add3A_763 = arith.constant 2 : i32
        %add3A_764 = arith.addi %mul3A_762, %add3A_763 : i32
        %mul3A_765 = arith.constant 16 : i32
        %mul3A_766 = arith.muli %add3A_764, %mul3A_765 : i32
        %get3A_767 = arith.constant 1 : i32
        %get3A_768 = arith.constant 0 : i32
        %get3A_769 = arith.index_cast %get3A_767 : i32 to index
        %get3A_770 = arith.index_cast %get3A_768 : i32 to index
        %get3A_771 = arith.index_cast %mul3A_766 : i32 to index
        %get3A_772 = tpu.vector_load %arg7[%get3A_769, %get3A_770, %get3A_771] {strides = array<i32>} : memref<2x4x4096xf32, #tpu.memory_space<vmem>>, vector<1x1x16xf32>,
        %get3A_773 = vector.shape_cast %get3A_772 : vector<1x1x16xf32> to vector<16xf32>
        %sub3A_774 = arith.constant 1.000000e+00 : f32
        %sub3A_775 = vector.broadcast %sub3A_774 : f32 to vector<16xf32>
        %sub3A_776 = arith.subf %sub3A_775, %get3A_773 : vector<16xf32>
        %get3A_777 = arith.constant 1 : i32
        %get3A_778 = arith.constant 1 : i32
        %get3A_779 = arith.index_cast %get3A_777 : i32 to index
        %get3A_780 = arith.index_cast %get3A_778 : i32 to index
        %get3A_781 = arith.index_cast %mul3A_766 : i32 to index
        %get3A_782 = tpu.vector_load %arg7[%get3A_779, %get3A_780, %get3A_781] {strides = array<i32>} : memref<2x4x4096xf32, #tpu.memory_space<vmem>>, vector<1x1x16xf32>,
        %get3A_783 = vector.shape_cast %get3A_782 : vector<1x1x16xf32> to vector<16xf32>
        %sub3A_784 = arith.constant 1.000000e+00 : f32
        %sub3A_785 = vector.broadcast %sub3A_784 : f32 to vector<16xf32>
        %sub3A_786 = arith.subf %sub3A_785, %get3A_783 : vector<16xf32>
        %mul3A_787 = arith.mulf %sub3A_776, %sub3A_786 : vector<16xf32>
        %get3A_788 = arith.constant 1 : i32
        %get3A_789 = arith.constant 2 : i32
        %get3A_790 = arith.index_cast %get3A_788 : i32 to index
        %get3A_791 = arith.index_cast %get3A_789 : i32 to index
        %get3A_792 = arith.index_cast %mul3A_766 : i32 to index
        %get3A_793 = tpu.vector_load %arg7[%get3A_790, %get3A_791, %get3A_792] {strides = array<i32>} : memref<2x4x4096xf32, #tpu.memory_space<vmem>>, vector<1x1x16xf32>,
        %get3A_794 = vector.shape_cast %get3A_793 : vector<1x1x16xf32> to vector<16xf32>
        %sub3A_795 = arith.constant 1.000000e+00 : f32
        %sub3A_796 = vector.broadcast %sub3A_795 : f32 to vector<16xf32>
        %sub3A_797 = arith.subf %sub3A_796, %get3A_794 : vector<16xf32>
        %mul3A_798 = arith.mulf %mul3A_787, %sub3A_797 : vector<16xf32>
        %get3A_799 = arith.constant 1 : i32
        %get3A_800 = arith.constant 3 : i32
        %get3A_801 = arith.index_cast %get3A_799 : i32 to index
        %get3A_802 = arith.index_cast %get3A_800 : i32 to index
        %get3A_803 = arith.index_cast %mul3A_766 : i32 to index
        %get3A_804 = tpu.vector_load %arg7[%get3A_801, %get3A_802, %get3A_803] {strides = array<i32>} : memref<2x4x4096xf32, #tpu.memory_space<vmem>>, vector<1x1x16xf32>,
        %get3A_805 = vector.shape_cast %get3A_804 : vector<1x1x16xf32> to vector<16xf32>
        %sub3A_806 = arith.constant 1.000000e+00 : f32
        %sub3A_807 = vector.broadcast %sub3A_806 : f32 to vector<16xf32>
        %sub3A_808 = arith.subf %sub3A_807, %get3A_805 : vector<16xf32>
        %mul3A_809 = arith.mulf %mul3A_798, %sub3A_808 : vector<16xf32>
        %get3A_810 = arith.constant 1 : i32
        %get3A_811 = arith.index_cast %get3A_810 : i32 to index
        %get3A_812 = arith.index_cast %mul3A_766 : i32 to index
        %get3A_813 = tpu.vector_load %arg9[%get3A_811, %get3A_812] {strides = array<i32>} : memref<2x4096xf32, #tpu.memory_space<vmem>>, vector<1x16xf32>,
        %get3A_814 = vector.shape_cast %get3A_813 : vector<1x16xf32> to vector<16xf32>
        %sub3A_815 = arith.constant 1.000000e+00 : f32
        %sub3A_816 = vector.broadcast %sub3A_815 : f32 to vector<16xf32>
        %sub3A_817 = arith.subf %sub3A_816, %get3A_814 : vector<16xf32>
        %mul3A_818 = arith.mulf %sub3A_817, %mul3A_809 : vector<16xf32>
        %get3A_819 = arith.constant 1 : i32
        %get3A_820 = arith.constant 0 : i32
        %get3A_821 = arith.index_cast %get3A_819 : i32 to index
        %get3A_822 = arith.index_cast %get3A_820 : i32 to index
        %get3A_823 = arith.index_cast %mul3A_766 : i32 to index
        %get3A_824 = tpu.vector_load %arg8[%get3A_821, %get3A_822, %get3A_823] {strides = array<i32>} : memref<2x8x4096xf32, #tpu.memory_space<vmem>>, vector<1x1x16xf32>,
        %get3A_825 = vector.shape_cast %get3A_824 : vector<1x1x16xf32> to vector<16xf32>
        %mul3A_826 = vector.broadcast %squeeze3A_372 : f32 to vector<16xf32>
        %mul3A_827 = arith.mulf %mul3A_826, %get3A_825 : vector<16xf32>
        %get3A_828 = arith.constant 1 : i32
        %get3A_829 = arith.constant 1 : i32
        %get3A_830 = arith.index_cast %get3A_828 : i32 to index
        %get3A_831 = arith.index_cast %get3A_829 : i32 to index
        %get3A_832 = arith.index_cast %mul3A_766 : i32 to index
        %get3A_833 = tpu.vector_load %arg8[%get3A_830, %get3A_831, %get3A_832] {strides = array<i32>} : memref<2x8x4096xf32, #tpu.memory_space<vmem>>, vector<1x1x16xf32>,
        %get3A_834 = vector.shape_cast %get3A_833 : vector<1x1x16xf32> to vector<16xf32>
        %mul3A_835 = vector.broadcast %squeeze3A_374 : f32 to vector<16xf32>
        %mul3A_836 = arith.mulf %mul3A_835, %get3A_834 : vector<16xf32>
        %add3A_837 = arith.addf %mul3A_827, %mul3A_836 : vector<16xf32>
        %get3A_838 = arith.constant 1 : i32
        %get3A_839 = arith.constant 2 : i32
        %get3A_840 = arith.index_cast %get3A_838 : i32 to index
        %get3A_841 = arith.index_cast %get3A_839 : i32 to index
        %get3A_842 = arith.index_cast %mul3A_766 : i32 to index
        %get3A_843 = tpu.vector_load %arg8[%get3A_840, %get3A_841, %get3A_842] {strides = array<i32>} : memref<2x8x4096xf32, #tpu.memory_space<vmem>>, vector<1x1x16xf32>,
        %get3A_844 = vector.shape_cast %get3A_843 : vector<1x1x16xf32> to vector<16xf32>
        %mul3A_845 = vector.broadcast %squeeze3A_376 : f32 to vector<16xf32>
        %mul3A_846 = arith.mulf %mul3A_845, %get3A_844 : vector<16xf32>
        %add3A_847 = arith.addf %add3A_837, %mul3A_846 : vector<16xf32>
        %get3A_848 = arith.constant 1 : i32
        %get3A_849 = arith.constant 3 : i32
        %get3A_850 = arith.index_cast %get3A_848 : i32 to index
        %get3A_851 = arith.index_cast %get3A_849 : i32 to index
        %get3A_852 = arith.index_cast %mul3A_766 : i32 to index
        %get3A_853 = tpu.vector_load %arg8[%get3A_850, %get3A_851, %get3A_852] {strides = array<i32>} : memref<2x8x4096xf32, #tpu.memory_space<vmem>>, vector<1x1x16xf32>,
        %get3A_854 = vector.shape_cast %get3A_853 : vector<1x1x16xf32> to vector<16xf32>
        %mul3A_855 = vector.broadcast %squeeze3A_378 : f32 to vector<16xf32>
        %mul3A_856 = arith.mulf %mul3A_855, %get3A_854 : vector<16xf32>
        %add3A_857 = arith.addf %add3A_847, %mul3A_856 : vector<16xf32>
        %get3A_858 = arith.constant 1 : i32
        %get3A_859 = arith.constant 4 : i32
        %get3A_860 = arith.index_cast %get3A_858 : i32 to index
        %get3A_861 = arith.index_cast %get3A_859 : i32 to index
        %get3A_862 = arith.index_cast %mul3A_766 : i32 to index
        %get3A_863 = tpu.vector_load %arg8[%get3A_860, %get3A_861, %get3A_862] {strides = array<i32>} : memref<2x8x4096xf32, #tpu.memory_space<vmem>>, vector<1x1x16xf32>,
        %get3A_864 = vector.shape_cast %get3A_863 : vector<1x1x16xf32> to vector<16xf32>
        %mul3A_865 = vector.broadcast %squeeze3A_380 : f32 to vector<16xf32>
        %mul3A_866 = arith.mulf %mul3A_865, %get3A_864 : vector<16xf32>
        %add3A_867 = arith.addf %add3A_857, %mul3A_866 : vector<16xf32>
        %get3A_868 = arith.constant 1 : i32
        %get3A_869 = arith.constant 5 : i32
        %get3A_870 = arith.index_cast %get3A_868 : i32 to index
        %get3A_871 = arith.index_cast %get3A_869 : i32 to index
        %get3A_872 = arith.index_cast %mul3A_766 : i32 to index
        %get3A_873 = tpu.vector_load %arg8[%get3A_870, %get3A_871, %get3A_872] {strides = array<i32>} : memref<2x8x4096xf32, #tpu.memory_space<vmem>>, vector<1x1x16xf32>,
        %get3A_874 = vector.shape_cast %get3A_873 : vector<1x1x16xf32> to vector<16xf32>
        %mul3A_875 = vector.broadcast %squeeze3A_382 : f32 to vector<16xf32>
        %mul3A_876 = arith.mulf %mul3A_875, %get3A_874 : vector<16xf32>
        %add3A_877 = arith.addf %add3A_867, %mul3A_876 : vector<16xf32>
        %get3A_878 = arith.constant 1 : i32
        %get3A_879 = arith.constant 6 : i32
        %get3A_880 = arith.index_cast %get3A_878 : i32 to index
        %get3A_881 = arith.index_cast %get3A_879 : i32 to index
        %get3A_882 = arith.index_cast %mul3A_766 : i32 to index
        %get3A_883 = tpu.vector_load %arg8[%get3A_880, %get3A_881, %get3A_882] {strides = array<i32>} : memref<2x8x4096xf32, #tpu.memory_space<vmem>>, vector<1x1x16xf32>,
        %get3A_884 = vector.shape_cast %get3A_883 : vector<1x1x16xf32> to vector<16xf32>
        %mul3A_885 = vector.broadcast %squeeze3A_384 : f32 to vector<16xf32>
        %mul3A_886 = arith.mulf %mul3A_885, %get3A_884 : vector<16xf32>
        %add3A_887 = arith.addf %add3A_877, %mul3A_886 : vector<16xf32>
        %get3A_888 = arith.constant 1 : i32
        %get3A_889 = arith.constant 7 : i32
        %get3A_890 = arith.index_cast %get3A_888 : i32 to index
        %get3A_891 = arith.index_cast %get3A_889 : i32 to index
        %get3A_892 = arith.index_cast %mul3A_766 : i32 to index
        %get3A_893 = tpu.vector_load %arg8[%get3A_890, %get3A_891, %get3A_892] {strides = array<i32>} : memref<2x8x4096xf32, #tpu.memory_space<vmem>>, vector<1x1x16xf32>,
        %get3A_894 = vector.shape_cast %get3A_893 : vector<1x1x16xf32> to vector<16xf32>
        %mul3A_895 = vector.broadcast %squeeze3A_386 : f32 to vector<16xf32>
        %mul3A_896 = arith.mulf %mul3A_895, %get3A_894 : vector<16xf32>
        %add3A_897 = arith.addf %add3A_887, %mul3A_896 : vector<16xf32>
        %sub3A_898 = arith.constant 1.000000e+00 : f32
        %sub3A_899 = vector.broadcast %sub3A_898 : f32 to vector<16xf32>
        %sub3A_900 = arith.subf %sub3A_899, %mul3A_818 : vector<16xf32>
        %sub3A_901 = arith.subf %sub3A_900, %add3A_897 : vector<16xf32>
        %max3A_902 = arith.constant 0.000000e+00 : f32
        %max3A_903 = vector.broadcast %max3A_902 : f32 to vector<16xf32>
        %max3A_904 = arith.maximumf %sub3A_901, %max3A_903 : vector<16xf32>
        %min3A_905 = arith.constant 1.000000e+00 : f32
        %min3A_906 = vector.broadcast %min3A_905 : f32 to vector<16xf32>
        %min3A_907 = arith.minimumf %max3A_904, %min3A_906 : vector<16xf32>
        %swap3A_908 = arith.constant 1 : i32
        %swap3A_909 = arith.index_cast %swap3A_908 : i32 to index
        %swap3A_910 = arith.index_cast %mul3A_766 : i32 to index
        %swap3A_911 = tpu.vector_load %arg10[%swap3A_909, %swap3A_910] {strides = array<i32>} : memref<2x4096xf32, #tpu.memory_space<vmem>>, vector<1x16xf32>,
        %swap3A_912 = vector.shape_cast %swap3A_911 : vector<1x16xf32> to vector<16xf32>
        %swap3A_913 = vector.shape_cast %min3A_907 : vector<16xf32> to vector<1x16xf32>
        tpu.vector_store %arg10[%swap3A_909, %swap3A_910], %swap3A_913 {strides = array<i32>} : memref<2x4096xf32, #tpu.memory_space<vmem>>, vector<1x16xf32>,
        %mul3A_914 = arith.constant 8 : i32
        %mul3A_915 = arith.muli %scan3A_457, %mul3A_914 : i32
        %add3A_916 = arith.constant 3 : i32
        %add3A_917 = arith.addi %mul3A_915, %add3A_916 : i32
        %mul3A_918 = arith.constant 16 : i32
        %mul3A_919 = arith.muli %add3A_917, %mul3A_918 : i32
        %get3A_920 = arith.constant 1 : i32
        %get3A_921 = arith.constant 0 : i32
        %get3A_922 = arith.index_cast %get3A_920 : i32 to index
        %get3A_923 = arith.index_cast %get3A_921 : i32 to index
        %get3A_924 = arith.index_cast %mul3A_919 : i32 to index
        %get3A_925 = tpu.vector_load %arg7[%get3A_922, %get3A_923, %get3A_924] {strides = array<i32>} : memref<2x4x4096xf32, #tpu.memory_space<vmem>>, vector<1x1x16xf32>,
        %get3A_926 = vector.shape_cast %get3A_925 : vector<1x1x16xf32> to vector<16xf32>
        %sub3A_927 = arith.constant 1.000000e+00 : f32
        %sub3A_928 = vector.broadcast %sub3A_927 : f32 to vector<16xf32>
        %sub3A_929 = arith.subf %sub3A_928, %get3A_926 : vector<16xf32>
        %get3A_930 = arith.constant 1 : i32
        %get3A_931 = arith.constant 1 : i32
        %get3A_932 = arith.index_cast %get3A_930 : i32 to index
        %get3A_933 = arith.index_cast %get3A_931 : i32 to index
        %get3A_934 = arith.index_cast %mul3A_919 : i32 to index
        %get3A_935 = tpu.vector_load %arg7[%get3A_932, %get3A_933, %get3A_934] {strides = array<i32>} : memref<2x4x4096xf32, #tpu.memory_space<vmem>>, vector<1x1x16xf32>,
        %get3A_936 = vector.shape_cast %get3A_935 : vector<1x1x16xf32> to vector<16xf32>
        %sub3A_937 = arith.constant 1.000000e+00 : f32
        %sub3A_938 = vector.broadcast %sub3A_937 : f32 to vector<16xf32>
        %sub3A_939 = arith.subf %sub3A_938, %get3A_936 : vector<16xf32>
        %mul3A_940 = arith.mulf %sub3A_929, %sub3A_939 : vector<16xf32>
        %get3A_941 = arith.constant 1 : i32
        %get3A_942 = arith.constant 2 : i32
        %get3A_943 = arith.index_cast %get3A_941 : i32 to index
        %get3A_944 = arith.index_cast %get3A_942 : i32 to index
        %get3A_945 = arith.index_cast %mul3A_919 : i32 to index
        %get3A_946 = tpu.vector_load %arg7[%get3A_943, %get3A_944, %get3A_945] {strides = array<i32>} : memref<2x4x4096xf32, #tpu.memory_space<vmem>>, vector<1x1x16xf32>,
        %get3A_947 = vector.shape_cast %get3A_946 : vector<1x1x16xf32> to vector<16xf32>
        %sub3A_948 = arith.constant 1.000000e+00 : f32
        %sub3A_949 = vector.broadcast %sub3A_948 : f32 to vector<16xf32>
        %sub3A_950 = arith.subf %sub3A_949, %get3A_947 : vector<16xf32>
        %mul3A_951 = arith.mulf %mul3A_940, %sub3A_950 : vector<16xf32>
        %get3A_952 = arith.constant 1 : i32
        %get3A_953 = arith.constant 3 : i32
        %get3A_954 = arith.index_cast %get3A_952 : i32 to index
        %get3A_955 = arith.index_cast %get3A_953 : i32 to index
        %get3A_956 = arith.index_cast %mul3A_919 : i32 to index
        %get3A_957 = tpu.vector_load %arg7[%get3A_954, %get3A_955, %get3A_956] {strides = array<i32>} : memref<2x4x4096xf32, #tpu.memory_space<vmem>>, vector<1x1x16xf32>,
        %get3A_958 = vector.shape_cast %get3A_957 : vector<1x1x16xf32> to vector<16xf32>
        %sub3A_959 = arith.constant 1.000000e+00 : f32
        %sub3A_960 = vector.broadcast %sub3A_959 : f32 to vector<16xf32>
        %sub3A_961 = arith.subf %sub3A_960, %get3A_958 : vector<16xf32>
        %mul3A_962 = arith.mulf %mul3A_951, %sub3A_961 : vector<16xf32>
        %get3A_963 = arith.constant 1 : i32
        %get3A_964 = arith.index_cast %get3A_963 : i32 to index
        %get3A_965 = arith.index_cast %mul3A_919 : i32 to index
        %get3A_966 = tpu.vector_load %arg9[%get3A_964, %get3A_965] {strides = array<i32>} : memref<2x4096xf32, #tpu.memory_space<vmem>>, vector<1x16xf32>,
        %get3A_967 = vector.shape_cast %get3A_966 : vector<1x16xf32> to vector<16xf32>
        %sub3A_968 = arith.constant 1.000000e+00 : f32
        %sub3A_969 = vector.broadcast %sub3A_968 : f32 to vector<16xf32>
        %sub3A_970 = arith.subf %sub3A_969, %get3A_967 : vector<16xf32>
        %mul3A_971 = arith.mulf %sub3A_970, %mul3A_962 : vector<16xf32>
        %get3A_972 = arith.constant 1 : i32
        %get3A_973 = arith.constant 0 : i32
        %get3A_974 = arith.index_cast %get3A_972 : i32 to index
        %get3A_975 = arith.index_cast %get3A_973 : i32 to index
        %get3A_976 = arith.index_cast %mul3A_919 : i32 to index
        %get3A_977 = tpu.vector_load %arg8[%get3A_974, %get3A_975, %get3A_976] {strides = array<i32>} : memref<2x8x4096xf32, #tpu.memory_space<vmem>>, vector<1x1x16xf32>,
        %get3A_978 = vector.shape_cast %get3A_977 : vector<1x1x16xf32> to vector<16xf32>
        %mul3A_979 = vector.broadcast %squeeze3A_372 : f32 to vector<16xf32>
        %mul3A_980 = arith.mulf %mul3A_979, %get3A_978 : vector<16xf32>
        %get3A_981 = arith.constant 1 : i32
        %get3A_982 = arith.constant 1 : i32
        %get3A_983 = arith.index_cast %get3A_981 : i32 to index
        %get3A_984 = arith.index_cast %get3A_982 : i32 to index
        %get3A_985 = arith.index_cast %mul3A_919 : i32 to index
        %get3A_986 = tpu.vector_load %arg8[%get3A_983, %get3A_984, %get3A_985] {strides = array<i32>} : memref<2x8x4096xf32, #tpu.memory_space<vmem>>, vector<1x1x16xf32>,
        %get3A_987 = vector.shape_cast %get3A_986 : vector<1x1x16xf32> to vector<16xf32>
        %mul3A_988 = vector.broadcast %squeeze3A_374 : f32 to vector<16xf32>
        %mul3A_989 = arith.mulf %mul3A_988, %get3A_987 : vector<16xf32>
        %add3A_990 = arith.addf %mul3A_980, %mul3A_989 : vector<16xf32>
        %get3A_991 = arith.constant 1 : i32
        %get3A_992 = arith.constant 2 : i32
        %get3A_993 = arith.index_cast %get3A_991 : i32 to index
        %get3A_994 = arith.index_cast %get3A_992 : i32 to index
        %get3A_995 = arith.index_cast %mul3A_919 : i32 to index
        %get3A_996 = tpu.vector_load %arg8[%get3A_993, %get3A_994, %get3A_995] {strides = array<i32>} : memref<2x8x4096xf32, #tpu.memory_space<vmem>>, vector<1x1x16xf32>,
        %get3A_997 = vector.shape_cast %get3A_996 : vector<1x1x16xf32> to vector<16xf32>
        %mul3A_998 = vector.broadcast %squeeze3A_376 : f32 to vector<16xf32>
        %mul3A_999 = arith.mulf %mul3A_998, %get3A_997 : vector<16xf32>
        %add3A_1000 = arith.addf %add3A_990, %mul3A_999 : vector<16xf32>
        %get3A_1001 = arith.constant 1 : i32
        %get3A_1002 = arith.constant 3 : i32
        %get3A_1003 = arith.index_cast %get3A_1001 : i32 to index
        %get3A_1004 = arith.index_cast %get3A_1002 : i32 to index
        %get3A_1005 = arith.index_cast %mul3A_919 : i32 to index
        %get3A_1006 = tpu.vector_load %arg8[%get3A_1003, %get3A_1004, %get3A_1005] {strides = array<i32>} : memref<2x8x4096xf32, #tpu.memory_space<vmem>>, vector<1x1x16xf32>,
        %get3A_1007 = vector.shape_cast %get3A_1006 : vector<1x1x16xf32> to vector<16xf32>
        %mul3A_1008 = vector.broadcast %squeeze3A_378 : f32 to vector<16xf32>
        %mul3A_1009 = arith.mulf %mul3A_1008, %get3A_1007 : vector<16xf32>
        %add3A_1010 = arith.addf %add3A_1000, %mul3A_1009 : vector<16xf32>
        %get3A_1011 = arith.constant 1 : i32
        %get3A_1012 = arith.constant 4 : i32
        %get3A_1013 = arith.index_cast %get3A_1011 : i32 to index
        %get3A_1014 = arith.index_cast %get3A_1012 : i32 to index
        %get3A_1015 = arith.index_cast %mul3A_919 : i32 to index
        %get3A_1016 = tpu.vector_load %arg8[%get3A_1013, %get3A_1014, %get3A_1015] {strides = array<i32>} : memref<2x8x4096xf32, #tpu.memory_space<vmem>>, vector<1x1x16xf32>,
        %get3A_1017 = vector.shape_cast %get3A_1016 : vector<1x1x16xf32> to vector<16xf32>
        %mul3A_1018 = vector.broadcast %squeeze3A_380 : f32 to vector<16xf32>
        %mul3A_1019 = arith.mulf %mul3A_1018, %get3A_1017 : vector<16xf32>
        %add3A_1020 = arith.addf %add3A_1010, %mul3A_1019 : vector<16xf32>
        %get3A_1021 = arith.constant 1 : i32
        %get3A_1022 = arith.constant 5 : i32
        %get3A_1023 = arith.index_cast %get3A_1021 : i32 to index
        %get3A_1024 = arith.index_cast %get3A_1022 : i32 to index
        %get3A_1025 = arith.index_cast %mul3A_919 : i32 to index
        %get3A_1026 = tpu.vector_load %arg8[%get3A_1023, %get3A_1024, %get3A_1025] {strides = array<i32>} : memref<2x8x4096xf32, #tpu.memory_space<vmem>>, vector<1x1x16xf32>,
        %get3A_1027 = vector.shape_cast %get3A_1026 : vector<1x1x16xf32> to vector<16xf32>
        %mul3A_1028 = vector.broadcast %squeeze3A_382 : f32 to vector<16xf32>
        %mul3A_1029 = arith.mulf %mul3A_1028, %get3A_1027 : vector<16xf32>
        %add3A_1030 = arith.addf %add3A_1020, %mul3A_1029 : vector<16xf32>
        %get3A_1031 = arith.constant 1 : i32
        %get3A_1032 = arith.constant 6 : i32
        %get3A_1033 = arith.index_cast %get3A_1031 : i32 to index
        %get3A_1034 = arith.index_cast %get3A_1032 : i32 to index
        %get3A_1035 = arith.index_cast %mul3A_919 : i32 to index
        %get3A_1036 = tpu.vector_load %arg8[%get3A_1033, %get3A_1034, %get3A_1035] {strides = array<i32>} : memref<2x8x4096xf32, #tpu.memory_space<vmem>>, vector<1x1x16xf32>,
        %get3A_1037 = vector.shape_cast %get3A_1036 : vector<1x1x16xf32> to vector<16xf32>
        %mul3A_1038 = vector.broadcast %squeeze3A_384 : f32 to vector<16xf32>
        %mul3A_1039 = arith.mulf %mul3A_1038, %get3A_1037 : vector<16xf32>
        %add3A_1040 = arith.addf %add3A_1030, %mul3A_1039 : vector<16xf32>
        %get3A_1041 = arith.constant 1 : i32
        %get3A_1042 = arith.constant 7 : i32
        %get3A_1043 = arith.index_cast %get3A_1041 : i32 to index
        %get3A_1044 = arith.index_cast %get3A_1042 : i32 to index
        %get3A_1045 = arith.index_cast %mul3A_919 : i32 to index
        %get3A_1046 = tpu.vector_load %arg8[%get3A_1043, %get3A_1044, %get3A_1045] {strides = array<i32>} : memref<2x8x4096xf32, #tpu.memory_space<vmem>>, vector<1x1x16xf32>,
        %get3A_1047 = vector.shape_cast %get3A_1046 : vector<1x1x16xf32> to vector<16xf32>
        %mul3A_1048 = vector.broadcast %squeeze3A_386 : f32 to vector<16xf32>
        %mul3A_1049 = arith.mulf %mul3A_1048, %get3A_1047 : vector<16xf32>
        %add3A_1050 = arith.addf %add3A_1040, %mul3A_1049 : vector<16xf32>
        %sub3A_1051 = arith.constant 1.000000e+00 : f32
        %sub3A_1052 = vector.broadcast %sub3A_1051 : f32 to vector<16xf32>
        %sub3A_1053 = arith.subf %sub3A_1052, %mul3A_971 : vector<16xf32>
        %sub3A_1054 = arith.subf %sub3A_1053, %add3A_1050 : vector<16xf32>
        %max3A_1055 = arith.constant 0.000000e+00 : f32
        %max3A_1056 = vector.broadcast %max3A_1055 : f32 to vector<16xf32>
        %max3A_1057 = arith.maximumf %sub3A_1054, %max3A_1056 : vector<16xf32>
        %min3A_1058 = arith.constant 1.000000e+00 : f32
        %min3A_1059 = vector.broadcast %min3A_1058 : f32 to vector<16xf32>
        %min3A_1060 = arith.minimumf %max3A_1057, %min3A_1059 : vector<16xf32>
        %swap3A_1061 = arith.constant 1 : i32
        %swap3A_1062 = arith.index_cast %swap3A_1061 : i32 to index
        %swap3A_1063 = arith.index_cast %mul3A_919 : i32 to index
        %swap3A_1064 = tpu.vector_load %arg10[%swap3A_1062, %swap3A_1063] {strides = array<i32>} : memref<2x4096xf32, #tpu.memory_space<vmem>>, vector<1x16xf32>,
        %swap3A_1065 = vector.shape_cast %swap3A_1064 : vector<1x16xf32> to vector<16xf32>
        %swap3A_1066 = vector.shape_cast %min3A_1060 : vector<16xf32> to vector<1x16xf32>
        tpu.vector_store %arg10[%swap3A_1062, %swap3A_1063], %swap3A_1066 {strides = array<i32>} : memref<2x4096xf32, #tpu.memory_space<vmem>>, vector<1x16xf32>,
        %mul3A_1067 = arith.constant 8 : i32
        %mul3A_1068 = arith.muli %scan3A_457, %mul3A_1067 : i32
        %add3A_1069 = arith.constant 4 : i32
        %add3A_1070 = arith.addi %mul3A_1068, %add3A_1069 : i32
        %mul3A_1071 = arith.constant 16 : i32
        %mul3A_1072 = arith.muli %add3A_1070, %mul3A_1071 : i32
        %get3A_1073 = arith.constant 1 : i32
        %get3A_1074 = arith.constant 0 : i32
        %get3A_1075 = arith.index_cast %get3A_1073 : i32 to index
        %get3A_1076 = arith.index_cast %get3A_1074 : i32 to index
        %get3A_1077 = arith.index_cast %mul3A_1072 : i32 to index
        %get3A_1078 = tpu.vector_load %arg7[%get3A_1075, %get3A_1076, %get3A_1077] {strides = array<i32>} : memref<2x4x4096xf32, #tpu.memory_space<vmem>>, vector<1x1x16xf32>,
        %get3A_1079 = vector.shape_cast %get3A_1078 : vector<1x1x16xf32> to vector<16xf32>
        %sub3A_1080 = arith.constant 1.000000e+00 : f32
        %sub3A_1081 = vector.broadcast %sub3A_1080 : f32 to vector<16xf32>
        %sub3A_1082 = arith.subf %sub3A_1081, %get3A_1079 : vector<16xf32>
        %get3A_1083 = arith.constant 1 : i32
        %get3A_1084 = arith.constant 1 : i32
        %get3A_1085 = arith.index_cast %get3A_1083 : i32 to index
        %get3A_1086 = arith.index_cast %get3A_1084 : i32 to index
        %get3A_1087 = arith.index_cast %mul3A_1072 : i32 to index
        %get3A_1088 = tpu.vector_load %arg7[%get3A_1085, %get3A_1086, %get3A_1087] {strides = array<i32>} : memref<2x4x4096xf32, #tpu.memory_space<vmem>>, vector<1x1x16xf32>,
        %get3A_1089 = vector.shape_cast %get3A_1088 : vector<1x1x16xf32> to vector<16xf32>
        %sub3A_1090 = arith.constant 1.000000e+00 : f32
        %sub3A_1091 = vector.broadcast %sub3A_1090 : f32 to vector<16xf32>
        %sub3A_1092 = arith.subf %sub3A_1091, %get3A_1089 : vector<16xf32>
        %mul3A_1093 = arith.mulf %sub3A_1082, %sub3A_1092 : vector<16xf32>
        %get3A_1094 = arith.constant 1 : i32
        %get3A_1095 = arith.constant 2 : i32
        %get3A_1096 = arith.index_cast %get3A_1094 : i32 to index
        %get3A_1097 = arith.index_cast %get3A_1095 : i32 to index
        %get3A_1098 = arith.index_cast %mul3A_1072 : i32 to index
        %get3A_1099 = tpu.vector_load %arg7[%get3A_1096, %get3A_1097, %get3A_1098] {strides = array<i32>} : memref<2x4x4096xf32, #tpu.memory_space<vmem>>, vector<1x1x16xf32>,
        %get3A_1100 = vector.shape_cast %get3A_1099 : vector<1x1x16xf32> to vector<16xf32>
        %sub3A_1101 = arith.constant 1.000000e+00 : f32
        %sub3A_1102 = vector.broadcast %sub3A_1101 : f32 to vector<16xf32>
        %sub3A_1103 = arith.subf %sub3A_1102, %get3A_1100 : vector<16xf32>
        %mul3A_1104 = arith.mulf %mul3A_1093, %sub3A_1103 : vector<16xf32>
        %get3A_1105 = arith.constant 1 : i32
        %get3A_1106 = arith.constant 3 : i32
        %get3A_1107 = arith.index_cast %get3A_1105 : i32 to index
        %get3A_1108 = arith.index_cast %get3A_1106 : i32 to index
        %get3A_1109 = arith.index_cast %mul3A_1072 : i32 to index
        %get3A_1110 = tpu.vector_load %arg7[%get3A_1107, %get3A_1108, %get3A_1109] {strides = array<i32>} : memref<2x4x4096xf32, #tpu.memory_space<vmem>>, vector<1x1x16xf32>,
        %get3A_1111 = vector.shape_cast %get3A_1110 : vector<1x1x16xf32> to vector<16xf32>
        %sub3A_1112 = arith.constant 1.000000e+00 : f32
        %sub3A_1113 = vector.broadcast %sub3A_1112 : f32 to vector<16xf32>
        %sub3A_1114 = arith.subf %sub3A_1113, %get3A_1111 : vector<16xf32>
        %mul3A_1115 = arith.mulf %mul3A_1104, %sub3A_1114 : vector<16xf32>
        %get3A_1116 = arith.constant 1 : i32
        %get3A_1117 = arith.index_cast %get3A_1116 : i32 to index
        %get3A_1118 = arith.index_cast %mul3A_1072 : i32 to index
        %get3A_1119 = tpu.vector_load %arg9[%get3A_1117, %get3A_1118] {strides = array<i32>} : memref<2x4096xf32, #tpu.memory_space<vmem>>, vector<1x16xf32>,
        %get3A_1120 = vector.shape_cast %get3A_1119 : vector<1x16xf32> to vector<16xf32>
        %sub3A_1121 = arith.constant 1.000000e+00 : f32
        %sub3A_1122 = vector.broadcast %sub3A_1121 : f32 to vector<16xf32>
        %sub3A_1123 = arith.subf %sub3A_1122, %get3A_1120 : vector<16xf32>
        %mul3A_1124 = arith.mulf %sub3A_1123, %mul3A_1115 : vector<16xf32>
        %get3A_1125 = arith.constant 1 : i32
        %get3A_1126 = arith.constant 0 : i32
        %get3A_1127 = arith.index_cast %get3A_1125 : i32 to index
        %get3A_1128 = arith.index_cast %get3A_1126 : i32 to index
        %get3A_1129 = arith.index_cast %mul3A_1072 : i32 to index
        %get3A_1130 = tpu.vector_load %arg8[%get3A_1127, %get3A_1128, %get3A_1129] {strides = array<i32>} : memref<2x8x4096xf32, #tpu.memory_space<vmem>>, vector<1x1x16xf32>,
        %get3A_1131 = vector.shape_cast %get3A_1130 : vector<1x1x16xf32> to vector<16xf32>
        %mul3A_1132 = vector.broadcast %squeeze3A_372 : f32 to vector<16xf32>
        %mul3A_1133 = arith.mulf %mul3A_1132, %get3A_1131 : vector<16xf32>
        %get3A_1134 = arith.constant 1 : i32
        %get3A_1135 = arith.constant 1 : i32
        %get3A_1136 = arith.index_cast %get3A_1134 : i32 to index
        %get3A_1137 = arith.index_cast %get3A_1135 : i32 to index
        %get3A_1138 = arith.index_cast %mul3A_1072 : i32 to index
        %get3A_1139 = tpu.vector_load %arg8[%get3A_1136, %get3A_1137, %get3A_1138] {strides = array<i32>} : memref<2x8x4096xf32, #tpu.memory_space<vmem>>, vector<1x1x16xf32>,
        %get3A_1140 = vector.shape_cast %get3A_1139 : vector<1x1x16xf32> to vector<16xf32>
        %mul3A_1141 = vector.broadcast %squeeze3A_374 : f32 to vector<16xf32>
        %mul3A_1142 = arith.mulf %mul3A_1141, %get3A_1140 : vector<16xf32>
        %add3A_1143 = arith.addf %mul3A_1133, %mul3A_1142 : vector<16xf32>
        %get3A_1144 = arith.constant 1 : i32
        %get3A_1145 = arith.constant 2 : i32
        %get3A_1146 = arith.index_cast %get3A_1144 : i32 to index
        %get3A_1147 = arith.index_cast %get3A_1145 : i32 to index
        %get3A_1148 = arith.index_cast %mul3A_1072 : i32 to index
        %get3A_1149 = tpu.vector_load %arg8[%get3A_1146, %get3A_1147, %get3A_1148] {strides = array<i32>} : memref<2x8x4096xf32, #tpu.memory_space<vmem>>, vector<1x1x16xf32>,
        %get3A_1150 = vector.shape_cast %get3A_1149 : vector<1x1x16xf32> to vector<16xf32>
        %mul3A_1151 = vector.broadcast %squeeze3A_376 : f32 to vector<16xf32>
        %mul3A_1152 = arith.mulf %mul3A_1151, %get3A_1150 : vector<16xf32>
        %add3A_1153 = arith.addf %add3A_1143, %mul3A_1152 : vector<16xf32>
        %get3A_1154 = arith.constant 1 : i32
        %get3A_1155 = arith.constant 3 : i32
        %get3A_1156 = arith.index_cast %get3A_1154 : i32 to index
        %get3A_1157 = arith.index_cast %get3A_1155 : i32 to index
        %get3A_1158 = arith.index_cast %mul3A_1072 : i32 to index
        %get3A_1159 = tpu.vector_load %arg8[%get3A_1156, %get3A_1157, %get3A_1158] {strides = array<i32>} : memref<2x8x4096xf32, #tpu.memory_space<vmem>>, vector<1x1x16xf32>,
        %get3A_1160 = vector.shape_cast %get3A_1159 : vector<1x1x16xf32> to vector<16xf32>
        %mul3A_1161 = vector.broadcast %squeeze3A_378 : f32 to vector<16xf32>
        %mul3A_1162 = arith.mulf %mul3A_1161, %get3A_1160 : vector<16xf32>
        %add3A_1163 = arith.addf %add3A_1153, %mul3A_1162 : vector<16xf32>
        %get3A_1164 = arith.constant 1 : i32
        %get3A_1165 = arith.constant 4 : i32
        %get3A_1166 = arith.index_cast %get3A_1164 : i32 to index
        %get3A_1167 = arith.index_cast %get3A_1165 : i32 to index
        %get3A_1168 = arith.index_cast %mul3A_1072 : i32 to index
        %get3A_1169 = tpu.vector_load %arg8[%get3A_1166, %get3A_1167, %get3A_1168] {strides = array<i32>} : memref<2x8x4096xf32, #tpu.memory_space<vmem>>, vector<1x1x16xf32>,
        %get3A_1170 = vector.shape_cast %get3A_1169 : vector<1x1x16xf32> to vector<16xf32>
        %mul3A_1171 = vector.broadcast %squeeze3A_380 : f32 to vector<16xf32>
        %mul3A_1172 = arith.mulf %mul3A_1171, %get3A_1170 : vector<16xf32>
        %add3A_1173 = arith.addf %add3A_1163, %mul3A_1172 : vector<16xf32>
        %get3A_1174 = arith.constant 1 : i32
        %get3A_1175 = arith.constant 5 : i32
        %get3A_1176 = arith.index_cast %get3A_1174 : i32 to index
        %get3A_1177 = arith.index_cast %get3A_1175 : i32 to index
        %get3A_1178 = arith.index_cast %mul3A_1072 : i32 to index
        %get3A_1179 = tpu.vector_load %arg8[%get3A_1176, %get3A_1177, %get3A_1178] {strides = array<i32>} : memref<2x8x4096xf32, #tpu.memory_space<vmem>>, vector<1x1x16xf32>,
        %get3A_1180 = vector.shape_cast %get3A_1179 : vector<1x1x16xf32> to vector<16xf32>
        %mul3A_1181 = vector.broadcast %squeeze3A_382 : f32 to vector<16xf32>
        %mul3A_1182 = arith.mulf %mul3A_1181, %get3A_1180 : vector<16xf32>
        %add3A_1183 = arith.addf %add3A_1173, %mul3A_1182 : vector<16xf32>
        %get3A_1184 = arith.constant 1 : i32
        %get3A_1185 = arith.constant 6 : i32
        %get3A_1186 = arith.index_cast %get3A_1184 : i32 to index
        %get3A_1187 = arith.index_cast %get3A_1185 : i32 to index
        %get3A_1188 = arith.index_cast %mul3A_1072 : i32 to index
        %get3A_1189 = tpu.vector_load %arg8[%get3A_1186, %get3A_1187, %get3A_1188] {strides = array<i32>} : memref<2x8x4096xf32, #tpu.memory_space<vmem>>, vector<1x1x16xf32>,
        %get3A_1190 = vector.shape_cast %get3A_1189 : vector<1x1x16xf32> to vector<16xf32>
        %mul3A_1191 = vector.broadcast %squeeze3A_384 : f32 to vector<16xf32>
        %mul3A_1192 = arith.mulf %mul3A_1191, %get3A_1190 : vector<16xf32>
        %add3A_1193 = arith.addf %add3A_1183, %mul3A_1192 : vector<16xf32>
        %get3A_1194 = arith.constant 1 : i32
        %get3A_1195 = arith.constant 7 : i32
        %get3A_1196 = arith.index_cast %get3A_1194 : i32 to index
        %get3A_1197 = arith.index_cast %get3A_1195 : i32 to index
        %get3A_1198 = arith.index_cast %mul3A_1072 : i32 to index
        %get3A_1199 = tpu.vector_load %arg8[%get3A_1196, %get3A_1197, %get3A_1198] {strides = array<i32>} : memref<2x8x4096xf32, #tpu.memory_space<vmem>>, vector<1x1x16xf32>,
        %get3A_1200 = vector.shape_cast %get3A_1199 : vector<1x1x16xf32> to vector<16xf32>
        %mul3A_1201 = vector.broadcast %squeeze3A_386 : f32 to vector<16xf32>
        %mul3A_1202 = arith.mulf %mul3A_1201, %get3A_1200 : vector<16xf32>
        %add3A_1203 = arith.addf %add3A_1193, %mul3A_1202 : vector<16xf32>
        %sub3A_1204 = arith.constant 1.000000e+00 : f32
        %sub3A_1205 = vector.broadcast %sub3A_1204 : f32 to vector<16xf32>
        %sub3A_1206 = arith.subf %sub3A_1205, %mul3A_1124 : vector<16xf32>
        %sub3A_1207 = arith.subf %sub3A_1206, %add3A_1203 : vector<16xf32>
        %max3A_1208 = arith.constant 0.000000e+00 : f32
        %max3A_1209 = vector.broadcast %max3A_1208 : f32 to vector<16xf32>
        %max3A_1210 = arith.maximumf %sub3A_1207, %max3A_1209 : vector<16xf32>
        %min3A_1211 = arith.constant 1.000000e+00 : f32
        %min3A_1212 = vector.broadcast %min3A_1211 : f32 to vector<16xf32>
        %min3A_1213 = arith.minimumf %max3A_1210, %min3A_1212 : vector<16xf32>
        %swap3A_1214 = arith.constant 1 : i32
        %swap3A_1215 = arith.index_cast %swap3A_1214 : i32 to index
        %swap3A_1216 = arith.index_cast %mul3A_1072 : i32 to index
        %swap3A_1217 = tpu.vector_load %arg10[%swap3A_1215, %swap3A_1216] {strides = array<i32>} : memref<2x4096xf32, #tpu.memory_space<vmem>>, vector<1x16xf32>,
        %swap3A_1218 = vector.shape_cast %swap3A_1217 : vector<1x16xf32> to vector<16xf32>
        %swap3A_1219 = vector.shape_cast %min3A_1213 : vector<16xf32> to vector<1x16xf32>
        tpu.vector_store %arg10[%swap3A_1215, %swap3A_1216], %swap3A_1219 {strides = array<i32>} : memref<2x4096xf32, #tpu.memory_space<vmem>>, vector<1x16xf32>,
        %mul3A_1220 = arith.constant 8 : i32
        %mul3A_1221 = arith.muli %scan3A_457, %mul3A_1220 : i32
        %add3A_1222 = arith.constant 5 : i32
        %add3A_1223 = arith.addi %mul3A_1221, %add3A_1222 : i32
        %mul3A_1224 = arith.constant 16 : i32
        %mul3A_1225 = arith.muli %add3A_1223, %mul3A_1224 : i32
        %get3A_1226 = arith.constant 1 : i32
        %get3A_1227 = arith.constant 0 : i32
        %get3A_1228 = arith.index_cast %get3A_1226 : i32 to index
        %get3A_1229 = arith.index_cast %get3A_1227 : i32 to index
        %get3A_1230 = arith.index_cast %mul3A_1225 : i32 to index
        %get3A_1231 = tpu.vector_load %arg7[%get3A_1228, %get3A_1229, %get3A_1230] {strides = array<i32>} : memref<2x4x4096xf32, #tpu.memory_space<vmem>>, vector<1x1x16xf32>,
        %get3A_1232 = vector.shape_cast %get3A_1231 : vector<1x1x16xf32> to vector<16xf32>
        %sub3A_1233 = arith.constant 1.000000e+00 : f32
        %sub3A_1234 = vector.broadcast %sub3A_1233 : f32 to vector<16xf32>
        %sub3A_1235 = arith.subf %sub3A_1234, %get3A_1232 : vector<16xf32>
        %get3A_1236 = arith.constant 1 : i32
        %get3A_1237 = arith.constant 1 : i32
        %get3A_1238 = arith.index_cast %get3A_1236 : i32 to index
        %get3A_1239 = arith.index_cast %get3A_1237 : i32 to index
        %get3A_1240 = arith.index_cast %mul3A_1225 : i32 to index
        %get3A_1241 = tpu.vector_load %arg7[%get3A_1238, %get3A_1239, %get3A_1240] {strides = array<i32>} : memref<2x4x4096xf32, #tpu.memory_space<vmem>>, vector<1x1x16xf32>,
        %get3A_1242 = vector.shape_cast %get3A_1241 : vector<1x1x16xf32> to vector<16xf32>
        %sub3A_1243 = arith.constant 1.000000e+00 : f32
        %sub3A_1244 = vector.broadcast %sub3A_1243 : f32 to vector<16xf32>
        %sub3A_1245 = arith.subf %sub3A_1244, %get3A_1242 : vector<16xf32>
        %mul3A_1246 = arith.mulf %sub3A_1235, %sub3A_1245 : vector<16xf32>
        %get3A_1247 = arith.constant 1 : i32
        %get3A_1248 = arith.constant 2 : i32
        %get3A_1249 = arith.index_cast %get3A_1247 : i32 to index
        %get3A_1250 = arith.index_cast %get3A_1248 : i32 to index
        %get3A_1251 = arith.index_cast %mul3A_1225 : i32 to index
        %get3A_1252 = tpu.vector_load %arg7[%get3A_1249, %get3A_1250, %get3A_1251] {strides = array<i32>} : memref<2x4x4096xf32, #tpu.memory_space<vmem>>, vector<1x1x16xf32>,
        %get3A_1253 = vector.shape_cast %get3A_1252 : vector<1x1x16xf32> to vector<16xf32>
        %sub3A_1254 = arith.constant 1.000000e+00 : f32
        %sub3A_1255 = vector.broadcast %sub3A_1254 : f32 to vector<16xf32>
        %sub3A_1256 = arith.subf %sub3A_1255, %get3A_1253 : vector<16xf32>
        %mul3A_1257 = arith.mulf %mul3A_1246, %sub3A_1256 : vector<16xf32>
        %get3A_1258 = arith.constant 1 : i32
        %get3A_1259 = arith.constant 3 : i32
        %get3A_1260 = arith.index_cast %get3A_1258 : i32 to index
        %get3A_1261 = arith.index_cast %get3A_1259 : i32 to index
        %get3A_1262 = arith.index_cast %mul3A_1225 : i32 to index
        %get3A_1263 = tpu.vector_load %arg7[%get3A_1260, %get3A_1261, %get3A_1262] {strides = array<i32>} : memref<2x4x4096xf32, #tpu.memory_space<vmem>>, vector<1x1x16xf32>,
        %get3A_1264 = vector.shape_cast %get3A_1263 : vector<1x1x16xf32> to vector<16xf32>
        %sub3A_1265 = arith.constant 1.000000e+00 : f32
        %sub3A_1266 = vector.broadcast %sub3A_1265 : f32 to vector<16xf32>
        %sub3A_1267 = arith.subf %sub3A_1266, %get3A_1264 : vector<16xf32>
        %mul3A_1268 = arith.mulf %mul3A_1257, %sub3A_1267 : vector<16xf32>
        %get3A_1269 = arith.constant 1 : i32
        %get3A_1270 = arith.index_cast %get3A_1269 : i32 to index
        %get3A_1271 = arith.index_cast %mul3A_1225 : i32 to index
        %get3A_1272 = tpu.vector_load %arg9[%get3A_1270, %get3A_1271] {strides = array<i32>} : memref<2x4096xf32, #tpu.memory_space<vmem>>, vector<1x16xf32>,
        %get3A_1273 = vector.shape_cast %get3A_1272 : vector<1x16xf32> to vector<16xf32>
        %sub3A_1274 = arith.constant 1.000000e+00 : f32
        %sub3A_1275 = vector.broadcast %sub3A_1274 : f32 to vector<16xf32>
        %sub3A_1276 = arith.subf %sub3A_1275, %get3A_1273 : vector<16xf32>
        %mul3A_1277 = arith.mulf %sub3A_1276, %mul3A_1268 : vector<16xf32>
        %get3A_1278 = arith.constant 1 : i32
        %get3A_1279 = arith.constant 0 : i32
        %get3A_1280 = arith.index_cast %get3A_1278 : i32 to index
        %get3A_1281 = arith.index_cast %get3A_1279 : i32 to index
        %get3A_1282 = arith.index_cast %mul3A_1225 : i32 to index
        %get3A_1283 = tpu.vector_load %arg8[%get3A_1280, %get3A_1281, %get3A_1282] {strides = array<i32>} : memref<2x8x4096xf32, #tpu.memory_space<vmem>>, vector<1x1x16xf32>,
        %get3A_1284 = vector.shape_cast %get3A_1283 : vector<1x1x16xf32> to vector<16xf32>
        %mul3A_1285 = vector.broadcast %squeeze3A_372 : f32 to vector<16xf32>
        %mul3A_1286 = arith.mulf %mul3A_1285, %get3A_1284 : vector<16xf32>
        %get3A_1287 = arith.constant 1 : i32
        %get3A_1288 = arith.constant 1 : i32
        %get3A_1289 = arith.index_cast %get3A_1287 : i32 to index
        %get3A_1290 = arith.index_cast %get3A_1288 : i32 to index
        %get3A_1291 = arith.index_cast %mul3A_1225 : i32 to index
        %get3A_1292 = tpu.vector_load %arg8[%get3A_1289, %get3A_1290, %get3A_1291] {strides = array<i32>} : memref<2x8x4096xf32, #tpu.memory_space<vmem>>, vector<1x1x16xf32>,
        %get3A_1293 = vector.shape_cast %get3A_1292 : vector<1x1x16xf32> to vector<16xf32>
        %mul3A_1294 = vector.broadcast %squeeze3A_374 : f32 to vector<16xf32>
        %mul3A_1295 = arith.mulf %mul3A_1294, %get3A_1293 : vector<16xf32>
        %add3A_1296 = arith.addf %mul3A_1286, %mul3A_1295 : vector<16xf32>
        %get3A_1297 = arith.constant 1 : i32
        %get3A_1298 = arith.constant 2 : i32
        %get3A_1299 = arith.index_cast %get3A_1297 : i32 to index
        %get3A_1300 = arith.index_cast %get3A_1298 : i32 to index
        %get3A_1301 = arith.index_cast %mul3A_1225 : i32 to index
        %get3A_1302 = tpu.vector_load %arg8[%get3A_1299, %get3A_1300, %get3A_1301] {strides = array<i32>} : memref<2x8x4096xf32, #tpu.memory_space<vmem>>, vector<1x1x16xf32>,
        %get3A_1303 = vector.shape_cast %get3A_1302 : vector<1x1x16xf32> to vector<16xf32>
        %mul3A_1304 = vector.broadcast %squeeze3A_376 : f32 to vector<16xf32>
        %mul3A_1305 = arith.mulf %mul3A_1304, %get3A_1303 : vector<16xf32>
        %add3A_1306 = arith.addf %add3A_1296, %mul3A_1305 : vector<16xf32>
        %get3A_1307 = arith.constant 1 : i32
        %get3A_1308 = arith.constant 3 : i32
        %get3A_1309 = arith.index_cast %get3A_1307 : i32 to index
        %get3A_1310 = arith.index_cast %get3A_1308 : i32 to index
        %get3A_1311 = arith.index_cast %mul3A_1225 : i32 to index
        %get3A_1312 = tpu.vector_load %arg8[%get3A_1309, %get3A_1310, %get3A_1311] {strides = array<i32>} : memref<2x8x4096xf32, #tpu.memory_space<vmem>>, vector<1x1x16xf32>,
        %get3A_1313 = vector.shape_cast %get3A_1312 : vector<1x1x16xf32> to vector<16xf32>
        %mul3A_1314 = vector.broadcast %squeeze3A_378 : f32 to vector<16xf32>
        %mul3A_1315 = arith.mulf %mul3A_1314, %get3A_1313 : vector<16xf32>
        %add3A_1316 = arith.addf %add3A_1306, %mul3A_1315 : vector<16xf32>
        %get3A_1317 = arith.constant 1 : i32
        %get3A_1318 = arith.constant 4 : i32
        %get3A_1319 = arith.index_cast %get3A_1317 : i32 to index
        %get3A_1320 = arith.index_cast %get3A_1318 : i32 to index
        %get3A_1321 = arith.index_cast %mul3A_1225 : i32 to index
        %get3A_1322 = tpu.vector_load %arg8[%get3A_1319, %get3A_1320, %get3A_1321] {strides = array<i32>} : memref<2x8x4096xf32, #tpu.memory_space<vmem>>, vector<1x1x16xf32>,
        %get3A_1323 = vector.shape_cast %get3A_1322 : vector<1x1x16xf32> to vector<16xf32>
        %mul3A_1324 = vector.broadcast %squeeze3A_380 : f32 to vector<16xf32>
        %mul3A_1325 = arith.mulf %mul3A_1324, %get3A_1323 : vector<16xf32>
        %add3A_1326 = arith.addf %add3A_1316, %mul3A_1325 : vector<16xf32>
        %get3A_1327 = arith.constant 1 : i32
        %get3A_1328 = arith.constant 5 : i32
        %get3A_1329 = arith.index_cast %get3A_1327 : i32 to index
        %get3A_1330 = arith.index_cast %get3A_1328 : i32 to index
        %get3A_1331 = arith.index_cast %mul3A_1225 : i32 to index
        %get3A_1332 = tpu.vector_load %arg8[%get3A_1329, %get3A_1330, %get3A_1331] {strides = array<i32>} : memref<2x8x4096xf32, #tpu.memory_space<vmem>>, vector<1x1x16xf32>,
        %get3A_1333 = vector.shape_cast %get3A_1332 : vector<1x1x16xf32> to vector<16xf32>
        %mul3A_1334 = vector.broadcast %squeeze3A_382 : f32 to vector<16xf32>
        %mul3A_1335 = arith.mulf %mul3A_1334, %get3A_1333 : vector<16xf32>
        %add3A_1336 = arith.addf %add3A_1326, %mul3A_1335 : vector<16xf32>
        %get3A_1337 = arith.constant 1 : i32
        %get3A_1338 = arith.constant 6 : i32
        %get3A_1339 = arith.index_cast %get3A_1337 : i32 to index
        %get3A_1340 = arith.index_cast %get3A_1338 : i32 to index
        %get3A_1341 = arith.index_cast %mul3A_1225 : i32 to index
        %get3A_1342 = tpu.vector_load %arg8[%get3A_1339, %get3A_1340, %get3A_1341] {strides = array<i32>} : memref<2x8x4096xf32, #tpu.memory_space<vmem>>, vector<1x1x16xf32>,
        %get3A_1343 = vector.shape_cast %get3A_1342 : vector<1x1x16xf32> to vector<16xf32>
        %mul3A_1344 = vector.broadcast %squeeze3A_384 : f32 to vector<16xf32>
        %mul3A_1345 = arith.mulf %mul3A_1344, %get3A_1343 : vector<16xf32>
        %add3A_1346 = arith.addf %add3A_1336, %mul3A_1345 : vector<16xf32>
        %get3A_1347 = arith.constant 1 : i32
        %get3A_1348 = arith.constant 7 : i32
        %get3A_1349 = arith.index_cast %get3A_1347 : i32 to index
        %get3A_1350 = arith.index_cast %get3A_1348 : i32 to index
        %get3A_1351 = arith.index_cast %mul3A_1225 : i32 to index
        %get3A_1352 = tpu.vector_load %arg8[%get3A_1349, %get3A_1350, %get3A_1351] {strides = array<i32>} : memref<2x8x4096xf32, #tpu.memory_space<vmem>>, vector<1x1x16xf32>,
        %get3A_1353 = vector.shape_cast %get3A_1352 : vector<1x1x16xf32> to vector<16xf32>
        %mul3A_1354 = vector.broadcast %squeeze3A_386 : f32 to vector<16xf32>
        %mul3A_1355 = arith.mulf %mul3A_1354, %get3A_1353 : vector<16xf32>
        %add3A_1356 = arith.addf %add3A_1346, %mul3A_1355 : vector<16xf32>
        %sub3A_1357 = arith.constant 1.000000e+00 : f32
        %sub3A_1358 = vector.broadcast %sub3A_1357 : f32 to vector<16xf32>
        %sub3A_1359 = arith.subf %sub3A_1358, %mul3A_1277 : vector<16xf32>
        %sub3A_1360 = arith.subf %sub3A_1359, %add3A_1356 : vector<16xf32>
        %max3A_1361 = arith.constant 0.000000e+00 : f32
        %max3A_1362 = vector.broadcast %max3A_1361 : f32 to vector<16xf32>
        %max3A_1363 = arith.maximumf %sub3A_1360, %max3A_1362 : vector<16xf32>
        %min3A_1364 = arith.constant 1.000000e+00 : f32
        %min3A_1365 = vector.broadcast %min3A_1364 : f32 to vector<16xf32>
        %min3A_1366 = arith.minimumf %max3A_1363, %min3A_1365 : vector<16xf32>
        %swap3A_1367 = arith.constant 1 : i32
        %swap3A_1368 = arith.index_cast %swap3A_1367 : i32 to index
        %swap3A_1369 = arith.index_cast %mul3A_1225 : i32 to index
        %swap3A_1370 = tpu.vector_load %arg10[%swap3A_1368, %swap3A_1369] {strides = array<i32>} : memref<2x4096xf32, #tpu.memory_space<vmem>>, vector<1x16xf32>,
        %swap3A_1371 = vector.shape_cast %swap3A_1370 : vector<1x16xf32> to vector<16xf32>
        %swap3A_1372 = vector.shape_cast %min3A_1366 : vector<16xf32> to vector<1x16xf32>
        tpu.vector_store %arg10[%swap3A_1368, %swap3A_1369], %swap3A_1372 {strides = array<i32>} : memref<2x4096xf32, #tpu.memory_space<vmem>>, vector<1x16xf32>,
        %mul3A_1373 = arith.constant 8 : i32
        %mul3A_1374 = arith.muli %scan3A_457, %mul3A_1373 : i32
        %add3A_1375 = arith.constant 6 : i32
        %add3A_1376 = arith.addi %mul3A_1374, %add3A_1375 : i32
        %mul3A_1377 = arith.constant 16 : i32
        %mul3A_1378 = arith.muli %add3A_1376, %mul3A_1377 : i32
        %get3A_1379 = arith.constant 1 : i32
        %get3A_1380 = arith.constant 0 : i32
        %get3A_1381 = arith.index_cast %get3A_1379 : i32 to index
        %get3A_1382 = arith.index_cast %get3A_1380 : i32 to index
        %get3A_1383 = arith.index_cast %mul3A_1378 : i32 to index
        %get3A_1384 = tpu.vector_load %arg7[%get3A_1381, %get3A_1382, %get3A_1383] {strides = array<i32>} : memref<2x4x4096xf32, #tpu.memory_space<vmem>>, vector<1x1x16xf32>,
        %get3A_1385 = vector.shape_cast %get3A_1384 : vector<1x1x16xf32> to vector<16xf32>
        %sub3A_1386 = arith.constant 1.000000e+00 : f32
        %sub3A_1387 = vector.broadcast %sub3A_1386 : f32 to vector<16xf32>
        %sub3A_1388 = arith.subf %sub3A_1387, %get3A_1385 : vector<16xf32>
        %get3A_1389 = arith.constant 1 : i32
        %get3A_1390 = arith.constant 1 : i32
        %get3A_1391 = arith.index_cast %get3A_1389 : i32 to index
        %get3A_1392 = arith.index_cast %get3A_1390 : i32 to index
        %get3A_1393 = arith.index_cast %mul3A_1378 : i32 to index
        %get3A_1394 = tpu.vector_load %arg7[%get3A_1391, %get3A_1392, %get3A_1393] {strides = array<i32>} : memref<2x4x4096xf32, #tpu.memory_space<vmem>>, vector<1x1x16xf32>,
        %get3A_1395 = vector.shape_cast %get3A_1394 : vector<1x1x16xf32> to vector<16xf32>
        %sub3A_1396 = arith.constant 1.000000e+00 : f32
        %sub3A_1397 = vector.broadcast %sub3A_1396 : f32 to vector<16xf32>
        %sub3A_1398 = arith.subf %sub3A_1397, %get3A_1395 : vector<16xf32>
        %mul3A_1399 = arith.mulf %sub3A_1388, %sub3A_1398 : vector<16xf32>
        %get3A_1400 = arith.constant 1 : i32
        %get3A_1401 = arith.constant 2 : i32
        %get3A_1402 = arith.index_cast %get3A_1400 : i32 to index
        %get3A_1403 = arith.index_cast %get3A_1401 : i32 to index
        %get3A_1404 = arith.index_cast %mul3A_1378 : i32 to index
        %get3A_1405 = tpu.vector_load %arg7[%get3A_1402, %get3A_1403, %get3A_1404] {strides = array<i32>} : memref<2x4x4096xf32, #tpu.memory_space<vmem>>, vector<1x1x16xf32>,
        %get3A_1406 = vector.shape_cast %get3A_1405 : vector<1x1x16xf32> to vector<16xf32>
        %sub3A_1407 = arith.constant 1.000000e+00 : f32
        %sub3A_1408 = vector.broadcast %sub3A_1407 : f32 to vector<16xf32>
        %sub3A_1409 = arith.subf %sub3A_1408, %get3A_1406 : vector<16xf32>
        %mul3A_1410 = arith.mulf %mul3A_1399, %sub3A_1409 : vector<16xf32>
        %get3A_1411 = arith.constant 1 : i32
        %get3A_1412 = arith.constant 3 : i32
        %get3A_1413 = arith.index_cast %get3A_1411 : i32 to index
        %get3A_1414 = arith.index_cast %get3A_1412 : i32 to index
        %get3A_1415 = arith.index_cast %mul3A_1378 : i32 to index
        %get3A_1416 = tpu.vector_load %arg7[%get3A_1413, %get3A_1414, %get3A_1415] {strides = array<i32>} : memref<2x4x4096xf32, #tpu.memory_space<vmem>>, vector<1x1x16xf32>,
        %get3A_1417 = vector.shape_cast %get3A_1416 : vector<1x1x16xf32> to vector<16xf32>
        %sub3A_1418 = arith.constant 1.000000e+00 : f32
        %sub3A_1419 = vector.broadcast %sub3A_1418 : f32 to vector<16xf32>
        %sub3A_1420 = arith.subf %sub3A_1419, %get3A_1417 : vector<16xf32>
        %mul3A_1421 = arith.mulf %mul3A_1410, %sub3A_1420 : vector<16xf32>
        %get3A_1422 = arith.constant 1 : i32
        %get3A_1423 = arith.index_cast %get3A_1422 : i32 to index
        %get3A_1424 = arith.index_cast %mul3A_1378 : i32 to index
        %get3A_1425 = tpu.vector_load %arg9[%get3A_1423, %get3A_1424] {strides = array<i32>} : memref<2x4096xf32, #tpu.memory_space<vmem>>, vector<1x16xf32>,
        %get3A_1426 = vector.shape_cast %get3A_1425 : vector<1x16xf32> to vector<16xf32>
        %sub3A_1427 = arith.constant 1.000000e+00 : f32
        %sub3A_1428 = vector.broadcast %sub3A_1427 : f32 to vector<16xf32>
        %sub3A_1429 = arith.subf %sub3A_1428, %get3A_1426 : vector<16xf32>
        %mul3A_1430 = arith.mulf %sub3A_1429, %mul3A_1421 : vector<16xf32>
        %get3A_1431 = arith.constant 1 : i32
        %get3A_1432 = arith.constant 0 : i32
        %get3A_1433 = arith.index_cast %get3A_1431 : i32 to index
        %get3A_1434 = arith.index_cast %get3A_1432 : i32 to index
        %get3A_1435 = arith.index_cast %mul3A_1378 : i32 to index
        %get3A_1436 = tpu.vector_load %arg8[%get3A_1433, %get3A_1434, %get3A_1435] {strides = array<i32>} : memref<2x8x4096xf32, #tpu.memory_space<vmem>>, vector<1x1x16xf32>,
        %get3A_1437 = vector.shape_cast %get3A_1436 : vector<1x1x16xf32> to vector<16xf32>
        %mul3A_1438 = vector.broadcast %squeeze3A_372 : f32 to vector<16xf32>
        %mul3A_1439 = arith.mulf %mul3A_1438, %get3A_1437 : vector<16xf32>
        %get3A_1440 = arith.constant 1 : i32
        %get3A_1441 = arith.constant 1 : i32
        %get3A_1442 = arith.index_cast %get3A_1440 : i32 to index
        %get3A_1443 = arith.index_cast %get3A_1441 : i32 to index
        %get3A_1444 = arith.index_cast %mul3A_1378 : i32 to index
        %get3A_1445 = tpu.vector_load %arg8[%get3A_1442, %get3A_1443, %get3A_1444] {strides = array<i32>} : memref<2x8x4096xf32, #tpu.memory_space<vmem>>, vector<1x1x16xf32>,
        %get3A_1446 = vector.shape_cast %get3A_1445 : vector<1x1x16xf32> to vector<16xf32>
        %mul3A_1447 = vector.broadcast %squeeze3A_374 : f32 to vector<16xf32>
        %mul3A_1448 = arith.mulf %mul3A_1447, %get3A_1446 : vector<16xf32>
        %add3A_1449 = arith.addf %mul3A_1439, %mul3A_1448 : vector<16xf32>
        %get3A_1450 = arith.constant 1 : i32
        %get3A_1451 = arith.constant 2 : i32
        %get3A_1452 = arith.index_cast %get3A_1450 : i32 to index
        %get3A_1453 = arith.index_cast %get3A_1451 : i32 to index
        %get3A_1454 = arith.index_cast %mul3A_1378 : i32 to index
        %get3A_1455 = tpu.vector_load %arg8[%get3A_1452, %get3A_1453, %get3A_1454] {strides = array<i32>} : memref<2x8x4096xf32, #tpu.memory_space<vmem>>, vector<1x1x16xf32>,
        %get3A_1456 = vector.shape_cast %get3A_1455 : vector<1x1x16xf32> to vector<16xf32>
        %mul3A_1457 = vector.broadcast %squeeze3A_376 : f32 to vector<16xf32>
        %mul3A_1458 = arith.mulf %mul3A_1457, %get3A_1456 : vector<16xf32>
        %add3A_1459 = arith.addf %add3A_1449, %mul3A_1458 : vector<16xf32>
        %get3A_1460 = arith.constant 1 : i32
        %get3A_1461 = arith.constant 3 : i32
        %get3A_1462 = arith.index_cast %get3A_1460 : i32 to index
        %get3A_1463 = arith.index_cast %get3A_1461 : i32 to index
        %get3A_1464 = arith.index_cast %mul3A_1378 : i32 to index
        %get3A_1465 = tpu.vector_load %arg8[%get3A_1462, %get3A_1463, %get3A_1464] {strides = array<i32>} : memref<2x8x4096xf32, #tpu.memory_space<vmem>>, vector<1x1x16xf32>,
        %get3A_1466 = vector.shape_cast %get3A_1465 : vector<1x1x16xf32> to vector<16xf32>
        %mul3A_1467 = vector.broadcast %squeeze3A_378 : f32 to vector<16xf32>
        %mul3A_1468 = arith.mulf %mul3A_1467, %get3A_1466 : vector<16xf32>
        %add3A_1469 = arith.addf %add3A_1459, %mul3A_1468 : vector<16xf32>
        %get3A_1470 = arith.constant 1 : i32
        %get3A_1471 = arith.constant 4 : i32
        %get3A_1472 = arith.index_cast %get3A_1470 : i32 to index
        %get3A_1473 = arith.index_cast %get3A_1471 : i32 to index
        %get3A_1474 = arith.index_cast %mul3A_1378 : i32 to index
        %get3A_1475 = tpu.vector_load %arg8[%get3A_1472, %get3A_1473, %get3A_1474] {strides = array<i32>} : memref<2x8x4096xf32, #tpu.memory_space<vmem>>, vector<1x1x16xf32>,
        %get3A_1476 = vector.shape_cast %get3A_1475 : vector<1x1x16xf32> to vector<16xf32>
        %mul3A_1477 = vector.broadcast %squeeze3A_380 : f32 to vector<16xf32>
        %mul3A_1478 = arith.mulf %mul3A_1477, %get3A_1476 : vector<16xf32>
        %add3A_1479 = arith.addf %add3A_1469, %mul3A_1478 : vector<16xf32>
        %get3A_1480 = arith.constant 1 : i32
        %get3A_1481 = arith.constant 5 : i32
        %get3A_1482 = arith.index_cast %get3A_1480 : i32 to index
        %get3A_1483 = arith.index_cast %get3A_1481 : i32 to index
        %get3A_1484 = arith.index_cast %mul3A_1378 : i32 to index
        %get3A_1485 = tpu.vector_load %arg8[%get3A_1482, %get3A_1483, %get3A_1484] {strides = array<i32>} : memref<2x8x4096xf32, #tpu.memory_space<vmem>>, vector<1x1x16xf32>,
        %get3A_1486 = vector.shape_cast %get3A_1485 : vector<1x1x16xf32> to vector<16xf32>
        %mul3A_1487 = vector.broadcast %squeeze3A_382 : f32 to vector<16xf32>
        %mul3A_1488 = arith.mulf %mul3A_1487, %get3A_1486 : vector<16xf32>
        %add3A_1489 = arith.addf %add3A_1479, %mul3A_1488 : vector<16xf32>
        %get3A_1490 = arith.constant 1 : i32
        %get3A_1491 = arith.constant 6 : i32
        %get3A_1492 = arith.index_cast %get3A_1490 : i32 to index
        %get3A_1493 = arith.index_cast %get3A_1491 : i32 to index
        %get3A_1494 = arith.index_cast %mul3A_1378 : i32 to index
        %get3A_1495 = tpu.vector_load %arg8[%get3A_1492, %get3A_1493, %get3A_1494] {strides = array<i32>} : memref<2x8x4096xf32, #tpu.memory_space<vmem>>, vector<1x1x16xf32>,
        %get3A_1496 = vector.shape_cast %get3A_1495 : vector<1x1x16xf32> to vector<16xf32>
        %mul3A_1497 = vector.broadcast %squeeze3A_384 : f32 to vector<16xf32>
        %mul3A_1498 = arith.mulf %mul3A_1497, %get3A_1496 : vector<16xf32>
        %add3A_1499 = arith.addf %add3A_1489, %mul3A_1498 : vector<16xf32>
        %get3A_1500 = arith.constant 1 : i32
        %get3A_1501 = arith.constant 7 : i32
        %get3A_1502 = arith.index_cast %get3A_1500 : i32 to index
        %get3A_1503 = arith.index_cast %get3A_1501 : i32 to index
        %get3A_1504 = arith.index_cast %mul3A_1378 : i32 to index
        %get3A_1505 = tpu.vector_load %arg8[%get3A_1502, %get3A_1503, %get3A_1504] {strides = array<i32>} : memref<2x8x4096xf32, #tpu.memory_space<vmem>>, vector<1x1x16xf32>,
        %get3A_1506 = vector.shape_cast %get3A_1505 : vector<1x1x16xf32> to vector<16xf32>
        %mul3A_1507 = vector.broadcast %squeeze3A_386 : f32 to vector<16xf32>
        %mul3A_1508 = arith.mulf %mul3A_1507, %get3A_1506 : vector<16xf32>
        %add3A_1509 = arith.addf %add3A_1499, %mul3A_1508 : vector<16xf32>
        %sub3A_1510 = arith.constant 1.000000e+00 : f32
        %sub3A_1511 = vector.broadcast %sub3A_1510 : f32 to vector<16xf32>
        %sub3A_1512 = arith.subf %sub3A_1511, %mul3A_1430 : vector<16xf32>
        %sub3A_1513 = arith.subf %sub3A_1512, %add3A_1509 : vector<16xf32>
        %max3A_1514 = arith.constant 0.000000e+00 : f32
        %max3A_1515 = vector.broadcast %max3A_1514 : f32 to vector<16xf32>
        %max3A_1516 = arith.maximumf %sub3A_1513, %max3A_1515 : vector<16xf32>
        %min3A_1517 = arith.constant 1.000000e+00 : f32
        %min3A_1518 = vector.broadcast %min3A_1517 : f32 to vector<16xf32>
        %min3A_1519 = arith.minimumf %max3A_1516, %min3A_1518 : vector<16xf32>
        %swap3A_1520 = arith.constant 1 : i32
        %swap3A_1521 = arith.index_cast %swap3A_1520 : i32 to index
        %swap3A_1522 = arith.index_cast %mul3A_1378 : i32 to index
        %swap3A_1523 = tpu.vector_load %arg10[%swap3A_1521, %swap3A_1522] {strides = array<i32>} : memref<2x4096xf32, #tpu.memory_space<vmem>>, vector<1x16xf32>,
        %swap3A_1524 = vector.shape_cast %swap3A_1523 : vector<1x16xf32> to vector<16xf32>
        %swap3A_1525 = vector.shape_cast %min3A_1519 : vector<16xf32> to vector<1x16xf32>
        tpu.vector_store %arg10[%swap3A_1521, %swap3A_1522], %swap3A_1525 {strides = array<i32>} : memref<2x4096xf32, #tpu.memory_space<vmem>>, vector<1x16xf32>,
        %mul3A_1526 = arith.constant 8 : i32
        %mul3A_1527 = arith.muli %scan3A_457, %mul3A_1526 : i32
        %add3A_1528 = arith.constant 7 : i32
        %add3A_1529 = arith.addi %mul3A_1527, %add3A_1528 : i32
        %mul3A_1530 = arith.constant 16 : i32
        %mul3A_1531 = arith.muli %add3A_1529, %mul3A_1530 : i32
        %get3A_1532 = arith.constant 1 : i32
        %get3A_1533 = arith.constant 0 : i32
        %get3A_1534 = arith.index_cast %get3A_1532 : i32 to index
        %get3A_1535 = arith.index_cast %get3A_1533 : i32 to index
        %get3A_1536 = arith.index_cast %mul3A_1531 : i32 to index
        %get3A_1537 = tpu.vector_load %arg7[%get3A_1534, %get3A_1535, %get3A_1536] {strides = array<i32>} : memref<2x4x4096xf32, #tpu.memory_space<vmem>>, vector<1x1x16xf32>,
        %get3A_1538 = vector.shape_cast %get3A_1537 : vector<1x1x16xf32> to vector<16xf32>
        %sub3A_1539 = arith.constant 1.000000e+00 : f32
        %sub3A_1540 = vector.broadcast %sub3A_1539 : f32 to vector<16xf32>
        %sub3A_1541 = arith.subf %sub3A_1540, %get3A_1538 : vector<16xf32>
        %get3A_1542 = arith.constant 1 : i32
        %get3A_1543 = arith.constant 1 : i32
        %get3A_1544 = arith.index_cast %get3A_1542 : i32 to index
        %get3A_1545 = arith.index_cast %get3A_1543 : i32 to index
        %get3A_1546 = arith.index_cast %mul3A_1531 : i32 to index
        %get3A_1547 = tpu.vector_load %arg7[%get3A_1544, %get3A_1545, %get3A_1546] {strides = array<i32>} : memref<2x4x4096xf32, #tpu.memory_space<vmem>>, vector<1x1x16xf32>,
        %get3A_1548 = vector.shape_cast %get3A_1547 : vector<1x1x16xf32> to vector<16xf32>
        %sub3A_1549 = arith.constant 1.000000e+00 : f32
        %sub3A_1550 = vector.broadcast %sub3A_1549 : f32 to vector<16xf32>
        %sub3A_1551 = arith.subf %sub3A_1550, %get3A_1548 : vector<16xf32>
        %mul3A_1552 = arith.mulf %sub3A_1541, %sub3A_1551 : vector<16xf32>
        %get3A_1553 = arith.constant 1 : i32
        %get3A_1554 = arith.constant 2 : i32
        %get3A_1555 = arith.index_cast %get3A_1553 : i32 to index
        %get3A_1556 = arith.index_cast %get3A_1554 : i32 to index
        %get3A_1557 = arith.index_cast %mul3A_1531 : i32 to index
        %get3A_1558 = tpu.vector_load %arg7[%get3A_1555, %get3A_1556, %get3A_1557] {strides = array<i32>} : memref<2x4x4096xf32, #tpu.memory_space<vmem>>, vector<1x1x16xf32>,
        %get3A_1559 = vector.shape_cast %get3A_1558 : vector<1x1x16xf32> to vector<16xf32>
        %sub3A_1560 = arith.constant 1.000000e+00 : f32
        %sub3A_1561 = vector.broadcast %sub3A_1560 : f32 to vector<16xf32>
        %sub3A_1562 = arith.subf %sub3A_1561, %get3A_1559 : vector<16xf32>
        %mul3A_1563 = arith.mulf %mul3A_1552, %sub3A_1562 : vector<16xf32>
        %get3A_1564 = arith.constant 1 : i32
        %get3A_1565 = arith.constant 3 : i32
        %get3A_1566 = arith.index_cast %get3A_1564 : i32 to index
        %get3A_1567 = arith.index_cast %get3A_1565 : i32 to index
        %get3A_1568 = arith.index_cast %mul3A_1531 : i32 to index
        %get3A_1569 = tpu.vector_load %arg7[%get3A_1566, %get3A_1567, %get3A_1568] {strides = array<i32>} : memref<2x4x4096xf32, #tpu.memory_space<vmem>>, vector<1x1x16xf32>,
        %get3A_1570 = vector.shape_cast %get3A_1569 : vector<1x1x16xf32> to vector<16xf32>
        %sub3A_1571 = arith.constant 1.000000e+00 : f32
        %sub3A_1572 = vector.broadcast %sub3A_1571 : f32 to vector<16xf32>
        %sub3A_1573 = arith.subf %sub3A_1572, %get3A_1570 : vector<16xf32>
        %mul3A_1574 = arith.mulf %mul3A_1563, %sub3A_1573 : vector<16xf32>
        %get3A_1575 = arith.constant 1 : i32
        %get3A_1576 = arith.index_cast %get3A_1575 : i32 to index
        %get3A_1577 = arith.index_cast %mul3A_1531 : i32 to index
        %get3A_1578 = tpu.vector_load %arg9[%get3A_1576, %get3A_1577] {strides = array<i32>} : memref<2x4096xf32, #tpu.memory_space<vmem>>, vector<1x16xf32>,
        %get3A_1579 = vector.shape_cast %get3A_1578 : vector<1x16xf32> to vector<16xf32>
        %sub3A_1580 = arith.constant 1.000000e+00 : f32
        %sub3A_1581 = vector.broadcast %sub3A_1580 : f32 to vector<16xf32>
        %sub3A_1582 = arith.subf %sub3A_1581, %get3A_1579 : vector<16xf32>
        %mul3A_1583 = arith.mulf %sub3A_1582, %mul3A_1574 : vector<16xf32>
        %get3A_1584 = arith.constant 1 : i32
        %get3A_1585 = arith.constant 0 : i32
        %get3A_1586 = arith.index_cast %get3A_1584 : i32 to index
        %get3A_1587 = arith.index_cast %get3A_1585 : i32 to index
        %get3A_1588 = arith.index_cast %mul3A_1531 : i32 to index
        %get3A_1589 = tpu.vector_load %arg8[%get3A_1586, %get3A_1587, %get3A_1588] {strides = array<i32>} : memref<2x8x4096xf32, #tpu.memory_space<vmem>>, vector<1x1x16xf32>,
        %get3A_1590 = vector.shape_cast %get3A_1589 : vector<1x1x16xf32> to vector<16xf32>
        %mul3A_1591 = vector.broadcast %squeeze3A_372 : f32 to vector<16xf32>
        %mul3A_1592 = arith.mulf %mul3A_1591, %get3A_1590 : vector<16xf32>
        %get3A_1593 = arith.constant 1 : i32
        %get3A_1594 = arith.constant 1 : i32
        %get3A_1595 = arith.index_cast %get3A_1593 : i32 to index
        %get3A_1596 = arith.index_cast %get3A_1594 : i32 to index
        %get3A_1597 = arith.index_cast %mul3A_1531 : i32 to index
        %get3A_1598 = tpu.vector_load %arg8[%get3A_1595, %get3A_1596, %get3A_1597] {strides = array<i32>} : memref<2x8x4096xf32, #tpu.memory_space<vmem>>, vector<1x1x16xf32>,
        %get3A_1599 = vector.shape_cast %get3A_1598 : vector<1x1x16xf32> to vector<16xf32>
        %mul3A_1600 = vector.broadcast %squeeze3A_374 : f32 to vector<16xf32>
        %mul3A_1601 = arith.mulf %mul3A_1600, %get3A_1599 : vector<16xf32>
        %add3A_1602 = arith.addf %mul3A_1592, %mul3A_1601 : vector<16xf32>
        %get3A_1603 = arith.constant 1 : i32
        %get3A_1604 = arith.constant 2 : i32
        %get3A_1605 = arith.index_cast %get3A_1603 : i32 to index
        %get3A_1606 = arith.index_cast %get3A_1604 : i32 to index
        %get3A_1607 = arith.index_cast %mul3A_1531 : i32 to index
        %get3A_1608 = tpu.vector_load %arg8[%get3A_1605, %get3A_1606, %get3A_1607] {strides = array<i32>} : memref<2x8x4096xf32, #tpu.memory_space<vmem>>, vector<1x1x16xf32>,
        %get3A_1609 = vector.shape_cast %get3A_1608 : vector<1x1x16xf32> to vector<16xf32>
        %mul3A_1610 = vector.broadcast %squeeze3A_376 : f32 to vector<16xf32>
        %mul3A_1611 = arith.mulf %mul3A_1610, %get3A_1609 : vector<16xf32>
        %add3A_1612 = arith.addf %add3A_1602, %mul3A_1611 : vector<16xf32>
        %get3A_1613 = arith.constant 1 : i32
        %get3A_1614 = arith.constant 3 : i32
        %get3A_1615 = arith.index_cast %get3A_1613 : i32 to index
        %get3A_1616 = arith.index_cast %get3A_1614 : i32 to index
        %get3A_1617 = arith.index_cast %mul3A_1531 : i32 to index
        %get3A_1618 = tpu.vector_load %arg8[%get3A_1615, %get3A_1616, %get3A_1617] {strides = array<i32>} : memref<2x8x4096xf32, #tpu.memory_space<vmem>>, vector<1x1x16xf32>,
        %get3A_1619 = vector.shape_cast %get3A_1618 : vector<1x1x16xf32> to vector<16xf32>
        %mul3A_1620 = vector.broadcast %squeeze3A_378 : f32 to vector<16xf32>
        %mul3A_1621 = arith.mulf %mul3A_1620, %get3A_1619 : vector<16xf32>
        %add3A_1622 = arith.addf %add3A_1612, %mul3A_1621 : vector<16xf32>
        %get3A_1623 = arith.constant 1 : i32
        %get3A_1624 = arith.constant 4 : i32
        %get3A_1625 = arith.index_cast %get3A_1623 : i32 to index
        %get3A_1626 = arith.index_cast %get3A_1624 : i32 to index
        %get3A_1627 = arith.index_cast %mul3A_1531 : i32 to index
        %get3A_1628 = tpu.vector_load %arg8[%get3A_1625, %get3A_1626, %get3A_1627] {strides = array<i32>} : memref<2x8x4096xf32, #tpu.memory_space<vmem>>, vector<1x1x16xf32>,
        %get3A_1629 = vector.shape_cast %get3A_1628 : vector<1x1x16xf32> to vector<16xf32>
        %mul3A_1630 = vector.broadcast %squeeze3A_380 : f32 to vector<16xf32>
        %mul3A_1631 = arith.mulf %mul3A_1630, %get3A_1629 : vector<16xf32>
        %add3A_1632 = arith.addf %add3A_1622, %mul3A_1631 : vector<16xf32>
        %get3A_1633 = arith.constant 1 : i32
        %get3A_1634 = arith.constant 5 : i32
        %get3A_1635 = arith.index_cast %get3A_1633 : i32 to index
        %get3A_1636 = arith.index_cast %get3A_1634 : i32 to index
        %get3A_1637 = arith.index_cast %mul3A_1531 : i32 to index
        %get3A_1638 = tpu.vector_load %arg8[%get3A_1635, %get3A_1636, %get3A_1637] {strides = array<i32>} : memref<2x8x4096xf32, #tpu.memory_space<vmem>>, vector<1x1x16xf32>,
        %get3A_1639 = vector.shape_cast %get3A_1638 : vector<1x1x16xf32> to vector<16xf32>
        %mul3A_1640 = vector.broadcast %squeeze3A_382 : f32 to vector<16xf32>
        %mul3A_1641 = arith.mulf %mul3A_1640, %get3A_1639 : vector<16xf32>
        %add3A_1642 = arith.addf %add3A_1632, %mul3A_1641 : vector<16xf32>
        %get3A_1643 = arith.constant 1 : i32
        %get3A_1644 = arith.constant 6 : i32
        %get3A_1645 = arith.index_cast %get3A_1643 : i32 to index
        %get3A_1646 = arith.index_cast %get3A_1644 : i32 to index
        %get3A_1647 = arith.index_cast %mul3A_1531 : i32 to index
        %get3A_1648 = tpu.vector_load %arg8[%get3A_1645, %get3A_1646, %get3A_1647] {strides = array<i32>} : memref<2x8x4096xf32, #tpu.memory_space<vmem>>, vector<1x1x16xf32>,
        %get3A_1649 = vector.shape_cast %get3A_1648 : vector<1x1x16xf32> to vector<16xf32>
        %mul3A_1650 = vector.broadcast %squeeze3A_384 : f32 to vector<16xf32>
        %mul3A_1651 = arith.mulf %mul3A_1650, %get3A_1649 : vector<16xf32>
        %add3A_1652 = arith.addf %add3A_1642, %mul3A_1651 : vector<16xf32>
        %get3A_1653 = arith.constant 1 : i32
        %get3A_1654 = arith.constant 7 : i32
        %get3A_1655 = arith.index_cast %get3A_1653 : i32 to index
        %get3A_1656 = arith.index_cast %get3A_1654 : i32 to index
        %get3A_1657 = arith.index_cast %mul3A_1531 : i32 to index
        %get3A_1658 = tpu.vector_load %arg8[%get3A_1655, %get3A_1656, %get3A_1657] {strides = array<i32>} : memref<2x8x4096xf32, #tpu.memory_space<vmem>>, vector<1x1x16xf32>,
        %get3A_1659 = vector.shape_cast %get3A_1658 : vector<1x1x16xf32> to vector<16xf32>
        %mul3A_1660 = vector.broadcast %squeeze3A_386 : f32 to vector<16xf32>
        %mul3A_1661 = arith.mulf %mul3A_1660, %get3A_1659 : vector<16xf32>
        %add3A_1662 = arith.addf %add3A_1652, %mul3A_1661 : vector<16xf32>
        %sub3A_1663 = arith.constant 1.000000e+00 : f32
        %sub3A_1664 = vector.broadcast %sub3A_1663 : f32 to vector<16xf32>
        %sub3A_1665 = arith.subf %sub3A_1664, %mul3A_1583 : vector<16xf32>
        %sub3A_1666 = arith.subf %sub3A_1665, %add3A_1662 : vector<16xf32>
        %max3A_1667 = arith.constant 0.000000e+00 : f32
        %max3A_1668 = vector.broadcast %max3A_1667 : f32 to vector<16xf32>
        %max3A_1669 = arith.maximumf %sub3A_1666, %max3A_1668 : vector<16xf32>
        %min3A_1670 = arith.constant 1.000000e+00 : f32
        %min3A_1671 = vector.broadcast %min3A_1670 : f32 to vector<16xf32>
        %min3A_1672 = arith.minimumf %max3A_1669, %min3A_1671 : vector<16xf32>
        %swap3A_1673 = arith.constant 1 : i32
        %swap3A_1674 = arith.index_cast %swap3A_1673 : i32 to index
        %swap3A_1675 = arith.index_cast %mul3A_1531 : i32 to index
        %swap3A_1676 = tpu.vector_load %arg10[%swap3A_1674, %swap3A_1675] {strides = array<i32>} : memref<2x4096xf32, #tpu.memory_space<vmem>>, vector<1x16xf32>,
        %swap3A_1677 = vector.shape_cast %swap3A_1676 : vector<1x16xf32> to vector<16xf32>
        %swap3A_1678 = vector.shape_cast %min3A_1672 : vector<16xf32> to vector<1x16xf32>
        tpu.vector_store %arg10[%swap3A_1674, %swap3A_1675], %swap3A_1678 {strides = array<i32>} : memref<2x4096xf32, #tpu.memory_space<vmem>>, vector<1x16xf32>,
      }
      %scan3A_397 = arith.constant 32 : i32
      %jit3A_398 = arith.constant 4 : i32
      %div3A_399 = arith.divsi %add3A_291, %jit3A_398 : i32
      %sign3A_400 = arith.constant 0 : i32
      %sign3A_401 = arith.cmpi sgt, %add3A_291, %sign3A_400 : i32
      %sign3A_402 = arith.extui %sign3A_401 : i1 to i32
      %sign3A_403 = arith.constant 0 : i32
      %sign3A_404 = arith.cmpi slt, %add3A_291, %sign3A_403 : i32
      %sign3A_405 = arith.extui %sign3A_404 : i1 to i32
      %sign3A_406 = arith.subi %sign3A_402, %sign3A_405 : i32
      %sign3A_407 = arith.constant 0 : i32
      %sign3A_408 = arith.cmpi sgt, %jit3A_398, %sign3A_407 : i32
      %sign3A_409 = arith.extui %sign3A_408 : i1 to i32
      %sign3A_410 = arith.constant 0 : i32
      %sign3A_411 = arith.cmpi slt, %jit3A_398, %sign3A_410 : i32
      %sign3A_412 = arith.extui %sign3A_411 : i1 to i32
      %sign3A_413 = arith.subi %sign3A_409, %sign3A_412 : i32
      %ne3A_414 = arith.cmpi ne, %sign3A_406, %sign3A_413 : i32
      %rem3A_415 = arith.remsi %add3A_291, %jit3A_398 : i32
      %ne3A_416 = arith.constant 0 : i32
      %ne3A_417 = arith.cmpi ne, %rem3A_415, %ne3A_416 : i32
      %and3A_418 = arith.andi %ne3A_414, %ne3A_417 : i1
      %sub3A_419 = arith.constant 1 : i32
      %sub3A_420 = arith.subi %div3A_399, %sub3A_419 : i32
      %select_n3A_421 = arith.select %and3A_418, %sub3A_420, %div3A_399 : i32
      %add3A_422 = arith.addi %mul3A_2, %select_n3A_421 : i32
      %jit3A_423 = arith.constant 4 : i32
      %eq3A_424 = arith.constant 0 : i32
      %eq3A_425 = arith.cmpi eq, %jit3A_423, %eq3A_424 : i32
      %jit3A_426 = arith.constant 1 : i32
      %select_n3A_427 = arith.select %eq3A_425, %jit3A_426, %jit3A_423 : i32
      %rem3A_428 = arith.remsi %add3A_291, %select_n3A_427 : i32
      %ne3A_429 = arith.constant 0 : i32
      %ne3A_430 = arith.cmpi ne, %rem3A_428, %ne3A_429 : i32
      %lt3A_431 = arith.constant 0 : i32
      %lt3A_432 = arith.cmpi slt, %rem3A_428, %lt3A_431 : i32
      %lt3A_433 = arith.constant 0 : i32
      %lt3A_434 = arith.cmpi slt, %select_n3A_427, %lt3A_433 : i32
      %ne3A_435 = arith.xori %lt3A_432, %lt3A_434 : i1
      %and3A_436 = arith.andi %ne3A_435, %ne3A_430 : i1
      %add3A_437 = arith.addi %rem3A_428, %select_n3A_427 : i32
      %select_n3A_438 = arith.select %and3A_436, %add3A_437, %rem3A_428 : i32
      %mul3A_439 = arith.constant 4096 : i32
      %mul3A_440 = arith.muli %select_n3A_438, %mul3A_439 : i32
      %dma_start3A_441 = arith.constant 1 : i32
      %dma_start3A_442 = arith.constant 0 : i32
      %dma_start3A_443 = tpu.memref_slice %arg10[%dma_start3A_441, %dma_start3A_442] : memref<2x4096xf32, #tpu.memory_space<vmem>> -> memref<1x4096xf32, #tpu.memory_space<vmem>>
      %dma_start3A_444 = tpu.memref_squeeze %dma_start3A_443 : memref<1x4096xf32, #tpu.memory_space<vmem>> -> memref<4096xf32, #tpu.memory_space<vmem>>
      %dma_start3A_445 = tpu.memref_slice %arg6[%add3A_422, %mul3A_440] : memref<128x16384xf32, #tpu.memory_space<hbm>> -> memref<1x4096xf32, #tpu.memory_space<hbm>>
      %dma_start3A_446 = tpu.memref_squeeze %dma_start3A_445 : memref<1x4096xf32, #tpu.memory_space<hbm>> -> memref<4096xf32, #tpu.memory_space<hbm>>
      %dma_start3A_447 = tpu.memref_slice %arg6[%add3A_422, %mul3A_440] : memref<128x16384xf32, #tpu.memory_space<hbm>> -> memref<1x4096xf32, #tpu.memory_space<hbm>>
      %dma_start3A_448 = tpu.memref_squeeze %dma_start3A_447 : memref<1x4096xf32, #tpu.memory_space<hbm>> -> memref<4096xf32, #tpu.memory_space<hbm>>
      %dma_start3A_449 = arith.constant 0 : i32
      %dma_start3A_450 = tpu.memref_slice %arg10[%dma_start3A_441, %dma_start3A_449] : memref<2x4096xf32, #tpu.memory_space<vmem>> -> memref<1x4096xf32, #tpu.memory_space<vmem>>
      %dma_start3A_451 = tpu.memref_squeeze %dma_start3A_450 : memref<1x4096xf32, #tpu.memory_space<vmem>> -> memref<4096xf32, #tpu.memory_space<vmem>>
      tpu.enqueue_dma source(%dma_start3A_451 : memref<4096xf32, #tpu.memory_space<vmem>>) target(%dma_start3A_448 : memref<4096xf32, #tpu.memory_space<hbm>>) target_semaphore(%arg15 : memref<!tpu.dma_semaphore, #tpu.memory_space<semaphore_mem>>)
      %lt3A_452 = arith.constant 7 : i32
      %lt3A_453 = arith.cmpi slt, %scan3A_134, %lt3A_452 : i32
      %convert_element_type3A_454 = arith.extui %lt3A_453 : i1 to i32
      %cond3A_455 = arith.constant 0 : i32
      %cond3A_456 = arith.cmpi ne, %convert_element_type3A_454, %cond3A_455 : i32
      scf.if %cond3A_456 {
        %add3A_457 = arith.constant 2 : i32
        %add3A_458 = arith.addi %add3A_291, %add3A_457 : i32
        %jit3A_459 = arith.constant 4 : i32
        %div3A_460 = arith.divsi %add3A_458, %jit3A_459 : i32
        %sign3A_461 = arith.constant 0 : i32
        %sign3A_462 = arith.cmpi sgt, %add3A_458, %sign3A_461 : i32
        %sign3A_463 = arith.extui %sign3A_462 : i1 to i32
        %sign3A_464 = arith.constant 0 : i32
        %sign3A_465 = arith.cmpi slt, %add3A_458, %sign3A_464 : i32
        %sign3A_466 = arith.extui %sign3A_465 : i1 to i32
        %sign3A_467 = arith.subi %sign3A_463, %sign3A_466 : i32
        %sign3A_468 = arith.constant 0 : i32
        %sign3A_469 = arith.cmpi sgt, %jit3A_459, %sign3A_468 : i32
        %sign3A_470 = arith.extui %sign3A_469 : i1 to i32
        %sign3A_471 = arith.constant 0 : i32
        %sign3A_472 = arith.cmpi slt, %jit3A_459, %sign3A_471 : i32
        %sign3A_473 = arith.extui %sign3A_472 : i1 to i32
        %sign3A_474 = arith.subi %sign3A_470, %sign3A_473 : i32
        %ne3A_475 = arith.cmpi ne, %sign3A_467, %sign3A_474 : i32
        %rem3A_476 = arith.remsi %add3A_458, %jit3A_459 : i32
        %ne3A_477 = arith.constant 0 : i32
        %ne3A_478 = arith.cmpi ne, %rem3A_476, %ne3A_477 : i32
        %and3A_479 = arith.andi %ne3A_475, %ne3A_478 : i1
        %sub3A_480 = arith.constant 1 : i32
        %sub3A_481 = arith.subi %div3A_460, %sub3A_480 : i32
        %select_n3A_482 = arith.select %and3A_479, %sub3A_481, %div3A_460 : i32
        %add3A_483 = arith.addi %mul3A_2, %select_n3A_482 : i32
        %jit3A_484 = arith.constant 4 : i32
        %eq3A_485 = arith.constant 0 : i32
        %eq3A_486 = arith.cmpi eq, %jit3A_484, %eq3A_485 : i32
        %jit3A_487 = arith.constant 1 : i32
        %select_n3A_488 = arith.select %eq3A_486, %jit3A_487, %jit3A_484 : i32
        %rem3A_489 = arith.remsi %add3A_458, %select_n3A_488 : i32
        %ne3A_490 = arith.constant 0 : i32
        %ne3A_491 = arith.cmpi ne, %rem3A_489, %ne3A_490 : i32
        %lt3A_492 = arith.constant 0 : i32
        %lt3A_493 = arith.cmpi slt, %rem3A_489, %lt3A_492 : i32
        %lt3A_494 = arith.constant 0 : i32
        %lt3A_495 = arith.cmpi slt, %select_n3A_488, %lt3A_494 : i32
        %ne3A_496 = arith.xori %lt3A_493, %lt3A_495 : i1
        %and3A_497 = arith.andi %ne3A_496, %ne3A_491 : i1
        %add3A_498 = arith.addi %rem3A_489, %select_n3A_488 : i32
        %select_n3A_499 = arith.select %and3A_497, %add3A_498, %rem3A_489 : i32
        %mul3A_500 = arith.constant 4096 : i32
        %mul3A_501 = arith.muli %select_n3A_499, %mul3A_500 : i32
        %dma_start3A_502 = arith.constant 1 : i32
        %dma_start3A_503 = arith.constant 0 : i32
        %dma_start3A_504 = arith.constant 0 : i32
        %dma_start3A_505 = tpu.memref_slice %arg7[%dma_start3A_502, %dma_start3A_503, %dma_start3A_504] : memref<2x4x4096xf32, #tpu.memory_space<vmem>> -> memref<1x4x4096xf32, #tpu.memory_space<vmem>>
        %dma_start3A_506 = tpu.memref_squeeze %dma_start3A_505 : memref<1x4x4096xf32, #tpu.memory_space<vmem>> -> memref<4x4096xf32, #tpu.memory_space<vmem>>
        %dma_start3A_507 = arith.constant 0 : i32
        %dma_start3A_508 = tpu.memref_slice %arg2[%add3A_483, %dma_start3A_507, %mul3A_501] : memref<256x4x16384xf32, #tpu.memory_space<hbm>> -> memref<1x4x4096xf32, #tpu.memory_space<hbm>>
        %dma_start3A_509 = tpu.memref_squeeze %dma_start3A_508 : memref<1x4x4096xf32, #tpu.memory_space<hbm>> -> memref<4x4096xf32, #tpu.memory_space<hbm>>
        %dma_start3A_510 = arith.constant 0 : i32
        %dma_start3A_511 = arith.constant 0 : i32
        %dma_start3A_512 = tpu.memref_slice %arg7[%dma_start3A_502, %dma_start3A_510, %dma_start3A_511] : memref<2x4x4096xf32, #tpu.memory_space<vmem>> -> memref<1x4x4096xf32, #tpu.memory_space<vmem>>
        %dma_start3A_513 = tpu.memref_squeeze %dma_start3A_512 : memref<1x4x4096xf32, #tpu.memory_space<vmem>> -> memref<4x4096xf32, #tpu.memory_space<vmem>>
        %dma_start3A_514 = arith.constant 0 : i32
        %dma_start3A_515 = tpu.memref_slice %arg2[%add3A_483, %dma_start3A_514, %mul3A_501] : memref<256x4x16384xf32, #tpu.memory_space<hbm>> -> memref<1x4x4096xf32, #tpu.memory_space<hbm>>
        %dma_start3A_516 = tpu.memref_squeeze %dma_start3A_515 : memref<1x4x4096xf32, #tpu.memory_space<hbm>> -> memref<4x4096xf32, #tpu.memory_space<hbm>>
        tpu.enqueue_dma source(%dma_start3A_516 : memref<4x4096xf32, #tpu.memory_space<hbm>>) target(%dma_start3A_513 : memref<4x4096xf32, #tpu.memory_space<vmem>>) target_semaphore(%arg13 : memref<!tpu.dma_semaphore, #tpu.memory_space<semaphore_mem>>)
        %dma_start3A_517 = arith.constant 1 : i32
        %dma_start3A_518 = arith.constant 0 : i32
        %dma_start3A_519 = arith.constant 0 : i32
        %dma_start3A_520 = tpu.memref_slice %arg8[%dma_start3A_517, %dma_start3A_518, %dma_start3A_519] : memref<2x8x4096xf32, #tpu.memory_space<vmem>> -> memref<1x8x4096xf32, #tpu.memory_space<vmem>>
        %dma_start3A_521 = tpu.memref_squeeze %dma_start3A_520 : memref<1x8x4096xf32, #tpu.memory_space<vmem>> -> memref<8x4096xf32, #tpu.memory_space<vmem>>
        %dma_start3A_522 = arith.constant 0 : i32
        %dma_start3A_523 = tpu.memref_slice %arg4[%add3A_483, %dma_start3A_522, %mul3A_501] : memref<256x8x16384xf32, #tpu.memory_space<hbm>> -> memref<1x8x4096xf32, #tpu.memory_space<hbm>>
        %dma_start3A_524 = tpu.memref_squeeze %dma_start3A_523 : memref<1x8x4096xf32, #tpu.memory_space<hbm>> -> memref<8x4096xf32, #tpu.memory_space<hbm>>
        %dma_start3A_525 = arith.constant 0 : i32
        %dma_start3A_526 = arith.constant 0 : i32
        %dma_start3A_527 = tpu.memref_slice %arg8[%dma_start3A_517, %dma_start3A_525, %dma_start3A_526] : memref<2x8x4096xf32, #tpu.memory_space<vmem>> -> memref<1x8x4096xf32, #tpu.memory_space<vmem>>
        %dma_start3A_528 = tpu.memref_squeeze %dma_start3A_527 : memref<1x8x4096xf32, #tpu.memory_space<vmem>> -> memref<8x4096xf32, #tpu.memory_space<vmem>>
        %dma_start3A_529 = arith.constant 0 : i32
        %dma_start3A_530 = tpu.memref_slice %arg4[%add3A_483, %dma_start3A_529, %mul3A_501] : memref<256x8x16384xf32, #tpu.memory_space<hbm>> -> memref<1x8x4096xf32, #tpu.memory_space<hbm>>
        %dma_start3A_531 = tpu.memref_squeeze %dma_start3A_530 : memref<1x8x4096xf32, #tpu.memory_space<hbm>> -> memref<8x4096xf32, #tpu.memory_space<hbm>>
        tpu.enqueue_dma source(%dma_start3A_531 : memref<8x4096xf32, #tpu.memory_space<hbm>>) target(%dma_start3A_528 : memref<8x4096xf32, #tpu.memory_space<vmem>>) target_semaphore(%arg13 : memref<!tpu.dma_semaphore, #tpu.memory_space<semaphore_mem>>)
        %dma_start3A_532 = arith.constant 1 : i32
        %dma_start3A_533 = arith.constant 0 : i32
        %dma_start3A_534 = tpu.memref_slice %arg9[%dma_start3A_532, %dma_start3A_533] : memref<2x4096xf32, #tpu.memory_space<vmem>> -> memref<1x4096xf32, #tpu.memory_space<vmem>>
        %dma_start3A_535 = tpu.memref_squeeze %dma_start3A_534 : memref<1x4096xf32, #tpu.memory_space<vmem>> -> memref<4096xf32, #tpu.memory_space<vmem>>
        %dma_start3A_536 = tpu.memref_slice %arg5[%add3A_483, %mul3A_501] : memref<256x16384xf32, #tpu.memory_space<hbm>> -> memref<1x4096xf32, #tpu.memory_space<hbm>>
        %dma_start3A_537 = tpu.memref_squeeze %dma_start3A_536 : memref<1x4096xf32, #tpu.memory_space<hbm>> -> memref<4096xf32, #tpu.memory_space<hbm>>
        %dma_start3A_538 = arith.constant 0 : i32
        %dma_start3A_539 = tpu.memref_slice %arg9[%dma_start3A_532, %dma_start3A_538] : memref<2x4096xf32, #tpu.memory_space<vmem>> -> memref<1x4096xf32, #tpu.memory_space<vmem>>
        %dma_start3A_540 = tpu.memref_squeeze %dma_start3A_539 : memref<1x4096xf32, #tpu.memory_space<vmem>> -> memref<4096xf32, #tpu.memory_space<vmem>>
        %dma_start3A_541 = tpu.memref_slice %arg5[%add3A_483, %mul3A_501] : memref<256x16384xf32, #tpu.memory_space<hbm>> -> memref<1x4096xf32, #tpu.memory_space<hbm>>
        %dma_start3A_542 = tpu.memref_squeeze %dma_start3A_541 : memref<1x4096xf32, #tpu.memory_space<hbm>> -> memref<4096xf32, #tpu.memory_space<hbm>>
        tpu.enqueue_dma source(%dma_start3A_542 : memref<4096xf32, #tpu.memory_space<hbm>>) target(%dma_start3A_540 : memref<4096xf32, #tpu.memory_space<vmem>>) target_semaphore(%arg13 : memref<!tpu.dma_semaphore, #tpu.memory_space<semaphore_mem>>)
      } else {
      }
    }
    %scan3A_106 = arith.constant 8 : i32
    %dma_wait3A = arith.constant 0 : i32
    %dma_wait3A_107 = arith.constant 0 : i32
    %dma_wait3A_108 = arith.constant 0 : i32
    %dma_wait3A_109 = tpu.memref_slice %arg10[%dma_wait3A, %dma_wait3A_108] : memref<2x4096xf32, #tpu.memory_space<vmem>> -> memref<1x4096xf32, #tpu.memory_space<vmem>>
    %dma_wait3A_110 = tpu.memref_squeeze %dma_wait3A_109 : memref<1x4096xf32, #tpu.memory_space<vmem>> -> memref<4096xf32, #tpu.memory_space<vmem>>
    %dma_wait3A_111 = arith.constant 0 : i32
    %dma_wait3A_112 = tpu.memref_slice %arg6[%dma_wait3A_107, %dma_wait3A_111] : memref<128x16384xf32, #tpu.memory_space<hbm>> -> memref<1x4096xf32, #tpu.memory_space<hbm>>
    %dma_wait3A_113 = tpu.memref_squeeze %dma_wait3A_112 : memref<1x4096xf32, #tpu.memory_space<hbm>> -> memref<4096xf32, #tpu.memory_space<hbm>>
    %dma_wait3A_114 = arith.constant 0 : i32
    %dma_wait3A_115 = tpu.memref_slice %arg6[%dma_wait3A_107, %dma_wait3A_114] : memref<128x16384xf32, #tpu.memory_space<hbm>> -> memref<1x4096xf32, #tpu.memory_space<hbm>>
    %dma_wait3A_116 = tpu.memref_squeeze %dma_wait3A_115 : memref<1x4096xf32, #tpu.memory_space<hbm>> -> memref<4096xf32, #tpu.memory_space<hbm>>
    %dma_wait3A_117 = arith.constant 0 : i32
    %dma_wait3A_118 = tpu.memref_slice %arg10[%dma_wait3A, %dma_wait3A_117] : memref<2x4096xf32, #tpu.memory_space<vmem>> -> memref<1x4096xf32, #tpu.memory_space<vmem>>
    %dma_wait3A_119 = tpu.memref_squeeze %dma_wait3A_118 : memref<1x4096xf32, #tpu.memory_space<vmem>> -> memref<4096xf32, #tpu.memory_space<vmem>>
    tpu.wait_dma2 semaphore(%arg14 : memref<!tpu.dma_semaphore, #tpu.memory_space<semaphore_mem>>) src(%dma_wait3A_119 : memref<4096xf32, #tpu.memory_space<vmem>>) dst(%dma_wait3A_116 : memref<4096xf32, #tpu.memory_space<hbm>>)
    %dma_wait3A_120 = arith.constant 1 : i32
    %dma_wait3A_121 = arith.constant 0 : i32
    %dma_wait3A_122 = arith.constant 0 : i32
    %dma_wait3A_123 = tpu.memref_slice %arg10[%dma_wait3A_120, %dma_wait3A_122] : memref<2x4096xf32, #tpu.memory_space<vmem>> -> memref<1x4096xf32, #tpu.memory_space<vmem>>
    %dma_wait3A_124 = tpu.memref_squeeze %dma_wait3A_123 : memref<1x4096xf32, #tpu.memory_space<vmem>> -> memref<4096xf32, #tpu.memory_space<vmem>>
    %dma_wait3A_125 = arith.constant 0 : i32
    %dma_wait3A_126 = tpu.memref_slice %arg6[%dma_wait3A_121, %dma_wait3A_125] : memref<128x16384xf32, #tpu.memory_space<hbm>> -> memref<1x4096xf32, #tpu.memory_space<hbm>>
    %dma_wait3A_127 = tpu.memref_squeeze %dma_wait3A_126 : memref<1x4096xf32, #tpu.memory_space<hbm>> -> memref<4096xf32, #tpu.memory_space<hbm>>
    %dma_wait3A_128 = arith.constant 0 : i32
    %dma_wait3A_129 = tpu.memref_slice %arg6[%dma_wait3A_121, %dma_wait3A_128] : memref<128x16384xf32, #tpu.memory_space<hbm>> -> memref<1x4096xf32, #tpu.memory_space<hbm>>
    %dma_wait3A_130 = tpu.memref_squeeze %dma_wait3A_129 : memref<1x4096xf32, #tpu.memory_space<hbm>> -> memref<4096xf32, #tpu.memory_space<hbm>>
    %dma_wait3A_131 = arith.constant 0 : i32
    %dma_wait3A_132 = tpu.memref_slice %arg10[%dma_wait3A_120, %dma_wait3A_131] : memref<2x4096xf32, #tpu.memory_space<vmem>> -> memref<1x4096xf32, #tpu.memory_space<vmem>>
    %dma_wait3A_133 = tpu.memref_squeeze %dma_wait3A_132 : memref<1x4096xf32, #tpu.memory_space<vmem>> -> memref<4096xf32, #tpu.memory_space<vmem>>
    tpu.wait_dma2 semaphore(%arg15 : memref<!tpu.dma_semaphore, #tpu.memory_space<semaphore_mem>>) src(%dma_wait3A_133 : memref<4096xf32, #tpu.memory_space<vmem>>) dst(%dma_wait3A_130 : memref<4096xf32, #tpu.memory_space<hbm>>)
    return
  }
}

module attributes {stable_mosaic.version = 14 : i64} {
  func.func @_tc_body(%arg0: i32, %arg1: memref<8x4x16384xf32, #tpu.memory_space<vmem>>, %arg2: memref<8x8xf32, #tpu.memory_space<vmem>>, %arg3: memref<8x8x16384xf32, #tpu.memory_space<vmem>>, %arg4: memref<8x16384xf32, #tpu.memory_space<vmem>>, %arg5: memref<8x16384xf32, #tpu.memory_space<vmem>>) attributes {dimension_semantics = [#tpu.dimension_semantics<arbitrary>], iteration_bounds = array<i64: 16>, scalar_prefetch = 0 : i64, scratch_operands = 0 : i64, tpu.core_type = #tpu.core_type<tc>, window_params = [{transform_indices = @transform_0, window_bounds = array<i64: 8, 4, 16384>}, {transform_indices = @transform_1, window_bounds = array<i64: 8, 8>}, {transform_indices = @transform_2, window_bounds = array<i64: 8, 8, 16384>}, {transform_indices = @transform_3, window_bounds = array<i64: 8, 16384>}, {transform_indices = @transform_4, window_bounds = array<i64: 8, 16384>}]} {
    %get3A = arith.constant 0 : index
    %get3A_0 = arith.constant 0 : index
    %get3A_1 = vector.load %arg4[%get3A, %get3A_0] : memref<8x16384xf32, #tpu.memory_space<vmem>>, vector<8x16384xf32>
    %get3A_2 = arith.constant 0 : index
    %get3A_3 = arith.constant 0 : index
    %get3A_4 = arith.constant 0 : index
    %get3A_5 = vector.load %arg1[%get3A_2, %get3A_3, %get3A_4] : memref<8x4x16384xf32, #tpu.memory_space<vmem>>, vector<8x1x16384xf32>
    %get3A_6 = vector.shape_cast %get3A_5 : vector<8x1x16384xf32> to vector<8x16384xf32>
    %sub3A = arith.constant 1.000000e+00 : f32
    %sub3A_7 = vector.broadcast %sub3A : f32 to vector<8x16384xf32>
    %sub3A_8 = arith.subf %sub3A_7, %get3A_6 : vector<8x16384xf32>
    %get3A_9 = arith.constant 0 : index
    %get3A_10 = arith.constant 1 : index
    %get3A_11 = arith.constant 0 : index
    %get3A_12 = vector.load %arg1[%get3A_9, %get3A_10, %get3A_11] : memref<8x4x16384xf32, #tpu.memory_space<vmem>>, vector<8x1x16384xf32>
    %get3A_13 = vector.shape_cast %get3A_12 : vector<8x1x16384xf32> to vector<8x16384xf32>
    %sub3A_14 = arith.constant 1.000000e+00 : f32
    %sub3A_15 = vector.broadcast %sub3A_14 : f32 to vector<8x16384xf32>
    %sub3A_16 = arith.subf %sub3A_15, %get3A_13 : vector<8x16384xf32>
    %mul3A = arith.mulf %sub3A_8, %sub3A_16 : vector<8x16384xf32>
    %get3A_17 = arith.constant 0 : index
    %get3A_18 = arith.constant 2 : index
    %get3A_19 = arith.constant 0 : index
    %get3A_20 = vector.load %arg1[%get3A_17, %get3A_18, %get3A_19] : memref<8x4x16384xf32, #tpu.memory_space<vmem>>, vector<8x1x16384xf32>
    %get3A_21 = vector.shape_cast %get3A_20 : vector<8x1x16384xf32> to vector<8x16384xf32>
    %sub3A_22 = arith.constant 1.000000e+00 : f32
    %sub3A_23 = vector.broadcast %sub3A_22 : f32 to vector<8x16384xf32>
    %sub3A_24 = arith.subf %sub3A_23, %get3A_21 : vector<8x16384xf32>
    %mul3A_25 = arith.mulf %mul3A, %sub3A_24 : vector<8x16384xf32>
    %get3A_26 = arith.constant 0 : index
    %get3A_27 = arith.constant 3 : index
    %get3A_28 = arith.constant 0 : index
    %get3A_29 = vector.load %arg1[%get3A_26, %get3A_27, %get3A_28] : memref<8x4x16384xf32, #tpu.memory_space<vmem>>, vector<8x1x16384xf32>
    %get3A_30 = vector.shape_cast %get3A_29 : vector<8x1x16384xf32> to vector<8x16384xf32>
    %sub3A_31 = arith.constant 1.000000e+00 : f32
    %sub3A_32 = vector.broadcast %sub3A_31 : f32 to vector<8x16384xf32>
    %sub3A_33 = arith.subf %sub3A_32, %get3A_30 : vector<8x16384xf32>
    %mul3A_34 = arith.mulf %mul3A_25, %sub3A_33 : vector<8x16384xf32>
    %sub3A_35 = arith.constant 1.000000e+00 : f32
    %sub3A_36 = vector.broadcast %sub3A_35 : f32 to vector<8x16384xf32>
    %sub3A_37 = arith.subf %sub3A_36, %mul3A_34 : vector<8x16384xf32>
    %sub3A_38 = arith.constant 1.000000e+00 : f32
    %sub3A_39 = vector.broadcast %sub3A_38 : f32 to vector<8x16384xf32>
    %sub3A_40 = arith.subf %sub3A_39, %get3A_1 : vector<8x16384xf32>
    %mul3A_41 = arith.mulf %sub3A_40, %sub3A_37 : vector<8x16384xf32>
    %add3A = arith.addf %get3A_1, %mul3A_41 : vector<8x16384xf32>
    %get3A_42 = arith.constant 0 : index
    %get3A_43 = arith.constant 0 : index
    %get3A_44 = vector.load %arg2[%get3A_42, %get3A_43] : memref<8x8xf32, #tpu.memory_space<vmem>>, vector<8x8xf32>
    %slice3A = vector.extract_strided_slice %get3A_44 {offsets = [0, 0], sizes = [8, 1], strides = [1, 1]} : vector<8x8xf32> to vector<8x1xf32>
    %get3A_45 = arith.constant 0 : index
    %get3A_46 = arith.constant 0 : index
    %get3A_47 = arith.constant 0 : index
    %get3A_48 = vector.load %arg3[%get3A_45, %get3A_46, %get3A_47] : memref<8x8x16384xf32, #tpu.memory_space<vmem>>, vector<8x1x16384xf32>
    %get3A_49 = vector.shape_cast %get3A_48 : vector<8x1x16384xf32> to vector<8x16384xf32>
    %mul3A_50 = vector.broadcast %slice3A : vector<8x1xf32> to vector<8x16384xf32>
    %mul3A_51 = arith.mulf %mul3A_50, %get3A_49 : vector<8x16384xf32>
    %slice3A_52 = vector.extract_strided_slice %get3A_44 {offsets = [0, 1], sizes = [8, 1], strides = [1, 1]} : vector<8x8xf32> to vector<8x1xf32>
    %get3A_53 = arith.constant 0 : index
    %get3A_54 = arith.constant 1 : index
    %get3A_55 = arith.constant 0 : index
    %get3A_56 = vector.load %arg3[%get3A_53, %get3A_54, %get3A_55] : memref<8x8x16384xf32, #tpu.memory_space<vmem>>, vector<8x1x16384xf32>
    %get3A_57 = vector.shape_cast %get3A_56 : vector<8x1x16384xf32> to vector<8x16384xf32>
    %mul3A_58 = vector.broadcast %slice3A_52 : vector<8x1xf32> to vector<8x16384xf32>
    %mul3A_59 = arith.mulf %mul3A_58, %get3A_57 : vector<8x16384xf32>
    %add3A_60 = arith.addf %mul3A_51, %mul3A_59 : vector<8x16384xf32>
    %slice3A_61 = vector.extract_strided_slice %get3A_44 {offsets = [0, 2], sizes = [8, 1], strides = [1, 1]} : vector<8x8xf32> to vector<8x1xf32>
    %get3A_62 = arith.constant 0 : index
    %get3A_63 = arith.constant 2 : index
    %get3A_64 = arith.constant 0 : index
    %get3A_65 = vector.load %arg3[%get3A_62, %get3A_63, %get3A_64] : memref<8x8x16384xf32, #tpu.memory_space<vmem>>, vector<8x1x16384xf32>
    %get3A_66 = vector.shape_cast %get3A_65 : vector<8x1x16384xf32> to vector<8x16384xf32>
    %mul3A_67 = vector.broadcast %slice3A_61 : vector<8x1xf32> to vector<8x16384xf32>
    %mul3A_68 = arith.mulf %mul3A_67, %get3A_66 : vector<8x16384xf32>
    %add3A_69 = arith.addf %add3A_60, %mul3A_68 : vector<8x16384xf32>
    %slice3A_70 = vector.extract_strided_slice %get3A_44 {offsets = [0, 3], sizes = [8, 1], strides = [1, 1]} : vector<8x8xf32> to vector<8x1xf32>
    %get3A_71 = arith.constant 0 : index
    %get3A_72 = arith.constant 3 : index
    %get3A_73 = arith.constant 0 : index
    %get3A_74 = vector.load %arg3[%get3A_71, %get3A_72, %get3A_73] : memref<8x8x16384xf32, #tpu.memory_space<vmem>>, vector<8x1x16384xf32>
    %get3A_75 = vector.shape_cast %get3A_74 : vector<8x1x16384xf32> to vector<8x16384xf32>
    %mul3A_76 = vector.broadcast %slice3A_70 : vector<8x1xf32> to vector<8x16384xf32>
    %mul3A_77 = arith.mulf %mul3A_76, %get3A_75 : vector<8x16384xf32>
    %add3A_78 = arith.addf %add3A_69, %mul3A_77 : vector<8x16384xf32>
    %slice3A_79 = vector.extract_strided_slice %get3A_44 {offsets = [0, 4], sizes = [8, 1], strides = [1, 1]} : vector<8x8xf32> to vector<8x1xf32>
    %get3A_80 = arith.constant 0 : index
    %get3A_81 = arith.constant 4 : index
    %get3A_82 = arith.constant 0 : index
    %get3A_83 = vector.load %arg3[%get3A_80, %get3A_81, %get3A_82] : memref<8x8x16384xf32, #tpu.memory_space<vmem>>, vector<8x1x16384xf32>
    %get3A_84 = vector.shape_cast %get3A_83 : vector<8x1x16384xf32> to vector<8x16384xf32>
    %mul3A_85 = vector.broadcast %slice3A_79 : vector<8x1xf32> to vector<8x16384xf32>
    %mul3A_86 = arith.mulf %mul3A_85, %get3A_84 : vector<8x16384xf32>
    %add3A_87 = arith.addf %add3A_78, %mul3A_86 : vector<8x16384xf32>
    %slice3A_88 = vector.extract_strided_slice %get3A_44 {offsets = [0, 5], sizes = [8, 1], strides = [1, 1]} : vector<8x8xf32> to vector<8x1xf32>
    %get3A_89 = arith.constant 0 : index
    %get3A_90 = arith.constant 5 : index
    %get3A_91 = arith.constant 0 : index
    %get3A_92 = vector.load %arg3[%get3A_89, %get3A_90, %get3A_91] : memref<8x8x16384xf32, #tpu.memory_space<vmem>>, vector<8x1x16384xf32>
    %get3A_93 = vector.shape_cast %get3A_92 : vector<8x1x16384xf32> to vector<8x16384xf32>
    %mul3A_94 = vector.broadcast %slice3A_88 : vector<8x1xf32> to vector<8x16384xf32>
    %mul3A_95 = arith.mulf %mul3A_94, %get3A_93 : vector<8x16384xf32>
    %add3A_96 = arith.addf %add3A_87, %mul3A_95 : vector<8x16384xf32>
    %slice3A_97 = vector.extract_strided_slice %get3A_44 {offsets = [0, 6], sizes = [8, 1], strides = [1, 1]} : vector<8x8xf32> to vector<8x1xf32>
    %get3A_98 = arith.constant 0 : index
    %get3A_99 = arith.constant 6 : index
    %get3A_100 = arith.constant 0 : index
    %get3A_101 = vector.load %arg3[%get3A_98, %get3A_99, %get3A_100] : memref<8x8x16384xf32, #tpu.memory_space<vmem>>, vector<8x1x16384xf32>
    %get3A_102 = vector.shape_cast %get3A_101 : vector<8x1x16384xf32> to vector<8x16384xf32>
    %mul3A_103 = vector.broadcast %slice3A_97 : vector<8x1xf32> to vector<8x16384xf32>
    %mul3A_104 = arith.mulf %mul3A_103, %get3A_102 : vector<8x16384xf32>
    %add3A_105 = arith.addf %add3A_96, %mul3A_104 : vector<8x16384xf32>
    %slice3A_106 = vector.extract_strided_slice %get3A_44 {offsets = [0, 7], sizes = [8, 1], strides = [1, 1]} : vector<8x8xf32> to vector<8x1xf32>
    %get3A_107 = arith.constant 0 : index
    %get3A_108 = arith.constant 7 : index
    %get3A_109 = arith.constant 0 : index
    %get3A_110 = vector.load %arg3[%get3A_107, %get3A_108, %get3A_109] : memref<8x8x16384xf32, #tpu.memory_space<vmem>>, vector<8x1x16384xf32>
    %get3A_111 = vector.shape_cast %get3A_110 : vector<8x1x16384xf32> to vector<8x16384xf32>
    %mul3A_112 = vector.broadcast %slice3A_106 : vector<8x1xf32> to vector<8x16384xf32>
    %mul3A_113 = arith.mulf %mul3A_112, %get3A_111 : vector<8x16384xf32>
    %add3A_114 = arith.addf %add3A_105, %mul3A_113 : vector<8x16384xf32>
    %sub3A_115 = arith.subf %add3A, %add3A_114 : vector<8x16384xf32>
    %jit3A = arith.constant 0.000000e+00 : f32
    %jit3A_116 = arith.constant 1.000000e+00 : f32
    %max3A = vector.broadcast %jit3A : f32 to vector<8x16384xf32>
    %max3A_117 = arith.maximumf %max3A, %sub3A_115 : vector<8x16384xf32>
    %min3A = vector.broadcast %jit3A_116 : f32 to vector<8x16384xf32>
    %min3A_118 = arith.minimumf %min3A, %max3A_117 : vector<8x16384xf32>
    %swap3A = arith.constant 0 : index
    %swap3A_119 = arith.constant 0 : index
    %swap3A_120 = vector.load %arg5[%swap3A, %swap3A_119] : memref<8x16384xf32, #tpu.memory_space<vmem>>, vector<8x16384xf32>
    tpu.vector_store %arg5[%swap3A, %swap3A_119], %min3A_118 {strides = array<i32>} : memref<8x16384xf32, #tpu.memory_space<vmem>>, vector<8x16384xf32>,
    return
  }
  func.func @transform_0(%arg0: i32) -> (i32, i32, i32) {
    %add3A = arith.constant 16 : i32
    %add3A_0 = arith.addi %arg0, %add3A : i32
    %c0_i32 = arith.constant 0 : i32
    %c0_i32_1 = arith.constant 0 : i32
    %c0_i32_2 = arith.constant 0 : i32
    return %add3A_0, %c0_i32, %c0_i32_1 : i32, i32, i32
  }
  func.func @transform_1(%arg0: i32) -> (i32, i32) {
    %add3A = arith.constant 16 : i32
    %add3A_0 = arith.addi %arg0, %add3A : i32
    %c0_i32 = arith.constant 0 : i32
    %c0_i32_1 = arith.constant 0 : i32
    return %add3A_0, %c0_i32 : i32, i32
  }
  func.func @transform_2(%arg0: i32) -> (i32, i32, i32) {
    %add3A = arith.constant 16 : i32
    %add3A_0 = arith.addi %arg0, %add3A : i32
    %c0_i32 = arith.constant 0 : i32
    %c0_i32_1 = arith.constant 0 : i32
    %c0_i32_2 = arith.constant 0 : i32
    return %add3A_0, %c0_i32, %c0_i32_1 : i32, i32, i32
  }
  func.func @transform_3(%arg0: i32) -> (i32, i32) {
    %add3A = arith.constant 16 : i32
    %add3A_0 = arith.addi %arg0, %add3A : i32
    %c0_i32 = arith.constant 0 : i32
    %c0_i32_1 = arith.constant 0 : i32
    return %add3A_0, %c0_i32 : i32, i32
  }
  func.func @transform_4(%arg0: i32) -> (i32, i32) {
    %add3A = arith.constant 16 : i32
    %add3A_0 = arith.addi %arg0, %add3A : i32
    %c0_i32 = arith.constant 0 : i32
    %c0_i32_1 = arith.constant 0 : i32
    return %add3A_0, %c0_i32 : i32, i32
  }
}

</mosaic_0001>

<sc_bundles>
// kernel: kernel.4.cloned.1.call-start
scs
__scs_entry_jumppad:
0x0: {  	(pc) =	sbr.rel $0x88, $3  }
0x1: {  	(tag) =	ssettag $0x0;
	lr =	simm.s32 $0x1  }
0x2: {  	[smem:$0x3F9D] =	sst lr;
	_ =	strace $0xD0000000  }
0x3: {  	_ = 	snop  }
0x4: {  	_ = 	snop  }
0x5: {  	_ = 	snop  }
0x6: {  	_ = 	snop  }
0x7: {  	_ = 	snop  }
__scs_overlays_trampoline_lowered:
0x8: {  	[smem:$0x3FAC] =	sst s0  }
0x9: {  	[smem:$0x3FAD] =	sst s1  }
0xa: {  	[smem:$0x3FAE] =	sst s2  }
0xb: {  	[smem:$0x3FAF] =	sst s3  }
0xc: {  	[smem:$0x3FB0] =	sst s4  }
0xd: {  	[smem:$0x3FB1] =	sst s5  }
0xe: {  	[smem:$0x3FB2] =	sst s6  }
0xf: {  	[smem:$0x3FB3] =	sst s7  }
0x10: {  	[smem:$0x3FB4] =	sst s8  }
0x11: {  	[smem:$0x3FB5] =	sst s9;
	s0 =	simm.s32 @!p0 $0x0  }
0x12: {  	s1 =	sld [smem:$0x3F9B];
	s0 =	simm.s32 @p0 $0x1  }
0x13: {  	[smem:$0x3FB6] =	sst s0;
	s0 =	simm.s32 @!p1 $0x0  }
0x14: {  	s2 =	sld [smem:$0x3F9A];
	s0 =	simm.s32 @p1 $0x1  }
0x15: {  	[smem:$0x3FB7] =	sst s0;
	s0 =	simm.s32 @!p2 $0x0  }
0x16: {  	s3 =	sld [smem:$0x3FDB];
	s0 =	simm.s32 @p2 $0x1  }
0x17: {  	s4 =	simm.s32 $0x1BF5;
	[smem:$0x3FB9] =	sst s0  }
0x18: {  	s0 =	sld [smem:$0x3F9C];
	_ =	swait.ge [sflag:s4], $0x0  }
0x19: {  	s7 =	sld [smem:$0x3F9D]  }
0x1a: {  	s8 =	sadd.s32 $0xFFFFE003, lr  }
0x1b: {  	s9 =	sadd.s32 $0xFFFFFEF7, lr;
	s5 =	simm.s32 $0xFFFFFFFF;
	p2 =	slt.u32 s8, $0xFFFFF086  }
0x1c: {  	p1 =	slt.u32 s9, $0xF7A;
	s5 =	simm.s32 @!p2 $0x0  }
0x1d: {  	s5 =	simm.s32 @p1 $0x1;
	p0 =	seq.s32 s7, s2  }
0x1e: {  	s7 =	smul.u32 @!p0 $0xF7A, s2;
	p2 =	seq.s32 @!p0 s5, $0x0  }
0x1f: {  	s9 =	smul.u32 $0xF7A, s1;
	s8 =	simm.s32 @!p0 $0x1BF5;
	p2 =	por !p2, p0  }
0x20: {  	[sflag:s8] =	ssyncset.s32 @!p0 $0xFFFFF086;
	s6 =	sadd.s32 @!p0 s3, s7;
	s7 =	simm.s32 @!p0 $0x108  }
0x21: {  	s3 =	sadd.s32 s3, s9;
	s6 =	sadd.s32 @!p0 $0x88, s6;
	s7 =	simm.s32 @p2 $0x1082  }
0x22: {  	[simem:s7], [sflag:s8] =	dma.local @!p0 [hbm:s6], $0xF7A  }
0x23: {  	s9 =	sor.u32 $0xD0000000, s2;
	s6 =	simm.s32 $0x108;
	_ =	swait.ge @!p0 [sflag:s8], $0x0  }
0x24: {  	s3 =	sadd.s32 $0x88, s3;
	s6 =	simm.s32 @!p1 $0x1082;
	[sflag:s4] =	ssyncset.s32 $0xFFFFF086  }
0x25: {  	[simem:s6], [sflag:s4] =	dma.local [hbm:s3], $0xF7A  }
0x26: {  	[smem:$0x3F9D] =	sst s1;
	(tag) =	ssettag s2;
	_ =	strace s9  }
0x27: {  	s1 =	sld [smem:$0x3FAD]  }
0x28: {  	s2 =	sld [smem:$0x3FAE]  }
0x29: {  	s4 =	sld [smem:$0x3FB0]  }
0x2a: {  	p0 =	seq.s32 s5, $0x0;
	s5 =	sld [smem:$0x3FB1]  }
0x2b: {  	s6 =	sld [smem:$0x3FB2]  }
0x2c: {  	s7 =	sld [smem:$0x3FB3]  }
0x2d: {  	s3 =	simm.s32 $0x108;
	s8 =	sld [smem:$0x3FB4]  }
0x2e: {  	s3 =	simm.s32 @!p0 $0x1082;
	s9 =	sld [smem:$0x3FB5]  }
0x2f: {  	lr =	sadd.s32 s0, s3;
	s0 =	sld [smem:$0x3FAC]  }
0x30: {  	s3 =	sld [smem:$0x3FAF]  }
0x31: {  	[smem:$0x3FB8] =	sst s10  }
0x32: {  	s10 =	sld [smem:$0x3FB6];
	_ =	sdelay $0x3  }
0x33: {  	p0 =	seq.s32 s10, $0x1;
	s10 =	sld [smem:$0x3FB8];
	_ =	sdelay $0x3  }
0x34: {  	[smem:$0x3FB8] =	sst s10  }
0x35: {  	s10 =	sld [smem:$0x3FB7];
	_ =	sdelay $0x3  }
0x36: {  	p1 =	seq.s32 s10, $0x1;
	s10 =	sld [smem:$0x3FB8];
	_ =	sdelay $0x3  }
0x37: {  	[smem:$0x3FB8] =	sst s10  }
0x38: {  	s10 =	sld [smem:$0x3FB9]  }
0x39: {  	_ = 	snop;
	(pc) =	sbr.ind lr, $3  }
0x3a: {  	_ = 	snop  }
0x3b: {  	_ = 	snop  }
0x3c: {  	p2 =	seq.s32 s10, $0x1;
	s10 =	sld [smem:$0x3FB8]  }
0x3d: {  	_ =	shalt  }
0x3e: {  	_ =	shalt  }
0x3f: {  	_ =	shalt  }
0x40: {  	_ =	shalt  }
0x41: {  	_ =	shalt  }
0x42: {  	_ =	shalt  }
0x43: {  	_ =	shalt  }
0x44: {  	_ =	shalt  }
0x45: {  	_ =	shalt  }
0x46: {  	_ =	shalt  }
0x47: {  	_ =	shalt  }
0x48: {  	_ =	shalt  }
0x49: {  	_ =	shalt  }
0x4a: {  	_ =	shalt  }
0x4b: {  	_ =	shalt  }
0x4c: {  	_ =	shalt  }
0x4d: {  	_ =	shalt  }
0x4e: {  	_ =	shalt  }
0x4f: {  	_ =	shalt  }
0x50: {  	_ =	shalt  }
0x51: {  	_ =	shalt  }
0x52: {  	_ =	shalt  }
0x53: {  	_ =	shalt  }
0x54: {  	_ =	shalt  }
0x55: {  	_ =	shalt  }
0x56: {  	_ =	shalt  }
0x57: {  	_ =	shalt  }
0x58: {  	_ =	shalt  }
0x59: {  	_ =	shalt  }
0x5a: {  	_ =	shalt  }
0x5b: {  	_ =	shalt  }
0x5c: {  	_ =	shalt  }
0x5d: {  	_ =	shalt  }
0x5e: {  	_ =	shalt  }
0x5f: {  	_ =	shalt  }
0x60: {  	_ =	shalt  }
0x61: {  	_ =	shalt  }
0x62: {  	_ =	shalt  }
0x63: {  	_ =	shalt  }
0x64: {  	_ =	shalt  }
0x65: {  	_ =	shalt  }
0x66: {  	_ =	shalt  }
0x67: {  	_ =	shalt  }
0x68: {  	_ =	shalt  }
0x69: {  	_ =	shalt  }
0x6a: {  	_ =	shalt  }
0x6b: {  	_ =	shalt  }
0x6c: {  	_ =	shalt  }
0x6d: {  	_ =	shalt  }
0x6e: {  	_ =	shalt  }
0x6f: {  	_ =	shalt  }
0x70: {  	_ =	shalt  }
0x71: {  	_ =	shalt  }
0x72: {  	_ =	shalt  }
0x73: {  	_ =	shalt  }
0x74: {  	_ =	shalt  }
0x75: {  	_ =	shalt  }
0x76: {  	_ =	shalt  }
0x77: {  	_ =	shalt  }
0x78: {  	_ =	shalt  }
0x79: {  	_ =	shalt  }
0x7a: {  	_ =	shalt  }
0x7b: {  	_ =	shalt  }
0x7c: {  	_ =	shalt  }
0x7d: {  	_ =	shalt  }
0x7e: {  	_ =	shalt  }
0x7f: {  	_ =	shalt  }
0x80: {  	_ =	shalt  }
0x81: {  	_ =	shalt  }
0x82: {  	_ =	shalt  }
0x83: {  	_ =	shalt  }
0x84: {  	_ =	shalt  }
0x85: {  	_ =	shalt  }
0x86: {  	_ =	shalt  }
0x87: {  	_ =	shalt  }
.Lfunc_end0:
.L_simem_size_0:
called_computation_lowered:
.L_overlay_start_0:
0x88: {  	s2 =	sld [smem:$0x3FD9]  }
0x89: {  	s3 =	sld [smem:$0x3FFE];
	_ =	sdelay $0x1  }
0x8a: {  	s1 =	srdreg.scid  }
0x8b: {  	s0 =	sand.u32 $0x1, s1  }
0x8c: {  	s17 =	sshll.u32 s0, $0xA;
	s2 =	sadd.s32 s3, s2  }
0x8d: {  	s2 =	sadd.s32 s2, s17  }
0x8e: {  	[smem:$0x3FC4] =	sst s2  }
0x8f: {  	_ = 	snop  }
0x90: {  	s2 =	sld [smem:$0x3FC9]  }
0x91: {  	s18 =	sld [smem:$0x3FC7]  }
0x92: {  	s4 =	sld [smem:$0x3FC6];
	(tm) =	ssettm $0x1  }
0x93: {  	s5 =	sld [smem:$0x3FFB];
	_ =	sdelay $0x3  }
0x94: {  	_ =	strace s5  }
0x95: {  	s5 =	sld [smem:$0x3FFC];
	_ =	sdelay $0x3  }
0x96: {  	_ =	strace s5  }
0x97: {  	s5 =	sld [smem:$0x3FFD];
	_ =	sdelay $0x3  }
0x98: {  	_ =	strace s5  }
0x99: {  	_ =	strace $0x8FFFFFFF  }
0x9a: {  	s19 =	sld [smem:$0x3FDB];
	_ =	sdelay $0x1  }
0x9b: {  	s6 =	simm.s32 $_scs_section_size  }
0x9c: {  	s7 =	simm.s32 $_size__tile_overlayer_lowered;
	s8 =	simm.s32 $_tile_overlayer_lowered  }
0x9d: {  	s22 =	simm.s32 $0x1BFF;
	s21 =	sshll.u32 s8, $0x1;
	s5 =	sadd.s32 s6, s19  }
0x9e: {  	s9 =	simm.s32 $0x0;
	s20 =	sshll.u32 s7, $0x1;
	s7 =	sadd.s32 s21, s5  }
0x9f: {  	[timem:s9], [sflag:s22] =	dma.local [hbm:s7], s20  }
0xa0: {  	_ =	swait.ge [sflag:s22], s20  }
0xa1: {  	s6 =	ssub.s32 $0x0, s20;
	[sflag:s22] =	ssyncset.done $0x0  }
0xa2: {  	[sflag:s22] =	ssyncadd.s32 s6;
	_ =	sdelay $0x1  }
0xa3: {  	s23 =	simm.s32 $0x1B8B  }
0xa4: {  	_ =	swait.ge [sflag:s23], $0x1  }
0xa5: {  	[sflag:s23] =	ssyncset.done $0x0  }
0xa6: {  	s25 =	simm.s32 $0x1B8E;
	s24 =	sld [smem:$0x3FFE];
	[sflag:s23] =	ssyncadd.s32 $0xFFFFFFFF  }
0xa7: {  	s26 =	simm.s32 $execute0_lowered;
	[smem:$0x3FD2] =	sst s25  }
0xa8: {  	s7 =	sshll.u32 s26, $0x1;
	_ =	strace $0x80000046;
	[dreg:$0x1] =	wrdreg $0xFFFFFFFF  }
0xa9: {  	s28 =	simm.s32 $_size_execute0_lowered;
	s5 =	sadd.s32 s5, s7;
	[dreg:$0x0] =	wrdreg $0x0  }
0xaa: {  	s7 =	sshll.u32 s28, $0x1;
	[dreg:$0x2] =	wrdreg s5  }
0xab: {  	[dreg:$0x3] =	wrdreg s7  }
0xac: {  	[dreg:$0x4] =	wrdreg $0xC0  }
0xad: {  	_ =	task [dreg:s9], $0x5FFFF  }
0xae: {  	[dreg:$0x1] =	wrdreg $0xFFFFFFFF  }
0xaf: {  	[dreg:$0x0] =	wrdreg $0x60  }
0xb0: {  	[dreg:$0x2] =	wrdreg s2  }
0xb1: {  	[dreg:$0x3] =	wrdreg s24  }
0xb2: {  	[dreg:$0x4] =	wrdreg s18  }
0xb3: {  	[dreg:$0x5] =	wrdreg s4  }
0xb4: {  	[dreg:$0x6] =	wrdreg $0x9  }
0xb5: {  	_ =	task.clear_ibuf [dreg:s9], $0x7FFFF;
	_ =	strace $0x90000046  }
0xb6: {  	s29 =	simm.s32 $0x9;
	_ =	strace $0x80000048  }
0xb7: {  	_ =	swait.ge [sflag:s29], $0x1  }
0xb8: {  	[sflag:s29] =	ssyncadd.s32 $0xFFFFFFFF  }
0xb9: {  	_ =	strace $0x90000048  }
0xba: {  	_ =	sfence  }
0xbb: {  	s30 =	sld [smem:$0x0];
	_ =	sdelay $0x2  }
0xbc: {  	s31 =	sshll.u32 s1, $0xD;
	s1 =	sshrl.u32 s1, $0x2  }
0xbd: {  	s3 =	sand.u32 $0x4000, s31;
	s1 =	sadd.s32 s1, s30  }
0xbe: {  	s0 =	sor.u32 s3, s0;
	s1 =	sshll.u32 s1, $0x11  }
0xbf: {  	s0 =	sor.u32 s1, s0  }
0xc0: {  	s0 =	sadd.s32 $0x8F2B, s0  }
0xc1: {  	[sflag:s0] =	ssyncadd.remote.s32 $0x1  }
0xc2: {  	_ =	sfence.sel $0xFFFF  }
0xc3: {  	[dreg:$0x0] =	wrdreg $0xFFFFFFFF;
	(pc) =	sbr.abs _section_cstart, $3  }
0xc4: {  	[dreg:$0x1] =	wrdreg $0xFFFFFFFF  }
0xc5: {  	_ =	task.clear_ibuf [dreg:s9], $0x2FFFF;
	_ =	strace $0x9FFFFFFF  }
0xc6: {  	(tm) =	ssettm $0x7FFFFFFF  }
0xc7: {  	_ =	shalt  }
tec
execute0_lowered:
.L_overlay_start_1:
0x0: {  	(tag) =	ssettag $0x1  }
0x1: {  	s1 =	rddreg [dreg:$0x0]  }
0x2: {  	s0 =	rddreg [dreg:$0x1]  }
0x3: {  	s3 =	rddreg [dreg:$0x2];
	s2 =	srdreg.scid  }
0x4: {  	s12 =	stileid.u32;
	s4 =	rddreg [dreg:$0x3];
	s5 =	simm.s32 $0x0  }
0x5: {  	s19 =	simm.s32 $0x5;
	s20 =	simm.s32 $0x8000;
	s21 =	simm.s32 $0x4000  }
0x6: {  	s22 =	simm.s32 $0x10000;
	s23 =	simm.s32 $0x1;
	s24 =	simm.s32 $0x2  }
0x7: {  	s28 =	simm.s32 $0x0;
	s2 =	sand.u32 $0x1, s2;
	s6 =	sshll.u32 s12, $0x1  }
0x8: {  	[smem:$0x7FF] =	sst s5;
	s7 =	sadd.s32 $0xC00, s0;
	s13 =	sshll.u32 s12, $0xE  }
0x9: {  	s8 =	sor.u32 s2, s6;
	_ =	strace $0x80000047;
	s10 =	ssub.s32 $0x2, s2  }
0xa: {  	s2 =	sshll.u32 s2, $0x9;
	s31 =	sadd.s32 s13, s7;
	s6 =	sshll.u32 s8, $0x2  }
0xb: {  	s25 =	sshrl.u32 s10, $0x1;
	s11 =	sshll.u32 s8, $0x10;
	s8 =	sshll.u32 s8, $0xF  }
0xc: {  	s16 =	sadd.s32 $0x1000, s31;
	s9 =	sadd.s32 s6, s0;
	s0 =	ssub.s32 s10, s25  }
0xd: {  	s26 =	sand.u32 $0x1E0000, s11;
	s10 =	sadd.s32 s3, s11;
	s25 =	simm.s32 $0x3  }
.Ltmp0:
0xe: {  	s9 =	sadd.s32 $0xA00, s9;
	s2 =	sor.u32 s2, s26;
	(pc) =	sbr.rel .LBB2_1-.Ltmp0, $4  }
0xf: {  	s30 =	sadd.s32 $0x1000, s10;
	s0 =	smax.u32 s0, $0x1;
	[dreg:$0x5] =	wrdreg s9  }
0x10: {  	s9 =	sadd.s32 s1, s8;
	s2 =	sshrl.u32 s2, $0x3;
	[dreg:$0x7] =	wrdreg s30  }
0x11: {  	[dreg:$0x8] =	wrdreg s0;
	s11 =	sadd.s32 s4, s2;
	s29 =	sadd.s32 $0x800, s9  }
0x12: {  	s26 =	simm.s32 $0x4;
	[dreg:$0x6] =	wrdreg s29;
	s15 =	sadd.s32 $0x1000, s11  }
.LBB2_22:
0x13: {  	_ =	swait.ge [sflag:s25], $0x1000  }
0x14: {  	[sflag:s25] =	ssyncset.done $0x0  }
0x15: {  	[sflag:s25] =	ssyncadd.s32 $0xFFFFF000  }
0x16: {  	_ =	swait.ge [sflag:s26], $0x1000  }
0x17: {  	s28 =	sadd.s32 $0x1, s28;
	s0 =	rddreg [dreg:$0x8]  }
0x18: {  	p0 =	sne.s32 s28, s0  }
.Ltmp1:
0x19: {  	_ = 	snop;
	(pc) =	sbr.rel @!p0 .LBB2_23-.Ltmp1, $3  }
0x1a: {  	_ =	sdelay $0x1  }
0x1b: {  	[sflag:s26] =	ssyncset.done $0x0  }
0x1c: {  	[sflag:s26] =	ssyncadd.s32 $0xFFFFF000  }
.LBB2_1:
0x1d: {  	s0 =	rddreg [dreg:$0x5];
	s2 =	simm.s32 $0x1C000  }
0x1e: {  	[tilespmem:s2], [sflag:$0x5] =	stream.linear.gather [hbm4b:s0+s5], $0x20, $0x38;
	[tilespmem:$0x1C080] =	vst v63  }
0x1f: {  	_ =	swait.ge [sflag:s19], $0x20  }
0x20: {  	[sflag:s19] =	ssyncset.done $0x0  }
0x21: {  	s12 =	sadd.s32 $0x0, s11;
	[sflag:s19] =	ssyncadd.s32 $0xFFFFFFE0  }
0x22: {  	[tilespmem:s5], [sflag:$0x1] =	stream.linear.gather [hbm4b:s9+s5], $0x4000, $0x38;
	[tilespmem:$0x1C080] =	vst v63  }
0x23: {  	s8 =	simm.s32 $0x18100;
	s0 =	simm.s32 $0x18000;
	s2 =	simm.s32 $0x80  }
0x24: {  	[tilespmem:s20], [sflag:$0x1] =	stream.linear.gather [hbm4b:s10+s5], $0x8000, $0x38;
	[tilespmem:$0x1C080] =	vst v63  }
.LBB2_2:
0x25: {  	[tilespmem:s0], [sflag:$0x1] =	stream.linear.gather [hbm4b:s12+s5], $0x80, $0x38;
	[tilespmem:$0x1C080] =	vst v63  }
0x26: {  	s12 =	smov.u32 s2;
	s0 =	smov.u32 s8;
	p0 =	sne.s32 s2, $0xF80  }
.Ltmp2:
0x27: {  	s2 =	sadd.s32 $0x80, s2;
	(pc) =	sbr.rel @p0 .LBB2_2-.Ltmp2, $2  }
0x28: {  	_ =	sdelay $0x2  }
0x29: {  	s8 =	sadd.s32 $0x100, s8;
	s12 =	sadd.s32 s12, s11  }
0x2a: {  	[tilespmem:s0], [sflag:$0x1] =	stream.linear.gather [hbm4b:s12+s5], $0x80, $0x38;
	[tilespmem:$0x1C080] =	vst v63  }
0x2b: {  	s30 =	rddreg [dreg:$0x6]  }
0x2c: {  	s29 =	simm.s32 $0x0;
	s31 =	rddreg [dreg:$0x7];
	s0 =	simm.s32 $0x18080  }
0x2d: {  	[tilespmem:s21], [sflag:$0x2] =	stream.linear.gather [hbm4b:s30+s29], $0x4000, $0x38;
	[tilespmem:$0x1C080] =	vst v63  }
0x2e: {  	s2 =	simm.s32 $0x80;
	s12 =	sadd.s32 $0x0, s15;
	s8 =	simm.s32 $0x18180  }
0x2f: {  	[tilespmem:s22], [sflag:$0x2] =	stream.linear.gather [hbm4b:s31+s29], $0x8000, $0x38;
	[tilespmem:$0x1C080] =	vst v63  }
.LBB2_4:
0x30: {  	[tilespmem:s0], [sflag:$0x2] =	stream.linear.gather [hbm4b:s12+s29], $0x80, $0x38;
	[tilespmem:$0x1C080] =	vst v63  }
0x31: {  	s12 =	smov.u32 s2;
	s0 =	smov.u32 s8;
	p0 =	sne.s32 s2, $0xF80  }
.Ltmp3:
0x32: {  	s2 =	sadd.s32 $0x80, s2;
	(pc) =	sbr.rel @p0 .LBB2_4-.Ltmp3, $2  }
0x33: {  	_ =	sdelay $0x2  }
0x34: {  	s8 =	sadd.s32 $0x100, s8;
	s12 =	sadd.s32 s12, s15  }
0x35: {  	[tilespmem:s0], [sflag:$0x2] =	stream.linear.gather [hbm4b:s12+s29], $0x80, $0x38;
	[tilespmem:$0x1C080] =	vst v63  }
.LBB2_6:
0x36: {  	_ =	swait.ge [sflag:s23], $0x4000  }
0x37: {  	[sflag:s23] =	ssyncset.done $0x0  }
0x38: {  	[sflag:s23] =	ssyncadd.s32 $0xFFFFC000  }
0x39: {  	_ =	swait.ge [sflag:s23], $0x8000  }
0x3a: {  	[sflag:s23] =	ssyncset.done $0x0  }
0x3b: {  	[sflag:s23] =	ssyncadd.s32 $0xFFFF8000  }
0x3c: {  	s0 =	sshrl.u32 s29, $0x1;
	_ =	swait.ge [sflag:s23], $0x1000  }
0x3d: {  	s2 =	sshll.u32 s0, $0x5;
	[sflag:s23] =	ssyncset.done $0x0  }
0x3e: {  	s31 =	sshrl.u32 s2, $0x2;
	[sflag:s23] =	ssyncadd.s32 $0xFFFFF000  }
0x3f: {  	v7 =	vld [tilespmem:s31+$0x1C000];
	_ =	sdelay $0x3  }
0x40: {  	p0 =	seq.s32 s29, $0x0  }
0x41: {  	s2 =	simm.s32 @!p0 $0x3;
	v0 =	vbroadcast v7, $0x0;
	v1 =	vbroadcast v7, $0x1  }
0x42: {  	_ =	swait.ge @!p0 [sflag:s2], $0x1000;
	v2 =	vbroadcast v7, $0x2;
	v3 =	vbroadcast v7, $0x3  }
0x43: {  	s30 =	sshll.u32 s29, $0x1;
	s8 =	simm.s32 $0x8200;
	[sflag:s2] =	ssyncset.done @!p0 $0x0;
	v4 =	vbroadcast v7, $0x4;
	v5 =	vbroadcast v7, $0x5  }
0x44: {  	s12 =	simm.s32 $0x100;
	[sflag:s2] =	ssyncadd.s32 @!p0 $0xFFFFF000;
	s2 =	simm.s32 $0x0;
	v6 =	vbroadcast v7, $0x6;
	v7 =	vbroadcast v7, $0x7  }
.LBB2_7:
0x45: {  	v8 =	vld [tilespmem:s8+$0xFFFFFE00]  }
0x46: {  	v9 =	vld [tilespmem:s8+$0xFFFFFE80]  }
0x47: {  	v10 =	vld [tilespmem:s12+$0xFFFFFF00]  }
0x48: {  	v11 =	vld [tilespmem:s8+$0xFFFFFF00]  }
0x49: {  	v12 =	vld [tilespmem:s12+$0xFFFFFF80]  }
0x4a: {  	v13 =	vld [tilespmem:s8+$0xFFFFFF80]  }
0x4b: {  	v14 =	vld [tilespmem:s12+$0x0];
	v8 =	vmul.f32 v8, v0;
	v9 =	vmul.f32 v9, v1  }
0x4c: {  	v15 =	vld [tilespmem:s8+$0x0]  }
0x4d: {  	v16 =	vld [tilespmem:s12+$0x80];
	v56 =	vmul.f32 v11, v2;
	v8 =	vadd.f32 v9, v8  }
0x4e: {  	v58 =	vld [tilespmem:s8+$0x80];
	v10 =	vsub.f32 $1.000000000e+00, v10  }
0x4f: {  	s18 =	sshra.s32 s2, $0x2;
	v61 =	vld [tilespmem:s8+$0x100];
	v57 =	vsub.f32 $1.000000000e+00, v12;
	v13 =	vmul.f32 v13, v3;
	v8 =	vadd.f32 v56, v8  }
0x50: {  	v59 =	vld [tilespmem:s18+$0x18000];
	v60 =	vsub.f32 $1.000000000e+00, v14  }
0x51: {  	v62 =	vmul.f32 v15, v4;
	v10 =	vmul.f32 v57, v10;
	v8 =	vadd.f32 v13, v8  }
0x52: {  	v18 =	vld [tilespmem:s8+$0x180];
	v63 =	vsub.f32 $1.000000000e+00, v16  }
0x53: {  	v12 =	vmul.f32 v58, v5;
	v10 =	vmul.f32 v60, v10;
	v8 =	vadd.f32 v62, v8  }
0x54: {  	v19 =	vmul.f32 v61, v6  }
0x55: {  	v9 =	vsub.f32 $1.000000000e+00, v59;
	v10 =	vmul.f32 v63, v10;
	v8 =	vadd.f32 v12, v8;
	_ =	sdelay $0x1  }
0x56: {  	v20 =	vmul.f32 v18, v7;
	v9 =	vmul.f32 v10, v9;
	v8 =	vadd.f32 v19, v8;
	_ =	sdelay $0x1  }
0x57: {  	v9 =	vsub.f32 $1.000000000e+00, v9;
	v8 =	vadd.f32 v20, v8;
	_ =	sdelay $0x1  }
0x58: {  	v8 =	vsub.f32 v9, v8;
	_ =	sdelay $0x1  }
0x59: {  	v8 =	vmax.f32 v8, $0.0e+00  }
0x5a: {  	v8 =	vmin.f32 v8, $1.000000000e+00  }
0x5b: {  	[tilespmem:s18+$0x1A000] =	vst v8  }
0x5c: {  	v8 =	vld [tilespmem:s8+$0xFFFFFE10]  }
0x5d: {  	v21 =	vld [tilespmem:s8+$0xFFFFFE90]  }
0x5e: {  	v22 =	vld [tilespmem:s12+$0xFFFFFF10]  }
0x5f: {  	v23 =	vld [tilespmem:s8+$0xFFFFFF10]  }
0x60: {  	v24 =	vld [tilespmem:s12+$0xFFFFFF90]  }
0x61: {  	v25 =	vld [tilespmem:s8+$0xFFFFFF90]  }
0x62: {  	v26 =	vld [tilespmem:s12+$0x10];
	v8 =	vmul.f32 v8, v0;
	v9 =	vmul.f32 v21, v1  }
0x63: {  	v27 =	vld [tilespmem:s8+$0x10]  }
0x64: {  	v28 =	vld [tilespmem:s12+$0x90];
	v29 =	vmul.f32 v23, v2;
	v8 =	vadd.f32 v9, v8  }
0x65: {  	v31 =	vld [tilespmem:s8+$0x90];
	v10 =	vsub.f32 $1.000000000e+00, v22  }
0x66: {  	v34 =	vld [tilespmem:s8+$0x110];
	v30 =	vsub.f32 $1.000000000e+00, v24;
	v13 =	vmul.f32 v25, v3;
	v8 =	vadd.f32 v29, v8  }
0x67: {  	v32 =	vld [tilespmem:s18+$0x18010];
	v33 =	vsub.f32 $1.000000000e+00, v26  }
0x68: {  	v35 =	vmul.f32 v27, v4;
	v10 =	vmul.f32 v30, v10;
	v8 =	vadd.f32 v13, v8  }
0x69: {  	v37 =	vld [tilespmem:s8+$0x190];
	v36 =	vsub.f32 $1.000000000e+00, v28  }
0x6a: {  	v12 =	vmul.f32 v31, v5;
	v10 =	vmul.f32 v33, v10;
	v8 =	vadd.f32 v35, v8  }
0x6b: {  	v38 =	vmul.f32 v34, v6  }
0x6c: {  	v9 =	vsub.f32 $1.000000000e+00, v32;
	v10 =	vmul.f32 v36, v10;
	v8 =	vadd.f32 v12, v8;
	_ =	sdelay $0x1  }
0x6d: {  	v39 =	vmul.f32 v37, v7;
	v9 =	vmul.f32 v10, v9;
	v8 =	vadd.f32 v38, v8;
	_ =	sdelay $0x1  }
0x6e: {  	v9 =	vsub.f32 $1.000000000e+00, v9;
	v8 =	vadd.f32 v39, v8;
	_ =	sdelay $0x1  }
0x6f: {  	v8 =	vsub.f32 v9, v8;
	_ =	sdelay $0x1  }
0x70: {  	v8 =	vmax.f32 v8, $0.0e+00  }
0x71: {  	v8 =	vmin.f32 v8, $1.000000000e+00  }
0x72: {  	[tilespmem:s18+$0x1A010] =	vst v8  }
0x73: {  	v8 =	vld [tilespmem:s8+$0xFFFFFE20]  }
0x74: {  	v40 =	vld [tilespmem:s8+$0xFFFFFEA0]  }
0x75: {  	v41 =	vld [tilespmem:s12+$0xFFFFFF20]  }
0x76: {  	v42 =	vld [tilespmem:s8+$0xFFFFFF20]  }
0x77: {  	v43 =	vld [tilespmem:s12+$0xFFFFFFA0]  }
0x78: {  	v44 =	vld [tilespmem:s8+$0xFFFFFFA0]  }
0x79: {  	v45 =	vld [tilespmem:s12+$0x20];
	v8 =	vmul.f32 v8, v0;
	v9 =	vmul.f32 v40, v1  }
0x7a: {  	v46 =	vld [tilespmem:s8+$0x20]  }
0x7b: {  	v47 =	vld [tilespmem:s12+$0xA0];
	v48 =	vmul.f32 v42, v2;
	v8 =	vadd.f32 v9, v8  }
0x7c: {  	v50 =	vld [tilespmem:s8+$0xA0];
	v10 =	vsub.f32 $1.000000000e+00, v41  }
0x7d: {  	v53 =	vld [tilespmem:s8+$0x120];
	v49 =	vsub.f32 $1.000000000e+00, v43;
	v13 =	vmul.f32 v44, v3;
	v8 =	vadd.f32 v48, v8  }
0x7e: {  	v51 =	vld [tilespmem:s18+$0x18020];
	v52 =	vsub.f32 $1.000000000e+00, v45  }
0x7f: {  	v54 =	vmul.f32 v46, v4;
	v10 =	vmul.f32 v49, v10;
	v8 =	vadd.f32 v13, v8  }
0x80: {  	v56 =	vld [tilespmem:s8+$0x1A0];
	v55 =	vsub.f32 $1.000000000e+00, v47  }
0x81: {  	v12 =	vmul.f32 v50, v5;
	v10 =	vmul.f32 v52, v10;
	v8 =	vadd.f32 v54, v8  }
0x82: {  	v57 =	vmul.f32 v53, v6  }
0x83: {  	v9 =	vsub.f32 $1.000000000e+00, v51;
	v10 =	vmul.f32 v55, v10;
	v8 =	vadd.f32 v12, v8;
	_ =	sdelay $0x1  }
0x84: {  	v58 =	vmul.f32 v56, v7;
	v9 =	vmul.f32 v10, v9;
	v8 =	vadd.f32 v57, v8;
	_ =	sdelay $0x1  }
0x85: {  	v9 =	vsub.f32 $1.000000000e+00, v9;
	v8 =	vadd.f32 v58, v8;
	_ =	sdelay $0x1  }
0x86: {  	v8 =	vsub.f32 v9, v8;
	_ =	sdelay $0x1  }
0x87: {  	v8 =	vmax.f32 v8, $0.0e+00  }
0x88: {  	v8 =	vmin.f32 v8, $1.000000000e+00  }
0x89: {  	[tilespmem:s18+$0x1A020] =	vst v8  }
0x8a: {  	v8 =	vld [tilespmem:s8+$0xFFFFFE30]  }
0x8b: {  	v59 =	vld [tilespmem:s8+$0xFFFFFEB0]  }
0x8c: {  	v60 =	vld [tilespmem:s12+$0xFFFFFF30]  }
0x8d: {  	v61 =	vld [tilespmem:s8+$0xFFFFFF30]  }
0x8e: {  	v62 =	vld [tilespmem:s12+$0xFFFFFFB0]  }
0x8f: {  	v63 =	vld [tilespmem:s8+$0xFFFFFFB0]  }
0x90: {  	v20 =	vld [tilespmem:s12+$0x30];
	v8 =	vmul.f32 v8, v0;
	v9 =	vmul.f32 v59, v1  }
0x91: {  	v21 =	vld [tilespmem:s8+$0x30]  }
0x92: {  	v22 =	vld [tilespmem:s12+$0xB0];
	v23 =	vmul.f32 v61, v2;
	v8 =	vadd.f32 v9, v8  }
0x93: {  	v25 =	vld [tilespmem:s8+$0xB0];
	v10 =	vsub.f32 $1.000000000e+00, v60  }
0x94: {  	v28 =	vld [tilespmem:s8+$0x130];
	v24 =	vsub.f32 $1.000000000e+00, v62;
	v13 =	vmul.f32 v63, v3;
	v8 =	vadd.f32 v23, v8  }
0x95: {  	v26 =	vld [tilespmem:s18+$0x18030];
	v27 =	vsub.f32 $1.000000000e+00, v20  }
0x96: {  	v29 =	vmul.f32 v21, v4;
	v10 =	vmul.f32 v24, v10;
	v8 =	vadd.f32 v13, v8  }
0x97: {  	v31 =	vld [tilespmem:s8+$0x1B0];
	v30 =	vsub.f32 $1.000000000e+00, v22  }
0x98: {  	v12 =	vmul.f32 v25, v5;
	v10 =	vmul.f32 v27, v10;
	v8 =	vadd.f32 v29, v8  }
0x99: {  	v32 =	vmul.f32 v28, v6  }
0x9a: {  	v9 =	vsub.f32 $1.000000000e+00, v26;
	v10 =	vmul.f32 v30, v10;
	v8 =	vadd.f32 v12, v8;
	_ =	sdelay $0x1  }
0x9b: {  	v33 =	vmul.f32 v31, v7;
	v9 =	vmul.f32 v10, v9;
	v8 =	vadd.f32 v32, v8;
	_ =	sdelay $0x1  }
0x9c: {  	v9 =	vsub.f32 $1.000000000e+00, v9;
	v8 =	vadd.f32 v33, v8;
	_ =	sdelay $0x1  }
0x9d: {  	v8 =	vsub.f32 v9, v8;
	_ =	sdelay $0x1  }
0x9e: {  	v8 =	vmax.f32 v8, $0.0e+00  }
0x9f: {  	v8 =	vmin.f32 v8, $1.000000000e+00  }
0xa0: {  	[tilespmem:s18+$0x1A030] =	vst v8  }
0xa1: {  	v8 =	vld [tilespmem:s8+$0xFFFFFE40]  }
0xa2: {  	v34 =	vld [tilespmem:s8+$0xFFFFFEC0]  }
0xa3: {  	v35 =	vld [tilespmem:s12+$0xFFFFFF40]  }
0xa4: {  	v36 =	vld [tilespmem:s8+$0xFFFFFF40]  }
0xa5: {  	v37 =	vld [tilespmem:s12+$0xFFFFFFC0]  }
0xa6: {  	v38 =	vld [tilespmem:s8+$0xFFFFFFC0]  }
0xa7: {  	v39 =	vld [tilespmem:s12+$0x40];
	v8 =	vmul.f32 v8, v0;
	v9 =	vmul.f32 v34, v1  }
0xa8: {  	v40 =	vld [tilespmem:s8+$0x40]  }
0xa9: {  	v41 =	vld [tilespmem:s12+$0xC0];
	v42 =	vmul.f32 v36, v2;
	v8 =	vadd.f32 v9, v8  }
0xaa: {  	v44 =	vld [tilespmem:s8+$0xC0];
	v10 =	vsub.f32 $1.000000000e+00, v35  }
0xab: {  	v47 =	vld [tilespmem:s8+$0x140];
	v43 =	vsub.f32 $1.000000000e+00, v37;
	v13 =	vmul.f32 v38, v3;
	v8 =	vadd.f32 v42, v8  }
0xac: {  	v45 =	vld [tilespmem:s18+$0x18040];
	v46 =	vsub.f32 $1.000000000e+00, v39  }
0xad: {  	v48 =	vmul.f32 v40, v4;
	v10 =	vmul.f32 v43, v10;
	v8 =	vadd.f32 v13, v8  }
0xae: {  	v50 =	vld [tilespmem:s8+$0x1C0];
	v49 =	vsub.f32 $1.000000000e+00, v41  }
0xaf: {  	v12 =	vmul.f32 v44, v5;
	v10 =	vmul.f32 v46, v10;
	v8 =	vadd.f32 v48, v8  }
0xb0: {  	v51 =	vmul.f32 v47, v6  }
0xb1: {  	v9 =	vsub.f32 $1.000000000e+00, v45;
	v10 =	vmul.f32 v49, v10;
	v8 =	vadd.f32 v12, v8;
	_ =	sdelay $0x1  }
0xb2: {  	v52 =	vmul.f32 v50, v7;
	v9 =	vmul.f32 v10, v9;
	v8 =	vadd.f32 v51, v8;
	_ =	sdelay $0x1  }
0xb3: {  	v9 =	vsub.f32 $1.000000000e+00, v9;
	v8 =	vadd.f32 v52, v8;
	_ =	sdelay $0x1  }
0xb4: {  	v8 =	vsub.f32 v9, v8;
	_ =	sdelay $0x1  }
0xb5: {  	v8 =	vmax.f32 v8, $0.0e+00  }
0xb6: {  	v8 =	vmin.f32 v8, $1.000000000e+00  }
0xb7: {  	[tilespmem:s18+$0x1A040] =	vst v8  }
0xb8: {  	v8 =	vld [tilespmem:s8+$0xFFFFFE50]  }
0xb9: {  	v53 =	vld [tilespmem:s8+$0xFFFFFED0]  }
0xba: {  	v54 =	vld [tilespmem:s12+$0xFFFFFF50]  }
0xbb: {  	v55 =	vld [tilespmem:s8+$0xFFFFFF50]  }
0xbc: {  	v56 =	vld [tilespmem:s12+$0xFFFFFFD0]  }
0xbd: {  	v57 =	vld [tilespmem:s8+$0xFFFFFFD0]  }
0xbe: {  	v58 =	vld [tilespmem:s12+$0x50];
	v8 =	vmul.f32 v8, v0;
	v9 =	vmul.f32 v53, v1  }
0xbf: {  	v59 =	vld [tilespmem:s8+$0x50]  }
0xc0: {  	v60 =	vld [tilespmem:s12+$0xD0];
	v61 =	vmul.f32 v55, v2;
	v8 =	vadd.f32 v9, v8  }
0xc1: {  	v63 =	vld [tilespmem:s8+$0xD0];
	v10 =	vsub.f32 $1.000000000e+00, v54  }
0xc2: {  	v20 =	vld [tilespmem:s8+$0x150];
	v62 =	vsub.f32 $1.000000000e+00, v56;
	v13 =	vmul.f32 v57, v3;
	v8 =	vadd.f32 v61, v8  }
0xc3: {  	v18 =	vld [tilespmem:s18+$0x18050];
	v19 =	vsub.f32 $1.000000000e+00, v58  }
0xc4: {  	v21 =	vmul.f32 v59, v4;
	v10 =	vmul.f32 v62, v10;
	v8 =	vadd.f32 v13, v8  }
0xc5: {  	v23 =	vld [tilespmem:s8+$0x1D0];
	v22 =	vsub.f32 $1.000000000e+00, v60  }
0xc6: {  	v12 =	vmul.f32 v63, v5;
	v10 =	vmul.f32 v19, v10;
	v8 =	vadd.f32 v21, v8  }
0xc7: {  	v24 =	vmul.f32 v20, v6  }
0xc8: {  	v9 =	vsub.f32 $1.000000000e+00, v18;
	v10 =	vmul.f32 v22, v10;
	v8 =	vadd.f32 v12, v8;
	_ =	sdelay $0x1  }
0xc9: {  	v25 =	vmul.f32 v23, v7;
	v9 =	vmul.f32 v10, v9;
	v8 =	vadd.f32 v24, v8;
	_ =	sdelay $0x1  }
0xca: {  	v9 =	vsub.f32 $1.000000000e+00, v9;
	v8 =	vadd.f32 v25, v8;
	_ =	sdelay $0x1  }
0xcb: {  	v8 =	vsub.f32 v9, v8;
	_ =	sdelay $0x1  }
0xcc: {  	v8 =	vmax.f32 v8, $0.0e+00  }
0xcd: {  	v8 =	vmin.f32 v8, $1.000000000e+00  }
0xce: {  	[tilespmem:s18+$0x1A050] =	vst v8  }
0xcf: {  	v8 =	vld [tilespmem:s8+$0xFFFFFE60]  }
0xd0: {  	v26 =	vld [tilespmem:s8+$0xFFFFFEE0]  }
0xd1: {  	v27 =	vld [tilespmem:s12+$0xFFFFFF60]  }
0xd2: {  	v28 =	vld [tilespmem:s8+$0xFFFFFF60]  }
0xd3: {  	v29 =	vld [tilespmem:s12+$0xFFFFFFE0]  }
0xd4: {  	v30 =	vld [tilespmem:s8+$0xFFFFFFE0]  }
0xd5: {  	v31 =	vld [tilespmem:s12+$0x60];
	v8 =	vmul.f32 v8, v0;
	v9 =	vmul.f32 v26, v1  }
0xd6: {  	v32 =	vld [tilespmem:s8+$0x60]  }
0xd7: {  	v33 =	vld [tilespmem:s12+$0xE0];
	v34 =	vmul.f32 v28, v2;
	v8 =	vadd.f32 v9, v8  }
0xd8: {  	v36 =	vld [tilespmem:s8+$0xE0];
	v10 =	vsub.f32 $1.000000000e+00, v27  }
0xd9: {  	v39 =	vld [tilespmem:s8+$0x160];
	v35 =	vsub.f32 $1.000000000e+00, v29;
	v13 =	vmul.f32 v30, v3;
	v8 =	vadd.f32 v34, v8  }
0xda: {  	v37 =	vld [tilespmem:s18+$0x18060];
	v38 =	vsub.f32 $1.000000000e+00, v31  }
0xdb: {  	v40 =	vmul.f32 v32, v4;
	v10 =	vmul.f32 v35, v10;
	v8 =	vadd.f32 v13, v8  }
0xdc: {  	v42 =	vld [tilespmem:s8+$0x1E0];
	v41 =	vsub.f32 $1.000000000e+00, v33  }
0xdd: {  	v12 =	vmul.f32 v36, v5;
	v10 =	vmul.f32 v38, v10;
	v8 =	vadd.f32 v40, v8  }
0xde: {  	v43 =	vmul.f32 v39, v6  }
0xdf: {  	v9 =	vsub.f32 $1.000000000e+00, v37;
	v10 =	vmul.f32 v41, v10;
	v8 =	vadd.f32 v12, v8;
	_ =	sdelay $0x1  }
0xe0: {  	v44 =	vmul.f32 v42, v7;
	v9 =	vmul.f32 v10, v9;
	v8 =	vadd.f32 v43, v8;
	_ =	sdelay $0x1  }
0xe1: {  	v9 =	vsub.f32 $1.000000000e+00, v9;
	v8 =	vadd.f32 v44, v8;
	_ =	sdelay $0x1  }
0xe2: {  	v8 =	vsub.f32 v9, v8;
	_ =	sdelay $0x1  }
0xe3: {  	v8 =	vmax.f32 v8, $0.0e+00  }
0xe4: {  	v8 =	vmin.f32 v8, $1.000000000e+00  }
0xe5: {  	[tilespmem:s18+$0x1A060] =	vst v8  }
0xe6: {  	v8 =	vld [tilespmem:s8+$0xFFFFFE70]  }
0xe7: {  	v45 =	vld [tilespmem:s8+$0xFFFFFEF0]  }
0xe8: {  	v46 =	vld [tilespmem:s12+$0xFFFFFF70]  }
0xe9: {  	v47 =	vld [tilespmem:s8+$0xFFFFFF70]  }
0xea: {  	v48 =	vld [tilespmem:s12+$0xFFFFFFF0]  }
0xeb: {  	v49 =	vld [tilespmem:s8+$0xFFFFFFF0]  }
0xec: {  	v50 =	vld [tilespmem:s12+$0x70];
	v8 =	vmul.f32 v8, v0;
	v9 =	vmul.f32 v45, v1  }
0xed: {  	v51 =	vld [tilespmem:s8+$0x70]  }
0xee: {  	v52 =	vld [tilespmem:s12+$0xF0];
	v53 =	vmul.f32 v47, v2;
	v8 =	vadd.f32 v9, v8  }
0xef: {  	v55 =	vld [tilespmem:s8+$0xF0];
	v10 =	vsub.f32 $1.000000000e+00, v46  }
0xf0: {  	v58 =	vld [tilespmem:s8+$0x170];
	v54 =	vsub.f32 $1.000000000e+00, v48;
	v13 =	vmul.f32 v49, v3;
	v8 =	vadd.f32 v53, v8  }
0xf1: {  	v56 =	vld [tilespmem:s18+$0x18070];
	v57 =	vsub.f32 $1.000000000e+00, v50  }
0xf2: {  	v59 =	vmul.f32 v51, v4;
	v10 =	vmul.f32 v54, v10;
	v8 =	vadd.f32 v13, v8  }
0xf3: {  	v61 =	vld [tilespmem:s8+$0x1F0];
	v60 =	vsub.f32 $1.000000000e+00, v52  }
0xf4: {  	v12 =	vmul.f32 v55, v5;
	v10 =	vmul.f32 v57, v10;
	v8 =	vadd.f32 v59, v8  }
0xf5: {  	v62 =	vmul.f32 v58, v6  }
0xf6: {  	v9 =	vsub.f32 $1.000000000e+00, v56;
	v10 =	vmul.f32 v60, v10;
	v8 =	vadd.f32 v12, v8;
	_ =	sdelay $0x1  }
0xf7: {  	v63 =	vmul.f32 v61, v7;
	v9 =	vmul.f32 v10, v9;
	v8 =	vadd.f32 v62, v8;
	_ =	sdelay $0x1  }
0xf8: {  	v9 =	vsub.f32 $1.000000000e+00, v9;
	v8 =	vadd.f32 v63, v8  }
0xf9: {  	p1 =	sne.s32 s2, $0x7C00  }
.Ltmp4:
0xfa: {  	v8 =	vsub.f32 v9, v8;
	(pc) =	sbr.rel @p1 .LBB2_7-.Ltmp4, $4  }
0xfb: {  	_ = 	snop  }
0xfc: {  	v8 =	vmax.f32 v8, $0.0e+00  }
0xfd: {  	v8 =	vmin.f32 v8, $1.000000000e+00  }
0xfe: {  	s2 =	sadd.s32 $0x400, s2;
	s8 =	sadd.s32 $0x400, s8;
	s12 =	sadd.s32 $0x200, s12;
	[tilespmem:s18+$0x1A070] =	vst v8  }
0xff: {  	s2 =	sshll.u32 s29, $0xD  }
0x100: {  	s0 =	sadd.s32 s6, s0;
	s2 =	sand.u32 $0x2000, s2  }
0x101: {  	s0 =	sshll.u32 s0, $0x4;
	s8 =	sor.u32 s2, s13  }
0x102: {  	s0 =	sand.u32 $0x70, s0;
	s8 =	sadd.s32 s7, s8  }
0x103: {  	s12 =	simm.s32 $0x1A000;
	s8 =	sadd.s32 s0, s8  }
0x104: {  	s14 =	simm.s32 $0x80;
	s18 =	simm.s32 $0x1A100;
	s17 =	sadd.s32 $0x0, s8  }
.LBB2_9:
0x105: {  	[hbm4b:s17+s5] =	stream.linear.scatter [tilespmem:s12], [sflag:$0x3], $0x80, $0x38;
	[tilespmem:$0x1C080] =	vst v63  }
0x106: {  	s17 =	smov.u32 s14;
	s12 =	smov.u32 s18;
	p1 =	sne.s32 s14, $0xF80  }
.Ltmp5:
0x107: {  	s14 =	sadd.s32 $0x80, s14;
	(pc) =	sbr.rel @p1 .LBB2_9-.Ltmp5, $2  }
0x108: {  	_ =	sdelay $0x2  }
0x109: {  	s18 =	sadd.s32 $0x100, s18;
	s17 =	sadd.s32 s17, s8  }
0x10a: {  	p1 =	seq.s32 s29, $0x7  }
.Ltmp6:
0x10b: {  	_ = 	snop;
	(pc) =	sbr.rel @p1 .LBB2_14-.Ltmp6, $2  }
0x10c: {  	_ =	sdelay $0x2  }
0x10d: {  	[hbm4b:s17+s5] =	stream.linear.scatter [tilespmem:s12], [sflag:$0x3], $0x80, $0x38;
	[tilespmem:$0x1C080] =	vst v63  }
0x10e: {  	s8 =	sadd.s32 $0x2, s30  }
0x10f: {  	s12 =	sshll.u32 s8, $0x5  }
0x110: {  	s8 =	sshrl.u32 s8, $0x2;
	s12 =	sand.u32 $0x40, s12  }
0x111: {  	s8 =	sadd.s32 s6, s8;
	s14 =	sshll.u32 s12, $0x6  }
0x112: {  	s17 =	sshll.u32 s8, $0xD;
	s18 =	sshll.u32 s8, $0x11;
	s14 =	sadd.s32 s1, s14  }
0x113: {  	s12 =	sshll.u32 s12, $0xA;
	s14 =	sadd.s32 s17, s14;
	s17 =	simm.s32 $0x0  }
0x114: {  	[tilespmem:s17], [sflag:$0x1] =	stream.linear.gather [hbm4b:s14+s17], $0x4000, $0x38;
	[tilespmem:$0x1C080] =	vst v63  }
0x115: {  	s14 =	sor.u32 s12, s18  }
0x116: {  	s14 =	sshrl.u32 s14, $0x3  }
0x117: {  	s18 =	sshll.u32 s8, $0xE;
	s8 =	sshll.u32 s8, $0x7;
	s14 =	sadd.s32 s3, s14  }
0x118: {  	[tilespmem:s20], [sflag:$0x1] =	stream.linear.gather [hbm4b:s14+s17], $0x8000, $0x38;
	[tilespmem:$0x1C080] =	vst v63  }
0x119: {  	s8 =	sand.u32 $0x380, s8;
	s14 =	sand.u32 $0x7FFE0000, s18  }
0x11a: {  	s8 =	sor.u32 s14, s8  }
0x11b: {  	s8 =	sor.u32 s12, s8  }
0x11c: {  	s8 =	sshrl.u32 s8, $0x3  }
0x11d: {  	s18 =	simm.s32 $0x18100;
	s8 =	sadd.s32 s4, s8  }
0x11e: {  	s14 =	simm.s32 $0x80;
	s12 =	simm.s32 $0x18000;
	s17 =	sadd.s32 $0x0, s8  }
.LBB2_12:
0x11f: {  	[tilespmem:s12], [sflag:$0x1] =	stream.linear.gather [hbm4b:s17+s5], $0x80, $0x38;
	[tilespmem:$0x1C080] =	vst v63  }
0x120: {  	s17 =	smov.u32 s14;
	s12 =	smov.u32 s18;
	p2 =	sne.s32 s14, $0xF80  }
.Ltmp7:
0x121: {  	s14 =	sadd.s32 $0x80, s14;
	(pc) =	sbr.rel @p2 .LBB2_12-.Ltmp7, $2  }
0x122: {  	_ =	sdelay $0x2  }
0x123: {  	s18 =	sadd.s32 $0x100, s18;
	s17 =	sadd.s32 s17, s8  }
0x124: {  	[tilespmem:s12], [sflag:$0x1] =	stream.linear.gather [hbm4b:s17+s5], $0x80, $0x38;
	[tilespmem:$0x1C080] =	vst v63  }
.LBB2_14:
0x125: {  	_ =	swait.ge [sflag:s24], $0x4000  }
0x126: {  	[sflag:s24] =	ssyncset.done $0x0  }
0x127: {  	[sflag:s24] =	ssyncadd.s32 $0xFFFFC000  }
0x128: {  	_ =	swait.ge [sflag:s24], $0x8000  }
0x129: {  	[sflag:s24] =	ssyncset.done $0x0  }
0x12a: {  	[sflag:s24] =	ssyncadd.s32 $0xFFFF8000  }
0x12b: {  	_ =	swait.ge [sflag:s24], $0x1000  }
0x12c: {  	[sflag:s24] =	ssyncset.done $0x0  }
0x12d: {  	[sflag:s24] =	ssyncadd.s32 $0xFFFFF000  }
0x12e: {  	v7 =	vld [tilespmem:s31+$0x1C000];
	_ =	sdelay $0x4  }
0x12f: {  	s8 =	simm.s32 @!p0 $0x4;
	v0 =	vbroadcast v7, $0x0;
	v1 =	vbroadcast v7, $0x1  }
0x130: {  	_ =	swait.ge @!p0 [sflag:s8], $0x1000;
	v2 =	vbroadcast v7, $0x2;
	v3 =	vbroadcast v7, $0x3  }
0x131: {  	s18 =	simm.s32 $0x180F0;
	s12 =	simm.s32 $0x4000;
	[sflag:s8] =	ssyncset.done @!p0 $0x0;
	v4 =	vbroadcast v7, $0x4;
	v5 =	vbroadcast v7, $0x5  }
0x132: {  	s31 =	simm.s32 $0x0;
	[sflag:s8] =	ssyncadd.s32 @!p0 $0xFFFFF000;
	s8 =	simm.s32 $0x1A0F0;
	v6 =	vbroadcast v7, $0x6;
	v7 =	vbroadcast v7, $0x7  }
.LBB2_15:
0x133: {  	s14 =	sshra.s32 s31, $0x2  }
0x134: {  	v8 =	vld [tilespmem:s14+$0x10000]  }
0x135: {  	v9 =	vld [tilespmem:s14+$0x10080]  }
0x136: {  	v10 =	vld [tilespmem:s12+$0x0]  }
0x137: {  	v11 =	vld [tilespmem:s14+$0x10100]  }
0x138: {  	v12 =	vld [tilespmem:s12+$0x80]  }
0x139: {  	v13 =	vld [tilespmem:s14+$0x10180]  }
0x13a: {  	v14 =	vld [tilespmem:s12+$0x100];
	v8 =	vmul.f32 v8, v0;
	v9 =	vmul.f32 v9, v1  }
0x13b: {  	v15 =	vld [tilespmem:s14+$0x10200]  }
0x13c: {  	v16 =	vld [tilespmem:s12+$0x180];
	v56 =	vmul.f32 v11, v2;
	v8 =	vadd.f32 v9, v8  }
0x13d: {  	v58 =	vld [tilespmem:s14+$0x10280];
	v10 =	vsub.f32 $1.000000000e+00, v10  }
0x13e: {  	v61 =	vld [tilespmem:s14+$0x10300];
	v57 =	vsub.f32 $1.000000000e+00, v12;
	v13 =	vmul.f32 v13, v3;
	v8 =	vadd.f32 v56, v8  }
0x13f: {  	v59 =	vld [tilespmem:s18+$0xFFFFFF90];
	v60 =	vsub.f32 $1.000000000e+00, v14  }
0x140: {  	v62 =	vmul.f32 v15, v4;
	v10 =	vmul.f32 v57, v10;
	v8 =	vadd.f32 v13, v8  }
0x141: {  	v18 =	vld [tilespmem:s14+$0x10380];
	v63 =	vsub.f32 $1.000000000e+00, v16  }
0x142: {  	v12 =	vmul.f32 v58, v5;
	v10 =	vmul.f32 v60, v10;
	v8 =	vadd.f32 v62, v8  }
0x143: {  	v19 =	vmul.f32 v61, v6  }
0x144: {  	v9 =	vsub.f32 $1.000000000e+00, v59;
	v10 =	vmul.f32 v63, v10;
	v8 =	vadd.f32 v12, v8;
	_ =	sdelay $0x1  }
0x145: {  	v20 =	vmul.f32 v18, v7;
	v9 =	vmul.f32 v10, v9;
	v8 =	vadd.f32 v19, v8;
	_ =	sdelay $0x1  }
0x146: {  	v9 =	vsub.f32 $1.000000000e+00, v9;
	v8 =	vadd.f32 v20, v8;
	_ =	sdelay $0x1  }
0x147: {  	v8 =	vsub.f32 v9, v8;
	_ =	sdelay $0x1  }
0x148: {  	v8 =	vmax.f32 v8, $0.0e+00  }
0x149: {  	v8 =	vmin.f32 v8, $1.000000000e+00  }
0x14a: {  	[tilespmem:s8+$0xFFFFFF90] =	vst v8  }
0x14b: {  	v8 =	vld [tilespmem:s14+$0x10010]  }
0x14c: {  	v21 =	vld [tilespmem:s14+$0x10090]  }
0x14d: {  	v22 =	vld [tilespmem:s12+$0x10]  }
0x14e: {  	v23 =	vld [tilespmem:s14+$0x10110]  }
0x14f: {  	v24 =	vld [tilespmem:s12+$0x90]  }
0x150: {  	v25 =	vld [tilespmem:s14+$0x10190]  }
0x151: {  	v26 =	vld [tilespmem:s12+$0x110];
	v8 =	vmul.f32 v8, v0;
	v9 =	vmul.f32 v21, v1  }
0x152: {  	v27 =	vld [tilespmem:s14+$0x10210]  }
0x153: {  	v28 =	vld [tilespmem:s12+$0x190];
	v29 =	vmul.f32 v23, v2;
	v8 =	vadd.f32 v9, v8  }
0x154: {  	v31 =	vld [tilespmem:s14+$0x10290];
	v10 =	vsub.f32 $1.000000000e+00, v22  }
0x155: {  	v34 =	vld [tilespmem:s14+$0x10310];
	v30 =	vsub.f32 $1.000000000e+00, v24;
	v13 =	vmul.f32 v25, v3;
	v8 =	vadd.f32 v29, v8  }
0x156: {  	v32 =	vld [tilespmem:s18+$0xFFFFFFA0];
	v33 =	vsub.f32 $1.000000000e+00, v26  }
0x157: {  	v35 =	vmul.f32 v27, v4;
	v10 =	vmul.f32 v30, v10;
	v8 =	vadd.f32 v13, v8  }
0x158: {  	v37 =	vld [tilespmem:s14+$0x10390];
	v36 =	vsub.f32 $1.000000000e+00, v28  }
0x159: {  	v12 =	vmul.f32 v31, v5;
	v10 =	vmul.f32 v33, v10;
	v8 =	vadd.f32 v35, v8  }
0x15a: {  	v38 =	vmul.f32 v34, v6  }
0x15b: {  	v9 =	vsub.f32 $1.000000000e+00, v32;
	v10 =	vmul.f32 v36, v10;
	v8 =	vadd.f32 v12, v8;
	_ =	sdelay $0x1  }
0x15c: {  	v39 =	vmul.f32 v37, v7;
	v9 =	vmul.f32 v10, v9;
	v8 =	vadd.f32 v38, v8;
	_ =	sdelay $0x1  }
0x15d: {  	v9 =	vsub.f32 $1.000000000e+00, v9;
	v8 =	vadd.f32 v39, v8;
	_ =	sdelay $0x1  }
0x15e: {  	v8 =	vsub.f32 v9, v8;
	_ =	sdelay $0x1  }
0x15f: {  	v8 =	vmax.f32 v8, $0.0e+00  }
0x160: {  	v8 =	vmin.f32 v8, $1.000000000e+00  }
0x161: {  	[tilespmem:s8+$0xFFFFFFA0] =	vst v8  }
0x162: {  	v8 =	vld [tilespmem:s14+$0x10020]  }
0x163: {  	v40 =	vld [tilespmem:s14+$0x100A0]  }
0x164: {  	v41 =	vld [tilespmem:s12+$0x20]  }
0x165: {  	v42 =	vld [tilespmem:s14+$0x10120]  }
0x166: {  	v43 =	vld [tilespmem:s12+$0xA0]  }
0x167: {  	v44 =	vld [tilespmem:s14+$0x101A0]  }
0x168: {  	v45 =	vld [tilespmem:s12+$0x120];
	v8 =	vmul.f32 v8, v0;
	v9 =	vmul.f32 v40, v1  }
0x169: {  	v46 =	vld [tilespmem:s14+$0x10220]  }
0x16a: {  	v47 =	vld [tilespmem:s12+$0x1A0];
	v48 =	vmul.f32 v42, v2;
	v8 =	vadd.f32 v9, v8  }
0x16b: {  	v50 =	vld [tilespmem:s14+$0x102A0];
	v10 =	vsub.f32 $1.000000000e+00, v41  }
0x16c: {  	v53 =	vld [tilespmem:s14+$0x10320];
	v49 =	vsub.f32 $1.000000000e+00, v43;
	v13 =	vmul.f32 v44, v3;
	v8 =	vadd.f32 v48, v8  }
0x16d: {  	v51 =	vld [tilespmem:s18+$0xFFFFFFB0];
	v52 =	vsub.f32 $1.000000000e+00, v45  }
0x16e: {  	v54 =	vmul.f32 v46, v4;
	v10 =	vmul.f32 v49, v10;
	v8 =	vadd.f32 v13, v8  }
0x16f: {  	v56 =	vld [tilespmem:s14+$0x103A0];
	v55 =	vsub.f32 $1.000000000e+00, v47  }
0x170: {  	v12 =	vmul.f32 v50, v5;
	v10 =	vmul.f32 v52, v10;
	v8 =	vadd.f32 v54, v8  }
0x171: {  	v57 =	vmul.f32 v53, v6  }
0x172: {  	v9 =	vsub.f32 $1.000000000e+00, v51;
	v10 =	vmul.f32 v55, v10;
	v8 =	vadd.f32 v12, v8;
	_ =	sdelay $0x1  }
0x173: {  	v58 =	vmul.f32 v56, v7;
	v9 =	vmul.f32 v10, v9;
	v8 =	vadd.f32 v57, v8;
	_ =	sdelay $0x1  }
0x174: {  	v9 =	vsub.f32 $1.000000000e+00, v9;
	v8 =	vadd.f32 v58, v8;
	_ =	sdelay $0x1  }
0x175: {  	v8 =	vsub.f32 v9, v8;
	_ =	sdelay $0x1  }
0x176: {  	v8 =	vmax.f32 v8, $0.0e+00  }
0x177: {  	v8 =	vmin.f32 v8, $1.000000000e+00  }
0x178: {  	[tilespmem:s8+$0xFFFFFFB0] =	vst v8  }
0x179: {  	v8 =	vld [tilespmem:s14+$0x10030]  }
0x17a: {  	v59 =	vld [tilespmem:s14+$0x100B0]  }
0x17b: {  	v60 =	vld [tilespmem:s12+$0x30]  }
0x17c: {  	v61 =	vld [tilespmem:s14+$0x10130]  }
0x17d: {  	v62 =	vld [tilespmem:s12+$0xB0]  }
0x17e: {  	v63 =	vld [tilespmem:s14+$0x101B0]  }
0x17f: {  	v20 =	vld [tilespmem:s12+$0x130];
	v8 =	vmul.f32 v8, v0;
	v9 =	vmul.f32 v59, v1  }
0x180: {  	v21 =	vld [tilespmem:s14+$0x10230]  }
0x181: {  	v22 =	vld [tilespmem:s12+$0x1B0];
	v23 =	vmul.f32 v61, v2;
	v8 =	vadd.f32 v9, v8  }
0x182: {  	v25 =	vld [tilespmem:s14+$0x102B0];
	v10 =	vsub.f32 $1.000000000e+00, v60  }
0x183: {  	v28 =	vld [tilespmem:s14+$0x10330];
	v24 =	vsub.f32 $1.000000000e+00, v62;
	v13 =	vmul.f32 v63, v3;
	v8 =	vadd.f32 v23, v8  }
0x184: {  	v26 =	vld [tilespmem:s18+$0xFFFFFFC0];
	v27 =	vsub.f32 $1.000000000e+00, v20  }
0x185: {  	v29 =	vmul.f32 v21, v4;
	v10 =	vmul.f32 v24, v10;
	v8 =	vadd.f32 v13, v8  }
0x186: {  	v31 =	vld [tilespmem:s14+$0x103B0];
	v30 =	vsub.f32 $1.000000000e+00, v22  }
0x187: {  	v12 =	vmul.f32 v25, v5;
	v10 =	vmul.f32 v27, v10;
	v8 =	vadd.f32 v29, v8  }
0x188: {  	v32 =	vmul.f32 v28, v6  }
0x189: {  	v9 =	vsub.f32 $1.000000000e+00, v26;
	v10 =	vmul.f32 v30, v10;
	v8 =	vadd.f32 v12, v8;
	_ =	sdelay $0x1  }
0x18a: {  	v33 =	vmul.f32 v31, v7;
	v9 =	vmul.f32 v10, v9;
	v8 =	vadd.f32 v32, v8;
	_ =	sdelay $0x1  }
0x18b: {  	v9 =	vsub.f32 $1.000000000e+00, v9;
	v8 =	vadd.f32 v33, v8;
	_ =	sdelay $0x1  }
0x18c: {  	v8 =	vsub.f32 v9, v8;
	_ =	sdelay $0x1  }
0x18d: {  	v8 =	vmax.f32 v8, $0.0e+00  }
0x18e: {  	v8 =	vmin.f32 v8, $1.000000000e+00  }
0x18f: {  	[tilespmem:s8+$0xFFFFFFC0] =	vst v8  }
0x190: {  	v8 =	vld [tilespmem:s14+$0x10040]  }
0x191: {  	v34 =	vld [tilespmem:s14+$0x100C0]  }
0x192: {  	v35 =	vld [tilespmem:s12+$0x40]  }
0x193: {  	v36 =	vld [tilespmem:s14+$0x10140]  }
0x194: {  	v37 =	vld [tilespmem:s12+$0xC0]  }
0x195: {  	v38 =	vld [tilespmem:s14+$0x101C0]  }
0x196: {  	v39 =	vld [tilespmem:s12+$0x140];
	v8 =	vmul.f32 v8, v0;
	v9 =	vmul.f32 v34, v1  }
0x197: {  	v40 =	vld [tilespmem:s14+$0x10240]  }
0x198: {  	v41 =	vld [tilespmem:s12+$0x1C0];
	v42 =	vmul.f32 v36, v2;
	v8 =	vadd.f32 v9, v8  }
0x199: {  	v44 =	vld [tilespmem:s14+$0x102C0];
	v10 =	vsub.f32 $1.000000000e+00, v35  }
0x19a: {  	v47 =	vld [tilespmem:s14+$0x10340];
	v43 =	vsub.f32 $1.000000000e+00, v37;
	v13 =	vmul.f32 v38, v3;
	v8 =	vadd.f32 v42, v8  }
0x19b: {  	v45 =	vld [tilespmem:s18+$0xFFFFFFD0];
	v46 =	vsub.f32 $1.000000000e+00, v39  }
0x19c: {  	v48 =	vmul.f32 v40, v4;
	v10 =	vmul.f32 v43, v10;
	v8 =	vadd.f32 v13, v8  }
0x19d: {  	v50 =	vld [tilespmem:s14+$0x103C0];
	v49 =	vsub.f32 $1.000000000e+00, v41  }
0x19e: {  	v12 =	vmul.f32 v44, v5;
	v10 =	vmul.f32 v46, v10;
	v8 =	vadd.f32 v48, v8  }
0x19f: {  	v51 =	vmul.f32 v47, v6  }
0x1a0: {  	v9 =	vsub.f32 $1.000000000e+00, v45;
	v10 =	vmul.f32 v49, v10;
	v8 =	vadd.f32 v12, v8;
	_ =	sdelay $0x1  }
0x1a1: {  	v52 =	vmul.f32 v50, v7;
	v9 =	vmul.f32 v10, v9;
	v8 =	vadd.f32 v51, v8;
	_ =	sdelay $0x1  }
0x1a2: {  	v9 =	vsub.f32 $1.000000000e+00, v9;
	v8 =	vadd.f32 v52, v8;
	_ =	sdelay $0x1  }
0x1a3: {  	v8 =	vsub.f32 v9, v8;
	_ =	sdelay $0x1  }
0x1a4: {  	v8 =	vmax.f32 v8, $0.0e+00  }
0x1a5: {  	v8 =	vmin.f32 v8, $1.000000000e+00  }
0x1a6: {  	[tilespmem:s8+$0xFFFFFFD0] =	vst v8  }
0x1a7: {  	v8 =	vld [tilespmem:s14+$0x10050]  }
0x1a8: {  	v53 =	vld [tilespmem:s14+$0x100D0]  }
0x1a9: {  	v54 =	vld [tilespmem:s12+$0x50]  }
0x1aa: {  	v55 =	vld [tilespmem:s14+$0x10150]  }
0x1ab: {  	v56 =	vld [tilespmem:s12+$0xD0]  }
0x1ac: {  	v57 =	vld [tilespmem:s14+$0x101D0]  }
0x1ad: {  	v58 =	vld [tilespmem:s12+$0x150];
	v8 =	vmul.f32 v8, v0;
	v9 =	vmul.f32 v53, v1  }
0x1ae: {  	v59 =	vld [tilespmem:s14+$0x10250]  }
0x1af: {  	v60 =	vld [tilespmem:s12+$0x1D0];
	v61 =	vmul.f32 v55, v2;
	v8 =	vadd.f32 v9, v8  }
0x1b0: {  	v63 =	vld [tilespmem:s14+$0x102D0];
	v10 =	vsub.f32 $1.000000000e+00, v54  }
0x1b1: {  	v20 =	vld [tilespmem:s14+$0x10350];
	v62 =	vsub.f32 $1.000000000e+00, v56;
	v13 =	vmul.f32 v57, v3;
	v8 =	vadd.f32 v61, v8  }
0x1b2: {  	v18 =	vld [tilespmem:s18+$0xFFFFFFE0];
	v19 =	vsub.f32 $1.000000000e+00, v58  }
0x1b3: {  	v21 =	vmul.f32 v59, v4;
	v10 =	vmul.f32 v62, v10;
	v8 =	vadd.f32 v13, v8  }
0x1b4: {  	v23 =	vld [tilespmem:s14+$0x103D0];
	v22 =	vsub.f32 $1.000000000e+00, v60  }
0x1b5: {  	v12 =	vmul.f32 v63, v5;
	v10 =	vmul.f32 v19, v10;
	v8 =	vadd.f32 v21, v8  }
0x1b6: {  	v24 =	vmul.f32 v20, v6  }
0x1b7: {  	v9 =	vsub.f32 $1.000000000e+00, v18;
	v10 =	vmul.f32 v22, v10;
	v8 =	vadd.f32 v12, v8;
	_ =	sdelay $0x1  }
0x1b8: {  	v25 =	vmul.f32 v23, v7;
	v9 =	vmul.f32 v10, v9;
	v8 =	vadd.f32 v24, v8;
	_ =	sdelay $0x1  }
0x1b9: {  	v9 =	vsub.f32 $1.000000000e+00, v9;
	v8 =	vadd.f32 v25, v8;
	_ =	sdelay $0x1  }
0x1ba: {  	v8 =	vsub.f32 v9, v8;
	_ =	sdelay $0x1  }
0x1bb: {  	v8 =	vmax.f32 v8, $0.0e+00  }
0x1bc: {  	v8 =	vmin.f32 v8, $1.000000000e+00  }
0x1bd: {  	[tilespmem:s8+$0xFFFFFFE0] =	vst v8  }
0x1be: {  	v8 =	vld [tilespmem:s14+$0x10060]  }
0x1bf: {  	v26 =	vld [tilespmem:s14+$0x100E0]  }
0x1c0: {  	v27 =	vld [tilespmem:s12+$0x60]  }
0x1c1: {  	v28 =	vld [tilespmem:s14+$0x10160]  }
0x1c2: {  	v29 =	vld [tilespmem:s12+$0xE0]  }
0x1c3: {  	v30 =	vld [tilespmem:s14+$0x101E0]  }
0x1c4: {  	v31 =	vld [tilespmem:s12+$0x160];
	v8 =	vmul.f32 v8, v0;
	v9 =	vmul.f32 v26, v1  }
0x1c5: {  	v32 =	vld [tilespmem:s14+$0x10260]  }
0x1c6: {  	v33 =	vld [tilespmem:s12+$0x1E0];
	v34 =	vmul.f32 v28, v2;
	v8 =	vadd.f32 v9, v8  }
0x1c7: {  	v36 =	vld [tilespmem:s14+$0x102E0];
	v10 =	vsub.f32 $1.000000000e+00, v27  }
0x1c8: {  	v39 =	vld [tilespmem:s14+$0x10360];
	v35 =	vsub.f32 $1.000000000e+00, v29;
	v13 =	vmul.f32 v30, v3;
	v8 =	vadd.f32 v34, v8  }
0x1c9: {  	v37 =	vld [tilespmem:s18+$0xFFFFFFF0];
	v38 =	vsub.f32 $1.000000000e+00, v31  }
0x1ca: {  	v40 =	vmul.f32 v32, v4;
	v10 =	vmul.f32 v35, v10;
	v8 =	vadd.f32 v13, v8  }
0x1cb: {  	v42 =	vld [tilespmem:s14+$0x103E0];
	v41 =	vsub.f32 $1.000000000e+00, v33  }
0x1cc: {  	v12 =	vmul.f32 v36, v5;
	v10 =	vmul.f32 v38, v10;
	v8 =	vadd.f32 v40, v8  }
0x1cd: {  	v43 =	vmul.f32 v39, v6  }
0x1ce: {  	v9 =	vsub.f32 $1.000000000e+00, v37;
	v10 =	vmul.f32 v41, v10;
	v8 =	vadd.f32 v12, v8;
	_ =	sdelay $0x1  }
0x1cf: {  	v44 =	vmul.f32 v42, v7;
	v9 =	vmul.f32 v10, v9;
	v8 =	vadd.f32 v43, v8;
	_ =	sdelay $0x1  }
0x1d0: {  	v9 =	vsub.f32 $1.000000000e+00, v9;
	v8 =	vadd.f32 v44, v8;
	_ =	sdelay $0x1  }
0x1d1: {  	v8 =	vsub.f32 v9, v8;
	_ =	sdelay $0x1  }
0x1d2: {  	v8 =	vmax.f32 v8, $0.0e+00  }
0x1d3: {  	v8 =	vmin.f32 v8, $1.000000000e+00  }
0x1d4: {  	[tilespmem:s8+$0xFFFFFFF0] =	vst v8  }
0x1d5: {  	v8 =	vld [tilespmem:s14+$0x10070]  }
0x1d6: {  	v45 =	vld [tilespmem:s14+$0x100F0]  }
0x1d7: {  	v46 =	vld [tilespmem:s12+$0x70]  }
0x1d8: {  	v47 =	vld [tilespmem:s14+$0x10170]  }
0x1d9: {  	v48 =	vld [tilespmem:s12+$0xF0]  }
0x1da: {  	v49 =	vld [tilespmem:s14+$0x101F0]  }
0x1db: {  	v50 =	vld [tilespmem:s12+$0x170];
	v8 =	vmul.f32 v8, v0;
	v9 =	vmul.f32 v45, v1  }
0x1dc: {  	v51 =	vld [tilespmem:s14+$0x10270]  }
0x1dd: {  	v52 =	vld [tilespmem:s12+$0x1F0];
	v53 =	vmul.f32 v47, v2;
	v8 =	vadd.f32 v9, v8  }
0x1de: {  	v55 =	vld [tilespmem:s14+$0x102F0];
	v10 =	vsub.f32 $1.000000000e+00, v46  }
0x1df: {  	v58 =	vld [tilespmem:s14+$0x10370];
	v54 =	vsub.f32 $1.000000000e+00, v48;
	v13 =	vmul.f32 v49, v3;
	v8 =	vadd.f32 v53, v8  }
0x1e0: {  	v56 =	vld [tilespmem:s18+$0x0];
	v57 =	vsub.f32 $1.000000000e+00, v50  }
0x1e1: {  	v59 =	vmul.f32 v51, v4;
	v10 =	vmul.f32 v54, v10;
	v8 =	vadd.f32 v13, v8  }
0x1e2: {  	v61 =	vld [tilespmem:s14+$0x103F0];
	v60 =	vsub.f32 $1.000000000e+00, v52  }
0x1e3: {  	v12 =	vmul.f32 v55, v5;
	v10 =	vmul.f32 v57, v10;
	v8 =	vadd.f32 v59, v8  }
0x1e4: {  	v62 =	vmul.f32 v58, v6  }
0x1e5: {  	v9 =	vsub.f32 $1.000000000e+00, v56;
	v10 =	vmul.f32 v60, v10;
	v8 =	vadd.f32 v12, v8;
	_ =	sdelay $0x1  }
0x1e6: {  	v63 =	vmul.f32 v61, v7;
	v9 =	vmul.f32 v10, v9;
	v8 =	vadd.f32 v62, v8;
	_ =	sdelay $0x1  }
0x1e7: {  	v9 =	vsub.f32 $1.000000000e+00, v9;
	v8 =	vadd.f32 v63, v8  }
0x1e8: {  	p0 =	sne.s32 s31, $0x1F000  }
.Ltmp8:
0x1e9: {  	v8 =	vsub.f32 v9, v8;
	(pc) =	sbr.rel @p0 .LBB2_15-.Ltmp8, $4  }
0x1ea: {  	_ = 	snop  }
0x1eb: {  	v8 =	vmax.f32 v8, $0.0e+00  }
0x1ec: {  	s31 =	sadd.s32 $0x1000, s31;
	v8 =	vmin.f32 v8, $1.000000000e+00  }
0x1ed: {  	s18 =	sadd.s32 $0x100, s18;
	s12 =	sadd.s32 $0x200, s12;
	[tilespmem:s8+$0x0] =	vst v8;
	s8 =	sadd.s32 $0x100, s8  }
0x1ee: {  	s2 =	sadd.s32 s2, s16  }
0x1ef: {  	s8 =	simm.s32 $0x80;
	s0 =	sadd.s32 s0, s2  }
0x1f0: {  	s12 =	simm.s32 $0x1A180;
	s2 =	simm.s32 $0x1A080;
	s14 =	sadd.s32 $0x0, s0  }
.LBB2_17:
0x1f1: {  	[hbm4b:s14+s5] =	stream.linear.scatter [tilespmem:s2], [sflag:$0x4], $0x80, $0x38;
	[tilespmem:$0x1C080] =	vst v63  }
0x1f2: {  	s14 =	smov.u32 s8;
	s2 =	smov.u32 s12;
	p0 =	sne.s32 s8, $0xF80  }
.Ltmp9:
0x1f3: {  	s8 =	sadd.s32 $0x80, s8;
	(pc) =	sbr.rel @p0 .LBB2_17-.Ltmp9, $2  }
0x1f4: {  	_ =	sdelay $0x2  }
0x1f5: {  	s12 =	sadd.s32 $0x100, s12;
	s14 =	sadd.s32 s14, s0  }
.Ltmp10:
0x1f6: {  	(pc) =	sbr.rel @p1 .LBB2_22-.Ltmp10, $2  }
0x1f7: {  	_ =	sdelay $0x2  }
0x1f8: {  	[hbm4b:s14+s5] =	stream.linear.scatter [tilespmem:s2], [sflag:$0x4], $0x80, $0x38;
	[tilespmem:$0x1C080] =	vst v63  }
0x1f9: {  	s0 =	sadd.s32 $0x3, s30  }
0x1fa: {  	s2 =	sshll.u32 s0, $0x5  }
0x1fb: {  	s0 =	sshrl.u32 s0, $0x2;
	s2 =	sand.u32 $0x60, s2  }
0x1fc: {  	s0 =	sadd.s32 s6, s0;
	s8 =	sshll.u32 s2, $0x6  }
0x1fd: {  	s18 =	simm.s32 $0x0;
	s12 =	sshll.u32 s0, $0xD;
	s8 =	sadd.s32 s1, s8  }
0x1fe: {  	s30 =	sshll.u32 s0, $0x11;
	s2 =	sshll.u32 s2, $0xA;
	s8 =	sadd.s32 s12, s8  }
0x1ff: {  	[tilespmem:s21], [sflag:$0x2] =	stream.linear.gather [hbm4b:s8+s18], $0x4000, $0x38;
	[tilespmem:$0x1C080] =	vst v63  }
0x200: {  	s8 =	sor.u32 s2, s30  }
0x201: {  	s8 =	sshrl.u32 s8, $0x3  }
0x202: {  	s31 =	sshll.u32 s0, $0xE;
	s0 =	sshll.u32 s0, $0x7;
	s8 =	sadd.s32 s3, s8  }
0x203: {  	[tilespmem:s22], [sflag:$0x2] =	stream.linear.gather [hbm4b:s8+s18], $0x8000, $0x38;
	[tilespmem:$0x1C080] =	vst v63  }
0x204: {  	s0 =	sand.u32 $0x380, s0;
	s8 =	sand.u32 $0x7FFE0000, s31  }
0x205: {  	s0 =	sor.u32 s8, s0  }
0x206: {  	s0 =	sor.u32 s2, s0  }
0x207: {  	s0 =	sshrl.u32 s0, $0x3  }
0x208: {  	s12 =	simm.s32 $0x18180;
	s0 =	sadd.s32 s4, s0  }
0x209: {  	s8 =	simm.s32 $0x80;
	s2 =	simm.s32 $0x18080;
	s14 =	sadd.s32 $0x0, s0  }
.LBB2_20:
0x20a: {  	[tilespmem:s2], [sflag:$0x2] =	stream.linear.gather [hbm4b:s14+s5], $0x80, $0x38;
	[tilespmem:$0x1C080] =	vst v63  }
0x20b: {  	s14 =	smov.u32 s8;
	s2 =	smov.u32 s12;
	p0 =	sne.s32 s8, $0xF80  }
.Ltmp11:
0x20c: {  	s8 =	sadd.s32 $0x80, s8;
	(pc) =	sbr.rel @p0 .LBB2_20-.Ltmp11, $2  }
0x20d: {  	_ =	sdelay $0x2  }
0x20e: {  	s12 =	sadd.s32 $0x100, s12;
	s14 =	sadd.s32 s14, s0  }
.Ltmp12:
0x20f: {  	(pc) =	sbr.rel .LBB2_6-.Ltmp12, $3  }
0x210: {  	_ =	sdelay $0x1  }
0x211: {  	[tilespmem:s2], [sflag:$0x2] =	stream.linear.gather [hbm4b:s14+s5], $0x80, $0x38;
	[tilespmem:$0x1C080] =	vst v63  }
0x212: {  	s29 =	sadd.s32 $0x1, s29  }
.LBB2_23:
0x213: {  	_ =	sfence.sel $0x180000  }
0x214: {  	[bflag:$0x0] =	sbarrier.arrive $0xFFFF  }
0x215: {  	_ =	strace $0x90000047  }
0x216: {  	s0 =	stileid.u32;
	[bflag:$0x2] =	sbarrier.arrive $0xFFFF  }
0x217: {  	p0 =	sne.s32 s0, $0x0;
	s0 =	rddreg [dreg:$0x4]  }
0x218: {  	s0 =	sadd.s32 @!p0 $0x100000, s0  }
0x219: {  	[sflag:s0] =	ssyncadd.tile.s32 @!p0 $0x1;
	_ =	shalt  }
.Lfunc_end2:
_tile_overlayer_lowered:
.L_overlay_start_2:
0x21a: {  	(tag) =	ssettag $0x2  }
0x21b: {  	s0 =	rddreg [dreg:$0x0];
	s2 =	stileid.u32  }
0x21c: {  	s1 =	rddreg [dreg:$0x1];
	p0 =	sne.s32 s2, $0x0  }
0x21d: {  	s3 =	rddreg [dreg:$0x2];
	[bflag:$0x3] =	sbarrier.arrive $0xFFFF;
	s2 =	simm.s32 @!p0 $0x1C05  }
0x21e: {  	[timem:s3], [sflag:s2] =	dma.local @!p0 [hbm:s0], s1  }
0x21f: {  	s0 =	simm.s32 @!p0 $0x5  }
0x220: {  	_ =	swait.ge @!p0 [sflag:s0], s1  }
0x221: {  	s1 =	ssub.s32 @!p0 $0x0, s1;
	[sflag:s0] =	ssyncset.done @!p0 $0x0  }
0x222: {  	[sflag:s0] =	ssyncadd.s32 @!p0 s1  }
0x223: {  	[bflag:$0x3] =	sbarrier.arrive $0xFFFF  }
0x224: {  	_ =	shalt  }

</sc_bundles>
